<compile_context>
chip_gen: v7x
topology: tpu7x:2x2x1
jax: 0.10.2.dev20260603
libtpu: 0.0.44.dev20260713+nightly
codegen_flags: <defaults>
</compile_context>

<pallas_src>
import jax
import jax.numpy as jnp
from jax import lax
from jax.experimental import pallas as pl
from jax.experimental.pallas import tpu as pltpu
from jax.experimental.pallas import tpu_sc as plsc

N = 10000
E = 160000
D = 256
H = 128
NP = 10240
EP = 163840
NS = 16
NCH = EP // NS // 128
RPT = NP // NS
TRASH = N

_f32 = jnp.float32


def _sc_agg():
    mesh = plsc.VectorSubcoreMesh(core_axis_name="c", subcore_axis_name="s",
                                  num_cores=2, num_subcores=NS)
    out_type = [
        jax.ShapeDtypeStruct((NP, H), _f32),
        jax.ShapeDtypeStruct((NP, H), _f32),
    ]
    HC = NCH // 2
    scratch = [
        pltpu.VMEM((HC, 128), jnp.int32),
        pltpu.VMEM((HC, 128), jnp.int32),
        pltpu.VMEM((128, H), _f32),
        pltpu.VMEM((128, H), _f32),
        pltpu.VMEM_SHARED((NP, H), _f32),
        pltpu.SemaphoreType.DMA,
        pltpu.SemaphoreType.DMA,
        pltpu.SemaphoreType.DMA,
        pltpu.SemaphoreType.DMA,
    ]

    def body(src_hbm, dst_hbm, m0_hbm, m1_hbm, *refs):
        (out0, out1, src_v, dst_v, rows0, rows1, acc, g0, g1, s0, s1) = refs
        rows = (rows0, rows1)
        gsem = (g0, g1)
        ssem = (s0, s1)
        c = lax.axis_index("c")
        s = lax.axis_index("s")

        z16 = jnp.zeros((16,), _f32)

        @pl.loop(0, 128)
        def _(r):
            for k in range(H // 16):
                rows0[r, pl.ds(k * 16, 16)] = z16

        for r in range(RPT // 128):
            pltpu.sync_copy(rows0, acc.at[pl.ds(s * RPT + r * 128, 128)])

        def run(m_hbm):
            for half in range(2):
                pltpu.sync_copy(src_hbm.at[s, pl.ds(half * HC, HC)], src_v)
                pltpu.sync_copy(dst_hbm.at[s, pl.ds(half * HC, HC)], dst_v)
                pltpu.async_copy(m_hbm.at[src_v.at[0]], rows0, g0)
                pltpu.async_copy(m_hbm.at[src_v.at[1]], rows1, g1)
                if half == 0:
                    plsc.subcore_barrier()

                @pl.loop(0, HC - 2, step=2)
                def _(jj):
                    for b in range(2):
                        j = jj + b
                        pltpu.make_async_copy(
                            m_hbm.at[src_v.at[j]], rows[b], gsem[b]).wait()
                        pltpu.async_copy(
                            rows[b], acc.at[dst_v.at[j]], ssem[b], add=True)
                        pltpu.make_async_copy(
                            rows[b], acc.at[dst_v.at[j]], ssem[b]).wait()
                        pltpu.async_copy(
                            m_hbm.at[src_v.at[j + 2]], rows[b], gsem[b])

                for b in range(2):
                    j = HC - 2 + b
                    pltpu.make_async_copy(
                        m_hbm.at[src_v.at[j]], rows[b], gsem[b]).wait()
                    pltpu.async_copy(
                        rows[b], acc.at[dst_v.at[j]], ssem[b], add=True)
                for b in range(2):
                    pltpu.make_async_copy(
                        rows[b], acc.at[dst_v.at[HC - 2 + b]], ssem[b]).wait()

        @pl.when(c == 0)
        def _():
            run(m0_hbm)

        @pl.when(c == 1)
        def _():
            run(m1_hbm)

        plsc.subcore_barrier()

        sl = pl.ds(s * RPT, RPT)

        @pl.when(c == 0)
        def _():
            pltpu.sync_copy(acc.at[sl], out0.at[sl])

        @pl.when(c == 1)
        def _():
            pltpu.sync_copy(acc.at[sl], out1.at[sl])

    return pl.kernel(body, out_type=out_type, mesh=mesh, scratch_types=scratch)


def _tc_layer(relu, split):
    BM = 1000
    grid = (N // BM,)
    in_specs = [
        pl.BlockSpec((BM, H), lambda i: (i, 0)),
        pl.BlockSpec((BM, H), lambda i: (i, 0)),
        pl.BlockSpec((BM, H), lambda i: (i, 0)),
        pl.BlockSpec((BM, H), lambda i: (i, 0)),
        pl.BlockSpec((BM, H), lambda i: (i, 0)),
        pl.BlockSpec((BM, H), lambda i: (i, 0)),
        pl.BlockSpec((2 * D, D), lambda i: (0, 0)),
        pl.BlockSpec((1, D), lambda i: (0, 0)),
    ]
    if split:
        out_specs = [
            pl.BlockSpec((BM, H), lambda i: (i, 0)),
            pl.BlockSpec((BM, H), lambda i: (i, 0)),
        ]
        out_shape = [
            jax.ShapeDtypeStruct((N, H), _f32),
            jax.ShapeDtypeStruct((N, H), _f32),
        ]
    else:
        out_specs = pl.BlockSpec((BM, D), lambda i: (i, 0))
        out_shape = jax.ShapeDtypeStruct((N, D), _f32)

    def body(x0, x1, a0, a1, d0, d1, v, b, *outs):
        deg = d0[...][:, :1] + d1[...][:, :1]
        rec = 1.0 / jnp.maximum(deg, 1.0)
        xin = jnp.concatenate(
            [x0[...], x1[...], a0[...] * rec, a1[...] * rec], axis=1)
        acc = jnp.dot(xin, v[...], preferred_element_type=_f32) + b[...]
        if relu:
            acc = jnp.maximum(acc, 0.0)
        if split:
            outs[0][...] = acc[:, :H]
            outs[1][...] = acc[:, H:]
        else:
            outs[0][...] = acc

    return pl.pallas_call(body, grid=grid, in_specs=in_specs,
                          out_specs=out_specs, out_shape=out_shape)


NCH2 = EP // (2 * NS) // 128


def _sc_deg():
    mesh = plsc.VectorSubcoreMesh(core_axis_name="c", subcore_axis_name="s",
                                  num_cores=2, num_subcores=NS)
    out_type = [
        jax.ShapeDtypeStruct((NP, H), _f32),
        jax.ShapeDtypeStruct((NP, H), _f32),
    ]
    scratch = [
        pltpu.VMEM((NCH2, 128), jnp.int32),
        pltpu.VMEM((128, H), _f32),
        pltpu.VMEM_SHARED((NP, H), _f32),
    ]

    def body(dst_hbm, out0, out1, dst_v, ones_v, degacc):
        c = lax.axis_index("c")
        s = lax.axis_index("s")
        wid = c * NS + s

        pltpu.sync_copy(dst_hbm.at[wid], dst_v)

        z16 = jnp.zeros((16,), _f32)
        o16 = jnp.ones((16,), _f32)

        @pl.loop(0, 128)
        def _(r):
            for k in range(H // 16):
                ones_v[r, pl.ds(k * 16, 16)] = z16

        for r in range(RPT // 128):
            pltpu.sync_copy(ones_v, degacc.at[pl.ds(s * RPT + r * 128, 128)])

        @pl.loop(0, 128)
        def _(r):
            for k in range(H // 16):
                ones_v[r, pl.ds(k * 16, 16)] = o16

        plsc.subcore_barrier()

        @pl.loop(0, NCH2)
        def _(j):
            pltpu.sync_copy(ones_v, degacc.at[dst_v.at[j]], add=True)

        plsc.subcore_barrier()

        sl = pl.ds(s * RPT, RPT)

        @pl.when(c == 0)
        def _():
            pltpu.sync_copy(degacc.at[sl], out0.at[sl])

        @pl.when(c == 1)
        def _():
            pltpu.sync_copy(degacc.at[sl], out1.at[sl])

    return pl.kernel(body, out_type=out_type, mesh=mesh, scratch_types=scratch)


_sc_deg_k = _sc_deg()
_sc_agg_k = _sc_agg()
_tc1 = _tc_layer(relu=True, split=True)
_tc2 = _tc_layer(relu=False, split=False)


@jax.jit
def kernel(edge_index, x, W_self1, W_neigh1, b1, W_self2, W_neigh2, b2):
    src = edge_index[0].astype(jnp.int32)
    dst = edge_index[1].astype(jnp.int32)
    pad = EP - E
    src_r = jnp.concatenate([src, jnp.zeros((pad,), jnp.int32)]).reshape(NS, NCH, 128)
    dst_r = jnp.concatenate([dst, jnp.full((pad,), TRASH, jnp.int32)]).reshape(NS, NCH, 128)

    x0 = x[:, :H]
    x1 = x[:, H:]
    V1 = jnp.concatenate([W_self1.T, W_neigh1.T], axis=0)
    V2 = jnp.concatenate([W_self2.T, W_neigh2.T], axis=0)
    b1r = b1.reshape(1, D)
    b2r = b2.reshape(1, D)

    dst_r2 = dst_r.reshape(2 * NS, NCH2, 128)
    deg0, deg1 = _sc_deg_k(dst_r2)
    agg0, agg1 = _sc_agg_k(src_r, dst_r, x0, x1)
    h0, h1 = _tc1(x0, x1, agg0, agg1, deg0, deg1, V1, b1r)
    ah0, ah1 = _sc_agg_k(src_r, dst_r, h0, h1)
    return _tc2(h0, h1, ah0, ah1, deg0, deg1, V2, b2r)

# --- scband reference (transcript-rebuilt; emitter-appended) ---
"""Pipeline reference for scband-model-graph-sage-40097814676055 (READ-ONLY COPY).

The authoritative reference and input builder live on the scoring server;
editing this copy changes nothing except your own understanding.
"""

import jax, jax.numpy as jnp
import numpy as np

N_NODES = 10000
N_EDGES = 160000
D_IN = 256
D_H = 256
D_OUT = 256


def setup_inputs(seed: int = 0) -> dict:
    key = jax.random.key(seed)
    ks = jax.random.split(key, 8)
    edge_index = jax.random.randint(ks[0], (2, N_EDGES), 0, N_NODES, dtype=jnp.int64 if jax.config.jax_enable_x64 else jnp.int32).astype(jnp.int32)
    x = jax.random.normal(ks[1], (N_NODES, D_IN), dtype=jnp.float32)
    W_self1 = jax.random.normal(ks[2], (D_H, D_IN), dtype=jnp.float32) * 0.02
    W_neigh1 = jax.random.normal(ks[3], (D_H, D_IN), dtype=jnp.float32) * 0.02
    b1 = jnp.zeros((D_H,), dtype=jnp.float32)
    W_self2 = jax.random.normal(ks[4], (D_OUT, D_H), dtype=jnp.float32) * 0.02
    W_neigh2 = jax.random.normal(ks[5], (D_OUT, D_H), dtype=jnp.float32) * 0.02
    b2 = jnp.zeros((D_OUT,), dtype=jnp.float32)
    return {"edge_index": edge_index, "x": x, "W_self1": W_self1, "W_neigh1": W_neigh1, "b1": b1, "W_self2": W_self2, "W_neigh2": W_neigh2, "b2": b2}


def _sage_conv(h, src, dst, n_nodes, W_self, W_neigh, b):
    # DGL SAGEConv with 'mean' aggregator:
    # rst = fc_self(h_self) + fc_neigh(mean_{u in N(v)} h_u) + bias
    msg = jnp.take(h, src, axis=0)                      # gather over src nodes [E, d]
    agg = jax.ops.segment_sum(msg, dst, num_segments=n_nodes)  # scatter-add by dst
    deg = jax.ops.segment_sum(jnp.ones((src.shape[0],), dtype=h.dtype), dst, num_segments=n_nodes)
    agg = agg / jnp.clip(deg, 1.0, None)[:, None]       # mean (isolated nodes -> 0)
    return h @ W_self.T + agg @ W_neigh.T + b


def reference(edge_index, x, W_self1, W_neigh1, b1, W_self2, W_neigh2, b2):
    src = edge_index[0]
    dst = edge_index[1]
    n = x.shape[0]
    h = _sage_conv(x, src, dst, n, W_self1, W_neigh1, b1)
    h = jax.nn.relu(h)
    h = _sage_conv(h, src, dst, n, W_self2, W_neigh2, b2)
    return h

if __name__ == "__main__":
    import jax
    _d = setup_inputs()
    print(jax.jit(kernel)(*tuple(_d.values())))

</pallas_src>

<mosaic_0001>
#map = affine_map<(d0, d1) -> (0, 0, 0)>
#map1 = affine_map<(d0, d1) -> (0, 0)>
module attributes {stable_mosaic.version = 14 : i64} {
  func.func @body(%arg0: i32, %arg1: i32, %arg2: memref<32x40x128xi32, #tpu.memory_space<hbm>>, %arg3: memref<10240x128xf32, #tpu.memory_space<hbm>>, %arg4: memref<10240x128xf32, #tpu.memory_space<hbm>>, %arg5: memref<40x128xi32, #tpu.memory_space<vmem>>, %arg6: memref<128x128xf32, #tpu.memory_space<vmem>>, %arg7: memref<10240x128xf32, #tpu.memory_space<vmem_shared>>) attributes {dimension_semantics = [#tpu.dimension_semantics<core_parallel>, #tpu.dimension_semantics<subcore_parallel>], iteration_bounds = array<i64: 2, 16>, scalar_prefetch = 0 : i64, scratch_operands = 3 : i64, tpu.core_type = #tpu.core_type<sc_vector_subcore>, window_params = [{transform_indices = #map}, {transform_indices = #map1}, {transform_indices = #map1}]} {
    %mul3A = arith.constant 16 : i32
    %mul3A_0 = arith.muli %arg0, %mul3A : i32
    %add3A = arith.addi %mul3A_0, %arg1 : i32
    "tpu.region"() ({
      %run_scoped3A = tpu.sem_alloc : memref<!tpu.dma_semaphore, #tpu.memory_space<semaphore_mem>>
      %dma_start3A = arith.constant 0 : i32
      %dma_start3A_48 = arith.constant 0 : i32
      %dma_start3A_49 = tpu.memref_slice %arg2[%add3A, %dma_start3A, %dma_start3A_48] : memref<32x40x128xi32, #tpu.memory_space<hbm>> -> memref<1x40x128xi32, #tpu.memory_space<hbm>>
      %dma_start3A_50 = tpu.memref_squeeze %dma_start3A_49 : memref<1x40x128xi32, #tpu.memory_space<hbm>> -> memref<40x128xi32, #tpu.memory_space<hbm>>
      %dma_start3A_51 = arith.constant 0 : i32
      %dma_start3A_52 = arith.constant 0 : i32
      %dma_start3A_53 = tpu.memref_slice %arg2[%add3A, %dma_start3A_51, %dma_start3A_52] : memref<32x40x128xi32, #tpu.memory_space<hbm>> -> memref<1x40x128xi32, #tpu.memory_space<hbm>>
      %dma_start3A_54 = tpu.memref_squeeze %dma_start3A_53 : memref<1x40x128xi32, #tpu.memory_space<hbm>> -> memref<40x128xi32, #tpu.memory_space<hbm>>
      tpu.enqueue_dma source(%dma_start3A_54 : memref<40x128xi32, #tpu.memory_space<hbm>>) target(%arg5 : memref<40x128xi32, #tpu.memory_space<vmem>>) target_semaphore(%run_scoped3A : memref<!tpu.dma_semaphore, #tpu.memory_space<semaphore_mem>>)
      %dma_wait3A = arith.constant 0 : i32
      %dma_wait3A_55 = arith.constant 0 : i32
      %dma_wait3A_56 = tpu.memref_slice %arg2[%add3A, %dma_wait3A, %dma_wait3A_55] : memref<32x40x128xi32, #tpu.memory_space<hbm>> -> memref<1x40x128xi32, #tpu.memory_space<hbm>>
      %dma_wait3A_57 = tpu.memref_squeeze %dma_wait3A_56 : memref<1x40x128xi32, #tpu.memory_space<hbm>> -> memref<40x128xi32, #tpu.memory_space<hbm>>
      %dma_wait3A_58 = arith.constant 0 : i32
      %dma_wait3A_59 = arith.constant 0 : i32
      %dma_wait3A_60 = tpu.memref_slice %arg2[%add3A, %dma_wait3A_58, %dma_wait3A_59] : memref<32x40x128xi32, #tpu.memory_space<hbm>> -> memref<1x40x128xi32, #tpu.memory_space<hbm>>
      %dma_wait3A_61 = tpu.memref_squeeze %dma_wait3A_60 : memref<1x40x128xi32, #tpu.memory_space<hbm>> -> memref<40x128xi32, #tpu.memory_space<hbm>>
      tpu.wait_dma2 semaphore(%run_scoped3A : memref<!tpu.dma_semaphore, #tpu.memory_space<semaphore_mem>>) src(%dma_wait3A_61 : memref<40x128xi32, #tpu.memory_space<hbm>>) dst(%arg5 : memref<40x128xi32, #tpu.memory_space<vmem>>)
      tpu.yield
    }) : () -> ()
    %broadcast_in_dim3A = arith.constant 0.000000e+00 : f32
    %broadcast_in_dim3A_1 = vector.broadcast %broadcast_in_dim3A : f32 to vector<16xf32>
    %broadcast_in_dim3A_2 = arith.constant 1.000000e+00 : f32
    %broadcast_in_dim3A_3 = vector.broadcast %broadcast_in_dim3A_2 : f32 to vector<16xf32>
    %scan3A = arith.constant 0 : i32
    %scan3A_4 = arith.constant 128 : i32
    %scan3A_5 = arith.addi %scan3A, %scan3A_4 : i32
    %scan3A_6 = arith.constant 1 : i32
    scf.for %scan3A_48 = %scan3A to %scan3A_5 step %scan3A_6  : i32 {
      %mul3A_49 = arith.constant 1 : i32
      %mul3A_50 = arith.muli %scan3A_48, %mul3A_49 : i32
      %add3A_51 = arith.constant 0 : i32
      %add3A_52 = arith.addi %add3A_51, %mul3A_50 : i32
      %swap3A = arith.index_cast %add3A_52 : i32 to index
      %swap3A_53 = arith.constant 0 : index
      %swap3A_54 = tpu.vector_load %arg6[%swap3A, %swap3A_53] {strides = array<i32>} : memref<128x128xf32, #tpu.memory_space<vmem>>, vector<1x16xf32>,
      %swap3A_55 = vector.shape_cast %swap3A_54 : vector<1x16xf32> to vector<16xf32>
      %swap3A_56 = vector.shape_cast %broadcast_in_dim3A_1 : vector<16xf32> to vector<1x16xf32>
      tpu.vector_store %arg6[%swap3A, %swap3A_53], %swap3A_56 {strides = array<i32>} : memref<128x128xf32, #tpu.memory_space<vmem>>, vector<1x16xf32>,
      %swap3A_57 = arith.index_cast %add3A_52 : i32 to index
      %swap3A_58 = arith.constant 16 : index
      %swap3A_59 = tpu.vector_load %arg6[%swap3A_57, %swap3A_58] {strides = array<i32>} : memref<128x128xf32, #tpu.memory_space<vmem>>, vector<1x16xf32>,
      %swap3A_60 = vector.shape_cast %swap3A_59 : vector<1x16xf32> to vector<16xf32>
      %swap3A_61 = vector.shape_cast %broadcast_in_dim3A_1 : vector<16xf32> to vector<1x16xf32>
      tpu.vector_store %arg6[%swap3A_57, %swap3A_58], %swap3A_61 {strides = array<i32>} : memref<128x128xf32, #tpu.memory_space<vmem>>, vector<1x16xf32>,
      %swap3A_62 = arith.index_cast %add3A_52 : i32 to index
      %swap3A_63 = arith.constant 32 : index
      %swap3A_64 = tpu.vector_load %arg6[%swap3A_62, %swap3A_63] {strides = array<i32>} : memref<128x128xf32, #tpu.memory_space<vmem>>, vector<1x16xf32>,
      %swap3A_65 = vector.shape_cast %swap3A_64 : vector<1x16xf32> to vector<16xf32>
      %swap3A_66 = vector.shape_cast %broadcast_in_dim3A_1 : vector<16xf32> to vector<1x16xf32>
      tpu.vector_store %arg6[%swap3A_62, %swap3A_63], %swap3A_66 {strides = array<i32>} : memref<128x128xf32, #tpu.memory_space<vmem>>, vector<1x16xf32>,
      %swap3A_67 = arith.index_cast %add3A_52 : i32 to index
      %swap3A_68 = arith.constant 48 : index
      %swap3A_69 = tpu.vector_load %arg6[%swap3A_67, %swap3A_68] {strides = array<i32>} : memref<128x128xf32, #tpu.memory_space<vmem>>, vector<1x16xf32>,
      %swap3A_70 = vector.shape_cast %swap3A_69 : vector<1x16xf32> to vector<16xf32>
      %swap3A_71 = vector.shape_cast %broadcast_in_dim3A_1 : vector<16xf32> to vector<1x16xf32>
      tpu.vector_store %arg6[%swap3A_67, %swap3A_68], %swap3A_71 {strides = array<i32>} : memref<128x128xf32, #tpu.memory_space<vmem>>, vector<1x16xf32>,
      %swap3A_72 = arith.index_cast %add3A_52 : i32 to index
      %swap3A_73 = arith.constant 64 : index
      %swap3A_74 = tpu.vector_load %arg6[%swap3A_72, %swap3A_73] {strides = array<i32>} : memref<128x128xf32, #tpu.memory_space<vmem>>, vector<1x16xf32>,
      %swap3A_75 = vector.shape_cast %swap3A_74 : vector<1x16xf32> to vector<16xf32>
      %swap3A_76 = vector.shape_cast %broadcast_in_dim3A_1 : vector<16xf32> to vector<1x16xf32>
      tpu.vector_store %arg6[%swap3A_72, %swap3A_73], %swap3A_76 {strides = array<i32>} : memref<128x128xf32, #tpu.memory_space<vmem>>, vector<1x16xf32>,
      %swap3A_77 = arith.index_cast %add3A_52 : i32 to index
      %swap3A_78 = arith.constant 80 : index
      %swap3A_79 = tpu.vector_load %arg6[%swap3A_77, %swap3A_78] {strides = array<i32>} : memref<128x128xf32, #tpu.memory_space<vmem>>, vector<1x16xf32>,
      %swap3A_80 = vector.shape_cast %swap3A_79 : vector<1x16xf32> to vector<16xf32>
      %swap3A_81 = vector.shape_cast %broadcast_in_dim3A_1 : vector<16xf32> to vector<1x16xf32>
      tpu.vector_store %arg6[%swap3A_77, %swap3A_78], %swap3A_81 {strides = array<i32>} : memref<128x128xf32, #tpu.memory_space<vmem>>, vector<1x16xf32>,
      %swap3A_82 = arith.index_cast %add3A_52 : i32 to index
      %swap3A_83 = arith.constant 96 : index
      %swap3A_84 = tpu.vector_load %arg6[%swap3A_82, %swap3A_83] {strides = array<i32>} : memref<128x128xf32, #tpu.memory_space<vmem>>, vector<1x16xf32>,
      %swap3A_85 = vector.shape_cast %swap3A_84 : vector<1x16xf32> to vector<16xf32>
      %swap3A_86 = vector.shape_cast %broadcast_in_dim3A_1 : vector<16xf32> to vector<1x16xf32>
      tpu.vector_store %arg6[%swap3A_82, %swap3A_83], %swap3A_86 {strides = array<i32>} : memref<128x128xf32, #tpu.memory_space<vmem>>, vector<1x16xf32>,
      %swap3A_87 = arith.index_cast %add3A_52 : i32 to index
      %swap3A_88 = arith.constant 112 : index
      %swap3A_89 = tpu.vector_load %arg6[%swap3A_87, %swap3A_88] {strides = array<i32>} : memref<128x128xf32, #tpu.memory_space<vmem>>, vector<1x16xf32>,
      %swap3A_90 = vector.shape_cast %swap3A_89 : vector<1x16xf32> to vector<16xf32>
      %swap3A_91 = vector.shape_cast %broadcast_in_dim3A_1 : vector<16xf32> to vector<1x16xf32>
      tpu.vector_store %arg6[%swap3A_87, %swap3A_88], %swap3A_91 {strides = array<i32>} : memref<128x128xf32, #tpu.memory_space<vmem>>, vector<1x16xf32>,
    }
    %scan3A_7 = arith.constant 128 : i32
    %mul3A_8 = arith.constant 640 : i32
    %mul3A_9 = arith.muli %arg1, %mul3A_8 : i32
    %add3A_10 = arith.constant 0 : i32
    %add3A_11 = arith.addi %mul3A_9, %add3A_10 : i32
    "tpu.region"() ({
      %run_scoped3A = tpu.sem_alloc : memref<!tpu.dma_semaphore, #tpu.memory_space<semaphore_mem>>
      %dma_start3A = arith.constant 0 : i32
      %dma_start3A_48 = tpu.memref_slice %arg7[%add3A_11, %dma_start3A] : memref<10240x128xf32, #tpu.memory_space<vmem_shared>> -> memref<128x128xf32, #tpu.memory_space<vmem_shared>>
      %dma_start3A_49 = arith.constant 0 : i32
      %dma_start3A_50 = tpu.memref_slice %arg7[%add3A_11, %dma_start3A_49] : memref<10240x128xf32, #tpu.memory_space<vmem_shared>> -> memref<128x128xf32, #tpu.memory_space<vmem_shared>>
      tpu.enqueue_dma source(%arg6 : memref<128x128xf32, #tpu.memory_space<vmem>>) target(%dma_start3A_50 : memref<128x128xf32, #tpu.memory_space<vmem_shared>>) target_semaphore(%run_scoped3A : memref<!tpu.dma_semaphore, #tpu.memory_space<semaphore_mem>>)
      %dma_wait3A = arith.constant 0 : i32
      %dma_wait3A_51 = tpu.memref_slice %arg7[%add3A_11, %dma_wait3A] : memref<10240x128xf32, #tpu.memory_space<vmem_shared>> -> memref<128x128xf32, #tpu.memory_space<vmem_shared>>
      %dma_wait3A_52 = arith.constant 0 : i32
      %dma_wait3A_53 = tpu.memref_slice %arg7[%add3A_11, %dma_wait3A_52] : memref<10240x128xf32, #tpu.memory_space<vmem_shared>> -> memref<128x128xf32, #tpu.memory_space<vmem_shared>>
      tpu.wait_dma2 semaphore(%run_scoped3A : memref<!tpu.dma_semaphore, #tpu.memory_space<semaphore_mem>>) src(%arg6 : memref<128x128xf32, #tpu.memory_space<vmem>>) dst(%dma_wait3A_53 : memref<128x128xf32, #tpu.memory_space<vmem_shared>>)
      tpu.yield
    }) : () -> ()
    %mul3A_12 = arith.constant 640 : i32
    %mul3A_13 = arith.muli %arg1, %mul3A_12 : i32
    %add3A_14 = arith.constant 128 : i32
    %add3A_15 = arith.addi %mul3A_13, %add3A_14 : i32
    "tpu.region"() ({
      %run_scoped3A = tpu.sem_alloc : memref<!tpu.dma_semaphore, #tpu.memory_space<semaphore_mem>>
      %dma_start3A = arith.constant 0 : i32
      %dma_start3A_48 = tpu.memref_slice %arg7[%add3A_15, %dma_start3A] : memref<10240x128xf32, #tpu.memory_space<vmem_shared>> -> memref<128x128xf32, #tpu.memory_space<vmem_shared>>
      %dma_start3A_49 = arith.constant 0 : i32
      %dma_start3A_50 = tpu.memref_slice %arg7[%add3A_15, %dma_start3A_49] : memref<10240x128xf32, #tpu.memory_space<vmem_shared>> -> memref<128x128xf32, #tpu.memory_space<vmem_shared>>
      tpu.enqueue_dma source(%arg6 : memref<128x128xf32, #tpu.memory_space<vmem>>) target(%dma_start3A_50 : memref<128x128xf32, #tpu.memory_space<vmem_shared>>) target_semaphore(%run_scoped3A : memref<!tpu.dma_semaphore, #tpu.memory_space<semaphore_mem>>)
      %dma_wait3A = arith.constant 0 : i32
      %dma_wait3A_51 = tpu.memref_slice %arg7[%add3A_15, %dma_wait3A] : memref<10240x128xf32, #tpu.memory_space<vmem_shared>> -> memref<128x128xf32, #tpu.memory_space<vmem_shared>>
      %dma_wait3A_52 = arith.constant 0 : i32
      %dma_wait3A_53 = tpu.memref_slice %arg7[%add3A_15, %dma_wait3A_52] : memref<10240x128xf32, #tpu.memory_space<vmem_shared>> -> memref<128x128xf32, #tpu.memory_space<vmem_shared>>
      tpu.wait_dma2 semaphore(%run_scoped3A : memref<!tpu.dma_semaphore, #tpu.memory_space<semaphore_mem>>) src(%arg6 : memref<128x128xf32, #tpu.memory_space<vmem>>) dst(%dma_wait3A_53 : memref<128x128xf32, #tpu.memory_space<vmem_shared>>)
      tpu.yield
    }) : () -> ()
    %mul3A_16 = arith.constant 640 : i32
    %mul3A_17 = arith.muli %arg1, %mul3A_16 : i32
    %add3A_18 = arith.constant 256 : i32
    %add3A_19 = arith.addi %mul3A_17, %add3A_18 : i32
    "tpu.region"() ({
      %run_scoped3A = tpu.sem_alloc : memref<!tpu.dma_semaphore, #tpu.memory_space<semaphore_mem>>
      %dma_start3A = arith.constant 0 : i32
      %dma_start3A_48 = tpu.memref_slice %arg7[%add3A_19, %dma_start3A] : memref<10240x128xf32, #tpu.memory_space<vmem_shared>> -> memref<128x128xf32, #tpu.memory_space<vmem_shared>>
      %dma_start3A_49 = arith.constant 0 : i32
      %dma_start3A_50 = tpu.memref_slice %arg7[%add3A_19, %dma_start3A_49] : memref<10240x128xf32, #tpu.memory_space<vmem_shared>> -> memref<128x128xf32, #tpu.memory_space<vmem_shared>>
      tpu.enqueue_dma source(%arg6 : memref<128x128xf32, #tpu.memory_space<vmem>>) target(%dma_start3A_50 : memref<128x128xf32, #tpu.memory_space<vmem_shared>>) target_semaphore(%run_scoped3A : memref<!tpu.dma_semaphore, #tpu.memory_space<semaphore_mem>>)
      %dma_wait3A = arith.constant 0 : i32
      %dma_wait3A_51 = tpu.memref_slice %arg7[%add3A_19, %dma_wait3A] : memref<10240x128xf32, #tpu.memory_space<vmem_shared>> -> memref<128x128xf32, #tpu.memory_space<vmem_shared>>
      %dma_wait3A_52 = arith.constant 0 : i32
      %dma_wait3A_53 = tpu.memref_slice %arg7[%add3A_19, %dma_wait3A_52] : memref<10240x128xf32, #tpu.memory_space<vmem_shared>> -> memref<128x128xf32, #tpu.memory_space<vmem_shared>>
      tpu.wait_dma2 semaphore(%run_scoped3A : memref<!tpu.dma_semaphore, #tpu.memory_space<semaphore_mem>>) src(%arg6 : memref<128x128xf32, #tpu.memory_space<vmem>>) dst(%dma_wait3A_53 : memref<128x128xf32, #tpu.memory_space<vmem_shared>>)
      tpu.yield
    }) : () -> ()
    %mul3A_20 = arith.constant 640 : i32
    %mul3A_21 = arith.muli %arg1, %mul3A_20 : i32
    %add3A_22 = arith.constant 384 : i32
    %add3A_23 = arith.addi %mul3A_21, %add3A_22 : i32
    "tpu.region"() ({
      %run_scoped3A = tpu.sem_alloc : memref<!tpu.dma_semaphore, #tpu.memory_space<semaphore_mem>>
      %dma_start3A = arith.constant 0 : i32
      %dma_start3A_48 = tpu.memref_slice %arg7[%add3A_23, %dma_start3A] : memref<10240x128xf32, #tpu.memory_space<vmem_shared>> -> memref<128x128xf32, #tpu.memory_space<vmem_shared>>
      %dma_start3A_49 = arith.constant 0 : i32
      %dma_start3A_50 = tpu.memref_slice %arg7[%add3A_23, %dma_start3A_49] : memref<10240x128xf32, #tpu.memory_space<vmem_shared>> -> memref<128x128xf32, #tpu.memory_space<vmem_shared>>
      tpu.enqueue_dma source(%arg6 : memref<128x128xf32, #tpu.memory_space<vmem>>) target(%dma_start3A_50 : memref<128x128xf32, #tpu.memory_space<vmem_shared>>) target_semaphore(%run_scoped3A : memref<!tpu.dma_semaphore, #tpu.memory_space<semaphore_mem>>)
      %dma_wait3A = arith.constant 0 : i32
      %dma_wait3A_51 = tpu.memref_slice %arg7[%add3A_23, %dma_wait3A] : memref<10240x128xf32, #tpu.memory_space<vmem_shared>> -> memref<128x128xf32, #tpu.memory_space<vmem_shared>>
      %dma_wait3A_52 = arith.constant 0 : i32
      %dma_wait3A_53 = tpu.memref_slice %arg7[%add3A_23, %dma_wait3A_52] : memref<10240x128xf32, #tpu.memory_space<vmem_shared>> -> memref<128x128xf32, #tpu.memory_space<vmem_shared>>
      tpu.wait_dma2 semaphore(%run_scoped3A : memref<!tpu.dma_semaphore, #tpu.memory_space<semaphore_mem>>) src(%arg6 : memref<128x128xf32, #tpu.memory_space<vmem>>) dst(%dma_wait3A_53 : memref<128x128xf32, #tpu.memory_space<vmem_shared>>)
      tpu.yield
    }) : () -> ()
    %mul3A_24 = arith.constant 640 : i32
    %mul3A_25 = arith.muli %arg1, %mul3A_24 : i32
    %add3A_26 = arith.constant 512 : i32
    %add3A_27 = arith.addi %mul3A_25, %add3A_26 : i32
    "tpu.region"() ({
      %run_scoped3A = tpu.sem_alloc : memref<!tpu.dma_semaphore, #tpu.memory_space<semaphore_mem>>
      %dma_start3A = arith.constant 0 : i32
      %dma_start3A_48 = tpu.memref_slice %arg7[%add3A_27, %dma_start3A] : memref<10240x128xf32, #tpu.memory_space<vmem_shared>> -> memref<128x128xf32, #tpu.memory_space<vmem_shared>>
      %dma_start3A_49 = arith.constant 0 : i32
      %dma_start3A_50 = tpu.memref_slice %arg7[%add3A_27, %dma_start3A_49] : memref<10240x128xf32, #tpu.memory_space<vmem_shared>> -> memref<128x128xf32, #tpu.memory_space<vmem_shared>>
      tpu.enqueue_dma source(%arg6 : memref<128x128xf32, #tpu.memory_space<vmem>>) target(%dma_start3A_50 : memref<128x128xf32, #tpu.memory_space<vmem_shared>>) target_semaphore(%run_scoped3A : memref<!tpu.dma_semaphore, #tpu.memory_space<semaphore_mem>>)
      %dma_wait3A = arith.constant 0 : i32
      %dma_wait3A_51 = tpu.memref_slice %arg7[%add3A_27, %dma_wait3A] : memref<10240x128xf32, #tpu.memory_space<vmem_shared>> -> memref<128x128xf32, #tpu.memory_space<vmem_shared>>
      %dma_wait3A_52 = arith.constant 0 : i32
      %dma_wait3A_53 = tpu.memref_slice %arg7[%add3A_27, %dma_wait3A_52] : memref<10240x128xf32, #tpu.memory_space<vmem_shared>> -> memref<128x128xf32, #tpu.memory_space<vmem_shared>>
      tpu.wait_dma2 semaphore(%run_scoped3A : memref<!tpu.dma_semaphore, #tpu.memory_space<semaphore_mem>>) src(%arg6 : memref<128x128xf32, #tpu.memory_space<vmem>>) dst(%dma_wait3A_53 : memref<128x128xf32, #tpu.memory_space<vmem_shared>>)
      tpu.yield
    }) : () -> ()
    %scan3A_28 = arith.constant 0 : i32
    %scan3A_29 = arith.constant 128 : i32
    %scan3A_30 = arith.addi %scan3A_28, %scan3A_29 : i32
    %scan3A_31 = arith.constant 1 : i32
    scf.for %scan3A_48 = %scan3A_28 to %scan3A_30 step %scan3A_31  : i32 {
      %mul3A_49 = arith.constant 1 : i32
      %mul3A_50 = arith.muli %scan3A_48, %mul3A_49 : i32
      %add3A_51 = arith.constant 0 : i32
      %add3A_52 = arith.addi %add3A_51, %mul3A_50 : i32
      %swap3A = arith.index_cast %add3A_52 : i32 to index
      %swap3A_53 = arith.constant 0 : index
      %swap3A_54 = tpu.vector_load %arg6[%swap3A, %swap3A_53] {strides = array<i32>} : memref<128x128xf32, #tpu.memory_space<vmem>>, vector<1x16xf32>,
      %swap3A_55 = vector.shape_cast %swap3A_54 : vector<1x16xf32> to vector<16xf32>
      %swap3A_56 = vector.shape_cast %broadcast_in_dim3A_3 : vector<16xf32> to vector<1x16xf32>
      tpu.vector_store %arg6[%swap3A, %swap3A_53], %swap3A_56 {strides = array<i32>} : memref<128x128xf32, #tpu.memory_space<vmem>>, vector<1x16xf32>,
      %swap3A_57 = arith.index_cast %add3A_52 : i32 to index
      %swap3A_58 = arith.constant 16 : index
      %swap3A_59 = tpu.vector_load %arg6[%swap3A_57, %swap3A_58] {strides = array<i32>} : memref<128x128xf32, #tpu.memory_space<vmem>>, vector<1x16xf32>,
      %swap3A_60 = vector.shape_cast %swap3A_59 : vector<1x16xf32> to vector<16xf32>
      %swap3A_61 = vector.shape_cast %broadcast_in_dim3A_3 : vector<16xf32> to vector<1x16xf32>
      tpu.vector_store %arg6[%swap3A_57, %swap3A_58], %swap3A_61 {strides = array<i32>} : memref<128x128xf32, #tpu.memory_space<vmem>>, vector<1x16xf32>,
      %swap3A_62 = arith.index_cast %add3A_52 : i32 to index
      %swap3A_63 = arith.constant 32 : index
      %swap3A_64 = tpu.vector_load %arg6[%swap3A_62, %swap3A_63] {strides = array<i32>} : memref<128x128xf32, #tpu.memory_space<vmem>>, vector<1x16xf32>,
      %swap3A_65 = vector.shape_cast %swap3A_64 : vector<1x16xf32> to vector<16xf32>
      %swap3A_66 = vector.shape_cast %broadcast_in_dim3A_3 : vector<16xf32> to vector<1x16xf32>
      tpu.vector_store %arg6[%swap3A_62, %swap3A_63], %swap3A_66 {strides = array<i32>} : memref<128x128xf32, #tpu.memory_space<vmem>>, vector<1x16xf32>,
      %swap3A_67 = arith.index_cast %add3A_52 : i32 to index
      %swap3A_68 = arith.constant 48 : index
      %swap3A_69 = tpu.vector_load %arg6[%swap3A_67, %swap3A_68] {strides = array<i32>} : memref<128x128xf32, #tpu.memory_space<vmem>>, vector<1x16xf32>,
      %swap3A_70 = vector.shape_cast %swap3A_69 : vector<1x16xf32> to vector<16xf32>
      %swap3A_71 = vector.shape_cast %broadcast_in_dim3A_3 : vector<16xf32> to vector<1x16xf32>
      tpu.vector_store %arg6[%swap3A_67, %swap3A_68], %swap3A_71 {strides = array<i32>} : memref<128x128xf32, #tpu.memory_space<vmem>>, vector<1x16xf32>,
      %swap3A_72 = arith.index_cast %add3A_52 : i32 to index
      %swap3A_73 = arith.constant 64 : index
      %swap3A_74 = tpu.vector_load %arg6[%swap3A_72, %swap3A_73] {strides = array<i32>} : memref<128x128xf32, #tpu.memory_space<vmem>>, vector<1x16xf32>,
      %swap3A_75 = vector.shape_cast %swap3A_74 : vector<1x16xf32> to vector<16xf32>
      %swap3A_76 = vector.shape_cast %broadcast_in_dim3A_3 : vector<16xf32> to vector<1x16xf32>
      tpu.vector_store %arg6[%swap3A_72, %swap3A_73], %swap3A_76 {strides = array<i32>} : memref<128x128xf32, #tpu.memory_space<vmem>>, vector<1x16xf32>,
      %swap3A_77 = arith.index_cast %add3A_52 : i32 to index
      %swap3A_78 = arith.constant 80 : index
      %swap3A_79 = tpu.vector_load %arg6[%swap3A_77, %swap3A_78] {strides = array<i32>} : memref<128x128xf32, #tpu.memory_space<vmem>>, vector<1x16xf32>,
      %swap3A_80 = vector.shape_cast %swap3A_79 : vector<1x16xf32> to vector<16xf32>
      %swap3A_81 = vector.shape_cast %broadcast_in_dim3A_3 : vector<16xf32> to vector<1x16xf32>
      tpu.vector_store %arg6[%swap3A_77, %swap3A_78], %swap3A_81 {strides = array<i32>} : memref<128x128xf32, #tpu.memory_space<vmem>>, vector<1x16xf32>,
      %swap3A_82 = arith.index_cast %add3A_52 : i32 to index
      %swap3A_83 = arith.constant 96 : index
      %swap3A_84 = tpu.vector_load %arg6[%swap3A_82, %swap3A_83] {strides = array<i32>} : memref<128x128xf32, #tpu.memory_space<vmem>>, vector<1x16xf32>,
      %swap3A_85 = vector.shape_cast %swap3A_84 : vector<1x16xf32> to vector<16xf32>
      %swap3A_86 = vector.shape_cast %broadcast_in_dim3A_3 : vector<16xf32> to vector<1x16xf32>
      tpu.vector_store %arg6[%swap3A_82, %swap3A_83], %swap3A_86 {strides = array<i32>} : memref<128x128xf32, #tpu.memory_space<vmem>>, vector<1x16xf32>,
      %swap3A_87 = arith.index_cast %add3A_52 : i32 to index
      %swap3A_88 = arith.constant 112 : index
      %swap3A_89 = tpu.vector_load %arg6[%swap3A_87, %swap3A_88] {strides = array<i32>} : memref<128x128xf32, #tpu.memory_space<vmem>>, vector<1x16xf32>,
      %swap3A_90 = vector.shape_cast %swap3A_89 : vector<1x16xf32> to vector<16xf32>
      %swap3A_91 = vector.shape_cast %broadcast_in_dim3A_3 : vector<16xf32> to vector<1x16xf32>
      tpu.vector_store %arg6[%swap3A_87, %swap3A_88], %swap3A_91 {strides = array<i32>} : memref<128x128xf32, #tpu.memory_space<vmem>>, vector<1x16xf32>,
    }
    %scan3A_32 = arith.constant 128 : i32
    %barrier3A = arith.constant 0 : index
    tpu.barrier barrier_id(%barrier3A)
    %scan3A_33 = arith.constant 0 : i32
    %scan3A_34 = arith.constant 40 : i32
    %scan3A_35 = arith.addi %scan3A_33, %scan3A_34 : i32
    %scan3A_36 = arith.constant 1 : i32
    scf.for %scan3A_48 = %scan3A_33 to %scan3A_35 step %scan3A_36  : i32 {
      %mul3A_49 = arith.constant 1 : i32
      %mul3A_50 = arith.muli %scan3A_48, %mul3A_49 : i32
      %add3A_51 = arith.constant 0 : i32
      %add3A_52 = arith.addi %add3A_51, %mul3A_50 : i32
      "tpu.region"() ({
        %run_scoped3A = tpu.sem_alloc : memref<!tpu.dma_semaphore, #tpu.memory_space<semaphore_mem>>
        %dma_start3A = arith.constant 0 : i32
        %dma_start3A_53 = tpu.memref_slice %arg5[%add3A_52, %dma_start3A] : memref<40x128xi32, #tpu.memory_space<vmem>> -> memref<1x128xi32, #tpu.memory_space<vmem>>
        %dma_start3A_54 = tpu.memref_squeeze %dma_start3A_53 : memref<1x128xi32, #tpu.memory_space<vmem>> -> memref<128xi32, #tpu.memory_space<vmem>>
        %dma_start3A_55 = arith.constant 0 : i32
        %dma_start3A_56 = arith.constant 0 : i32
        %dma_start3A_57 = tpu.memref_slice %arg7[%dma_start3A_55, %dma_start3A_56] : memref<10240x128xf32, #tpu.memory_space<vmem_shared>> -> memref<10240x128xf32, #tpu.memory_space<vmem_shared>>
        tpu.enqueue_indirect_dma source(%arg6 : memref<128x128xf32, #tpu.memory_space<vmem>>) target(%dma_start3A_57 : memref<10240x128xf32, #tpu.memory_space<vmem_shared>>) offsets(%dma_start3A_54 : memref<128xi32, #tpu.memory_space<vmem>>) semaphore(%run_scoped3A : memref<!tpu.dma_semaphore, #tpu.memory_space<semaphore_mem>>) {add = true}
        %dma_wait3A = arith.constant 0 : i32
        %dma_wait3A_58 = tpu.memref_slice %arg5[%add3A_52, %dma_wait3A] : memref<40x128xi32, #tpu.memory_space<vmem>> -> memref<1x128xi32, #tpu.memory_space<vmem>>
        %dma_wait3A_59 = tpu.memref_squeeze %dma_wait3A_58 : memref<1x128xi32, #tpu.memory_space<vmem>> -> memref<128xi32, #tpu.memory_space<vmem>>
        %dma_wait3A_60 = arith.constant 0 : i32
        %dma_wait3A_61 = arith.constant 0 : i32
        %dma_wait3A_62 = tpu.memref_slice %arg7[%dma_wait3A_60, %dma_wait3A_61] : memref<10240x128xf32, #tpu.memory_space<vmem_shared>> -> memref<10240x128xf32, #tpu.memory_space<vmem_shared>>
        tpu.wait_indirect_dma semaphore(%run_scoped3A : memref<!tpu.dma_semaphore, #tpu.memory_space<semaphore_mem>>) src(%arg6 : memref<128x128xf32, #tpu.memory_space<vmem>>) dst(%dma_wait3A_62 : memref<10240x128xf32, #tpu.memory_space<vmem_shared>>)
        tpu.yield
      }) : () -> ()
    }
    %scan3A_37 = arith.constant 40 : i32
    %barrier3A_38 = arith.constant 0 : index
    tpu.barrier barrier_id(%barrier3A_38)
    %mul3A_39 = arith.constant 640 : i32
    %mul3A_40 = arith.muli %arg1, %mul3A_39 : i32
    %eq3A = arith.constant 0 : i32
    %eq3A_41 = arith.cmpi eq, %arg0, %eq3A : i32
    %convert_element_type3A = arith.extui %eq3A_41 : i1 to i32
    %cond3A = arith.constant 0 : i32
    %cond3A_42 = arith.cmpi ne, %convert_element_type3A, %cond3A : i32
    scf.if %cond3A_42 {
      "tpu.region"() ({
        %run_scoped3A = tpu.sem_alloc : memref<!tpu.dma_semaphore, #tpu.memory_space<semaphore_mem>>
        %dma_start3A = arith.constant 0 : i32
        %dma_start3A_48 = tpu.memref_slice %arg3[%mul3A_40, %dma_start3A] : memref<10240x128xf32, #tpu.memory_space<hbm>> -> memref<640x128xf32, #tpu.memory_space<hbm>>
        %dma_start3A_49 = arith.constant 0 : i32
        %dma_start3A_50 = tpu.memref_slice %arg7[%mul3A_40, %dma_start3A_49] : memref<10240x128xf32, #tpu.memory_space<vmem_shared>> -> memref<640x128xf32, #tpu.memory_space<vmem_shared>>
        tpu.enqueue_dma source(%dma_start3A_50 : memref<640x128xf32, #tpu.memory_space<vmem_shared>>) target(%dma_start3A_48 : memref<640x128xf32, #tpu.memory_space<hbm>>) target_semaphore(%run_scoped3A : memref<!tpu.dma_semaphore, #tpu.memory_space<semaphore_mem>>)
        %dma_wait3A = arith.constant 0 : i32
        %dma_wait3A_51 = tpu.memref_slice %arg3[%mul3A_40, %dma_wait3A] : memref<10240x128xf32, #tpu.memory_space<hbm>> -> memref<640x128xf32, #tpu.memory_space<hbm>>
        %dma_wait3A_52 = arith.constant 0 : i32
        %dma_wait3A_53 = tpu.memref_slice %arg7[%mul3A_40, %dma_wait3A_52] : memref<10240x128xf32, #tpu.memory_space<vmem_shared>> -> memref<640x128xf32, #tpu.memory_space<vmem_shared>>
        tpu.wait_dma2 semaphore(%run_scoped3A : memref<!tpu.dma_semaphore, #tpu.memory_space<semaphore_mem>>) src(%dma_wait3A_53 : memref<640x128xf32, #tpu.memory_space<vmem_shared>>) dst(%dma_wait3A_51 : memref<640x128xf32, #tpu.memory_space<hbm>>)
        tpu.yield
      }) : () -> ()
    } else {
    }
    %eq3A_43 = arith.constant 1 : i32
    %eq3A_44 = arith.cmpi eq, %arg0, %eq3A_43 : i32
    %convert_element_type3A_45 = arith.extui %eq3A_44 : i1 to i32
    %cond3A_46 = arith.constant 0 : i32
    %cond3A_47 = arith.cmpi ne, %convert_element_type3A_45, %cond3A_46 : i32
    scf.if %cond3A_47 {
      "tpu.region"() ({
        %run_scoped3A = tpu.sem_alloc : memref<!tpu.dma_semaphore, #tpu.memory_space<semaphore_mem>>
        %dma_start3A = arith.constant 0 : i32
        %dma_start3A_48 = tpu.memref_slice %arg4[%mul3A_40, %dma_start3A] : memref<10240x128xf32, #tpu.memory_space<hbm>> -> memref<640x128xf32, #tpu.memory_space<hbm>>
        %dma_start3A_49 = arith.constant 0 : i32
        %dma_start3A_50 = tpu.memref_slice %arg7[%mul3A_40, %dma_start3A_49] : memref<10240x128xf32, #tpu.memory_space<vmem_shared>> -> memref<640x128xf32, #tpu.memory_space<vmem_shared>>
        tpu.enqueue_dma source(%dma_start3A_50 : memref<640x128xf32, #tpu.memory_space<vmem_shared>>) target(%dma_start3A_48 : memref<640x128xf32, #tpu.memory_space<hbm>>) target_semaphore(%run_scoped3A : memref<!tpu.dma_semaphore, #tpu.memory_space<semaphore_mem>>)
        %dma_wait3A = arith.constant 0 : i32
        %dma_wait3A_51 = tpu.memref_slice %arg4[%mul3A_40, %dma_wait3A] : memref<10240x128xf32, #tpu.memory_space<hbm>> -> memref<640x128xf32, #tpu.memory_space<hbm>>
        %dma_wait3A_52 = arith.constant 0 : i32
        %dma_wait3A_53 = tpu.memref_slice %arg7[%mul3A_40, %dma_wait3A_52] : memref<10240x128xf32, #tpu.memory_space<vmem_shared>> -> memref<640x128xf32, #tpu.memory_space<vmem_shared>>
        tpu.wait_dma2 semaphore(%run_scoped3A : memref<!tpu.dma_semaphore, #tpu.memory_space<semaphore_mem>>) src(%dma_wait3A_53 : memref<640x128xf32, #tpu.memory_space<vmem_shared>>) dst(%dma_wait3A_51 : memref<640x128xf32, #tpu.memory_space<hbm>>)
        tpu.yield
      }) : () -> ()
    } else {
    }
    return
  }
}

#map = affine_map<(d0, d1) -> (0, 0, 0)>
#map1 = affine_map<(d0, d1) -> (0, 0)>
module attributes {stable_mosaic.version = 14 : i64} {
  func.func @body(%arg0: i32, %arg1: i32, %arg2: memref<16x80x128xi32, #tpu.memory_space<hbm>>, %arg3: memref<16x80x128xi32, #tpu.memory_space<hbm>>, %arg4: memref<10000x128xf32, #tpu.memory_space<hbm>>, %arg5: memref<10000x128xf32, #tpu.memory_space<hbm>>, %arg6: memref<10240x128xf32, #tpu.memory_space<hbm>>, %arg7: memref<10240x128xf32, #tpu.memory_space<hbm>>, %arg8: memref<40x128xi32, #tpu.memory_space<vmem>>, %arg9: memref<40x128xi32, #tpu.memory_space<vmem>>, %arg10: memref<128x128xf32, #tpu.memory_space<vmem>>, %arg11: memref<128x128xf32, #tpu.memory_space<vmem>>, %arg12: memref<10240x128xf32, #tpu.memory_space<vmem_shared>>, %arg13: memref<!tpu.dma_semaphore, #tpu.memory_space<semaphore_mem>>, %arg14: memref<!tpu.dma_semaphore, #tpu.memory_space<semaphore_mem>>, %arg15: memref<!tpu.dma_semaphore, #tpu.memory_space<semaphore_mem>>, %arg16: memref<!tpu.dma_semaphore, #tpu.memory_space<semaphore_mem>>) attributes {dimension_semantics = [#tpu.dimension_semantics<core_parallel>, #tpu.dimension_semantics<subcore_parallel>], iteration_bounds = array<i64: 2, 16>, scalar_prefetch = 0 : i64, scratch_operands = 9 : i64, tpu.core_type = #tpu.core_type<sc_vector_subcore>, window_params = [{transform_indices = #map}, {transform_indices = #map}, {transform_indices = #map1}, {transform_indices = #map1}, {transform_indices = #map1}, {transform_indices = #map1}]} {
    %broadcast_in_dim3A = arith.constant 0.000000e+00 : f32
    %broadcast_in_dim3A_0 = vector.broadcast %broadcast_in_dim3A : f32 to vector<16xf32>
    %scan3A = arith.constant 0 : i32
    %scan3A_1 = arith.constant 128 : i32
    %scan3A_2 = arith.addi %scan3A, %scan3A_1 : i32
    %scan3A_3 = arith.constant 1 : i32
    scf.for %scan3A_42 = %scan3A to %scan3A_2 step %scan3A_3  : i32 {
      %mul3A_43 = arith.constant 1 : i32
      %mul3A_44 = arith.muli %scan3A_42, %mul3A_43 : i32
      %add3A_45 = arith.constant 0 : i32
      %add3A_46 = arith.addi %add3A_45, %mul3A_44 : i32
      %swap3A = arith.index_cast %add3A_46 : i32 to index
      %swap3A_47 = arith.constant 0 : index
      %swap3A_48 = tpu.vector_load %arg10[%swap3A, %swap3A_47] {strides = array<i32>} : memref<128x128xf32, #tpu.memory_space<vmem>>, vector<1x16xf32>,
      %swap3A_49 = vector.shape_cast %swap3A_48 : vector<1x16xf32> to vector<16xf32>
      %swap3A_50 = vector.shape_cast %broadcast_in_dim3A_0 : vector<16xf32> to vector<1x16xf32>
      tpu.vector_store %arg10[%swap3A, %swap3A_47], %swap3A_50 {strides = array<i32>} : memref<128x128xf32, #tpu.memory_space<vmem>>, vector<1x16xf32>,
      %swap3A_51 = arith.index_cast %add3A_46 : i32 to index
      %swap3A_52 = arith.constant 16 : index
      %swap3A_53 = tpu.vector_load %arg10[%swap3A_51, %swap3A_52] {strides = array<i32>} : memref<128x128xf32, #tpu.memory_space<vmem>>, vector<1x16xf32>,
      %swap3A_54 = vector.shape_cast %swap3A_53 : vector<1x16xf32> to vector<16xf32>
      %swap3A_55 = vector.shape_cast %broadcast_in_dim3A_0 : vector<16xf32> to vector<1x16xf32>
      tpu.vector_store %arg10[%swap3A_51, %swap3A_52], %swap3A_55 {strides = array<i32>} : memref<128x128xf32, #tpu.memory_space<vmem>>, vector<1x16xf32>,
      %swap3A_56 = arith.index_cast %add3A_46 : i32 to index
      %swap3A_57 = arith.constant 32 : index
      %swap3A_58 = tpu.vector_load %arg10[%swap3A_56, %swap3A_57] {strides = array<i32>} : memref<128x128xf32, #tpu.memory_space<vmem>>, vector<1x16xf32>,
      %swap3A_59 = vector.shape_cast %swap3A_58 : vector<1x16xf32> to vector<16xf32>
      %swap3A_60 = vector.shape_cast %broadcast_in_dim3A_0 : vector<16xf32> to vector<1x16xf32>
      tpu.vector_store %arg10[%swap3A_56, %swap3A_57], %swap3A_60 {strides = array<i32>} : memref<128x128xf32, #tpu.memory_space<vmem>>, vector<1x16xf32>,
      %swap3A_61 = arith.index_cast %add3A_46 : i32 to index
      %swap3A_62 = arith.constant 48 : index
      %swap3A_63 = tpu.vector_load %arg10[%swap3A_61, %swap3A_62] {strides = array<i32>} : memref<128x128xf32, #tpu.memory_space<vmem>>, vector<1x16xf32>,
      %swap3A_64 = vector.shape_cast %swap3A_63 : vector<1x16xf32> to vector<16xf32>
      %swap3A_65 = vector.shape_cast %broadcast_in_dim3A_0 : vector<16xf32> to vector<1x16xf32>
      tpu.vector_store %arg10[%swap3A_61, %swap3A_62], %swap3A_65 {strides = array<i32>} : memref<128x128xf32, #tpu.memory_space<vmem>>, vector<1x16xf32>,
      %swap3A_66 = arith.index_cast %add3A_46 : i32 to index
      %swap3A_67 = arith.constant 64 : index
      %swap3A_68 = tpu.vector_load %arg10[%swap3A_66, %swap3A_67] {strides = array<i32>} : memref<128x128xf32, #tpu.memory_space<vmem>>, vector<1x16xf32>,
      %swap3A_69 = vector.shape_cast %swap3A_68 : vector<1x16xf32> to vector<16xf32>
      %swap3A_70 = vector.shape_cast %broadcast_in_dim3A_0 : vector<16xf32> to vector<1x16xf32>
      tpu.vector_store %arg10[%swap3A_66, %swap3A_67], %swap3A_70 {strides = array<i32>} : memref<128x128xf32, #tpu.memory_space<vmem>>, vector<1x16xf32>,
      %swap3A_71 = arith.index_cast %add3A_46 : i32 to index
      %swap3A_72 = arith.constant 80 : index
      %swap3A_73 = tpu.vector_load %arg10[%swap3A_71, %swap3A_72] {strides = array<i32>} : memref<128x128xf32, #tpu.memory_space<vmem>>, vector<1x16xf32>,
      %swap3A_74 = vector.shape_cast %swap3A_73 : vector<1x16xf32> to vector<16xf32>
      %swap3A_75 = vector.shape_cast %broadcast_in_dim3A_0 : vector<16xf32> to vector<1x16xf32>
      tpu.vector_store %arg10[%swap3A_71, %swap3A_72], %swap3A_75 {strides = array<i32>} : memref<128x128xf32, #tpu.memory_space<vmem>>, vector<1x16xf32>,
      %swap3A_76 = arith.index_cast %add3A_46 : i32 to index
      %swap3A_77 = arith.constant 96 : index
      %swap3A_78 = tpu.vector_load %arg10[%swap3A_76, %swap3A_77] {strides = array<i32>} : memref<128x128xf32, #tpu.memory_space<vmem>>, vector<1x16xf32>,
      %swap3A_79 = vector.shape_cast %swap3A_78 : vector<1x16xf32> to vector<16xf32>
      %swap3A_80 = vector.shape_cast %broadcast_in_dim3A_0 : vector<16xf32> to vector<1x16xf32>
      tpu.vector_store %arg10[%swap3A_76, %swap3A_77], %swap3A_80 {strides = array<i32>} : memref<128x128xf32, #tpu.memory_space<vmem>>, vector<1x16xf32>,
      %swap3A_81 = arith.index_cast %add3A_46 : i32 to index
      %swap3A_82 = arith.constant 112 : index
      %swap3A_83 = tpu.vector_load %arg10[%swap3A_81, %swap3A_82] {strides = array<i32>} : memref<128x128xf32, #tpu.memory_space<vmem>>, vector<1x16xf32>,
      %swap3A_84 = vector.shape_cast %swap3A_83 : vector<1x16xf32> to vector<16xf32>
      %swap3A_85 = vector.shape_cast %broadcast_in_dim3A_0 : vector<16xf32> to vector<1x16xf32>
      tpu.vector_store %arg10[%swap3A_81, %swap3A_82], %swap3A_85 {strides = array<i32>} : memref<128x128xf32, #tpu.memory_space<vmem>>, vector<1x16xf32>,
    }
    %scan3A_4 = arith.constant 128 : i32
    %mul3A = arith.constant 640 : i32
    %mul3A_5 = arith.muli %arg1, %mul3A : i32
    %add3A = arith.constant 0 : i32
    %add3A_6 = arith.addi %mul3A_5, %add3A : i32
    "tpu.region"() ({
      %run_scoped3A = tpu.sem_alloc : memref<!tpu.dma_semaphore, #tpu.memory_space<semaphore_mem>>
      %dma_start3A = arith.constant 0 : i32
      %dma_start3A_42 = tpu.memref_slice %arg12[%add3A_6, %dma_start3A] : memref<10240x128xf32, #tpu.memory_space<vmem_shared>> -> memref<128x128xf32, #tpu.memory_space<vmem_shared>>
      %dma_start3A_43 = arith.constant 0 : i32
      %dma_start3A_44 = tpu.memref_slice %arg12[%add3A_6, %dma_start3A_43] : memref<10240x128xf32, #tpu.memory_space<vmem_shared>> -> memref<128x128xf32, #tpu.memory_space<vmem_shared>>
      tpu.enqueue_dma source(%arg10 : memref<128x128xf32, #tpu.memory_space<vmem>>) target(%dma_start3A_44 : memref<128x128xf32, #tpu.memory_space<vmem_shared>>) target_semaphore(%run_scoped3A : memref<!tpu.dma_semaphore, #tpu.memory_space<semaphore_mem>>)
      %dma_wait3A = arith.constant 0 : i32
      %dma_wait3A_45 = tpu.memref_slice %arg12[%add3A_6, %dma_wait3A] : memref<10240x128xf32, #tpu.memory_space<vmem_shared>> -> memref<128x128xf32, #tpu.memory_space<vmem_shared>>
      %dma_wait3A_46 = arith.constant 0 : i32
      %dma_wait3A_47 = tpu.memref_slice %arg12[%add3A_6, %dma_wait3A_46] : memref<10240x128xf32, #tpu.memory_space<vmem_shared>> -> memref<128x128xf32, #tpu.memory_space<vmem_shared>>
      tpu.wait_dma2 semaphore(%run_scoped3A : memref<!tpu.dma_semaphore, #tpu.memory_space<semaphore_mem>>) src(%arg10 : memref<128x128xf32, #tpu.memory_space<vmem>>) dst(%dma_wait3A_47 : memref<128x128xf32, #tpu.memory_space<vmem_shared>>)
      tpu.yield
    }) : () -> ()
    %mul3A_7 = arith.constant 640 : i32
    %mul3A_8 = arith.muli %arg1, %mul3A_7 : i32
    %add3A_9 = arith.constant 128 : i32
    %add3A_10 = arith.addi %mul3A_8, %add3A_9 : i32
    "tpu.region"() ({
      %run_scoped3A = tpu.sem_alloc : memref<!tpu.dma_semaphore, #tpu.memory_space<semaphore_mem>>
      %dma_start3A = arith.constant 0 : i32
      %dma_start3A_42 = tpu.memref_slice %arg12[%add3A_10, %dma_start3A] : memref<10240x128xf32, #tpu.memory_space<vmem_shared>> -> memref<128x128xf32, #tpu.memory_space<vmem_shared>>
      %dma_start3A_43 = arith.constant 0 : i32
      %dma_start3A_44 = tpu.memref_slice %arg12[%add3A_10, %dma_start3A_43] : memref<10240x128xf32, #tpu.memory_space<vmem_shared>> -> memref<128x128xf32, #tpu.memory_space<vmem_shared>>
      tpu.enqueue_dma source(%arg10 : memref<128x128xf32, #tpu.memory_space<vmem>>) target(%dma_start3A_44 : memref<128x128xf32, #tpu.memory_space<vmem_shared>>) target_semaphore(%run_scoped3A : memref<!tpu.dma_semaphore, #tpu.memory_space<semaphore_mem>>)
      %dma_wait3A = arith.constant 0 : i32
      %dma_wait3A_45 = tpu.memref_slice %arg12[%add3A_10, %dma_wait3A] : memref<10240x128xf32, #tpu.memory_space<vmem_shared>> -> memref<128x128xf32, #tpu.memory_space<vmem_shared>>
      %dma_wait3A_46 = arith.constant 0 : i32
      %dma_wait3A_47 = tpu.memref_slice %arg12[%add3A_10, %dma_wait3A_46] : memref<10240x128xf32, #tpu.memory_space<vmem_shared>> -> memref<128x128xf32, #tpu.memory_space<vmem_shared>>
      tpu.wait_dma2 semaphore(%run_scoped3A : memref<!tpu.dma_semaphore, #tpu.memory_space<semaphore_mem>>) src(%arg10 : memref<128x128xf32, #tpu.memory_space<vmem>>) dst(%dma_wait3A_47 : memref<128x128xf32, #tpu.memory_space<vmem_shared>>)
      tpu.yield
    }) : () -> ()
    %mul3A_11 = arith.constant 640 : i32
    %mul3A_12 = arith.muli %arg1, %mul3A_11 : i32
    %add3A_13 = arith.constant 256 : i32
    %add3A_14 = arith.addi %mul3A_12, %add3A_13 : i32
    "tpu.region"() ({
      %run_scoped3A = tpu.sem_alloc : memref<!tpu.dma_semaphore, #tpu.memory_space<semaphore_mem>>
      %dma_start3A = arith.constant 0 : i32
      %dma_start3A_42 = tpu.memref_slice %arg12[%add3A_14, %dma_start3A] : memref<10240x128xf32, #tpu.memory_space<vmem_shared>> -> memref<128x128xf32, #tpu.memory_space<vmem_shared>>
      %dma_start3A_43 = arith.constant 0 : i32
      %dma_start3A_44 = tpu.memref_slice %arg12[%add3A_14, %dma_start3A_43] : memref<10240x128xf32, #tpu.memory_space<vmem_shared>> -> memref<128x128xf32, #tpu.memory_space<vmem_shared>>
      tpu.enqueue_dma source(%arg10 : memref<128x128xf32, #tpu.memory_space<vmem>>) target(%dma_start3A_44 : memref<128x128xf32, #tpu.memory_space<vmem_shared>>) target_semaphore(%run_scoped3A : memref<!tpu.dma_semaphore, #tpu.memory_space<semaphore_mem>>)
      %dma_wait3A = arith.constant 0 : i32
      %dma_wait3A_45 = tpu.memref_slice %arg12[%add3A_14, %dma_wait3A] : memref<10240x128xf32, #tpu.memory_space<vmem_shared>> -> memref<128x128xf32, #tpu.memory_space<vmem_shared>>
      %dma_wait3A_46 = arith.constant 0 : i32
      %dma_wait3A_47 = tpu.memref_slice %arg12[%add3A_14, %dma_wait3A_46] : memref<10240x128xf32, #tpu.memory_space<vmem_shared>> -> memref<128x128xf32, #tpu.memory_space<vmem_shared>>
      tpu.wait_dma2 semaphore(%run_scoped3A : memref<!tpu.dma_semaphore, #tpu.memory_space<semaphore_mem>>) src(%arg10 : memref<128x128xf32, #tpu.memory_space<vmem>>) dst(%dma_wait3A_47 : memref<128x128xf32, #tpu.memory_space<vmem_shared>>)
      tpu.yield
    }) : () -> ()
    %mul3A_15 = arith.constant 640 : i32
    %mul3A_16 = arith.muli %arg1, %mul3A_15 : i32
    %add3A_17 = arith.constant 384 : i32
    %add3A_18 = arith.addi %mul3A_16, %add3A_17 : i32
    "tpu.region"() ({
      %run_scoped3A = tpu.sem_alloc : memref<!tpu.dma_semaphore, #tpu.memory_space<semaphore_mem>>
      %dma_start3A = arith.constant 0 : i32
      %dma_start3A_42 = tpu.memref_slice %arg12[%add3A_18, %dma_start3A] : memref<10240x128xf32, #tpu.memory_space<vmem_shared>> -> memref<128x128xf32, #tpu.memory_space<vmem_shared>>
      %dma_start3A_43 = arith.constant 0 : i32
      %dma_start3A_44 = tpu.memref_slice %arg12[%add3A_18, %dma_start3A_43] : memref<10240x128xf32, #tpu.memory_space<vmem_shared>> -> memref<128x128xf32, #tpu.memory_space<vmem_shared>>
      tpu.enqueue_dma source(%arg10 : memref<128x128xf32, #tpu.memory_space<vmem>>) target(%dma_start3A_44 : memref<128x128xf32, #tpu.memory_space<vmem_shared>>) target_semaphore(%run_scoped3A : memref<!tpu.dma_semaphore, #tpu.memory_space<semaphore_mem>>)
      %dma_wait3A = arith.constant 0 : i32
      %dma_wait3A_45 = tpu.memref_slice %arg12[%add3A_18, %dma_wait3A] : memref<10240x128xf32, #tpu.memory_space<vmem_shared>> -> memref<128x128xf32, #tpu.memory_space<vmem_shared>>
      %dma_wait3A_46 = arith.constant 0 : i32
      %dma_wait3A_47 = tpu.memref_slice %arg12[%add3A_18, %dma_wait3A_46] : memref<10240x128xf32, #tpu.memory_space<vmem_shared>> -> memref<128x128xf32, #tpu.memory_space<vmem_shared>>
      tpu.wait_dma2 semaphore(%run_scoped3A : memref<!tpu.dma_semaphore, #tpu.memory_space<semaphore_mem>>) src(%arg10 : memref<128x128xf32, #tpu.memory_space<vmem>>) dst(%dma_wait3A_47 : memref<128x128xf32, #tpu.memory_space<vmem_shared>>)
      tpu.yield
    }) : () -> ()
    %mul3A_19 = arith.constant 640 : i32
    %mul3A_20 = arith.muli %arg1, %mul3A_19 : i32
    %add3A_21 = arith.constant 512 : i32
    %add3A_22 = arith.addi %mul3A_20, %add3A_21 : i32
    "tpu.region"() ({
      %run_scoped3A = tpu.sem_alloc : memref<!tpu.dma_semaphore, #tpu.memory_space<semaphore_mem>>
      %dma_start3A = arith.constant 0 : i32
      %dma_start3A_42 = tpu.memref_slice %arg12[%add3A_22, %dma_start3A] : memref<10240x128xf32, #tpu.memory_space<vmem_shared>> -> memref<128x128xf32, #tpu.memory_space<vmem_shared>>
      %dma_start3A_43 = arith.constant 0 : i32
      %dma_start3A_44 = tpu.memref_slice %arg12[%add3A_22, %dma_start3A_43] : memref<10240x128xf32, #tpu.memory_space<vmem_shared>> -> memref<128x128xf32, #tpu.memory_space<vmem_shared>>
      tpu.enqueue_dma source(%arg10 : memref<128x128xf32, #tpu.memory_space<vmem>>) target(%dma_start3A_44 : memref<128x128xf32, #tpu.memory_space<vmem_shared>>) target_semaphore(%run_scoped3A : memref<!tpu.dma_semaphore, #tpu.memory_space<semaphore_mem>>)
      %dma_wait3A = arith.constant 0 : i32
      %dma_wait3A_45 = tpu.memref_slice %arg12[%add3A_22, %dma_wait3A] : memref<10240x128xf32, #tpu.memory_space<vmem_shared>> -> memref<128x128xf32, #tpu.memory_space<vmem_shared>>
      %dma_wait3A_46 = arith.constant 0 : i32
      %dma_wait3A_47 = tpu.memref_slice %arg12[%add3A_22, %dma_wait3A_46] : memref<10240x128xf32, #tpu.memory_space<vmem_shared>> -> memref<128x128xf32, #tpu.memory_space<vmem_shared>>
      tpu.wait_dma2 semaphore(%run_scoped3A : memref<!tpu.dma_semaphore, #tpu.memory_space<semaphore_mem>>) src(%arg10 : memref<128x128xf32, #tpu.memory_space<vmem>>) dst(%dma_wait3A_47 : memref<128x128xf32, #tpu.memory_space<vmem_shared>>)
      tpu.yield
    }) : () -> ()
    %eq3A = arith.constant 0 : i32
    %eq3A_23 = arith.cmpi eq, %arg0, %eq3A : i32
    %convert_element_type3A = arith.extui %eq3A_23 : i1 to i32
    %cond3A = arith.constant 0 : i32
    %cond3A_24 = arith.cmpi ne, %convert_element_type3A, %cond3A : i32
    scf.if %cond3A_24 {
      "tpu.region"() ({
        %run_scoped3A = tpu.sem_alloc : memref<!tpu.dma_semaphore, #tpu.memory_space<semaphore_mem>>
        %dma_start3A_163 = arith.constant 0 : i32
        %dma_start3A_164 = arith.constant 0 : i32
        %dma_start3A_165 = tpu.memref_slice %arg2[%arg1, %dma_start3A_163, %dma_start3A_164] : memref<16x80x128xi32, #tpu.memory_space<hbm>> -> memref<1x40x128xi32, #tpu.memory_space<hbm>>
        %dma_start3A_166 = tpu.memref_squeeze %dma_start3A_165 : memref<1x40x128xi32, #tpu.memory_space<hbm>> -> memref<40x128xi32, #tpu.memory_space<hbm>>
        %dma_start3A_167 = arith.constant 0 : i32
        %dma_start3A_168 = arith.constant 0 : i32
        %dma_start3A_169 = tpu.memref_slice %arg2[%arg1, %dma_start3A_167, %dma_start3A_168] : memref<16x80x128xi32, #tpu.memory_space<hbm>> -> memref<1x40x128xi32, #tpu.memory_space<hbm>>
        %dma_start3A_170 = tpu.memref_squeeze %dma_start3A_169 : memref<1x40x128xi32, #tpu.memory_space<hbm>> -> memref<40x128xi32, #tpu.memory_space<hbm>>
        tpu.enqueue_dma source(%dma_start3A_170 : memref<40x128xi32, #tpu.memory_space<hbm>>) target(%arg8 : memref<40x128xi32, #tpu.memory_space<vmem>>) target_semaphore(%run_scoped3A : memref<!tpu.dma_semaphore, #tpu.memory_space<semaphore_mem>>)
        %dma_wait3A_171 = arith.constant 0 : i32
        %dma_wait3A_172 = arith.constant 0 : i32
        %dma_wait3A_173 = tpu.memref_slice %arg2[%arg1, %dma_wait3A_171, %dma_wait3A_172] : memref<16x80x128xi32, #tpu.memory_space<hbm>> -> memref<1x40x128xi32, #tpu.memory_space<hbm>>
        %dma_wait3A_174 = tpu.memref_squeeze %dma_wait3A_173 : memref<1x40x128xi32, #tpu.memory_space<hbm>> -> memref<40x128xi32, #tpu.memory_space<hbm>>
        %dma_wait3A_175 = arith.constant 0 : i32
        %dma_wait3A_176 = arith.constant 0 : i32
        %dma_wait3A_177 = tpu.memref_slice %arg2[%arg1, %dma_wait3A_175, %dma_wait3A_176] : memref<16x80x128xi32, #tpu.memory_space<hbm>> -> memref<1x40x128xi32, #tpu.memory_space<hbm>>
        %dma_wait3A_178 = tpu.memref_squeeze %dma_wait3A_177 : memref<1x40x128xi32, #tpu.memory_space<hbm>> -> memref<40x128xi32, #tpu.memory_space<hbm>>
        tpu.wait_dma2 semaphore(%run_scoped3A : memref<!tpu.dma_semaphore, #tpu.memory_space<semaphore_mem>>) src(%dma_wait3A_178 : memref<40x128xi32, #tpu.memory_space<hbm>>) dst(%arg8 : memref<40x128xi32, #tpu.memory_space<vmem>>)
        tpu.yield
      }) : () -> ()
      "tpu.region"() ({
        %run_scoped3A = tpu.sem_alloc : memref<!tpu.dma_semaphore, #tpu.memory_space<semaphore_mem>>
        %dma_start3A_163 = arith.constant 0 : i32
        %dma_start3A_164 = arith.constant 0 : i32
        %dma_start3A_165 = tpu.memref_slice %arg3[%arg1, %dma_start3A_163, %dma_start3A_164] : memref<16x80x128xi32, #tpu.memory_space<hbm>> -> memref<1x40x128xi32, #tpu.memory_space<hbm>>
        %dma_start3A_166 = tpu.memref_squeeze %dma_start3A_165 : memref<1x40x128xi32, #tpu.memory_space<hbm>> -> memref<40x128xi32, #tpu.memory_space<hbm>>
        %dma_start3A_167 = arith.constant 0 : i32
        %dma_start3A_168 = arith.constant 0 : i32
        %dma_start3A_169 = tpu.memref_slice %arg3[%arg1, %dma_start3A_167, %dma_start3A_168] : memref<16x80x128xi32, #tpu.memory_space<hbm>> -> memref<1x40x128xi32, #tpu.memory_space<hbm>>
        %dma_start3A_170 = tpu.memref_squeeze %dma_start3A_169 : memref<1x40x128xi32, #tpu.memory_space<hbm>> -> memref<40x128xi32, #tpu.memory_space<hbm>>
        tpu.enqueue_dma source(%dma_start3A_170 : memref<40x128xi32, #tpu.memory_space<hbm>>) target(%arg9 : memref<40x128xi32, #tpu.memory_space<vmem>>) target_semaphore(%run_scoped3A : memref<!tpu.dma_semaphore, #tpu.memory_space<semaphore_mem>>)
        %dma_wait3A_171 = arith.constant 0 : i32
        %dma_wait3A_172 = arith.constant 0 : i32
        %dma_wait3A_173 = tpu.memref_slice %arg3[%arg1, %dma_wait3A_171, %dma_wait3A_172] : memref<16x80x128xi32, #tpu.memory_space<hbm>> -> memref<1x40x128xi32, #tpu.memory_space<hbm>>
        %dma_wait3A_174 = tpu.memref_squeeze %dma_wait3A_173 : memref<1x40x128xi32, #tpu.memory_space<hbm>> -> memref<40x128xi32, #tpu.memory_space<hbm>>
        %dma_wait3A_175 = arith.constant 0 : i32
        %dma_wait3A_176 = arith.constant 0 : i32
        %dma_wait3A_177 = tpu.memref_slice %arg3[%arg1, %dma_wait3A_175, %dma_wait3A_176] : memref<16x80x128xi32, #tpu.memory_space<hbm>> -> memref<1x40x128xi32, #tpu.memory_space<hbm>>
        %dma_wait3A_178 = tpu.memref_squeeze %dma_wait3A_177 : memref<1x40x128xi32, #tpu.memory_space<hbm>> -> memref<40x128xi32, #tpu.memory_space<hbm>>
        tpu.wait_dma2 semaphore(%run_scoped3A : memref<!tpu.dma_semaphore, #tpu.memory_space<semaphore_mem>>) src(%dma_wait3A_178 : memref<40x128xi32, #tpu.memory_space<hbm>>) dst(%arg9 : memref<40x128xi32, #tpu.memory_space<vmem>>)
        tpu.yield
      }) : () -> ()
      %dma_start3A = arith.constant 0 : i32
      %dma_start3A_42 = arith.constant 0 : i32
      %dma_start3A_43 = tpu.memref_slice %arg8[%dma_start3A, %dma_start3A_42] : memref<40x128xi32, #tpu.memory_space<vmem>> -> memref<1x128xi32, #tpu.memory_space<vmem>>
      %dma_start3A_44 = tpu.memref_squeeze %dma_start3A_43 : memref<1x128xi32, #tpu.memory_space<vmem>> -> memref<128xi32, #tpu.memory_space<vmem>>
      %dma_start3A_45 = arith.constant 0 : i32
      %dma_start3A_46 = arith.constant 0 : i32
      %dma_start3A_47 = tpu.memref_slice %arg4[%dma_start3A_45, %dma_start3A_46] : memref<10000x128xf32, #tpu.memory_space<hbm>> -> memref<10000x128xf32, #tpu.memory_space<hbm>>
      tpu.enqueue_indirect_dma source(%dma_start3A_47 : memref<10000x128xf32, #tpu.memory_space<hbm>>) target(%arg10 : memref<128x128xf32, #tpu.memory_space<vmem>>) offsets(%dma_start3A_44 : memref<128xi32, #tpu.memory_space<vmem>>) semaphore(%arg13 : memref<!tpu.dma_semaphore, #tpu.memory_space<semaphore_mem>>)
      %dma_start3A_48 = arith.constant 1 : i32
      %dma_start3A_49 = arith.constant 0 : i32
      %dma_start3A_50 = tpu.memref_slice %arg8[%dma_start3A_48, %dma_start3A_49] : memref<40x128xi32, #tpu.memory_space<vmem>> -> memref<1x128xi32, #tpu.memory_space<vmem>>
      %dma_start3A_51 = tpu.memref_squeeze %dma_start3A_50 : memref<1x128xi32, #tpu.memory_space<vmem>> -> memref<128xi32, #tpu.memory_space<vmem>>
      %dma_start3A_52 = arith.constant 0 : i32
      %dma_start3A_53 = arith.constant 0 : i32
      %dma_start3A_54 = tpu.memref_slice %arg4[%dma_start3A_52, %dma_start3A_53] : memref<10000x128xf32, #tpu.memory_space<hbm>> -> memref<10000x128xf32, #tpu.memory_space<hbm>>
      tpu.enqueue_indirect_dma source(%dma_start3A_54 : memref<10000x128xf32, #tpu.memory_space<hbm>>) target(%arg11 : memref<128x128xf32, #tpu.memory_space<vmem>>) offsets(%dma_start3A_51 : memref<128xi32, #tpu.memory_space<vmem>>) semaphore(%arg14 : memref<!tpu.dma_semaphore, #tpu.memory_space<semaphore_mem>>)
      %barrier3A_55 = arith.constant 0 : index
      tpu.barrier barrier_id(%barrier3A_55)
      %scan3A_56 = arith.constant 0 : i32
      %scan3A_57 = arith.constant 19 : i32
      %scan3A_58 = arith.addi %scan3A_56, %scan3A_57 : i32
      %scan3A_59 = arith.constant 1 : i32
      scf.for %scan3A_163 = %scan3A_56 to %scan3A_58 step %scan3A_59  : i32 {
        %mul3A_164 = arith.constant 2 : i32
        %mul3A_165 = arith.muli %scan3A_163, %mul3A_164 : i32
        %add3A_166 = arith.constant 0 : i32
        %add3A_167 = arith.addi %add3A_166, %mul3A_165 : i32
        %add3A_168 = arith.constant 0 : i32
        %add3A_169 = arith.addi %add3A_167, %add3A_168 : i32
        %dma_wait3A_170 = arith.constant 0 : i32
        %dma_wait3A_171 = tpu.memref_slice %arg8[%add3A_169, %dma_wait3A_170] : memref<40x128xi32, #tpu.memory_space<vmem>> -> memref<1x128xi32, #tpu.memory_space<vmem>>
        %dma_wait3A_172 = tpu.memref_squeeze %dma_wait3A_171 : memref<1x128xi32, #tpu.memory_space<vmem>> -> memref<128xi32, #tpu.memory_space<vmem>>
        %dma_wait3A_173 = arith.constant 0 : i32
        %dma_wait3A_174 = arith.constant 0 : i32
        %dma_wait3A_175 = tpu.memref_slice %arg4[%dma_wait3A_173, %dma_wait3A_174] : memref<10000x128xf32, #tpu.memory_space<hbm>> -> memref<10000x128xf32, #tpu.memory_space<hbm>>
        tpu.wait_indirect_dma semaphore(%arg13 : memref<!tpu.dma_semaphore, #tpu.memory_space<semaphore_mem>>) src(%dma_wait3A_175 : memref<10000x128xf32, #tpu.memory_space<hbm>>) dst(%arg10 : memref<128x128xf32, #tpu.memory_space<vmem>>)
        %dma_start3A_176 = arith.constant 0 : i32
        %dma_start3A_177 = tpu.memref_slice %arg9[%add3A_169, %dma_start3A_176] : memref<40x128xi32, #tpu.memory_space<vmem>> -> memref<1x128xi32, #tpu.memory_space<vmem>>
        %dma_start3A_178 = tpu.memref_squeeze %dma_start3A_177 : memref<1x128xi32, #tpu.memory_space<vmem>> -> memref<128xi32, #tpu.memory_space<vmem>>
        %dma_start3A_179 = arith.constant 0 : i32
        %dma_start3A_180 = arith.constant 0 : i32
        %dma_start3A_181 = tpu.memref_slice %arg12[%dma_start3A_179, %dma_start3A_180] : memref<10240x128xf32, #tpu.memory_space<vmem_shared>> -> memref<10240x128xf32, #tpu.memory_space<vmem_shared>>
        tpu.enqueue_indirect_dma source(%arg10 : memref<128x128xf32, #tpu.memory_space<vmem>>) target(%dma_start3A_181 : memref<10240x128xf32, #tpu.memory_space<vmem_shared>>) offsets(%dma_start3A_178 : memref<128xi32, #tpu.memory_space<vmem>>) semaphore(%arg15 : memref<!tpu.dma_semaphore, #tpu.memory_space<semaphore_mem>>) {add = true}
        %dma_wait3A_182 = arith.constant 0 : i32
        %dma_wait3A_183 = tpu.memref_slice %arg9[%add3A_169, %dma_wait3A_182] : memref<40x128xi32, #tpu.memory_space<vmem>> -> memref<1x128xi32, #tpu.memory_space<vmem>>
        %dma_wait3A_184 = tpu.memref_squeeze %dma_wait3A_183 : memref<1x128xi32, #tpu.memory_space<vmem>> -> memref<128xi32, #tpu.memory_space<vmem>>
        %dma_wait3A_185 = arith.constant 0 : i32
        %dma_wait3A_186 = arith.constant 0 : i32
        %dma_wait3A_187 = tpu.memref_slice %arg12[%dma_wait3A_185, %dma_wait3A_186] : memref<10240x128xf32, #tpu.memory_space<vmem_shared>> -> memref<10240x128xf32, #tpu.memory_space<vmem_shared>>
        tpu.wait_indirect_dma semaphore(%arg15 : memref<!tpu.dma_semaphore, #tpu.memory_space<semaphore_mem>>) src(%arg10 : memref<128x128xf32, #tpu.memory_space<vmem>>) dst(%dma_wait3A_187 : memref<10240x128xf32, #tpu.memory_space<vmem_shared>>)
        %add3A_188 = arith.constant 2 : i32
        %add3A_189 = arith.addi %add3A_169, %add3A_188 : i32
        %dma_start3A_190 = arith.constant 0 : i32
        %dma_start3A_191 = tpu.memref_slice %arg8[%add3A_189, %dma_start3A_190] : memref<40x128xi32, #tpu.memory_space<vmem>> -> memref<1x128xi32, #tpu.memory_space<vmem>>
        %dma_start3A_192 = tpu.memref_squeeze %dma_start3A_191 : memref<1x128xi32, #tpu.memory_space<vmem>> -> memref<128xi32, #tpu.memory_space<vmem>>
        %dma_start3A_193 = arith.constant 0 : i32
        %dma_start3A_194 = arith.constant 0 : i32
        %dma_start3A_195 = tpu.memref_slice %arg4[%dma_start3A_193, %dma_start3A_194] : memref<10000x128xf32, #tpu.memory_space<hbm>> -> memref<10000x128xf32, #tpu.memory_space<hbm>>
        tpu.enqueue_indirect_dma source(%dma_start3A_195 : memref<10000x128xf32, #tpu.memory_space<hbm>>) target(%arg10 : memref<128x128xf32, #tpu.memory_space<vmem>>) offsets(%dma_start3A_192 : memref<128xi32, #tpu.memory_space<vmem>>) semaphore(%arg13 : memref<!tpu.dma_semaphore, #tpu.memory_space<semaphore_mem>>)
        %add3A_196 = arith.constant 1 : i32
        %add3A_197 = arith.addi %add3A_167, %add3A_196 : i32
        %dma_wait3A_198 = arith.constant 0 : i32
        %dma_wait3A_199 = tpu.memref_slice %arg8[%add3A_197, %dma_wait3A_198] : memref<40x128xi32, #tpu.memory_space<vmem>> -> memref<1x128xi32, #tpu.memory_space<vmem>>
        %dma_wait3A_200 = tpu.memref_squeeze %dma_wait3A_199 : memref<1x128xi32, #tpu.memory_space<vmem>> -> memref<128xi32, #tpu.memory_space<vmem>>
        %dma_wait3A_201 = arith.constant 0 : i32
        %dma_wait3A_202 = arith.constant 0 : i32
        %dma_wait3A_203 = tpu.memref_slice %arg4[%dma_wait3A_201, %dma_wait3A_202] : memref<10000x128xf32, #tpu.memory_space<hbm>> -> memref<10000x128xf32, #tpu.memory_space<hbm>>
        tpu.wait_indirect_dma semaphore(%arg14 : memref<!tpu.dma_semaphore, #tpu.memory_space<semaphore_mem>>) src(%dma_wait3A_203 : memref<10000x128xf32, #tpu.memory_space<hbm>>) dst(%arg11 : memref<128x128xf32, #tpu.memory_space<vmem>>)
        %dma_start3A_204 = arith.constant 0 : i32
        %dma_start3A_205 = tpu.memref_slice %arg9[%add3A_197, %dma_start3A_204] : memref<40x128xi32, #tpu.memory_space<vmem>> -> memref<1x128xi32, #tpu.memory_space<vmem>>
        %dma_start3A_206 = tpu.memref_squeeze %dma_start3A_205 : memref<1x128xi32, #tpu.memory_space<vmem>> -> memref<128xi32, #tpu.memory_space<vmem>>
        %dma_start3A_207 = arith.constant 0 : i32
        %dma_start3A_208 = arith.constant 0 : i32
        %dma_start3A_209 = tpu.memref_slice %arg12[%dma_start3A_207, %dma_start3A_208] : memref<10240x128xf32, #tpu.memory_space<vmem_shared>> -> memref<10240x128xf32, #tpu.memory_space<vmem_shared>>
        tpu.enqueue_indirect_dma source(%arg11 : memref<128x128xf32, #tpu.memory_space<vmem>>) target(%dma_start3A_209 : memref<10240x128xf32, #tpu.memory_space<vmem_shared>>) offsets(%dma_start3A_206 : memref<128xi32, #tpu.memory_space<vmem>>) semaphore(%arg16 : memref<!tpu.dma_semaphore, #tpu.memory_space<semaphore_mem>>) {add = true}
        %dma_wait3A_210 = arith.constant 0 : i32
        %dma_wait3A_211 = tpu.memref_slice %arg9[%add3A_197, %dma_wait3A_210] : memref<40x128xi32, #tpu.memory_space<vmem>> -> memref<1x128xi32, #tpu.memory_space<vmem>>
        %dma_wait3A_212 = tpu.memref_squeeze %dma_wait3A_211 : memref<1x128xi32, #tpu.memory_space<vmem>> -> memref<128xi32, #tpu.memory_space<vmem>>
        %dma_wait3A_213 = arith.constant 0 : i32
        %dma_wait3A_214 = arith.constant 0 : i32
        %dma_wait3A_215 = tpu.memref_slice %arg12[%dma_wait3A_213, %dma_wait3A_214] : memref<10240x128xf32, #tpu.memory_space<vmem_shared>> -> memref<10240x128xf32, #tpu.memory_space<vmem_shared>>
        tpu.wait_indirect_dma semaphore(%arg16 : memref<!tpu.dma_semaphore, #tpu.memory_space<semaphore_mem>>) src(%arg11 : memref<128x128xf32, #tpu.memory_space<vmem>>) dst(%dma_wait3A_215 : memref<10240x128xf32, #tpu.memory_space<vmem_shared>>)
        %add3A_216 = arith.constant 2 : i32
        %add3A_217 = arith.addi %add3A_197, %add3A_216 : i32
        %dma_start3A_218 = arith.constant 0 : i32
        %dma_start3A_219 = tpu.memref_slice %arg8[%add3A_217, %dma_start3A_218] : memref<40x128xi32, #tpu.memory_space<vmem>> -> memref<1x128xi32, #tpu.memory_space<vmem>>
        %dma_start3A_220 = tpu.memref_squeeze %dma_start3A_219 : memref<1x128xi32, #tpu.memory_space<vmem>> -> memref<128xi32, #tpu.memory_space<vmem>>
        %dma_start3A_221 = arith.constant 0 : i32
        %dma_start3A_222 = arith.constant 0 : i32
        %dma_start3A_223 = tpu.memref_slice %arg4[%dma_start3A_221, %dma_start3A_222] : memref<10000x128xf32, #tpu.memory_space<hbm>> -> memref<10000x128xf32, #tpu.memory_space<hbm>>
        tpu.enqueue_indirect_dma source(%dma_start3A_223 : memref<10000x128xf32, #tpu.memory_space<hbm>>) target(%arg11 : memref<128x128xf32, #tpu.memory_space<vmem>>) offsets(%dma_start3A_220 : memref<128xi32, #tpu.memory_space<vmem>>) semaphore(%arg14 : memref<!tpu.dma_semaphore, #tpu.memory_space<semaphore_mem>>)
      }
      %scan3A_60 = arith.constant 19 : i32
      %dma_wait3A = arith.constant 38 : i32
      %dma_wait3A_61 = arith.constant 0 : i32
      %dma_wait3A_62 = tpu.memref_slice %arg8[%dma_wait3A, %dma_wait3A_61] : memref<40x128xi32, #tpu.memory_space<vmem>> -> memref<1x128xi32, #tpu.memory_space<vmem>>
      %dma_wait3A_63 = tpu.memref_squeeze %dma_wait3A_62 : memref<1x128xi32, #tpu.memory_space<vmem>> -> memref<128xi32, #tpu.memory_space<vmem>>
      %dma_wait3A_64 = arith.constant 0 : i32
      %dma_wait3A_65 = arith.constant 0 : i32
      %dma_wait3A_66 = tpu.memref_slice %arg4[%dma_wait3A_64, %dma_wait3A_65] : memref<10000x128xf32, #tpu.memory_space<hbm>> -> memref<10000x128xf32, #tpu.memory_space<hbm>>
      tpu.wait_indirect_dma semaphore(%arg13 : memref<!tpu.dma_semaphore, #tpu.memory_space<semaphore_mem>>) src(%dma_wait3A_66 : memref<10000x128xf32, #tpu.memory_space<hbm>>) dst(%arg10 : memref<128x128xf32, #tpu.memory_space<vmem>>)
      %dma_start3A_67 = arith.constant 38 : i32
      %dma_start3A_68 = arith.constant 0 : i32
      %dma_start3A_69 = tpu.memref_slice %arg9[%dma_start3A_67, %dma_start3A_68] : memref<40x128xi32, #tpu.memory_space<vmem>> -> memref<1x128xi32, #tpu.memory_space<vmem>>
      %dma_start3A_70 = tpu.memref_squeeze %dma_start3A_69 : memref<1x128xi32, #tpu.memory_space<vmem>> -> memref<128xi32, #tpu.memory_space<vmem>>
      %dma_start3A_71 = arith.constant 0 : i32
      %dma_start3A_72 = arith.constant 0 : i32
      %dma_start3A_73 = tpu.memref_slice %arg12[%dma_start3A_71, %dma_start3A_72] : memref<10240x128xf32, #tpu.memory_space<vmem_shared>> -> memref<10240x128xf32, #tpu.memory_space<vmem_shared>>
      tpu.enqueue_indirect_dma source(%arg10 : memref<128x128xf32, #tpu.memory_space<vmem>>) target(%dma_start3A_73 : memref<10240x128xf32, #tpu.memory_space<vmem_shared>>) offsets(%dma_start3A_70 : memref<128xi32, #tpu.memory_space<vmem>>) semaphore(%arg15 : memref<!tpu.dma_semaphore, #tpu.memory_space<semaphore_mem>>) {add = true}
      %dma_wait3A_74 = arith.constant 39 : i32
      %dma_wait3A_75 = arith.constant 0 : i32
      %dma_wait3A_76 = tpu.memref_slice %arg8[%dma_wait3A_74, %dma_wait3A_75] : memref<40x128xi32, #tpu.memory_space<vmem>> -> memref<1x128xi32, #tpu.memory_space<vmem>>
      %dma_wait3A_77 = tpu.memref_squeeze %dma_wait3A_76 : memref<1x128xi32, #tpu.memory_space<vmem>> -> memref<128xi32, #tpu.memory_space<vmem>>
      %dma_wait3A_78 = arith.constant 0 : i32
      %dma_wait3A_79 = arith.constant 0 : i32
      %dma_wait3A_80 = tpu.memref_slice %arg4[%dma_wait3A_78, %dma_wait3A_79] : memref<10000x128xf32, #tpu.memory_space<hbm>> -> memref<10000x128xf32, #tpu.memory_space<hbm>>
      tpu.wait_indirect_dma semaphore(%arg14 : memref<!tpu.dma_semaphore, #tpu.memory_space<semaphore_mem>>) src(%dma_wait3A_80 : memref<10000x128xf32, #tpu.memory_space<hbm>>) dst(%arg11 : memref<128x128xf32, #tpu.memory_space<vmem>>)
      %dma_start3A_81 = arith.constant 39 : i32
      %dma_start3A_82 = arith.constant 0 : i32
      %dma_start3A_83 = tpu.memref_slice %arg9[%dma_start3A_81, %dma_start3A_82] : memref<40x128xi32, #tpu.memory_space<vmem>> -> memref<1x128xi32, #tpu.memory_space<vmem>>
      %dma_start3A_84 = tpu.memref_squeeze %dma_start3A_83 : memref<1x128xi32, #tpu.memory_space<vmem>> -> memref<128xi32, #tpu.memory_space<vmem>>
      %dma_start3A_85 = arith.constant 0 : i32
      %dma_start3A_86 = arith.constant 0 : i32
      %dma_start3A_87 = tpu.memref_slice %arg12[%dma_start3A_85, %dma_start3A_86] : memref<10240x128xf32, #tpu.memory_space<vmem_shared>> -> memref<10240x128xf32, #tpu.memory_space<vmem_shared>>
      tpu.enqueue_indirect_dma source(%arg11 : memref<128x128xf32, #tpu.memory_space<vmem>>) target(%dma_start3A_87 : memref<10240x128xf32, #tpu.memory_space<vmem_shared>>) offsets(%dma_start3A_84 : memref<128xi32, #tpu.memory_space<vmem>>) semaphore(%arg16 : memref<!tpu.dma_semaphore, #tpu.memory_space<semaphore_mem>>) {add = true}
      %dma_wait3A_88 = arith.constant 38 : i32
      %dma_wait3A_89 = arith.constant 0 : i32
      %dma_wait3A_90 = tpu.memref_slice %arg9[%dma_wait3A_88, %dma_wait3A_89] : memref<40x128xi32, #tpu.memory_space<vmem>> -> memref<1x128xi32, #tpu.memory_space<vmem>>
      %dma_wait3A_91 = tpu.memref_squeeze %dma_wait3A_90 : memref<1x128xi32, #tpu.memory_space<vmem>> -> memref<128xi32, #tpu.memory_space<vmem>>
      %dma_wait3A_92 = arith.constant 0 : i32
      %dma_wait3A_93 = arith.constant 0 : i32
      %dma_wait3A_94 = tpu.memref_slice %arg12[%dma_wait3A_92, %dma_wait3A_93] : memref<10240x128xf32, #tpu.memory_space<vmem_shared>> -> memref<10240x128xf32, #tpu.memory_space<vmem_shared>>
      tpu.wait_indirect_dma semaphore(%arg15 : memref<!tpu.dma_semaphore, #tpu.memory_space<semaphore_mem>>) src(%arg10 : memref<128x128xf32, #tpu.memory_space<vmem>>) dst(%dma_wait3A_94 : memref<10240x128xf32, #tpu.memory_space<vmem_shared>>)
      %dma_wait3A_95 = arith.constant 39 : i32
      %dma_wait3A_96 = arith.constant 0 : i32
      %dma_wait3A_97 = tpu.memref_slice %arg9[%dma_wait3A_95, %dma_wait3A_96] : memref<40x128xi32, #tpu.memory_space<vmem>> -> memref<1x128xi32, #tpu.memory_space<vmem>>
      %dma_wait3A_98 = tpu.memref_squeeze %dma_wait3A_97 : memref<1x128xi32, #tpu.memory_space<vmem>> -> memref<128xi32, #tpu.memory_space<vmem>>
      %dma_wait3A_99 = arith.constant 0 : i32
      %dma_wait3A_100 = arith.constant 0 : i32
      %dma_wait3A_101 = tpu.memref_slice %arg12[%dma_wait3A_99, %dma_wait3A_100] : memref<10240x128xf32, #tpu.memory_space<vmem_shared>> -> memref<10240x128xf32, #tpu.memory_space<vmem_shared>>
      tpu.wait_indirect_dma semaphore(%arg16 : memref<!tpu.dma_semaphore, #tpu.memory_space<semaphore_mem>>) src(%arg11 : memref<128x128xf32, #tpu.memory_space<vmem>>) dst(%dma_wait3A_101 : memref<10240x128xf32, #tpu.memory_space<vmem_shared>>)
      "tpu.region"() ({
        %run_scoped3A = tpu.sem_alloc : memref<!tpu.dma_semaphore, #tpu.memory_space<semaphore_mem>>
        %dma_start3A_163 = arith.constant 40 : i32
        %dma_start3A_164 = arith.constant 0 : i32
        %dma_start3A_165 = tpu.memref_slice %arg2[%arg1, %dma_start3A_163, %dma_start3A_164] : memref<16x80x128xi32, #tpu.memory_space<hbm>> -> memref<1x40x128xi32, #tpu.memory_space<hbm>>
        %dma_start3A_166 = tpu.memref_squeeze %dma_start3A_165 : memref<1x40x128xi32, #tpu.memory_space<hbm>> -> memref<40x128xi32, #tpu.memory_space<hbm>>
        %dma_start3A_167 = arith.constant 40 : i32
        %dma_start3A_168 = arith.constant 0 : i32
        %dma_start3A_169 = tpu.memref_slice %arg2[%arg1, %dma_start3A_167, %dma_start3A_168] : memref<16x80x128xi32, #tpu.memory_space<hbm>> -> memref<1x40x128xi32, #tpu.memory_space<hbm>>
        %dma_start3A_170 = tpu.memref_squeeze %dma_start3A_169 : memref<1x40x128xi32, #tpu.memory_space<hbm>> -> memref<40x128xi32, #tpu.memory_space<hbm>>
        tpu.enqueue_dma source(%dma_start3A_170 : memref<40x128xi32, #tpu.memory_space<hbm>>) target(%arg8 : memref<40x128xi32, #tpu.memory_space<vmem>>) target_semaphore(%run_scoped3A : memref<!tpu.dma_semaphore, #tpu.memory_space<semaphore_mem>>)
        %dma_wait3A_171 = arith.constant 40 : i32
        %dma_wait3A_172 = arith.constant 0 : i32
        %dma_wait3A_173 = tpu.memref_slice %arg2[%arg1, %dma_wait3A_171, %dma_wait3A_172] : memref<16x80x128xi32, #tpu.memory_space<hbm>> -> memref<1x40x128xi32, #tpu.memory_space<hbm>>
        %dma_wait3A_174 = tpu.memref_squeeze %dma_wait3A_173 : memref<1x40x128xi32, #tpu.memory_space<hbm>> -> memref<40x128xi32, #tpu.memory_space<hbm>>
        %dma_wait3A_175 = arith.constant 40 : i32
        %dma_wait3A_176 = arith.constant 0 : i32
        %dma_wait3A_177 = tpu.memref_slice %arg2[%arg1, %dma_wait3A_175, %dma_wait3A_176] : memref<16x80x128xi32, #tpu.memory_space<hbm>> -> memref<1x40x128xi32, #tpu.memory_space<hbm>>
        %dma_wait3A_178 = tpu.memref_squeeze %dma_wait3A_177 : memref<1x40x128xi32, #tpu.memory_space<hbm>> -> memref<40x128xi32, #tpu.memory_space<hbm>>
        tpu.wait_dma2 semaphore(%run_scoped3A : memref<!tpu.dma_semaphore, #tpu.memory_space<semaphore_mem>>) src(%dma_wait3A_178 : memref<40x128xi32, #tpu.memory_space<hbm>>) dst(%arg8 : memref<40x128xi32, #tpu.memory_space<vmem>>)
        tpu.yield
      }) : () -> ()
      "tpu.region"() ({
        %run_scoped3A = tpu.sem_alloc : memref<!tpu.dma_semaphore, #tpu.memory_space<semaphore_mem>>
        %dma_start3A_163 = arith.constant 40 : i32
        %dma_start3A_164 = arith.constant 0 : i32
        %dma_start3A_165 = tpu.memref_slice %arg3[%arg1, %dma_start3A_163, %dma_start3A_164] : memref<16x80x128xi32, #tpu.memory_space<hbm>> -> memref<1x40x128xi32, #tpu.memory_space<hbm>>
        %dma_start3A_166 = tpu.memref_squeeze %dma_start3A_165 : memref<1x40x128xi32, #tpu.memory_space<hbm>> -> memref<40x128xi32, #tpu.memory_space<hbm>>
        %dma_start3A_167 = arith.constant 40 : i32
        %dma_start3A_168 = arith.constant 0 : i32
        %dma_start3A_169 = tpu.memref_slice %arg3[%arg1, %dma_start3A_167, %dma_start3A_168] : memref<16x80x128xi32, #tpu.memory_space<hbm>> -> memref<1x40x128xi32, #tpu.memory_space<hbm>>
        %dma_start3A_170 = tpu.memref_squeeze %dma_start3A_169 : memref<1x40x128xi32, #tpu.memory_space<hbm>> -> memref<40x128xi32, #tpu.memory_space<hbm>>
        tpu.enqueue_dma source(%dma_start3A_170 : memref<40x128xi32, #tpu.memory_space<hbm>>) target(%arg9 : memref<40x128xi32, #tpu.memory_space<vmem>>) target_semaphore(%run_scoped3A : memref<!tpu.dma_semaphore, #tpu.memory_space<semaphore_mem>>)
        %dma_wait3A_171 = arith.constant 40 : i32
        %dma_wait3A_172 = arith.constant 0 : i32
        %dma_wait3A_173 = tpu.memref_slice %arg3[%arg1, %dma_wait3A_171, %dma_wait3A_172] : memref<16x80x128xi32, #tpu.memory_space<hbm>> -> memref<1x40x128xi32, #tpu.memory_space<hbm>>
        %dma_wait3A_174 = tpu.memref_squeeze %dma_wait3A_173 : memref<1x40x128xi32, #tpu.memory_space<hbm>> -> memref<40x128xi32, #tpu.memory_space<hbm>>
        %dma_wait3A_175 = arith.constant 40 : i32
        %dma_wait3A_176 = arith.constant 0 : i32
        %dma_wait3A_177 = tpu.memref_slice %arg3[%arg1, %dma_wait3A_175, %dma_wait3A_176] : memref<16x80x128xi32, #tpu.memory_space<hbm>> -> memref<1x40x128xi32, #tpu.memory_space<hbm>>
        %dma_wait3A_178 = tpu.memref_squeeze %dma_wait3A_177 : memref<1x40x128xi32, #tpu.memory_space<hbm>> -> memref<40x128xi32, #tpu.memory_space<hbm>>
        tpu.wait_dma2 semaphore(%run_scoped3A : memref<!tpu.dma_semaphore, #tpu.memory_space<semaphore_mem>>) src(%dma_wait3A_178 : memref<40x128xi32, #tpu.memory_space<hbm>>) dst(%arg9 : memref<40x128xi32, #tpu.memory_space<vmem>>)
        tpu.yield
      }) : () -> ()
      %dma_start3A_102 = arith.constant 0 : i32
      %dma_start3A_103 = arith.constant 0 : i32
      %dma_start3A_104 = tpu.memref_slice %arg8[%dma_start3A_102, %dma_start3A_103] : memref<40x128xi32, #tpu.memory_space<vmem>> -> memref<1x128xi32, #tpu.memory_space<vmem>>
      %dma_start3A_105 = tpu.memref_squeeze %dma_start3A_104 : memref<1x128xi32, #tpu.memory_space<vmem>> -> memref<128xi32, #tpu.memory_space<vmem>>
      %dma_start3A_106 = arith.constant 0 : i32
      %dma_start3A_107 = arith.constant 0 : i32
      %dma_start3A_108 = tpu.memref_slice %arg4[%dma_start3A_106, %dma_start3A_107] : memref<10000x128xf32, #tpu.memory_space<hbm>> -> memref<10000x128xf32, #tpu.memory_space<hbm>>
      tpu.enqueue_indirect_dma source(%dma_start3A_108 : memref<10000x128xf32, #tpu.memory_space<hbm>>) target(%arg10 : memref<128x128xf32, #tpu.memory_space<vmem>>) offsets(%dma_start3A_105 : memref<128xi32, #tpu.memory_space<vmem>>) semaphore(%arg13 : memref<!tpu.dma_semaphore, #tpu.memory_space<semaphore_mem>>)
      %dma_start3A_109 = arith.constant 1 : i32
      %dma_start3A_110 = arith.constant 0 : i32
      %dma_start3A_111 = tpu.memref_slice %arg8[%dma_start3A_109, %dma_start3A_110] : memref<40x128xi32, #tpu.memory_space<vmem>> -> memref<1x128xi32, #tpu.memory_space<vmem>>
      %dma_start3A_112 = tpu.memref_squeeze %dma_start3A_111 : memref<1x128xi32, #tpu.memory_space<vmem>> -> memref<128xi32, #tpu.memory_space<vmem>>
      %dma_start3A_113 = arith.constant 0 : i32
      %dma_start3A_114 = arith.constant 0 : i32
      %dma_start3A_115 = tpu.memref_slice %arg4[%dma_start3A_113, %dma_start3A_114] : memref<10000x128xf32, #tpu.memory_space<hbm>> -> memref<10000x128xf32, #tpu.memory_space<hbm>>
      tpu.enqueue_indirect_dma source(%dma_start3A_115 : memref<10000x128xf32, #tpu.memory_space<hbm>>) target(%arg11 : memref<128x128xf32, #tpu.memory_space<vmem>>) offsets(%dma_start3A_112 : memref<128xi32, #tpu.memory_space<vmem>>) semaphore(%arg14 : memref<!tpu.dma_semaphore, #tpu.memory_space<semaphore_mem>>)
      %scan3A_116 = arith.constant 0 : i32
      %scan3A_117 = arith.constant 19 : i32
      %scan3A_118 = arith.addi %scan3A_116, %scan3A_117 : i32
      %scan3A_119 = arith.constant 1 : i32
      scf.for %scan3A_163 = %scan3A_116 to %scan3A_118 step %scan3A_119  : i32 {
        %mul3A_164 = arith.constant 2 : i32
        %mul3A_165 = arith.muli %scan3A_163, %mul3A_164 : i32
        %add3A_166 = arith.constant 0 : i32
        %add3A_167 = arith.addi %add3A_166, %mul3A_165 : i32
        %add3A_168 = arith.constant 0 : i32
        %add3A_169 = arith.addi %add3A_167, %add3A_168 : i32
        %dma_wait3A_170 = arith.constant 0 : i32
        %dma_wait3A_171 = tpu.memref_slice %arg8[%add3A_169, %dma_wait3A_170] : memref<40x128xi32, #tpu.memory_space<vmem>> -> memref<1x128xi32, #tpu.memory_space<vmem>>
        %dma_wait3A_172 = tpu.memref_squeeze %dma_wait3A_171 : memref<1x128xi32, #tpu.memory_space<vmem>> -> memref<128xi32, #tpu.memory_space<vmem>>
        %dma_wait3A_173 = arith.constant 0 : i32
        %dma_wait3A_174 = arith.constant 0 : i32
        %dma_wait3A_175 = tpu.memref_slice %arg4[%dma_wait3A_173, %dma_wait3A_174] : memref<10000x128xf32, #tpu.memory_space<hbm>> -> memref<10000x128xf32, #tpu.memory_space<hbm>>
        tpu.wait_indirect_dma semaphore(%arg13 : memref<!tpu.dma_semaphore, #tpu.memory_space<semaphore_mem>>) src(%dma_wait3A_175 : memref<10000x128xf32, #tpu.memory_space<hbm>>) dst(%arg10 : memref<128x128xf32, #tpu.memory_space<vmem>>)
        %dma_start3A_176 = arith.constant 0 : i32
        %dma_start3A_177 = tpu.memref_slice %arg9[%add3A_169, %dma_start3A_176] : memref<40x128xi32, #tpu.memory_space<vmem>> -> memref<1x128xi32, #tpu.memory_space<vmem>>
        %dma_start3A_178 = tpu.memref_squeeze %dma_start3A_177 : memref<1x128xi32, #tpu.memory_space<vmem>> -> memref<128xi32, #tpu.memory_space<vmem>>
        %dma_start3A_179 = arith.constant 0 : i32
        %dma_start3A_180 = arith.constant 0 : i32
        %dma_start3A_181 = tpu.memref_slice %arg12[%dma_start3A_179, %dma_start3A_180] : memref<10240x128xf32, #tpu.memory_space<vmem_shared>> -> memref<10240x128xf32, #tpu.memory_space<vmem_shared>>
        tpu.enqueue_indirect_dma source(%arg10 : memref<128x128xf32, #tpu.memory_space<vmem>>) target(%dma_start3A_181 : memref<10240x128xf32, #tpu.memory_space<vmem_shared>>) offsets(%dma_start3A_178 : memref<128xi32, #tpu.memory_space<vmem>>) semaphore(%arg15 : memref<!tpu.dma_semaphore, #tpu.memory_space<semaphore_mem>>) {add = true}
        %dma_wait3A_182 = arith.constant 0 : i32
        %dma_wait3A_183 = tpu.memref_slice %arg9[%add3A_169, %dma_wait3A_182] : memref<40x128xi32, #tpu.memory_space<vmem>> -> memref<1x128xi32, #tpu.memory_space<vmem>>
        %dma_wait3A_184 = tpu.memref_squeeze %dma_wait3A_183 : memref<1x128xi32, #tpu.memory_space<vmem>> -> memref<128xi32, #tpu.memory_space<vmem>>
        %dma_wait3A_185 = arith.constant 0 : i32
        %dma_wait3A_186 = arith.constant 0 : i32
        %dma_wait3A_187 = tpu.memref_slice %arg12[%dma_wait3A_185, %dma_wait3A_186] : memref<10240x128xf32, #tpu.memory_space<vmem_shared>> -> memref<10240x128xf32, #tpu.memory_space<vmem_shared>>
        tpu.wait_indirect_dma semaphore(%arg15 : memref<!tpu.dma_semaphore, #tpu.memory_space<semaphore_mem>>) src(%arg10 : memref<128x128xf32, #tpu.memory_space<vmem>>) dst(%dma_wait3A_187 : memref<10240x128xf32, #tpu.memory_space<vmem_shared>>)
        %add3A_188 = arith.constant 2 : i32
        %add3A_189 = arith.addi %add3A_169, %add3A_188 : i32
        %dma_start3A_190 = arith.constant 0 : i32
        %dma_start3A_191 = tpu.memref_slice %arg8[%add3A_189, %dma_start3A_190] : memref<40x128xi32, #tpu.memory_space<vmem>> -> memref<1x128xi32, #tpu.memory_space<vmem>>
        %dma_start3A_192 = tpu.memref_squeeze %dma_start3A_191 : memref<1x128xi32, #tpu.memory_space<vmem>> -> memref<128xi32, #tpu.memory_space<vmem>>
        %dma_start3A_193 = arith.constant 0 : i32
        %dma_start3A_194 = arith.constant 0 : i32
        %dma_start3A_195 = tpu.memref_slice %arg4[%dma_start3A_193, %dma_start3A_194] : memref<10000x128xf32, #tpu.memory_space<hbm>> -> memref<10000x128xf32, #tpu.memory_space<hbm>>
        tpu.enqueue_indirect_dma source(%dma_start3A_195 : memref<10000x128xf32, #tpu.memory_space<hbm>>) target(%arg10 : memref<128x128xf32, #tpu.memory_space<vmem>>) offsets(%dma_start3A_192 : memref<128xi32, #tpu.memory_space<vmem>>) semaphore(%arg13 : memref<!tpu.dma_semaphore, #tpu.memory_space<semaphore_mem>>)
        %add3A_196 = arith.constant 1 : i32
        %add3A_197 = arith.addi %add3A_167, %add3A_196 : i32
        %dma_wait3A_198 = arith.constant 0 : i32
        %dma_wait3A_199 = tpu.memref_slice %arg8[%add3A_197, %dma_wait3A_198] : memref<40x128xi32, #tpu.memory_space<vmem>> -> memref<1x128xi32, #tpu.memory_space<vmem>>
        %dma_wait3A_200 = tpu.memref_squeeze %dma_wait3A_199 : memref<1x128xi32, #tpu.memory_space<vmem>> -> memref<128xi32, #tpu.memory_space<vmem>>
        %dma_wait3A_201 = arith.constant 0 : i32
        %dma_wait3A_202 = arith.constant 0 : i32
        %dma_wait3A_203 = tpu.memref_slice %arg4[%dma_wait3A_201, %dma_wait3A_202] : memref<10000x128xf32, #tpu.memory_space<hbm>> -> memref<10000x128xf32, #tpu.memory_space<hbm>>
        tpu.wait_indirect_dma semaphore(%arg14 : memref<!tpu.dma_semaphore, #tpu.memory_space<semaphore_mem>>) src(%dma_wait3A_203 : memref<10000x128xf32, #tpu.memory_space<hbm>>) dst(%arg11 : memref<128x128xf32, #tpu.memory_space<vmem>>)
        %dma_start3A_204 = arith.constant 0 : i32
        %dma_start3A_205 = tpu.memref_slice %arg9[%add3A_197, %dma_start3A_204] : memref<40x128xi32, #tpu.memory_space<vmem>> -> memref<1x128xi32, #tpu.memory_space<vmem>>
        %dma_start3A_206 = tpu.memref_squeeze %dma_start3A_205 : memref<1x128xi32, #tpu.memory_space<vmem>> -> memref<128xi32, #tpu.memory_space<vmem>>
        %dma_start3A_207 = arith.constant 0 : i32
        %dma_start3A_208 = arith.constant 0 : i32
        %dma_start3A_209 = tpu.memref_slice %arg12[%dma_start3A_207, %dma_start3A_208] : memref<10240x128xf32, #tpu.memory_space<vmem_shared>> -> memref<10240x128xf32, #tpu.memory_space<vmem_shared>>
        tpu.enqueue_indirect_dma source(%arg11 : memref<128x128xf32, #tpu.memory_space<vmem>>) target(%dma_start3A_209 : memref<10240x128xf32, #tpu.memory_space<vmem_shared>>) offsets(%dma_start3A_206 : memref<128xi32, #tpu.memory_space<vmem>>) semaphore(%arg16 : memref<!tpu.dma_semaphore, #tpu.memory_space<semaphore_mem>>) {add = true}
        %dma_wait3A_210 = arith.constant 0 : i32
        %dma_wait3A_211 = tpu.memref_slice %arg9[%add3A_197, %dma_wait3A_210] : memref<40x128xi32, #tpu.memory_space<vmem>> -> memref<1x128xi32, #tpu.memory_space<vmem>>
        %dma_wait3A_212 = tpu.memref_squeeze %dma_wait3A_211 : memref<1x128xi32, #tpu.memory_space<vmem>> -> memref<128xi32, #tpu.memory_space<vmem>>
        %dma_wait3A_213 = arith.constant 0 : i32
        %dma_wait3A_214 = arith.constant 0 : i32
        %dma_wait3A_215 = tpu.memref_slice %arg12[%dma_wait3A_213, %dma_wait3A_214] : memref<10240x128xf32, #tpu.memory_space<vmem_shared>> -> memref<10240x128xf32, #tpu.memory_space<vmem_shared>>
        tpu.wait_indirect_dma semaphore(%arg16 : memref<!tpu.dma_semaphore, #tpu.memory_space<semaphore_mem>>) src(%arg11 : memref<128x128xf32, #tpu.memory_space<vmem>>) dst(%dma_wait3A_215 : memref<10240x128xf32, #tpu.memory_space<vmem_shared>>)
        %add3A_216 = arith.constant 2 : i32
        %add3A_217 = arith.addi %add3A_197, %add3A_216 : i32
        %dma_start3A_218 = arith.constant 0 : i32
        %dma_start3A_219 = tpu.memref_slice %arg8[%add3A_217, %dma_start3A_218] : memref<40x128xi32, #tpu.memory_space<vmem>> -> memref<1x128xi32, #tpu.memory_space<vmem>>
        %dma_start3A_220 = tpu.memref_squeeze %dma_start3A_219 : memref<1x128xi32, #tpu.memory_space<vmem>> -> memref<128xi32, #tpu.memory_space<vmem>>
        %dma_start3A_221 = arith.constant 0 : i32
        %dma_start3A_222 = arith.constant 0 : i32
        %dma_start3A_223 = tpu.memref_slice %arg4[%dma_start3A_221, %dma_start3A_222] : memref<10000x128xf32, #tpu.memory_space<hbm>> -> memref<10000x128xf32, #tpu.memory_space<hbm>>
        tpu.enqueue_indirect_dma source(%dma_start3A_223 : memref<10000x128xf32, #tpu.memory_space<hbm>>) target(%arg11 : memref<128x128xf32, #tpu.memory_space<vmem>>) offsets(%dma_start3A_220 : memref<128xi32, #tpu.memory_space<vmem>>) semaphore(%arg14 : memref<!tpu.dma_semaphore, #tpu.memory_space<semaphore_mem>>)
      }
      %scan3A_120 = arith.constant 19 : i32
      %dma_wait3A_121 = arith.constant 38 : i32
      %dma_wait3A_122 = arith.constant 0 : i32
      %dma_wait3A_123 = tpu.memref_slice %arg8[%dma_wait3A_121, %dma_wait3A_122] : memref<40x128xi32, #tpu.memory_space<vmem>> -> memref<1x128xi32, #tpu.memory_space<vmem>>
      %dma_wait3A_124 = tpu.memref_squeeze %dma_wait3A_123 : memref<1x128xi32, #tpu.memory_space<vmem>> -> memref<128xi32, #tpu.memory_space<vmem>>
      %dma_wait3A_125 = arith.constant 0 : i32
      %dma_wait3A_126 = arith.constant 0 : i32
      %dma_wait3A_127 = tpu.memref_slice %arg4[%dma_wait3A_125, %dma_wait3A_126] : memref<10000x128xf32, #tpu.memory_space<hbm>> -> memref<10000x128xf32, #tpu.memory_space<hbm>>
      tpu.wait_indirect_dma semaphore(%arg13 : memref<!tpu.dma_semaphore, #tpu.memory_space<semaphore_mem>>) src(%dma_wait3A_127 : memref<10000x128xf32, #tpu.memory_space<hbm>>) dst(%arg10 : memref<128x128xf32, #tpu.memory_space<vmem>>)
      %dma_start3A_128 = arith.constant 38 : i32
      %dma_start3A_129 = arith.constant 0 : i32
      %dma_start3A_130 = tpu.memref_slice %arg9[%dma_start3A_128, %dma_start3A_129] : memref<40x128xi32, #tpu.memory_space<vmem>> -> memref<1x128xi32, #tpu.memory_space<vmem>>
      %dma_start3A_131 = tpu.memref_squeeze %dma_start3A_130 : memref<1x128xi32, #tpu.memory_space<vmem>> -> memref<128xi32, #tpu.memory_space<vmem>>
      %dma_start3A_132 = arith.constant 0 : i32
      %dma_start3A_133 = arith.constant 0 : i32
      %dma_start3A_134 = tpu.memref_slice %arg12[%dma_start3A_132, %dma_start3A_133] : memref<10240x128xf32, #tpu.memory_space<vmem_shared>> -> memref<10240x128xf32, #tpu.memory_space<vmem_shared>>
      tpu.enqueue_indirect_dma source(%arg10 : memref<128x128xf32, #tpu.memory_space<vmem>>) target(%dma_start3A_134 : memref<10240x128xf32, #tpu.memory_space<vmem_shared>>) offsets(%dma_start3A_131 : memref<128xi32, #tpu.memory_space<vmem>>) semaphore(%arg15 : memref<!tpu.dma_semaphore, #tpu.memory_space<semaphore_mem>>) {add = true}
      %dma_wait3A_135 = arith.constant 39 : i32
      %dma_wait3A_136 = arith.constant 0 : i32
      %dma_wait3A_137 = tpu.memref_slice %arg8[%dma_wait3A_135, %dma_wait3A_136] : memref<40x128xi32, #tpu.memory_space<vmem>> -> memref<1x128xi32, #tpu.memory_space<vmem>>
      %dma_wait3A_138 = tpu.memref_squeeze %dma_wait3A_137 : memref<1x128xi32, #tpu.memory_space<vmem>> -> memref<128xi32, #tpu.memory_space<vmem>>
      %dma_wait3A_139 = arith.constant 0 : i32
      %dma_wait3A_140 = arith.constant 0 : i32
      %dma_wait3A_141 = tpu.memref_slice %arg4[%dma_wait3A_139, %dma_wait3A_140] : memref<10000x128xf32, #tpu.memory_space<hbm>> -> memref<10000x128xf32, #tpu.memory_space<hbm>>
      tpu.wait_indirect_dma semaphore(%arg14 : memref<!tpu.dma_semaphore, #tpu.memory_space<semaphore_mem>>) src(%dma_wait3A_141 : memref<10000x128xf32, #tpu.memory_space<hbm>>) dst(%arg11 : memref<128x128xf32, #tpu.memory_space<vmem>>)
      %dma_start3A_142 = arith.constant 39 : i32
      %dma_start3A_143 = arith.constant 0 : i32
      %dma_start3A_144 = tpu.memref_slice %arg9[%dma_start3A_142, %dma_start3A_143] : memref<40x128xi32, #tpu.memory_space<vmem>> -> memref<1x128xi32, #tpu.memory_space<vmem>>
      %dma_start3A_145 = tpu.memref_squeeze %dma_start3A_144 : memref<1x128xi32, #tpu.memory_space<vmem>> -> memref<128xi32, #tpu.memory_space<vmem>>
      %dma_start3A_146 = arith.constant 0 : i32
      %dma_start3A_147 = arith.constant 0 : i32
      %dma_start3A_148 = tpu.memref_slice %arg12[%dma_start3A_146, %dma_start3A_147] : memref<10240x128xf32, #tpu.memory_space<vmem_shared>> -> memref<10240x128xf32, #tpu.memory_space<vmem_shared>>
      tpu.enqueue_indirect_dma source(%arg11 : memref<128x128xf32, #tpu.memory_space<vmem>>) target(%dma_start3A_148 : memref<10240x128xf32, #tpu.memory_space<vmem_shared>>) offsets(%dma_start3A_145 : memref<128xi32, #tpu.memory_space<vmem>>) semaphore(%arg16 : memref<!tpu.dma_semaphore, #tpu.memory_space<semaphore_mem>>) {add = true}
      %dma_wait3A_149 = arith.constant 38 : i32
      %dma_wait3A_150 = arith.constant 0 : i32
      %dma_wait3A_151 = tpu.memref_slice %arg9[%dma_wait3A_149, %dma_wait3A_150] : memref<40x128xi32, #tpu.memory_space<vmem>> -> memref<1x128xi32, #tpu.memory_space<vmem>>
      %dma_wait3A_152 = tpu.memref_squeeze %dma_wait3A_151 : memref<1x128xi32, #tpu.memory_space<vmem>> -> memref<128xi32, #tpu.memory_space<vmem>>
      %dma_wait3A_153 = arith.constant 0 : i32
      %dma_wait3A_154 = arith.constant 0 : i32
      %dma_wait3A_155 = tpu.memref_slice %arg12[%dma_wait3A_153, %dma_wait3A_154] : memref<10240x128xf32, #tpu.memory_space<vmem_shared>> -> memref<10240x128xf32, #tpu.memory_space<vmem_shared>>
      tpu.wait_indirect_dma semaphore(%arg15 : memref<!tpu.dma_semaphore, #tpu.memory_space<semaphore_mem>>) src(%arg10 : memref<128x128xf32, #tpu.memory_space<vmem>>) dst(%dma_wait3A_155 : memref<10240x128xf32, #tpu.memory_space<vmem_shared>>)
      %dma_wait3A_156 = arith.constant 39 : i32
      %dma_wait3A_157 = arith.constant 0 : i32
      %dma_wait3A_158 = tpu.memref_slice %arg9[%dma_wait3A_156, %dma_wait3A_157] : memref<40x128xi32, #tpu.memory_space<vmem>> -> memref<1x128xi32, #tpu.memory_space<vmem>>
      %dma_wait3A_159 = tpu.memref_squeeze %dma_wait3A_158 : memref<1x128xi32, #tpu.memory_space<vmem>> -> memref<128xi32, #tpu.memory_space<vmem>>
      %dma_wait3A_160 = arith.constant 0 : i32
      %dma_wait3A_161 = arith.constant 0 : i32
      %dma_wait3A_162 = tpu.memref_slice %arg12[%dma_wait3A_160, %dma_wait3A_161] : memref<10240x128xf32, #tpu.memory_space<vmem_shared>> -> memref<10240x128xf32, #tpu.memory_space<vmem_shared>>
      tpu.wait_indirect_dma semaphore(%arg16 : memref<!tpu.dma_semaphore, #tpu.memory_space<semaphore_mem>>) src(%arg11 : memref<128x128xf32, #tpu.memory_space<vmem>>) dst(%dma_wait3A_162 : memref<10240x128xf32, #tpu.memory_space<vmem_shared>>)
    } else {
    }
    %eq3A_25 = arith.constant 1 : i32
    %eq3A_26 = arith.cmpi eq, %arg0, %eq3A_25 : i32
    %convert_element_type3A_27 = arith.extui %eq3A_26 : i1 to i32
    %cond3A_28 = arith.constant 0 : i32
    %cond3A_29 = arith.cmpi ne, %convert_element_type3A_27, %cond3A_28 : i32
    scf.if %cond3A_29 {
      "tpu.region"() ({
        %run_scoped3A = tpu.sem_alloc : memref<!tpu.dma_semaphore, #tpu.memory_space<semaphore_mem>>
        %dma_start3A_163 = arith.constant 0 : i32
        %dma_start3A_164 = arith.constant 0 : i32
        %dma_start3A_165 = tpu.memref_slice %arg2[%arg1, %dma_start3A_163, %dma_start3A_164] : memref<16x80x128xi32, #tpu.memory_space<hbm>> -> memref<1x40x128xi32, #tpu.memory_space<hbm>>
        %dma_start3A_166 = tpu.memref_squeeze %dma_start3A_165 : memref<1x40x128xi32, #tpu.memory_space<hbm>> -> memref<40x128xi32, #tpu.memory_space<hbm>>
        %dma_start3A_167 = arith.constant 0 : i32
        %dma_start3A_168 = arith.constant 0 : i32
        %dma_start3A_169 = tpu.memref_slice %arg2[%arg1, %dma_start3A_167, %dma_start3A_168] : memref<16x80x128xi32, #tpu.memory_space<hbm>> -> memref<1x40x128xi32, #tpu.memory_space<hbm>>
        %dma_start3A_170 = tpu.memref_squeeze %dma_start3A_169 : memref<1x40x128xi32, #tpu.memory_space<hbm>> -> memref<40x128xi32, #tpu.memory_space<hbm>>
        tpu.enqueue_dma source(%dma_start3A_170 : memref<40x128xi32, #tpu.memory_space<hbm>>) target(%arg8 : memref<40x128xi32, #tpu.memory_space<vmem>>) target_semaphore(%run_scoped3A : memref<!tpu.dma_semaphore, #tpu.memory_space<semaphore_mem>>)
        %dma_wait3A_171 = arith.constant 0 : i32
        %dma_wait3A_172 = arith.constant 0 : i32
        %dma_wait3A_173 = tpu.memref_slice %arg2[%arg1, %dma_wait3A_171, %dma_wait3A_172] : memref<16x80x128xi32, #tpu.memory_space<hbm>> -> memref<1x40x128xi32, #tpu.memory_space<hbm>>
        %dma_wait3A_174 = tpu.memref_squeeze %dma_wait3A_173 : memref<1x40x128xi32, #tpu.memory_space<hbm>> -> memref<40x128xi32, #tpu.memory_space<hbm>>
        %dma_wait3A_175 = arith.constant 0 : i32
        %dma_wait3A_176 = arith.constant 0 : i32
        %dma_wait3A_177 = tpu.memref_slice %arg2[%arg1, %dma_wait3A_175, %dma_wait3A_176] : memref<16x80x128xi32, #tpu.memory_space<hbm>> -> memref<1x40x128xi32, #tpu.memory_space<hbm>>
        %dma_wait3A_178 = tpu.memref_squeeze %dma_wait3A_177 : memref<1x40x128xi32, #tpu.memory_space<hbm>> -> memref<40x128xi32, #tpu.memory_space<hbm>>
        tpu.wait_dma2 semaphore(%run_scoped3A : memref<!tpu.dma_semaphore, #tpu.memory_space<semaphore_mem>>) src(%dma_wait3A_178 : memref<40x128xi32, #tpu.memory_space<hbm>>) dst(%arg8 : memref<40x128xi32, #tpu.memory_space<vmem>>)
        tpu.yield
      }) : () -> ()
      "tpu.region"() ({
        %run_scoped3A = tpu.sem_alloc : memref<!tpu.dma_semaphore, #tpu.memory_space<semaphore_mem>>
        %dma_start3A_163 = arith.constant 0 : i32
        %dma_start3A_164 = arith.constant 0 : i32
        %dma_start3A_165 = tpu.memref_slice %arg3[%arg1, %dma_start3A_163, %dma_start3A_164] : memref<16x80x128xi32, #tpu.memory_space<hbm>> -> memref<1x40x128xi32, #tpu.memory_space<hbm>>
        %dma_start3A_166 = tpu.memref_squeeze %dma_start3A_165 : memref<1x40x128xi32, #tpu.memory_space<hbm>> -> memref<40x128xi32, #tpu.memory_space<hbm>>
        %dma_start3A_167 = arith.constant 0 : i32
        %dma_start3A_168 = arith.constant 0 : i32
        %dma_start3A_169 = tpu.memref_slice %arg3[%arg1, %dma_start3A_167, %dma_start3A_168] : memref<16x80x128xi32, #tpu.memory_space<hbm>> -> memref<1x40x128xi32, #tpu.memory_space<hbm>>
        %dma_start3A_170 = tpu.memref_squeeze %dma_start3A_169 : memref<1x40x128xi32, #tpu.memory_space<hbm>> -> memref<40x128xi32, #tpu.memory_space<hbm>>
        tpu.enqueue_dma source(%dma_start3A_170 : memref<40x128xi32, #tpu.memory_space<hbm>>) target(%arg9 : memref<40x128xi32, #tpu.memory_space<vmem>>) target_semaphore(%run_scoped3A : memref<!tpu.dma_semaphore, #tpu.memory_space<semaphore_mem>>)
        %dma_wait3A_171 = arith.constant 0 : i32
        %dma_wait3A_172 = arith.constant 0 : i32
        %dma_wait3A_173 = tpu.memref_slice %arg3[%arg1, %dma_wait3A_171, %dma_wait3A_172] : memref<16x80x128xi32, #tpu.memory_space<hbm>> -> memref<1x40x128xi32, #tpu.memory_space<hbm>>
        %dma_wait3A_174 = tpu.memref_squeeze %dma_wait3A_173 : memref<1x40x128xi32, #tpu.memory_space<hbm>> -> memref<40x128xi32, #tpu.memory_space<hbm>>
        %dma_wait3A_175 = arith.constant 0 : i32
        %dma_wait3A_176 = arith.constant 0 : i32
        %dma_wait3A_177 = tpu.memref_slice %arg3[%arg1, %dma_wait3A_175, %dma_wait3A_176] : memref<16x80x128xi32, #tpu.memory_space<hbm>> -> memref<1x40x128xi32, #tpu.memory_space<hbm>>
        %dma_wait3A_178 = tpu.memref_squeeze %dma_wait3A_177 : memref<1x40x128xi32, #tpu.memory_space<hbm>> -> memref<40x128xi32, #tpu.memory_space<hbm>>
        tpu.wait_dma2 semaphore(%run_scoped3A : memref<!tpu.dma_semaphore, #tpu.memory_space<semaphore_mem>>) src(%dma_wait3A_178 : memref<40x128xi32, #tpu.memory_space<hbm>>) dst(%arg9 : memref<40x128xi32, #tpu.memory_space<vmem>>)
        tpu.yield
      }) : () -> ()
      %dma_start3A = arith.constant 0 : i32
      %dma_start3A_42 = arith.constant 0 : i32
      %dma_start3A_43 = tpu.memref_slice %arg8[%dma_start3A, %dma_start3A_42] : memref<40x128xi32, #tpu.memory_space<vmem>> -> memref<1x128xi32, #tpu.memory_space<vmem>>
      %dma_start3A_44 = tpu.memref_squeeze %dma_start3A_43 : memref<1x128xi32, #tpu.memory_space<vmem>> -> memref<128xi32, #tpu.memory_space<vmem>>
      %dma_start3A_45 = arith.constant 0 : i32
      %dma_start3A_46 = arith.constant 0 : i32
      %dma_start3A_47 = tpu.memref_slice %arg5[%dma_start3A_45, %dma_start3A_46] : memref<10000x128xf32, #tpu.memory_space<hbm>> -> memref<10000x128xf32, #tpu.memory_space<hbm>>
      tpu.enqueue_indirect_dma source(%dma_start3A_47 : memref<10000x128xf32, #tpu.memory_space<hbm>>) target(%arg10 : memref<128x128xf32, #tpu.memory_space<vmem>>) offsets(%dma_start3A_44 : memref<128xi32, #tpu.memory_space<vmem>>) semaphore(%arg13 : memref<!tpu.dma_semaphore, #tpu.memory_space<semaphore_mem>>)
      %dma_start3A_48 = arith.constant 1 : i32
      %dma_start3A_49 = arith.constant 0 : i32
      %dma_start3A_50 = tpu.memref_slice %arg8[%dma_start3A_48, %dma_start3A_49] : memref<40x128xi32, #tpu.memory_space<vmem>> -> memref<1x128xi32, #tpu.memory_space<vmem>>
      %dma_start3A_51 = tpu.memref_squeeze %dma_start3A_50 : memref<1x128xi32, #tpu.memory_space<vmem>> -> memref<128xi32, #tpu.memory_space<vmem>>
      %dma_start3A_52 = arith.constant 0 : i32
      %dma_start3A_53 = arith.constant 0 : i32
      %dma_start3A_54 = tpu.memref_slice %arg5[%dma_start3A_52, %dma_start3A_53] : memref<10000x128xf32, #tpu.memory_space<hbm>> -> memref<10000x128xf32, #tpu.memory_space<hbm>>
      tpu.enqueue_indirect_dma source(%dma_start3A_54 : memref<10000x128xf32, #tpu.memory_space<hbm>>) target(%arg11 : memref<128x128xf32, #tpu.memory_space<vmem>>) offsets(%dma_start3A_51 : memref<128xi32, #tpu.memory_space<vmem>>) semaphore(%arg14 : memref<!tpu.dma_semaphore, #tpu.memory_space<semaphore_mem>>)
      %barrier3A_55 = arith.constant 0 : index
      tpu.barrier barrier_id(%barrier3A_55)
      %scan3A_56 = arith.constant 0 : i32
      %scan3A_57 = arith.constant 19 : i32
      %scan3A_58 = arith.addi %scan3A_56, %scan3A_57 : i32
      %scan3A_59 = arith.constant 1 : i32
      scf.for %scan3A_163 = %scan3A_56 to %scan3A_58 step %scan3A_59  : i32 {
        %mul3A_164 = arith.constant 2 : i32
        %mul3A_165 = arith.muli %scan3A_163, %mul3A_164 : i32
        %add3A_166 = arith.constant 0 : i32
        %add3A_167 = arith.addi %add3A_166, %mul3A_165 : i32
        %add3A_168 = arith.constant 0 : i32
        %add3A_169 = arith.addi %add3A_167, %add3A_168 : i32
        %dma_wait3A_170 = arith.constant 0 : i32
        %dma_wait3A_171 = tpu.memref_slice %arg8[%add3A_169, %dma_wait3A_170] : memref<40x128xi32, #tpu.memory_space<vmem>> -> memref<1x128xi32, #tpu.memory_space<vmem>>
        %dma_wait3A_172 = tpu.memref_squeeze %dma_wait3A_171 : memref<1x128xi32, #tpu.memory_space<vmem>> -> memref<128xi32, #tpu.memory_space<vmem>>
        %dma_wait3A_173 = arith.constant 0 : i32
        %dma_wait3A_174 = arith.constant 0 : i32
        %dma_wait3A_175 = tpu.memref_slice %arg5[%dma_wait3A_173, %dma_wait3A_174] : memref<10000x128xf32, #tpu.memory_space<hbm>> -> memref<10000x128xf32, #tpu.memory_space<hbm>>
        tpu.wait_indirect_dma semaphore(%arg13 : memref<!tpu.dma_semaphore, #tpu.memory_space<semaphore_mem>>) src(%dma_wait3A_175 : memref<10000x128xf32, #tpu.memory_space<hbm>>) dst(%arg10 : memref<128x128xf32, #tpu.memory_space<vmem>>)
        %dma_start3A_176 = arith.constant 0 : i32
        %dma_start3A_177 = tpu.memref_slice %arg9[%add3A_169, %dma_start3A_176] : memref<40x128xi32, #tpu.memory_space<vmem>> -> memref<1x128xi32, #tpu.memory_space<vmem>>
        %dma_start3A_178 = tpu.memref_squeeze %dma_start3A_177 : memref<1x128xi32, #tpu.memory_space<vmem>> -> memref<128xi32, #tpu.memory_space<vmem>>
        %dma_start3A_179 = arith.constant 0 : i32
        %dma_start3A_180 = arith.constant 0 : i32
        %dma_start3A_181 = tpu.memref_slice %arg12[%dma_start3A_179, %dma_start3A_180] : memref<10240x128xf32, #tpu.memory_space<vmem_shared>> -> memref<10240x128xf32, #tpu.memory_space<vmem_shared>>
        tpu.enqueue_indirect_dma source(%arg10 : memref<128x128xf32, #tpu.memory_space<vmem>>) target(%dma_start3A_181 : memref<10240x128xf32, #tpu.memory_space<vmem_shared>>) offsets(%dma_start3A_178 : memref<128xi32, #tpu.memory_space<vmem>>) semaphore(%arg15 : memref<!tpu.dma_semaphore, #tpu.memory_space<semaphore_mem>>) {add = true}
        %dma_wait3A_182 = arith.constant 0 : i32
        %dma_wait3A_183 = tpu.memref_slice %arg9[%add3A_169, %dma_wait3A_182] : memref<40x128xi32, #tpu.memory_space<vmem>> -> memref<1x128xi32, #tpu.memory_space<vmem>>
        %dma_wait3A_184 = tpu.memref_squeeze %dma_wait3A_183 : memref<1x128xi32, #tpu.memory_space<vmem>> -> memref<128xi32, #tpu.memory_space<vmem>>
        %dma_wait3A_185 = arith.constant 0 : i32
        %dma_wait3A_186 = arith.constant 0 : i32
        %dma_wait3A_187 = tpu.memref_slice %arg12[%dma_wait3A_185, %dma_wait3A_186] : memref<10240x128xf32, #tpu.memory_space<vmem_shared>> -> memref<10240x128xf32, #tpu.memory_space<vmem_shared>>
        tpu.wait_indirect_dma semaphore(%arg15 : memref<!tpu.dma_semaphore, #tpu.memory_space<semaphore_mem>>) src(%arg10 : memref<128x128xf32, #tpu.memory_space<vmem>>) dst(%dma_wait3A_187 : memref<10240x128xf32, #tpu.memory_space<vmem_shared>>)
        %add3A_188 = arith.constant 2 : i32
        %add3A_189 = arith.addi %add3A_169, %add3A_188 : i32
        %dma_start3A_190 = arith.constant 0 : i32
        %dma_start3A_191 = tpu.memref_slice %arg8[%add3A_189, %dma_start3A_190] : memref<40x128xi32, #tpu.memory_space<vmem>> -> memref<1x128xi32, #tpu.memory_space<vmem>>
        %dma_start3A_192 = tpu.memref_squeeze %dma_start3A_191 : memref<1x128xi32, #tpu.memory_space<vmem>> -> memref<128xi32, #tpu.memory_space<vmem>>
        %dma_start3A_193 = arith.constant 0 : i32
        %dma_start3A_194 = arith.constant 0 : i32
        %dma_start3A_195 = tpu.memref_slice %arg5[%dma_start3A_193, %dma_start3A_194] : memref<10000x128xf32, #tpu.memory_space<hbm>> -> memref<10000x128xf32, #tpu.memory_space<hbm>>
        tpu.enqueue_indirect_dma source(%dma_start3A_195 : memref<10000x128xf32, #tpu.memory_space<hbm>>) target(%arg10 : memref<128x128xf32, #tpu.memory_space<vmem>>) offsets(%dma_start3A_192 : memref<128xi32, #tpu.memory_space<vmem>>) semaphore(%arg13 : memref<!tpu.dma_semaphore, #tpu.memory_space<semaphore_mem>>)
        %add3A_196 = arith.constant 1 : i32
        %add3A_197 = arith.addi %add3A_167, %add3A_196 : i32
        %dma_wait3A_198 = arith.constant 0 : i32
        %dma_wait3A_199 = tpu.memref_slice %arg8[%add3A_197, %dma_wait3A_198] : memref<40x128xi32, #tpu.memory_space<vmem>> -> memref<1x128xi32, #tpu.memory_space<vmem>>
        %dma_wait3A_200 = tpu.memref_squeeze %dma_wait3A_199 : memref<1x128xi32, #tpu.memory_space<vmem>> -> memref<128xi32, #tpu.memory_space<vmem>>
        %dma_wait3A_201 = arith.constant 0 : i32
        %dma_wait3A_202 = arith.constant 0 : i32
        %dma_wait3A_203 = tpu.memref_slice %arg5[%dma_wait3A_201, %dma_wait3A_202] : memref<10000x128xf32, #tpu.memory_space<hbm>> -> memref<10000x128xf32, #tpu.memory_space<hbm>>
        tpu.wait_indirect_dma semaphore(%arg14 : memref<!tpu.dma_semaphore, #tpu.memory_space<semaphore_mem>>) src(%dma_wait3A_203 : memref<10000x128xf32, #tpu.memory_space<hbm>>) dst(%arg11 : memref<128x128xf32, #tpu.memory_space<vmem>>)
        %dma_start3A_204 = arith.constant 0 : i32
        %dma_start3A_205 = tpu.memref_slice %arg9[%add3A_197, %dma_start3A_204] : memref<40x128xi32, #tpu.memory_space<vmem>> -> memref<1x128xi32, #tpu.memory_space<vmem>>
        %dma_start3A_206 = tpu.memref_squeeze %dma_start3A_205 : memref<1x128xi32, #tpu.memory_space<vmem>> -> memref<128xi32, #tpu.memory_space<vmem>>
        %dma_start3A_207 = arith.constant 0 : i32
        %dma_start3A_208 = arith.constant 0 : i32
        %dma_start3A_209 = tpu.memref_slice %arg12[%dma_start3A_207, %dma_start3A_208] : memref<10240x128xf32, #tpu.memory_space<vmem_shared>> -> memref<10240x128xf32, #tpu.memory_space<vmem_shared>>
        tpu.enqueue_indirect_dma source(%arg11 : memref<128x128xf32, #tpu.memory_space<vmem>>) target(%dma_start3A_209 : memref<10240x128xf32, #tpu.memory_space<vmem_shared>>) offsets(%dma_start3A_206 : memref<128xi32, #tpu.memory_space<vmem>>) semaphore(%arg16 : memref<!tpu.dma_semaphore, #tpu.memory_space<semaphore_mem>>) {add = true}
        %dma_wait3A_210 = arith.constant 0 : i32
        %dma_wait3A_211 = tpu.memref_slice %arg9[%add3A_197, %dma_wait3A_210] : memref<40x128xi32, #tpu.memory_space<vmem>> -> memref<1x128xi32, #tpu.memory_space<vmem>>
        %dma_wait3A_212 = tpu.memref_squeeze %dma_wait3A_211 : memref<1x128xi32, #tpu.memory_space<vmem>> -> memref<128xi32, #tpu.memory_space<vmem>>
        %dma_wait3A_213 = arith.constant 0 : i32
        %dma_wait3A_214 = arith.constant 0 : i32
        %dma_wait3A_215 = tpu.memref_slice %arg12[%dma_wait3A_213, %dma_wait3A_214] : memref<10240x128xf32, #tpu.memory_space<vmem_shared>> -> memref<10240x128xf32, #tpu.memory_space<vmem_shared>>
        tpu.wait_indirect_dma semaphore(%arg16 : memref<!tpu.dma_semaphore, #tpu.memory_space<semaphore_mem>>) src(%arg11 : memref<128x128xf32, #tpu.memory_space<vmem>>) dst(%dma_wait3A_215 : memref<10240x128xf32, #tpu.memory_space<vmem_shared>>)
        %add3A_216 = arith.constant 2 : i32
        %add3A_217 = arith.addi %add3A_197, %add3A_216 : i32
        %dma_start3A_218 = arith.constant 0 : i32
        %dma_start3A_219 = tpu.memref_slice %arg8[%add3A_217, %dma_start3A_218] : memref<40x128xi32, #tpu.memory_space<vmem>> -> memref<1x128xi32, #tpu.memory_space<vmem>>
        %dma_start3A_220 = tpu.memref_squeeze %dma_start3A_219 : memref<1x128xi32, #tpu.memory_space<vmem>> -> memref<128xi32, #tpu.memory_space<vmem>>
        %dma_start3A_221 = arith.constant 0 : i32
        %dma_start3A_222 = arith.constant 0 : i32
        %dma_start3A_223 = tpu.memref_slice %arg5[%dma_start3A_221, %dma_start3A_222] : memref<10000x128xf32, #tpu.memory_space<hbm>> -> memref<10000x128xf32, #tpu.memory_space<hbm>>
        tpu.enqueue_indirect_dma source(%dma_start3A_223 : memref<10000x128xf32, #tpu.memory_space<hbm>>) target(%arg11 : memref<128x128xf32, #tpu.memory_space<vmem>>) offsets(%dma_start3A_220 : memref<128xi32, #tpu.memory_space<vmem>>) semaphore(%arg14 : memref<!tpu.dma_semaphore, #tpu.memory_space<semaphore_mem>>)
      }
      %scan3A_60 = arith.constant 19 : i32
      %dma_wait3A = arith.constant 38 : i32
      %dma_wait3A_61 = arith.constant 0 : i32
      %dma_wait3A_62 = tpu.memref_slice %arg8[%dma_wait3A, %dma_wait3A_61] : memref<40x128xi32, #tpu.memory_space<vmem>> -> memref<1x128xi32, #tpu.memory_space<vmem>>
      %dma_wait3A_63 = tpu.memref_squeeze %dma_wait3A_62 : memref<1x128xi32, #tpu.memory_space<vmem>> -> memref<128xi32, #tpu.memory_space<vmem>>
      %dma_wait3A_64 = arith.constant 0 : i32
      %dma_wait3A_65 = arith.constant 0 : i32
      %dma_wait3A_66 = tpu.memref_slice %arg5[%dma_wait3A_64, %dma_wait3A_65] : memref<10000x128xf32, #tpu.memory_space<hbm>> -> memref<10000x128xf32, #tpu.memory_space<hbm>>
      tpu.wait_indirect_dma semaphore(%arg13 : memref<!tpu.dma_semaphore, #tpu.memory_space<semaphore_mem>>) src(%dma_wait3A_66 : memref<10000x128xf32, #tpu.memory_space<hbm>>) dst(%arg10 : memref<128x128xf32, #tpu.memory_space<vmem>>)
      %dma_start3A_67 = arith.constant 38 : i32
      %dma_start3A_68 = arith.constant 0 : i32
      %dma_start3A_69 = tpu.memref_slice %arg9[%dma_start3A_67, %dma_start3A_68] : memref<40x128xi32, #tpu.memory_space<vmem>> -> memref<1x128xi32, #tpu.memory_space<vmem>>
      %dma_start3A_70 = tpu.memref_squeeze %dma_start3A_69 : memref<1x128xi32, #tpu.memory_space<vmem>> -> memref<128xi32, #tpu.memory_space<vmem>>
      %dma_start3A_71 = arith.constant 0 : i32
      %dma_start3A_72 = arith.constant 0 : i32
      %dma_start3A_73 = tpu.memref_slice %arg12[%dma_start3A_71, %dma_start3A_72] : memref<10240x128xf32, #tpu.memory_space<vmem_shared>> -> memref<10240x128xf32, #tpu.memory_space<vmem_shared>>
      tpu.enqueue_indirect_dma source(%arg10 : memref<128x128xf32, #tpu.memory_space<vmem>>) target(%dma_start3A_73 : memref<10240x128xf32, #tpu.memory_space<vmem_shared>>) offsets(%dma_start3A_70 : memref<128xi32, #tpu.memory_space<vmem>>) semaphore(%arg15 : memref<!tpu.dma_semaphore, #tpu.memory_space<semaphore_mem>>) {add = true}
      %dma_wait3A_74 = arith.constant 39 : i32
      %dma_wait3A_75 = arith.constant 0 : i32
      %dma_wait3A_76 = tpu.memref_slice %arg8[%dma_wait3A_74, %dma_wait3A_75] : memref<40x128xi32, #tpu.memory_space<vmem>> -> memref<1x128xi32, #tpu.memory_space<vmem>>
      %dma_wait3A_77 = tpu.memref_squeeze %dma_wait3A_76 : memref<1x128xi32, #tpu.memory_space<vmem>> -> memref<128xi32, #tpu.memory_space<vmem>>
      %dma_wait3A_78 = arith.constant 0 : i32
      %dma_wait3A_79 = arith.constant 0 : i32
      %dma_wait3A_80 = tpu.memref_slice %arg5[%dma_wait3A_78, %dma_wait3A_79] : memref<10000x128xf32, #tpu.memory_space<hbm>> -> memref<10000x128xf32, #tpu.memory_space<hbm>>
      tpu.wait_indirect_dma semaphore(%arg14 : memref<!tpu.dma_semaphore, #tpu.memory_space<semaphore_mem>>) src(%dma_wait3A_80 : memref<10000x128xf32, #tpu.memory_space<hbm>>) dst(%arg11 : memref<128x128xf32, #tpu.memory_space<vmem>>)
      %dma_start3A_81 = arith.constant 39 : i32
      %dma_start3A_82 = arith.constant 0 : i32
      %dma_start3A_83 = tpu.memref_slice %arg9[%dma_start3A_81, %dma_start3A_82] : memref<40x128xi32, #tpu.memory_space<vmem>> -> memref<1x128xi32, #tpu.memory_space<vmem>>
      %dma_start3A_84 = tpu.memref_squeeze %dma_start3A_83 : memref<1x128xi32, #tpu.memory_space<vmem>> -> memref<128xi32, #tpu.memory_space<vmem>>
      %dma_start3A_85 = arith.constant 0 : i32
      %dma_start3A_86 = arith.constant 0 : i32
      %dma_start3A_87 = tpu.memref_slice %arg12[%dma_start3A_85, %dma_start3A_86] : memref<10240x128xf32, #tpu.memory_space<vmem_shared>> -> memref<10240x128xf32, #tpu.memory_space<vmem_shared>>
      tpu.enqueue_indirect_dma source(%arg11 : memref<128x128xf32, #tpu.memory_space<vmem>>) target(%dma_start3A_87 : memref<10240x128xf32, #tpu.memory_space<vmem_shared>>) offsets(%dma_start3A_84 : memref<128xi32, #tpu.memory_space<vmem>>) semaphore(%arg16 : memref<!tpu.dma_semaphore, #tpu.memory_space<semaphore_mem>>) {add = true}
      %dma_wait3A_88 = arith.constant 38 : i32
      %dma_wait3A_89 = arith.constant 0 : i32
      %dma_wait3A_90 = tpu.memref_slice %arg9[%dma_wait3A_88, %dma_wait3A_89] : memref<40x128xi32, #tpu.memory_space<vmem>> -> memref<1x128xi32, #tpu.memory_space<vmem>>
      %dma_wait3A_91 = tpu.memref_squeeze %dma_wait3A_90 : memref<1x128xi32, #tpu.memory_space<vmem>> -> memref<128xi32, #tpu.memory_space<vmem>>
      %dma_wait3A_92 = arith.constant 0 : i32
      %dma_wait3A_93 = arith.constant 0 : i32
      %dma_wait3A_94 = tpu.memref_slice %arg12[%dma_wait3A_92, %dma_wait3A_93] : memref<10240x128xf32, #tpu.memory_space<vmem_shared>> -> memref<10240x128xf32, #tpu.memory_space<vmem_shared>>
      tpu.wait_indirect_dma semaphore(%arg15 : memref<!tpu.dma_semaphore, #tpu.memory_space<semaphore_mem>>) src(%arg10 : memref<128x128xf32, #tpu.memory_space<vmem>>) dst(%dma_wait3A_94 : memref<10240x128xf32, #tpu.memory_space<vmem_shared>>)
      %dma_wait3A_95 = arith.constant 39 : i32
      %dma_wait3A_96 = arith.constant 0 : i32
      %dma_wait3A_97 = tpu.memref_slice %arg9[%dma_wait3A_95, %dma_wait3A_96] : memref<40x128xi32, #tpu.memory_space<vmem>> -> memref<1x128xi32, #tpu.memory_space<vmem>>
      %dma_wait3A_98 = tpu.memref_squeeze %dma_wait3A_97 : memref<1x128xi32, #tpu.memory_space<vmem>> -> memref<128xi32, #tpu.memory_space<vmem>>
      %dma_wait3A_99 = arith.constant 0 : i32
      %dma_wait3A_100 = arith.constant 0 : i32
      %dma_wait3A_101 = tpu.memref_slice %arg12[%dma_wait3A_99, %dma_wait3A_100] : memref<10240x128xf32, #tpu.memory_space<vmem_shared>> -> memref<10240x128xf32, #tpu.memory_space<vmem_shared>>
      tpu.wait_indirect_dma semaphore(%arg16 : memref<!tpu.dma_semaphore, #tpu.memory_space<semaphore_mem>>) src(%arg11 : memref<128x128xf32, #tpu.memory_space<vmem>>) dst(%dma_wait3A_101 : memref<10240x128xf32, #tpu.memory_space<vmem_shared>>)
      "tpu.region"() ({
        %run_scoped3A = tpu.sem_alloc : memref<!tpu.dma_semaphore, #tpu.memory_space<semaphore_mem>>
        %dma_start3A_163 = arith.constant 40 : i32
        %dma_start3A_164 = arith.constant 0 : i32
        %dma_start3A_165 = tpu.memref_slice %arg2[%arg1, %dma_start3A_163, %dma_start3A_164] : memref<16x80x128xi32, #tpu.memory_space<hbm>> -> memref<1x40x128xi32, #tpu.memory_space<hbm>>
        %dma_start3A_166 = tpu.memref_squeeze %dma_start3A_165 : memref<1x40x128xi32, #tpu.memory_space<hbm>> -> memref<40x128xi32, #tpu.memory_space<hbm>>
        %dma_start3A_167 = arith.constant 40 : i32
        %dma_start3A_168 = arith.constant 0 : i32
        %dma_start3A_169 = tpu.memref_slice %arg2[%arg1, %dma_start3A_167, %dma_start3A_168] : memref<16x80x128xi32, #tpu.memory_space<hbm>> -> memref<1x40x128xi32, #tpu.memory_space<hbm>>
        %dma_start3A_170 = tpu.memref_squeeze %dma_start3A_169 : memref<1x40x128xi32, #tpu.memory_space<hbm>> -> memref<40x128xi32, #tpu.memory_space<hbm>>
        tpu.enqueue_dma source(%dma_start3A_170 : memref<40x128xi32, #tpu.memory_space<hbm>>) target(%arg8 : memref<40x128xi32, #tpu.memory_space<vmem>>) target_semaphore(%run_scoped3A : memref<!tpu.dma_semaphore, #tpu.memory_space<semaphore_mem>>)
        %dma_wait3A_171 = arith.constant 40 : i32
        %dma_wait3A_172 = arith.constant 0 : i32
        %dma_wait3A_173 = tpu.memref_slice %arg2[%arg1, %dma_wait3A_171, %dma_wait3A_172] : memref<16x80x128xi32, #tpu.memory_space<hbm>> -> memref<1x40x128xi32, #tpu.memory_space<hbm>>
        %dma_wait3A_174 = tpu.memref_squeeze %dma_wait3A_173 : memref<1x40x128xi32, #tpu.memory_space<hbm>> -> memref<40x128xi32, #tpu.memory_space<hbm>>
        %dma_wait3A_175 = arith.constant 40 : i32
        %dma_wait3A_176 = arith.constant 0 : i32
        %dma_wait3A_177 = tpu.memref_slice %arg2[%arg1, %dma_wait3A_175, %dma_wait3A_176] : memref<16x80x128xi32, #tpu.memory_space<hbm>> -> memref<1x40x128xi32, #tpu.memory_space<hbm>>
        %dma_wait3A_178 = tpu.memref_squeeze %dma_wait3A_177 : memref<1x40x128xi32, #tpu.memory_space<hbm>> -> memref<40x128xi32, #tpu.memory_space<hbm>>
        tpu.wait_dma2 semaphore(%run_scoped3A : memref<!tpu.dma_semaphore, #tpu.memory_space<semaphore_mem>>) src(%dma_wait3A_178 : memref<40x128xi32, #tpu.memory_space<hbm>>) dst(%arg8 : memref<40x128xi32, #tpu.memory_space<vmem>>)
        tpu.yield
      }) : () -> ()
      "tpu.region"() ({
        %run_scoped3A = tpu.sem_alloc : memref<!tpu.dma_semaphore, #tpu.memory_space<semaphore_mem>>
        %dma_start3A_163 = arith.constant 40 : i32
        %dma_start3A_164 = arith.constant 0 : i32
        %dma_start3A_165 = tpu.memref_slice %arg3[%arg1, %dma_start3A_163, %dma_start3A_164] : memref<16x80x128xi32, #tpu.memory_space<hbm>> -> memref<1x40x128xi32, #tpu.memory_space<hbm>>
        %dma_start3A_166 = tpu.memref_squeeze %dma_start3A_165 : memref<1x40x128xi32, #tpu.memory_space<hbm>> -> memref<40x128xi32, #tpu.memory_space<hbm>>
        %dma_start3A_167 = arith.constant 40 : i32
        %dma_start3A_168 = arith.constant 0 : i32
        %dma_start3A_169 = tpu.memref_slice %arg3[%arg1, %dma_start3A_167, %dma_start3A_168] : memref<16x80x128xi32, #tpu.memory_space<hbm>> -> memref<1x40x128xi32, #tpu.memory_space<hbm>>
        %dma_start3A_170 = tpu.memref_squeeze %dma_start3A_169 : memref<1x40x128xi32, #tpu.memory_space<hbm>> -> memref<40x128xi32, #tpu.memory_space<hbm>>
        tpu.enqueue_dma source(%dma_start3A_170 : memref<40x128xi32, #tpu.memory_space<hbm>>) target(%arg9 : memref<40x128xi32, #tpu.memory_space<vmem>>) target_semaphore(%run_scoped3A : memref<!tpu.dma_semaphore, #tpu.memory_space<semaphore_mem>>)
        %dma_wait3A_171 = arith.constant 40 : i32
        %dma_wait3A_172 = arith.constant 0 : i32
        %dma_wait3A_173 = tpu.memref_slice %arg3[%arg1, %dma_wait3A_171, %dma_wait3A_172] : memref<16x80x128xi32, #tpu.memory_space<hbm>> -> memref<1x40x128xi32, #tpu.memory_space<hbm>>
        %dma_wait3A_174 = tpu.memref_squeeze %dma_wait3A_173 : memref<1x40x128xi32, #tpu.memory_space<hbm>> -> memref<40x128xi32, #tpu.memory_space<hbm>>
        %dma_wait3A_175 = arith.constant 40 : i32
        %dma_wait3A_176 = arith.constant 0 : i32
        %dma_wait3A_177 = tpu.memref_slice %arg3[%arg1, %dma_wait3A_175, %dma_wait3A_176] : memref<16x80x128xi32, #tpu.memory_space<hbm>> -> memref<1x40x128xi32, #tpu.memory_space<hbm>>
        %dma_wait3A_178 = tpu.memref_squeeze %dma_wait3A_177 : memref<1x40x128xi32, #tpu.memory_space<hbm>> -> memref<40x128xi32, #tpu.memory_space<hbm>>
        tpu.wait_dma2 semaphore(%run_scoped3A : memref<!tpu.dma_semaphore, #tpu.memory_space<semaphore_mem>>) src(%dma_wait3A_178 : memref<40x128xi32, #tpu.memory_space<hbm>>) dst(%arg9 : memref<40x128xi32, #tpu.memory_space<vmem>>)
        tpu.yield
      }) : () -> ()
      %dma_start3A_102 = arith.constant 0 : i32
      %dma_start3A_103 = arith.constant 0 : i32
      %dma_start3A_104 = tpu.memref_slice %arg8[%dma_start3A_102, %dma_start3A_103] : memref<40x128xi32, #tpu.memory_space<vmem>> -> memref<1x128xi32, #tpu.memory_space<vmem>>
      %dma_start3A_105 = tpu.memref_squeeze %dma_start3A_104 : memref<1x128xi32, #tpu.memory_space<vmem>> -> memref<128xi32, #tpu.memory_space<vmem>>
      %dma_start3A_106 = arith.constant 0 : i32
      %dma_start3A_107 = arith.constant 0 : i32
      %dma_start3A_108 = tpu.memref_slice %arg5[%dma_start3A_106, %dma_start3A_107] : memref<10000x128xf32, #tpu.memory_space<hbm>> -> memref<10000x128xf32, #tpu.memory_space<hbm>>
      tpu.enqueue_indirect_dma source(%dma_start3A_108 : memref<10000x128xf32, #tpu.memory_space<hbm>>) target(%arg10 : memref<128x128xf32, #tpu.memory_space<vmem>>) offsets(%dma_start3A_105 : memref<128xi32, #tpu.memory_space<vmem>>) semaphore(%arg13 : memref<!tpu.dma_semaphore, #tpu.memory_space<semaphore_mem>>)
      %dma_start3A_109 = arith.constant 1 : i32
      %dma_start3A_110 = arith.constant 0 : i32
      %dma_start3A_111 = tpu.memref_slice %arg8[%dma_start3A_109, %dma_start3A_110] : memref<40x128xi32, #tpu.memory_space<vmem>> -> memref<1x128xi32, #tpu.memory_space<vmem>>
      %dma_start3A_112 = tpu.memref_squeeze %dma_start3A_111 : memref<1x128xi32, #tpu.memory_space<vmem>> -> memref<128xi32, #tpu.memory_space<vmem>>
      %dma_start3A_113 = arith.constant 0 : i32
      %dma_start3A_114 = arith.constant 0 : i32
      %dma_start3A_115 = tpu.memref_slice %arg5[%dma_start3A_113, %dma_start3A_114] : memref<10000x128xf32, #tpu.memory_space<hbm>> -> memref<10000x128xf32, #tpu.memory_space<hbm>>
      tpu.enqueue_indirect_dma source(%dma_start3A_115 : memref<10000x128xf32, #tpu.memory_space<hbm>>) target(%arg11 : memref<128x128xf32, #tpu.memory_space<vmem>>) offsets(%dma_start3A_112 : memref<128xi32, #tpu.memory_space<vmem>>) semaphore(%arg14 : memref<!tpu.dma_semaphore, #tpu.memory_space<semaphore_mem>>)
      %scan3A_116 = arith.constant 0 : i32
      %scan3A_117 = arith.constant 19 : i32
      %scan3A_118 = arith.addi %scan3A_116, %scan3A_117 : i32
      %scan3A_119 = arith.constant 1 : i32
      scf.for %scan3A_163 = %scan3A_116 to %scan3A_118 step %scan3A_119  : i32 {
        %mul3A_164 = arith.constant 2 : i32
        %mul3A_165 = arith.muli %scan3A_163, %mul3A_164 : i32
        %add3A_166 = arith.constant 0 : i32
        %add3A_167 = arith.addi %add3A_166, %mul3A_165 : i32
        %add3A_168 = arith.constant 0 : i32
        %add3A_169 = arith.addi %add3A_167, %add3A_168 : i32
        %dma_wait3A_170 = arith.constant 0 : i32
        %dma_wait3A_171 = tpu.memref_slice %arg8[%add3A_169, %dma_wait3A_170] : memref<40x128xi32, #tpu.memory_space<vmem>> -> memref<1x128xi32, #tpu.memory_space<vmem>>
        %dma_wait3A_172 = tpu.memref_squeeze %dma_wait3A_171 : memref<1x128xi32, #tpu.memory_space<vmem>> -> memref<128xi32, #tpu.memory_space<vmem>>
        %dma_wait3A_173 = arith.constant 0 : i32
        %dma_wait3A_174 = arith.constant 0 : i32
        %dma_wait3A_175 = tpu.memref_slice %arg5[%dma_wait3A_173, %dma_wait3A_174] : memref<10000x128xf32, #tpu.memory_space<hbm>> -> memref<10000x128xf32, #tpu.memory_space<hbm>>
        tpu.wait_indirect_dma semaphore(%arg13 : memref<!tpu.dma_semaphore, #tpu.memory_space<semaphore_mem>>) src(%dma_wait3A_175 : memref<10000x128xf32, #tpu.memory_space<hbm>>) dst(%arg10 : memref<128x128xf32, #tpu.memory_space<vmem>>)
        %dma_start3A_176 = arith.constant 0 : i32
        %dma_start3A_177 = tpu.memref_slice %arg9[%add3A_169, %dma_start3A_176] : memref<40x128xi32, #tpu.memory_space<vmem>> -> memref<1x128xi32, #tpu.memory_space<vmem>>
        %dma_start3A_178 = tpu.memref_squeeze %dma_start3A_177 : memref<1x128xi32, #tpu.memory_space<vmem>> -> memref<128xi32, #tpu.memory_space<vmem>>
        %dma_start3A_179 = arith.constant 0 : i32
        %dma_start3A_180 = arith.constant 0 : i32
        %dma_start3A_181 = tpu.memref_slice %arg12[%dma_start3A_179, %dma_start3A_180] : memref<10240x128xf32, #tpu.memory_space<vmem_shared>> -> memref<10240x128xf32, #tpu.memory_space<vmem_shared>>
        tpu.enqueue_indirect_dma source(%arg10 : memref<128x128xf32, #tpu.memory_space<vmem>>) target(%dma_start3A_181 : memref<10240x128xf32, #tpu.memory_space<vmem_shared>>) offsets(%dma_start3A_178 : memref<128xi32, #tpu.memory_space<vmem>>) semaphore(%arg15 : memref<!tpu.dma_semaphore, #tpu.memory_space<semaphore_mem>>) {add = true}
        %dma_wait3A_182 = arith.constant 0 : i32
        %dma_wait3A_183 = tpu.memref_slice %arg9[%add3A_169, %dma_wait3A_182] : memref<40x128xi32, #tpu.memory_space<vmem>> -> memref<1x128xi32, #tpu.memory_space<vmem>>
        %dma_wait3A_184 = tpu.memref_squeeze %dma_wait3A_183 : memref<1x128xi32, #tpu.memory_space<vmem>> -> memref<128xi32, #tpu.memory_space<vmem>>
        %dma_wait3A_185 = arith.constant 0 : i32
        %dma_wait3A_186 = arith.constant 0 : i32
        %dma_wait3A_187 = tpu.memref_slice %arg12[%dma_wait3A_185, %dma_wait3A_186] : memref<10240x128xf32, #tpu.memory_space<vmem_shared>> -> memref<10240x128xf32, #tpu.memory_space<vmem_shared>>
        tpu.wait_indirect_dma semaphore(%arg15 : memref<!tpu.dma_semaphore, #tpu.memory_space<semaphore_mem>>) src(%arg10 : memref<128x128xf32, #tpu.memory_space<vmem>>) dst(%dma_wait3A_187 : memref<10240x128xf32, #tpu.memory_space<vmem_shared>>)
        %add3A_188 = arith.constant 2 : i32
        %add3A_189 = arith.addi %add3A_169, %add3A_188 : i32
        %dma_start3A_190 = arith.constant 0 : i32
        %dma_start3A_191 = tpu.memref_slice %arg8[%add3A_189, %dma_start3A_190] : memref<40x128xi32, #tpu.memory_space<vmem>> -> memref<1x128xi32, #tpu.memory_space<vmem>>
        %dma_start3A_192 = tpu.memref_squeeze %dma_start3A_191 : memref<1x128xi32, #tpu.memory_space<vmem>> -> memref<128xi32, #tpu.memory_space<vmem>>
        %dma_start3A_193 = arith.constant 0 : i32
        %dma_start3A_194 = arith.constant 0 : i32
        %dma_start3A_195 = tpu.memref_slice %arg5[%dma_start3A_193, %dma_start3A_194] : memref<10000x128xf32, #tpu.memory_space<hbm>> -> memref<10000x128xf32, #tpu.memory_space<hbm>>
        tpu.enqueue_indirect_dma source(%dma_start3A_195 : memref<10000x128xf32, #tpu.memory_space<hbm>>) target(%arg10 : memref<128x128xf32, #tpu.memory_space<vmem>>) offsets(%dma_start3A_192 : memref<128xi32, #tpu.memory_space<vmem>>) semaphore(%arg13 : memref<!tpu.dma_semaphore, #tpu.memory_space<semaphore_mem>>)
        %add3A_196 = arith.constant 1 : i32
        %add3A_197 = arith.addi %add3A_167, %add3A_196 : i32
        %dma_wait3A_198 = arith.constant 0 : i32
        %dma_wait3A_199 = tpu.memref_slice %arg8[%add3A_197, %dma_wait3A_198] : memref<40x128xi32, #tpu.memory_space<vmem>> -> memref<1x128xi32, #tpu.memory_space<vmem>>
        %dma_wait3A_200 = tpu.memref_squeeze %dma_wait3A_199 : memref<1x128xi32, #tpu.memory_space<vmem>> -> memref<128xi32, #tpu.memory_space<vmem>>
        %dma_wait3A_201 = arith.constant 0 : i32
        %dma_wait3A_202 = arith.constant 0 : i32
        %dma_wait3A_203 = tpu.memref_slice %arg5[%dma_wait3A_201, %dma_wait3A_202] : memref<10000x128xf32, #tpu.memory_space<hbm>> -> memref<10000x128xf32, #tpu.memory_space<hbm>>
        tpu.wait_indirect_dma semaphore(%arg14 : memref<!tpu.dma_semaphore, #tpu.memory_space<semaphore_mem>>) src(%dma_wait3A_203 : memref<10000x128xf32, #tpu.memory_space<hbm>>) dst(%arg11 : memref<128x128xf32, #tpu.memory_space<vmem>>)
        %dma_start3A_204 = arith.constant 0 : i32
        %dma_start3A_205 = tpu.memref_slice %arg9[%add3A_197, %dma_start3A_204] : memref<40x128xi32, #tpu.memory_space<vmem>> -> memref<1x128xi32, #tpu.memory_space<vmem>>
        %dma_start3A_206 = tpu.memref_squeeze %dma_start3A_205 : memref<1x128xi32, #tpu.memory_space<vmem>> -> memref<128xi32, #tpu.memory_space<vmem>>
        %dma_start3A_207 = arith.constant 0 : i32
        %dma_start3A_208 = arith.constant 0 : i32
        %dma_start3A_209 = tpu.memref_slice %arg12[%dma_start3A_207, %dma_start3A_208] : memref<10240x128xf32, #tpu.memory_space<vmem_shared>> -> memref<10240x128xf32, #tpu.memory_space<vmem_shared>>
        tpu.enqueue_indirect_dma source(%arg11 : memref<128x128xf32, #tpu.memory_space<vmem>>) target(%dma_start3A_209 : memref<10240x128xf32, #tpu.memory_space<vmem_shared>>) offsets(%dma_start3A_206 : memref<128xi32, #tpu.memory_space<vmem>>) semaphore(%arg16 : memref<!tpu.dma_semaphore, #tpu.memory_space<semaphore_mem>>) {add = true}
        %dma_wait3A_210 = arith.constant 0 : i32
        %dma_wait3A_211 = tpu.memref_slice %arg9[%add3A_197, %dma_wait3A_210] : memref<40x128xi32, #tpu.memory_space<vmem>> -> memref<1x128xi32, #tpu.memory_space<vmem>>
        %dma_wait3A_212 = tpu.memref_squeeze %dma_wait3A_211 : memref<1x128xi32, #tpu.memory_space<vmem>> -> memref<128xi32, #tpu.memory_space<vmem>>
        %dma_wait3A_213 = arith.constant 0 : i32
        %dma_wait3A_214 = arith.constant 0 : i32
        %dma_wait3A_215 = tpu.memref_slice %arg12[%dma_wait3A_213, %dma_wait3A_214] : memref<10240x128xf32, #tpu.memory_space<vmem_shared>> -> memref<10240x128xf32, #tpu.memory_space<vmem_shared>>
        tpu.wait_indirect_dma semaphore(%arg16 : memref<!tpu.dma_semaphore, #tpu.memory_space<semaphore_mem>>) src(%arg11 : memref<128x128xf32, #tpu.memory_space<vmem>>) dst(%dma_wait3A_215 : memref<10240x128xf32, #tpu.memory_space<vmem_shared>>)
        %add3A_216 = arith.constant 2 : i32
        %add3A_217 = arith.addi %add3A_197, %add3A_216 : i32
        %dma_start3A_218 = arith.constant 0 : i32
        %dma_start3A_219 = tpu.memref_slice %arg8[%add3A_217, %dma_start3A_218] : memref<40x128xi32, #tpu.memory_space<vmem>> -> memref<1x128xi32, #tpu.memory_space<vmem>>
        %dma_start3A_220 = tpu.memref_squeeze %dma_start3A_219 : memref<1x128xi32, #tpu.memory_space<vmem>> -> memref<128xi32, #tpu.memory_space<vmem>>
        %dma_start3A_221 = arith.constant 0 : i32
        %dma_start3A_222 = arith.constant 0 : i32
        %dma_start3A_223 = tpu.memref_slice %arg5[%dma_start3A_221, %dma_start3A_222] : memref<10000x128xf32, #tpu.memory_space<hbm>> -> memref<10000x128xf32, #tpu.memory_space<hbm>>
        tpu.enqueue_indirect_dma source(%dma_start3A_223 : memref<10000x128xf32, #tpu.memory_space<hbm>>) target(%arg11 : memref<128x128xf32, #tpu.memory_space<vmem>>) offsets(%dma_start3A_220 : memref<128xi32, #tpu.memory_space<vmem>>) semaphore(%arg14 : memref<!tpu.dma_semaphore, #tpu.memory_space<semaphore_mem>>)
      }
      %scan3A_120 = arith.constant 19 : i32
      %dma_wait3A_121 = arith.constant 38 : i32
      %dma_wait3A_122 = arith.constant 0 : i32
      %dma_wait3A_123 = tpu.memref_slice %arg8[%dma_wait3A_121, %dma_wait3A_122] : memref<40x128xi32, #tpu.memory_space<vmem>> -> memref<1x128xi32, #tpu.memory_space<vmem>>
      %dma_wait3A_124 = tpu.memref_squeeze %dma_wait3A_123 : memref<1x128xi32, #tpu.memory_space<vmem>> -> memref<128xi32, #tpu.memory_space<vmem>>
      %dma_wait3A_125 = arith.constant 0 : i32
      %dma_wait3A_126 = arith.constant 0 : i32
      %dma_wait3A_127 = tpu.memref_slice %arg5[%dma_wait3A_125, %dma_wait3A_126] : memref<10000x128xf32, #tpu.memory_space<hbm>> -> memref<10000x128xf32, #tpu.memory_space<hbm>>
      tpu.wait_indirect_dma semaphore(%arg13 : memref<!tpu.dma_semaphore, #tpu.memory_space<semaphore_mem>>) src(%dma_wait3A_127 : memref<10000x128xf32, #tpu.memory_space<hbm>>) dst(%arg10 : memref<128x128xf32, #tpu.memory_space<vmem>>)
      %dma_start3A_128 = arith.constant 38 : i32
      %dma_start3A_129 = arith.constant 0 : i32
      %dma_start3A_130 = tpu.memref_slice %arg9[%dma_start3A_128, %dma_start3A_129] : memref<40x128xi32, #tpu.memory_space<vmem>> -> memref<1x128xi32, #tpu.memory_space<vmem>>
      %dma_start3A_131 = tpu.memref_squeeze %dma_start3A_130 : memref<1x128xi32, #tpu.memory_space<vmem>> -> memref<128xi32, #tpu.memory_space<vmem>>
      %dma_start3A_132 = arith.constant 0 : i32
      %dma_start3A_133 = arith.constant 0 : i32
      %dma_start3A_134 = tpu.memref_slice %arg12[%dma_start3A_132, %dma_start3A_133] : memref<10240x128xf32, #tpu.memory_space<vmem_shared>> -> memref<10240x128xf32, #tpu.memory_space<vmem_shared>>
      tpu.enqueue_indirect_dma source(%arg10 : memref<128x128xf32, #tpu.memory_space<vmem>>) target(%dma_start3A_134 : memref<10240x128xf32, #tpu.memory_space<vmem_shared>>) offsets(%dma_start3A_131 : memref<128xi32, #tpu.memory_space<vmem>>) semaphore(%arg15 : memref<!tpu.dma_semaphore, #tpu.memory_space<semaphore_mem>>) {add = true}
      %dma_wait3A_135 = arith.constant 39 : i32
      %dma_wait3A_136 = arith.constant 0 : i32
      %dma_wait3A_137 = tpu.memref_slice %arg8[%dma_wait3A_135, %dma_wait3A_136] : memref<40x128xi32, #tpu.memory_space<vmem>> -> memref<1x128xi32, #tpu.memory_space<vmem>>
      %dma_wait3A_138 = tpu.memref_squeeze %dma_wait3A_137 : memref<1x128xi32, #tpu.memory_space<vmem>> -> memref<128xi32, #tpu.memory_space<vmem>>
      %dma_wait3A_139 = arith.constant 0 : i32
      %dma_wait3A_140 = arith.constant 0 : i32
      %dma_wait3A_141 = tpu.memref_slice %arg5[%dma_wait3A_139, %dma_wait3A_140] : memref<10000x128xf32, #tpu.memory_space<hbm>> -> memref<10000x128xf32, #tpu.memory_space<hbm>>
      tpu.wait_indirect_dma semaphore(%arg14 : memref<!tpu.dma_semaphore, #tpu.memory_space<semaphore_mem>>) src(%dma_wait3A_141 : memref<10000x128xf32, #tpu.memory_space<hbm>>) dst(%arg11 : memref<128x128xf32, #tpu.memory_space<vmem>>)
      %dma_start3A_142 = arith.constant 39 : i32
      %dma_start3A_143 = arith.constant 0 : i32
      %dma_start3A_144 = tpu.memref_slice %arg9[%dma_start3A_142, %dma_start3A_143] : memref<40x128xi32, #tpu.memory_space<vmem>> -> memref<1x128xi32, #tpu.memory_space<vmem>>
      %dma_start3A_145 = tpu.memref_squeeze %dma_start3A_144 : memref<1x128xi32, #tpu.memory_space<vmem>> -> memref<128xi32, #tpu.memory_space<vmem>>
      %dma_start3A_146 = arith.constant 0 : i32
      %dma_start3A_147 = arith.constant 0 : i32
      %dma_start3A_148 = tpu.memref_slice %arg12[%dma_start3A_146, %dma_start3A_147] : memref<10240x128xf32, #tpu.memory_space<vmem_shared>> -> memref<10240x128xf32, #tpu.memory_space<vmem_shared>>
      tpu.enqueue_indirect_dma source(%arg11 : memref<128x128xf32, #tpu.memory_space<vmem>>) target(%dma_start3A_148 : memref<10240x128xf32, #tpu.memory_space<vmem_shared>>) offsets(%dma_start3A_145 : memref<128xi32, #tpu.memory_space<vmem>>) semaphore(%arg16 : memref<!tpu.dma_semaphore, #tpu.memory_space<semaphore_mem>>) {add = true}
      %dma_wait3A_149 = arith.constant 38 : i32
      %dma_wait3A_150 = arith.constant 0 : i32
      %dma_wait3A_151 = tpu.memref_slice %arg9[%dma_wait3A_149, %dma_wait3A_150] : memref<40x128xi32, #tpu.memory_space<vmem>> -> memref<1x128xi32, #tpu.memory_space<vmem>>
      %dma_wait3A_152 = tpu.memref_squeeze %dma_wait3A_151 : memref<1x128xi32, #tpu.memory_space<vmem>> -> memref<128xi32, #tpu.memory_space<vmem>>
      %dma_wait3A_153 = arith.constant 0 : i32
      %dma_wait3A_154 = arith.constant 0 : i32
      %dma_wait3A_155 = tpu.memref_slice %arg12[%dma_wait3A_153, %dma_wait3A_154] : memref<10240x128xf32, #tpu.memory_space<vmem_shared>> -> memref<10240x128xf32, #tpu.memory_space<vmem_shared>>
      tpu.wait_indirect_dma semaphore(%arg15 : memref<!tpu.dma_semaphore, #tpu.memory_space<semaphore_mem>>) src(%arg10 : memref<128x128xf32, #tpu.memory_space<vmem>>) dst(%dma_wait3A_155 : memref<10240x128xf32, #tpu.memory_space<vmem_shared>>)
      %dma_wait3A_156 = arith.constant 39 : i32
      %dma_wait3A_157 = arith.constant 0 : i32
      %dma_wait3A_158 = tpu.memref_slice %arg9[%dma_wait3A_156, %dma_wait3A_157] : memref<40x128xi32, #tpu.memory_space<vmem>> -> memref<1x128xi32, #tpu.memory_space<vmem>>
      %dma_wait3A_159 = tpu.memref_squeeze %dma_wait3A_158 : memref<1x128xi32, #tpu.memory_space<vmem>> -> memref<128xi32, #tpu.memory_space<vmem>>
      %dma_wait3A_160 = arith.constant 0 : i32
      %dma_wait3A_161 = arith.constant 0 : i32
      %dma_wait3A_162 = tpu.memref_slice %arg12[%dma_wait3A_160, %dma_wait3A_161] : memref<10240x128xf32, #tpu.memory_space<vmem_shared>> -> memref<10240x128xf32, #tpu.memory_space<vmem_shared>>
      tpu.wait_indirect_dma semaphore(%arg16 : memref<!tpu.dma_semaphore, #tpu.memory_space<semaphore_mem>>) src(%arg11 : memref<128x128xf32, #tpu.memory_space<vmem>>) dst(%dma_wait3A_162 : memref<10240x128xf32, #tpu.memory_space<vmem_shared>>)
    } else {
    }
    %barrier3A = arith.constant 0 : index
    tpu.barrier barrier_id(%barrier3A)
    %mul3A_30 = arith.constant 640 : i32
    %mul3A_31 = arith.muli %arg1, %mul3A_30 : i32
    %eq3A_32 = arith.constant 0 : i32
    %eq3A_33 = arith.cmpi eq, %arg0, %eq3A_32 : i32
    %convert_element_type3A_34 = arith.extui %eq3A_33 : i1 to i32
    %cond3A_35 = arith.constant 0 : i32
    %cond3A_36 = arith.cmpi ne, %convert_element_type3A_34, %cond3A_35 : i32
    scf.if %cond3A_36 {
      "tpu.region"() ({
        %run_scoped3A = tpu.sem_alloc : memref<!tpu.dma_semaphore, #tpu.memory_space<semaphore_mem>>
        %dma_start3A = arith.constant 0 : i32
        %dma_start3A_42 = tpu.memref_slice %arg6[%mul3A_31, %dma_start3A] : memref<10240x128xf32, #tpu.memory_space<hbm>> -> memref<640x128xf32, #tpu.memory_space<hbm>>
        %dma_start3A_43 = arith.constant 0 : i32
        %dma_start3A_44 = tpu.memref_slice %arg12[%mul3A_31, %dma_start3A_43] : memref<10240x128xf32, #tpu.memory_space<vmem_shared>> -> memref<640x128xf32, #tpu.memory_space<vmem_shared>>
        tpu.enqueue_dma source(%dma_start3A_44 : memref<640x128xf32, #tpu.memory_space<vmem_shared>>) target(%dma_start3A_42 : memref<640x128xf32, #tpu.memory_space<hbm>>) target_semaphore(%run_scoped3A : memref<!tpu.dma_semaphore, #tpu.memory_space<semaphore_mem>>)
        %dma_wait3A = arith.constant 0 : i32
        %dma_wait3A_45 = tpu.memref_slice %arg6[%mul3A_31, %dma_wait3A] : memref<10240x128xf32, #tpu.memory_space<hbm>> -> memref<640x128xf32, #tpu.memory_space<hbm>>
        %dma_wait3A_46 = arith.constant 0 : i32
        %dma_wait3A_47 = tpu.memref_slice %arg12[%mul3A_31, %dma_wait3A_46] : memref<10240x128xf32, #tpu.memory_space<vmem_shared>> -> memref<640x128xf32, #tpu.memory_space<vmem_shared>>
        tpu.wait_dma2 semaphore(%run_scoped3A : memref<!tpu.dma_semaphore, #tpu.memory_space<semaphore_mem>>) src(%dma_wait3A_47 : memref<640x128xf32, #tpu.memory_space<vmem_shared>>) dst(%dma_wait3A_45 : memref<640x128xf32, #tpu.memory_space<hbm>>)
        tpu.yield
      }) : () -> ()
    } else {
    }
    %eq3A_37 = arith.constant 1 : i32
    %eq3A_38 = arith.cmpi eq, %arg0, %eq3A_37 : i32
    %convert_element_type3A_39 = arith.extui %eq3A_38 : i1 to i32
    %cond3A_40 = arith.constant 0 : i32
    %cond3A_41 = arith.cmpi ne, %convert_element_type3A_39, %cond3A_40 : i32
    scf.if %cond3A_41 {
      "tpu.region"() ({
        %run_scoped3A = tpu.sem_alloc : memref<!tpu.dma_semaphore, #tpu.memory_space<semaphore_mem>>
        %dma_start3A = arith.constant 0 : i32
        %dma_start3A_42 = tpu.memref_slice %arg7[%mul3A_31, %dma_start3A] : memref<10240x128xf32, #tpu.memory_space<hbm>> -> memref<640x128xf32, #tpu.memory_space<hbm>>
        %dma_start3A_43 = arith.constant 0 : i32
        %dma_start3A_44 = tpu.memref_slice %arg12[%mul3A_31, %dma_start3A_43] : memref<10240x128xf32, #tpu.memory_space<vmem_shared>> -> memref<640x128xf32, #tpu.memory_space<vmem_shared>>
        tpu.enqueue_dma source(%dma_start3A_44 : memref<640x128xf32, #tpu.memory_space<vmem_shared>>) target(%dma_start3A_42 : memref<640x128xf32, #tpu.memory_space<hbm>>) target_semaphore(%run_scoped3A : memref<!tpu.dma_semaphore, #tpu.memory_space<semaphore_mem>>)
        %dma_wait3A = arith.constant 0 : i32
        %dma_wait3A_45 = tpu.memref_slice %arg7[%mul3A_31, %dma_wait3A] : memref<10240x128xf32, #tpu.memory_space<hbm>> -> memref<640x128xf32, #tpu.memory_space<hbm>>
        %dma_wait3A_46 = arith.constant 0 : i32
        %dma_wait3A_47 = tpu.memref_slice %arg12[%mul3A_31, %dma_wait3A_46] : memref<10240x128xf32, #tpu.memory_space<vmem_shared>> -> memref<640x128xf32, #tpu.memory_space<vmem_shared>>
        tpu.wait_dma2 semaphore(%run_scoped3A : memref<!tpu.dma_semaphore, #tpu.memory_space<semaphore_mem>>) src(%dma_wait3A_47 : memref<640x128xf32, #tpu.memory_space<vmem_shared>>) dst(%dma_wait3A_45 : memref<640x128xf32, #tpu.memory_space<hbm>>)
        tpu.yield
      }) : () -> ()
    } else {
    }
    return
  }
}

#map = affine_map<(d0, d1) -> (0, 0, 0)>
#map1 = affine_map<(d0, d1) -> (0, 0)>
module attributes {stable_mosaic.version = 14 : i64} {
  func.func @body(%arg0: i32, %arg1: i32, %arg2: memref<16x80x128xi32, #tpu.memory_space<hbm>>, %arg3: memref<16x80x128xi32, #tpu.memory_space<hbm>>, %arg4: memref<10000x128xf32, #tpu.memory_space<hbm>>, %arg5: memref<10000x128xf32, #tpu.memory_space<hbm>>, %arg6: memref<10240x128xf32, #tpu.memory_space<hbm>>, %arg7: memref<10240x128xf32, #tpu.memory_space<hbm>>, %arg8: memref<40x128xi32, #tpu.memory_space<vmem>>, %arg9: memref<40x128xi32, #tpu.memory_space<vmem>>, %arg10: memref<128x128xf32, #tpu.memory_space<vmem>>, %arg11: memref<128x128xf32, #tpu.memory_space<vmem>>, %arg12: memref<10240x128xf32, #tpu.memory_space<vmem_shared>>, %arg13: memref<!tpu.dma_semaphore, #tpu.memory_space<semaphore_mem>>, %arg14: memref<!tpu.dma_semaphore, #tpu.memory_space<semaphore_mem>>, %arg15: memref<!tpu.dma_semaphore, #tpu.memory_space<semaphore_mem>>, %arg16: memref<!tpu.dma_semaphore, #tpu.memory_space<semaphore_mem>>) attributes {dimension_semantics = [#tpu.dimension_semantics<core_parallel>, #tpu.dimension_semantics<subcore_parallel>], iteration_bounds = array<i64: 2, 16>, scalar_prefetch = 0 : i64, scratch_operands = 9 : i64, tpu.core_type = #tpu.core_type<sc_vector_subcore>, window_params = [{transform_indices = #map}, {transform_indices = #map}, {transform_indices = #map1}, {transform_indices = #map1}, {transform_indices = #map1}, {transform_indices = #map1}]} {
    %broadcast_in_dim3A = arith.constant 0.000000e+00 : f32
    %broadcast_in_dim3A_0 = vector.broadcast %broadcast_in_dim3A : f32 to vector<16xf32>
    %scan3A = arith.constant 0 : i32
    %scan3A_1 = arith.constant 128 : i32
    %scan3A_2 = arith.addi %scan3A, %scan3A_1 : i32
    %scan3A_3 = arith.constant 1 : i32
    scf.for %scan3A_42 = %scan3A to %scan3A_2 step %scan3A_3  : i32 {
      %mul3A_43 = arith.constant 1 : i32
      %mul3A_44 = arith.muli %scan3A_42, %mul3A_43 : i32
      %add3A_45 = arith.constant 0 : i32
      %add3A_46 = arith.addi %add3A_45, %mul3A_44 : i32
      %swap3A = arith.index_cast %add3A_46 : i32 to index
      %swap3A_47 = arith.constant 0 : index
      %swap3A_48 = tpu.vector_load %arg10[%swap3A, %swap3A_47] {strides = array<i32>} : memref<128x128xf32, #tpu.memory_space<vmem>>, vector<1x16xf32>,
      %swap3A_49 = vector.shape_cast %swap3A_48 : vector<1x16xf32> to vector<16xf32>
      %swap3A_50 = vector.shape_cast %broadcast_in_dim3A_0 : vector<16xf32> to vector<1x16xf32>
      tpu.vector_store %arg10[%swap3A, %swap3A_47], %swap3A_50 {strides = array<i32>} : memref<128x128xf32, #tpu.memory_space<vmem>>, vector<1x16xf32>,
      %swap3A_51 = arith.index_cast %add3A_46 : i32 to index
      %swap3A_52 = arith.constant 16 : index
      %swap3A_53 = tpu.vector_load %arg10[%swap3A_51, %swap3A_52] {strides = array<i32>} : memref<128x128xf32, #tpu.memory_space<vmem>>, vector<1x16xf32>,
      %swap3A_54 = vector.shape_cast %swap3A_53 : vector<1x16xf32> to vector<16xf32>
      %swap3A_55 = vector.shape_cast %broadcast_in_dim3A_0 : vector<16xf32> to vector<1x16xf32>
      tpu.vector_store %arg10[%swap3A_51, %swap3A_52], %swap3A_55 {strides = array<i32>} : memref<128x128xf32, #tpu.memory_space<vmem>>, vector<1x16xf32>,
      %swap3A_56 = arith.index_cast %add3A_46 : i32 to index
      %swap3A_57 = arith.constant 32 : index
      %swap3A_58 = tpu.vector_load %arg10[%swap3A_56, %swap3A_57] {strides = array<i32>} : memref<128x128xf32, #tpu.memory_space<vmem>>, vector<1x16xf32>,
      %swap3A_59 = vector.shape_cast %swap3A_58 : vector<1x16xf32> to vector<16xf32>
      %swap3A_60 = vector.shape_cast %broadcast_in_dim3A_0 : vector<16xf32> to vector<1x16xf32>
      tpu.vector_store %arg10[%swap3A_56, %swap3A_57], %swap3A_60 {strides = array<i32>} : memref<128x128xf32, #tpu.memory_space<vmem>>, vector<1x16xf32>,
      %swap3A_61 = arith.index_cast %add3A_46 : i32 to index
      %swap3A_62 = arith.constant 48 : index
      %swap3A_63 = tpu.vector_load %arg10[%swap3A_61, %swap3A_62] {strides = array<i32>} : memref<128x128xf32, #tpu.memory_space<vmem>>, vector<1x16xf32>,
      %swap3A_64 = vector.shape_cast %swap3A_63 : vector<1x16xf32> to vector<16xf32>
      %swap3A_65 = vector.shape_cast %broadcast_in_dim3A_0 : vector<16xf32> to vector<1x16xf32>
      tpu.vector_store %arg10[%swap3A_61, %swap3A_62], %swap3A_65 {strides = array<i32>} : memref<128x128xf32, #tpu.memory_space<vmem>>, vector<1x16xf32>,
      %swap3A_66 = arith.index_cast %add3A_46 : i32 to index
      %swap3A_67 = arith.constant 64 : index
      %swap3A_68 = tpu.vector_load %arg10[%swap3A_66, %swap3A_67] {strides = array<i32>} : memref<128x128xf32, #tpu.memory_space<vmem>>, vector<1x16xf32>,
      %swap3A_69 = vector.shape_cast %swap3A_68 : vector<1x16xf32> to vector<16xf32>
      %swap3A_70 = vector.shape_cast %broadcast_in_dim3A_0 : vector<16xf32> to vector<1x16xf32>
      tpu.vector_store %arg10[%swap3A_66, %swap3A_67], %swap3A_70 {strides = array<i32>} : memref<128x128xf32, #tpu.memory_space<vmem>>, vector<1x16xf32>,
      %swap3A_71 = arith.index_cast %add3A_46 : i32 to index
      %swap3A_72 = arith.constant 80 : index
      %swap3A_73 = tpu.vector_load %arg10[%swap3A_71, %swap3A_72] {strides = array<i32>} : memref<128x128xf32, #tpu.memory_space<vmem>>, vector<1x16xf32>,
      %swap3A_74 = vector.shape_cast %swap3A_73 : vector<1x16xf32> to vector<16xf32>
      %swap3A_75 = vector.shape_cast %broadcast_in_dim3A_0 : vector<16xf32> to vector<1x16xf32>
      tpu.vector_store %arg10[%swap3A_71, %swap3A_72], %swap3A_75 {strides = array<i32>} : memref<128x128xf32, #tpu.memory_space<vmem>>, vector<1x16xf32>,
      %swap3A_76 = arith.index_cast %add3A_46 : i32 to index
      %swap3A_77 = arith.constant 96 : index
      %swap3A_78 = tpu.vector_load %arg10[%swap3A_76, %swap3A_77] {strides = array<i32>} : memref<128x128xf32, #tpu.memory_space<vmem>>, vector<1x16xf32>,
      %swap3A_79 = vector.shape_cast %swap3A_78 : vector<1x16xf32> to vector<16xf32>
      %swap3A_80 = vector.shape_cast %broadcast_in_dim3A_0 : vector<16xf32> to vector<1x16xf32>
      tpu.vector_store %arg10[%swap3A_76, %swap3A_77], %swap3A_80 {strides = array<i32>} : memref<128x128xf32, #tpu.memory_space<vmem>>, vector<1x16xf32>,
      %swap3A_81 = arith.index_cast %add3A_46 : i32 to index
      %swap3A_82 = arith.constant 112 : index
      %swap3A_83 = tpu.vector_load %arg10[%swap3A_81, %swap3A_82] {strides = array<i32>} : memref<128x128xf32, #tpu.memory_space<vmem>>, vector<1x16xf32>,
      %swap3A_84 = vector.shape_cast %swap3A_83 : vector<1x16xf32> to vector<16xf32>
      %swap3A_85 = vector.shape_cast %broadcast_in_dim3A_0 : vector<16xf32> to vector<1x16xf32>
      tpu.vector_store %arg10[%swap3A_81, %swap3A_82], %swap3A_85 {strides = array<i32>} : memref<128x128xf32, #tpu.memory_space<vmem>>, vector<1x16xf32>,
    }
    %scan3A_4 = arith.constant 128 : i32
    %mul3A = arith.constant 640 : i32
    %mul3A_5 = arith.muli %arg1, %mul3A : i32
    %add3A = arith.constant 0 : i32
    %add3A_6 = arith.addi %mul3A_5, %add3A : i32
    "tpu.region"() ({
      %run_scoped3A = tpu.sem_alloc : memref<!tpu.dma_semaphore, #tpu.memory_space<semaphore_mem>>
      %dma_start3A = arith.constant 0 : i32
      %dma_start3A_42 = tpu.memref_slice %arg12[%add3A_6, %dma_start3A] : memref<10240x128xf32, #tpu.memory_space<vmem_shared>> -> memref<128x128xf32, #tpu.memory_space<vmem_shared>>
      %dma_start3A_43 = arith.constant 0 : i32
      %dma_start3A_44 = tpu.memref_slice %arg12[%add3A_6, %dma_start3A_43] : memref<10240x128xf32, #tpu.memory_space<vmem_shared>> -> memref<128x128xf32, #tpu.memory_space<vmem_shared>>
      tpu.enqueue_dma source(%arg10 : memref<128x128xf32, #tpu.memory_space<vmem>>) target(%dma_start3A_44 : memref<128x128xf32, #tpu.memory_space<vmem_shared>>) target_semaphore(%run_scoped3A : memref<!tpu.dma_semaphore, #tpu.memory_space<semaphore_mem>>)
      %dma_wait3A = arith.constant 0 : i32
      %dma_wait3A_45 = tpu.memref_slice %arg12[%add3A_6, %dma_wait3A] : memref<10240x128xf32, #tpu.memory_space<vmem_shared>> -> memref<128x128xf32, #tpu.memory_space<vmem_shared>>
      %dma_wait3A_46 = arith.constant 0 : i32
      %dma_wait3A_47 = tpu.memref_slice %arg12[%add3A_6, %dma_wait3A_46] : memref<10240x128xf32, #tpu.memory_space<vmem_shared>> -> memref<128x128xf32, #tpu.memory_space<vmem_shared>>
      tpu.wait_dma2 semaphore(%run_scoped3A : memref<!tpu.dma_semaphore, #tpu.memory_space<semaphore_mem>>) src(%arg10 : memref<128x128xf32, #tpu.memory_space<vmem>>) dst(%dma_wait3A_47 : memref<128x128xf32, #tpu.memory_space<vmem_shared>>)
      tpu.yield
    }) : () -> ()
    %mul3A_7 = arith.constant 640 : i32
    %mul3A_8 = arith.muli %arg1, %mul3A_7 : i32
    %add3A_9 = arith.constant 128 : i32
    %add3A_10 = arith.addi %mul3A_8, %add3A_9 : i32
    "tpu.region"() ({
      %run_scoped3A = tpu.sem_alloc : memref<!tpu.dma_semaphore, #tpu.memory_space<semaphore_mem>>
      %dma_start3A = arith.constant 0 : i32
      %dma_start3A_42 = tpu.memref_slice %arg12[%add3A_10, %dma_start3A] : memref<10240x128xf32, #tpu.memory_space<vmem_shared>> -> memref<128x128xf32, #tpu.memory_space<vmem_shared>>
      %dma_start3A_43 = arith.constant 0 : i32
      %dma_start3A_44 = tpu.memref_slice %arg12[%add3A_10, %dma_start3A_43] : memref<10240x128xf32, #tpu.memory_space<vmem_shared>> -> memref<128x128xf32, #tpu.memory_space<vmem_shared>>
      tpu.enqueue_dma source(%arg10 : memref<128x128xf32, #tpu.memory_space<vmem>>) target(%dma_start3A_44 : memref<128x128xf32, #tpu.memory_space<vmem_shared>>) target_semaphore(%run_scoped3A : memref<!tpu.dma_semaphore, #tpu.memory_space<semaphore_mem>>)
      %dma_wait3A = arith.constant 0 : i32
      %dma_wait3A_45 = tpu.memref_slice %arg12[%add3A_10, %dma_wait3A] : memref<10240x128xf32, #tpu.memory_space<vmem_shared>> -> memref<128x128xf32, #tpu.memory_space<vmem_shared>>
      %dma_wait3A_46 = arith.constant 0 : i32
      %dma_wait3A_47 = tpu.memref_slice %arg12[%add3A_10, %dma_wait3A_46] : memref<10240x128xf32, #tpu.memory_space<vmem_shared>> -> memref<128x128xf32, #tpu.memory_space<vmem_shared>>
      tpu.wait_dma2 semaphore(%run_scoped3A : memref<!tpu.dma_semaphore, #tpu.memory_space<semaphore_mem>>) src(%arg10 : memref<128x128xf32, #tpu.memory_space<vmem>>) dst(%dma_wait3A_47 : memref<128x128xf32, #tpu.memory_space<vmem_shared>>)
      tpu.yield
    }) : () -> ()
    %mul3A_11 = arith.constant 640 : i32
    %mul3A_12 = arith.muli %arg1, %mul3A_11 : i32
    %add3A_13 = arith.constant 256 : i32
    %add3A_14 = arith.addi %mul3A_12, %add3A_13 : i32
    "tpu.region"() ({
      %run_scoped3A = tpu.sem_alloc : memref<!tpu.dma_semaphore, #tpu.memory_space<semaphore_mem>>
      %dma_start3A = arith.constant 0 : i32
      %dma_start3A_42 = tpu.memref_slice %arg12[%add3A_14, %dma_start3A] : memref<10240x128xf32, #tpu.memory_space<vmem_shared>> -> memref<128x128xf32, #tpu.memory_space<vmem_shared>>
      %dma_start3A_43 = arith.constant 0 : i32
      %dma_start3A_44 = tpu.memref_slice %arg12[%add3A_14, %dma_start3A_43] : memref<10240x128xf32, #tpu.memory_space<vmem_shared>> -> memref<128x128xf32, #tpu.memory_space<vmem_shared>>
      tpu.enqueue_dma source(%arg10 : memref<128x128xf32, #tpu.memory_space<vmem>>) target(%dma_start3A_44 : memref<128x128xf32, #tpu.memory_space<vmem_shared>>) target_semaphore(%run_scoped3A : memref<!tpu.dma_semaphore, #tpu.memory_space<semaphore_mem>>)
      %dma_wait3A = arith.constant 0 : i32
      %dma_wait3A_45 = tpu.memref_slice %arg12[%add3A_14, %dma_wait3A] : memref<10240x128xf32, #tpu.memory_space<vmem_shared>> -> memref<128x128xf32, #tpu.memory_space<vmem_shared>>
      %dma_wait3A_46 = arith.constant 0 : i32
      %dma_wait3A_47 = tpu.memref_slice %arg12[%add3A_14, %dma_wait3A_46] : memref<10240x128xf32, #tpu.memory_space<vmem_shared>> -> memref<128x128xf32, #tpu.memory_space<vmem_shared>>
      tpu.wait_dma2 semaphore(%run_scoped3A : memref<!tpu.dma_semaphore, #tpu.memory_space<semaphore_mem>>) src(%arg10 : memref<128x128xf32, #tpu.memory_space<vmem>>) dst(%dma_wait3A_47 : memref<128x128xf32, #tpu.memory_space<vmem_shared>>)
      tpu.yield
    }) : () -> ()
    %mul3A_15 = arith.constant 640 : i32
    %mul3A_16 = arith.muli %arg1, %mul3A_15 : i32
    %add3A_17 = arith.constant 384 : i32
    %add3A_18 = arith.addi %mul3A_16, %add3A_17 : i32
    "tpu.region"() ({
      %run_scoped3A = tpu.sem_alloc : memref<!tpu.dma_semaphore, #tpu.memory_space<semaphore_mem>>
      %dma_start3A = arith.constant 0 : i32
      %dma_start3A_42 = tpu.memref_slice %arg12[%add3A_18, %dma_start3A] : memref<10240x128xf32, #tpu.memory_space<vmem_shared>> -> memref<128x128xf32, #tpu.memory_space<vmem_shared>>
      %dma_start3A_43 = arith.constant 0 : i32
      %dma_start3A_44 = tpu.memref_slice %arg12[%add3A_18, %dma_start3A_43] : memref<10240x128xf32, #tpu.memory_space<vmem_shared>> -> memref<128x128xf32, #tpu.memory_space<vmem_shared>>
      tpu.enqueue_dma source(%arg10 : memref<128x128xf32, #tpu.memory_space<vmem>>) target(%dma_start3A_44 : memref<128x128xf32, #tpu.memory_space<vmem_shared>>) target_semaphore(%run_scoped3A : memref<!tpu.dma_semaphore, #tpu.memory_space<semaphore_mem>>)
      %dma_wait3A = arith.constant 0 : i32
      %dma_wait3A_45 = tpu.memref_slice %arg12[%add3A_18, %dma_wait3A] : memref<10240x128xf32, #tpu.memory_space<vmem_shared>> -> memref<128x128xf32, #tpu.memory_space<vmem_shared>>
      %dma_wait3A_46 = arith.constant 0 : i32
      %dma_wait3A_47 = tpu.memref_slice %arg12[%add3A_18, %dma_wait3A_46] : memref<10240x128xf32, #tpu.memory_space<vmem_shared>> -> memref<128x128xf32, #tpu.memory_space<vmem_shared>>
      tpu.wait_dma2 semaphore(%run_scoped3A : memref<!tpu.dma_semaphore, #tpu.memory_space<semaphore_mem>>) src(%arg10 : memref<128x128xf32, #tpu.memory_space<vmem>>) dst(%dma_wait3A_47 : memref<128x128xf32, #tpu.memory_space<vmem_shared>>)
      tpu.yield
    }) : () -> ()
    %mul3A_19 = arith.constant 640 : i32
    %mul3A_20 = arith.muli %arg1, %mul3A_19 : i32
    %add3A_21 = arith.constant 512 : i32
    %add3A_22 = arith.addi %mul3A_20, %add3A_21 : i32
    "tpu.region"() ({
      %run_scoped3A = tpu.sem_alloc : memref<!tpu.dma_semaphore, #tpu.memory_space<semaphore_mem>>
      %dma_start3A = arith.constant 0 : i32
      %dma_start3A_42 = tpu.memref_slice %arg12[%add3A_22, %dma_start3A] : memref<10240x128xf32, #tpu.memory_space<vmem_shared>> -> memref<128x128xf32, #tpu.memory_space<vmem_shared>>
      %dma_start3A_43 = arith.constant 0 : i32
      %dma_start3A_44 = tpu.memref_slice %arg12[%add3A_22, %dma_start3A_43] : memref<10240x128xf32, #tpu.memory_space<vmem_shared>> -> memref<128x128xf32, #tpu.memory_space<vmem_shared>>
      tpu.enqueue_dma source(%arg10 : memref<128x128xf32, #tpu.memory_space<vmem>>) target(%dma_start3A_44 : memref<128x128xf32, #tpu.memory_space<vmem_shared>>) target_semaphore(%run_scoped3A : memref<!tpu.dma_semaphore, #tpu.memory_space<semaphore_mem>>)
      %dma_wait3A = arith.constant 0 : i32
      %dma_wait3A_45 = tpu.memref_slice %arg12[%add3A_22, %dma_wait3A] : memref<10240x128xf32, #tpu.memory_space<vmem_shared>> -> memref<128x128xf32, #tpu.memory_space<vmem_shared>>
      %dma_wait3A_46 = arith.constant 0 : i32
      %dma_wait3A_47 = tpu.memref_slice %arg12[%add3A_22, %dma_wait3A_46] : memref<10240x128xf32, #tpu.memory_space<vmem_shared>> -> memref<128x128xf32, #tpu.memory_space<vmem_shared>>
      tpu.wait_dma2 semaphore(%run_scoped3A : memref<!tpu.dma_semaphore, #tpu.memory_space<semaphore_mem>>) src(%arg10 : memref<128x128xf32, #tpu.memory_space<vmem>>) dst(%dma_wait3A_47 : memref<128x128xf32, #tpu.memory_space<vmem_shared>>)
      tpu.yield
    }) : () -> ()
    %eq3A = arith.constant 0 : i32
    %eq3A_23 = arith.cmpi eq, %arg0, %eq3A : i32
    %convert_element_type3A = arith.extui %eq3A_23 : i1 to i32
    %cond3A = arith.constant 0 : i32
    %cond3A_24 = arith.cmpi ne, %convert_element_type3A, %cond3A : i32
    scf.if %cond3A_24 {
      "tpu.region"() ({
        %run_scoped3A = tpu.sem_alloc : memref<!tpu.dma_semaphore, #tpu.memory_space<semaphore_mem>>
        %dma_start3A_163 = arith.constant 0 : i32
        %dma_start3A_164 = arith.constant 0 : i32
        %dma_start3A_165 = tpu.memref_slice %arg2[%arg1, %dma_start3A_163, %dma_start3A_164] : memref<16x80x128xi32, #tpu.memory_space<hbm>> -> memref<1x40x128xi32, #tpu.memory_space<hbm>>
        %dma_start3A_166 = tpu.memref_squeeze %dma_start3A_165 : memref<1x40x128xi32, #tpu.memory_space<hbm>> -> memref<40x128xi32, #tpu.memory_space<hbm>>
        %dma_start3A_167 = arith.constant 0 : i32
        %dma_start3A_168 = arith.constant 0 : i32
        %dma_start3A_169 = tpu.memref_slice %arg2[%arg1, %dma_start3A_167, %dma_start3A_168] : memref<16x80x128xi32, #tpu.memory_space<hbm>> -> memref<1x40x128xi32, #tpu.memory_space<hbm>>
        %dma_start3A_170 = tpu.memref_squeeze %dma_start3A_169 : memref<1x40x128xi32, #tpu.memory_space<hbm>> -> memref<40x128xi32, #tpu.memory_space<hbm>>
        tpu.enqueue_dma source(%dma_start3A_170 : memref<40x128xi32, #tpu.memory_space<hbm>>) target(%arg8 : memref<40x128xi32, #tpu.memory_space<vmem>>) target_semaphore(%run_scoped3A : memref<!tpu.dma_semaphore, #tpu.memory_space<semaphore_mem>>)
        %dma_wait3A_171 = arith.constant 0 : i32
        %dma_wait3A_172 = arith.constant 0 : i32
        %dma_wait3A_173 = tpu.memref_slice %arg2[%arg1, %dma_wait3A_171, %dma_wait3A_172] : memref<16x80x128xi32, #tpu.memory_space<hbm>> -> memref<1x40x128xi32, #tpu.memory_space<hbm>>
        %dma_wait3A_174 = tpu.memref_squeeze %dma_wait3A_173 : memref<1x40x128xi32, #tpu.memory_space<hbm>> -> memref<40x128xi32, #tpu.memory_space<hbm>>
        %dma_wait3A_175 = arith.constant 0 : i32
        %dma_wait3A_176 = arith.constant 0 : i32
        %dma_wait3A_177 = tpu.memref_slice %arg2[%arg1, %dma_wait3A_175, %dma_wait3A_176] : memref<16x80x128xi32, #tpu.memory_space<hbm>> -> memref<1x40x128xi32, #tpu.memory_space<hbm>>
        %dma_wait3A_178 = tpu.memref_squeeze %dma_wait3A_177 : memref<1x40x128xi32, #tpu.memory_space<hbm>> -> memref<40x128xi32, #tpu.memory_space<hbm>>
        tpu.wait_dma2 semaphore(%run_scoped3A : memref<!tpu.dma_semaphore, #tpu.memory_space<semaphore_mem>>) src(%dma_wait3A_178 : memref<40x128xi32, #tpu.memory_space<hbm>>) dst(%arg8 : memref<40x128xi32, #tpu.memory_space<vmem>>)
        tpu.yield
      }) : () -> ()
      "tpu.region"() ({
        %run_scoped3A = tpu.sem_alloc : memref<!tpu.dma_semaphore, #tpu.memory_space<semaphore_mem>>
        %dma_start3A_163 = arith.constant 0 : i32
        %dma_start3A_164 = arith.constant 0 : i32
        %dma_start3A_165 = tpu.memref_slice %arg3[%arg1, %dma_start3A_163, %dma_start3A_164] : memref<16x80x128xi32, #tpu.memory_space<hbm>> -> memref<1x40x128xi32, #tpu.memory_space<hbm>>
        %dma_start3A_166 = tpu.memref_squeeze %dma_start3A_165 : memref<1x40x128xi32, #tpu.memory_space<hbm>> -> memref<40x128xi32, #tpu.memory_space<hbm>>
        %dma_start3A_167 = arith.constant 0 : i32
        %dma_start3A_168 = arith.constant 0 : i32
        %dma_start3A_169 = tpu.memref_slice %arg3[%arg1, %dma_start3A_167, %dma_start3A_168] : memref<16x80x128xi32, #tpu.memory_space<hbm>> -> memref<1x40x128xi32, #tpu.memory_space<hbm>>
        %dma_start3A_170 = tpu.memref_squeeze %dma_start3A_169 : memref<1x40x128xi32, #tpu.memory_space<hbm>> -> memref<40x128xi32, #tpu.memory_space<hbm>>
        tpu.enqueue_dma source(%dma_start3A_170 : memref<40x128xi32, #tpu.memory_space<hbm>>) target(%arg9 : memref<40x128xi32, #tpu.memory_space<vmem>>) target_semaphore(%run_scoped3A : memref<!tpu.dma_semaphore, #tpu.memory_space<semaphore_mem>>)
        %dma_wait3A_171 = arith.constant 0 : i32
        %dma_wait3A_172 = arith.constant 0 : i32
        %dma_wait3A_173 = tpu.memref_slice %arg3[%arg1, %dma_wait3A_171, %dma_wait3A_172] : memref<16x80x128xi32, #tpu.memory_space<hbm>> -> memref<1x40x128xi32, #tpu.memory_space<hbm>>
        %dma_wait3A_174 = tpu.memref_squeeze %dma_wait3A_173 : memref<1x40x128xi32, #tpu.memory_space<hbm>> -> memref<40x128xi32, #tpu.memory_space<hbm>>
        %dma_wait3A_175 = arith.constant 0 : i32
        %dma_wait3A_176 = arith.constant 0 : i32
        %dma_wait3A_177 = tpu.memref_slice %arg3[%arg1, %dma_wait3A_175, %dma_wait3A_176] : memref<16x80x128xi32, #tpu.memory_space<hbm>> -> memref<1x40x128xi32, #tpu.memory_space<hbm>>
        %dma_wait3A_178 = tpu.memref_squeeze %dma_wait3A_177 : memref<1x40x128xi32, #tpu.memory_space<hbm>> -> memref<40x128xi32, #tpu.memory_space<hbm>>
        tpu.wait_dma2 semaphore(%run_scoped3A : memref<!tpu.dma_semaphore, #tpu.memory_space<semaphore_mem>>) src(%dma_wait3A_178 : memref<40x128xi32, #tpu.memory_space<hbm>>) dst(%arg9 : memref<40x128xi32, #tpu.memory_space<vmem>>)
        tpu.yield
      }) : () -> ()
      %dma_start3A = arith.constant 0 : i32
      %dma_start3A_42 = arith.constant 0 : i32
      %dma_start3A_43 = tpu.memref_slice %arg8[%dma_start3A, %dma_start3A_42] : memref<40x128xi32, #tpu.memory_space<vmem>> -> memref<1x128xi32, #tpu.memory_space<vmem>>
      %dma_start3A_44 = tpu.memref_squeeze %dma_start3A_43 : memref<1x128xi32, #tpu.memory_space<vmem>> -> memref<128xi32, #tpu.memory_space<vmem>>
      %dma_start3A_45 = arith.constant 0 : i32
      %dma_start3A_46 = arith.constant 0 : i32
      %dma_start3A_47 = tpu.memref_slice %arg4[%dma_start3A_45, %dma_start3A_46] : memref<10000x128xf32, #tpu.memory_space<hbm>> -> memref<10000x128xf32, #tpu.memory_space<hbm>>
      tpu.enqueue_indirect_dma source(%dma_start3A_47 : memref<10000x128xf32, #tpu.memory_space<hbm>>) target(%arg10 : memref<128x128xf32, #tpu.memory_space<vmem>>) offsets(%dma_start3A_44 : memref<128xi32, #tpu.memory_space<vmem>>) semaphore(%arg13 : memref<!tpu.dma_semaphore, #tpu.memory_space<semaphore_mem>>)
      %dma_start3A_48 = arith.constant 1 : i32
      %dma_start3A_49 = arith.constant 0 : i32
      %dma_start3A_50 = tpu.memref_slice %arg8[%dma_start3A_48, %dma_start3A_49] : memref<40x128xi32, #tpu.memory_space<vmem>> -> memref<1x128xi32, #tpu.memory_space<vmem>>
      %dma_start3A_51 = tpu.memref_squeeze %dma_start3A_50 : memref<1x128xi32, #tpu.memory_space<vmem>> -> memref<128xi32, #tpu.memory_space<vmem>>
      %dma_start3A_52 = arith.constant 0 : i32
      %dma_start3A_53 = arith.constant 0 : i32
      %dma_start3A_54 = tpu.memref_slice %arg4[%dma_start3A_52, %dma_start3A_53] : memref<10000x128xf32, #tpu.memory_space<hbm>> -> memref<10000x128xf32, #tpu.memory_space<hbm>>
      tpu.enqueue_indirect_dma source(%dma_start3A_54 : memref<10000x128xf32, #tpu.memory_space<hbm>>) target(%arg11 : memref<128x128xf32, #tpu.memory_space<vmem>>) offsets(%dma_start3A_51 : memref<128xi32, #tpu.memory_space<vmem>>) semaphore(%arg14 : memref<!tpu.dma_semaphore, #tpu.memory_space<semaphore_mem>>)
      %barrier3A_55 = arith.constant 0 : index
      tpu.barrier barrier_id(%barrier3A_55)
      %scan3A_56 = arith.constant 0 : i32
      %scan3A_57 = arith.constant 19 : i32
      %scan3A_58 = arith.addi %scan3A_56, %scan3A_57 : i32
      %scan3A_59 = arith.constant 1 : i32
      scf.for %scan3A_163 = %scan3A_56 to %scan3A_58 step %scan3A_59  : i32 {
        %mul3A_164 = arith.constant 2 : i32
        %mul3A_165 = arith.muli %scan3A_163, %mul3A_164 : i32
        %add3A_166 = arith.constant 0 : i32
        %add3A_167 = arith.addi %add3A_166, %mul3A_165 : i32
        %add3A_168 = arith.constant 0 : i32
        %add3A_169 = arith.addi %add3A_167, %add3A_168 : i32
        %dma_wait3A_170 = arith.constant 0 : i32
        %dma_wait3A_171 = tpu.memref_slice %arg8[%add3A_169, %dma_wait3A_170] : memref<40x128xi32, #tpu.memory_space<vmem>> -> memref<1x128xi32, #tpu.memory_space<vmem>>
        %dma_wait3A_172 = tpu.memref_squeeze %dma_wait3A_171 : memref<1x128xi32, #tpu.memory_space<vmem>> -> memref<128xi32, #tpu.memory_space<vmem>>
        %dma_wait3A_173 = arith.constant 0 : i32
        %dma_wait3A_174 = arith.constant 0 : i32
        %dma_wait3A_175 = tpu.memref_slice %arg4[%dma_wait3A_173, %dma_wait3A_174] : memref<10000x128xf32, #tpu.memory_space<hbm>> -> memref<10000x128xf32, #tpu.memory_space<hbm>>
        tpu.wait_indirect_dma semaphore(%arg13 : memref<!tpu.dma_semaphore, #tpu.memory_space<semaphore_mem>>) src(%dma_wait3A_175 : memref<10000x128xf32, #tpu.memory_space<hbm>>) dst(%arg10 : memref<128x128xf32, #tpu.memory_space<vmem>>)
        %dma_start3A_176 = arith.constant 0 : i32
        %dma_start3A_177 = tpu.memref_slice %arg9[%add3A_169, %dma_start3A_176] : memref<40x128xi32, #tpu.memory_space<vmem>> -> memref<1x128xi32, #tpu.memory_space<vmem>>
        %dma_start3A_178 = tpu.memref_squeeze %dma_start3A_177 : memref<1x128xi32, #tpu.memory_space<vmem>> -> memref<128xi32, #tpu.memory_space<vmem>>
        %dma_start3A_179 = arith.constant 0 : i32
        %dma_start3A_180 = arith.constant 0 : i32
        %dma_start3A_181 = tpu.memref_slice %arg12[%dma_start3A_179, %dma_start3A_180] : memref<10240x128xf32, #tpu.memory_space<vmem_shared>> -> memref<10240x128xf32, #tpu.memory_space<vmem_shared>>
        tpu.enqueue_indirect_dma source(%arg10 : memref<128x128xf32, #tpu.memory_space<vmem>>) target(%dma_start3A_181 : memref<10240x128xf32, #tpu.memory_space<vmem_shared>>) offsets(%dma_start3A_178 : memref<128xi32, #tpu.memory_space<vmem>>) semaphore(%arg15 : memref<!tpu.dma_semaphore, #tpu.memory_space<semaphore_mem>>) {add = true}
        %dma_wait3A_182 = arith.constant 0 : i32
        %dma_wait3A_183 = tpu.memref_slice %arg9[%add3A_169, %dma_wait3A_182] : memref<40x128xi32, #tpu.memory_space<vmem>> -> memref<1x128xi32, #tpu.memory_space<vmem>>
        %dma_wait3A_184 = tpu.memref_squeeze %dma_wait3A_183 : memref<1x128xi32, #tpu.memory_space<vmem>> -> memref<128xi32, #tpu.memory_space<vmem>>
        %dma_wait3A_185 = arith.constant 0 : i32
        %dma_wait3A_186 = arith.constant 0 : i32
        %dma_wait3A_187 = tpu.memref_slice %arg12[%dma_wait3A_185, %dma_wait3A_186] : memref<10240x128xf32, #tpu.memory_space<vmem_shared>> -> memref<10240x128xf32, #tpu.memory_space<vmem_shared>>
        tpu.wait_indirect_dma semaphore(%arg15 : memref<!tpu.dma_semaphore, #tpu.memory_space<semaphore_mem>>) src(%arg10 : memref<128x128xf32, #tpu.memory_space<vmem>>) dst(%dma_wait3A_187 : memref<10240x128xf32, #tpu.memory_space<vmem_shared>>)
        %add3A_188 = arith.constant 2 : i32
        %add3A_189 = arith.addi %add3A_169, %add3A_188 : i32
        %dma_start3A_190 = arith.constant 0 : i32
        %dma_start3A_191 = tpu.memref_slice %arg8[%add3A_189, %dma_start3A_190] : memref<40x128xi32, #tpu.memory_space<vmem>> -> memref<1x128xi32, #tpu.memory_space<vmem>>
        %dma_start3A_192 = tpu.memref_squeeze %dma_start3A_191 : memref<1x128xi32, #tpu.memory_space<vmem>> -> memref<128xi32, #tpu.memory_space<vmem>>
        %dma_start3A_193 = arith.constant 0 : i32
        %dma_start3A_194 = arith.constant 0 : i32
        %dma_start3A_195 = tpu.memref_slice %arg4[%dma_start3A_193, %dma_start3A_194] : memref<10000x128xf32, #tpu.memory_space<hbm>> -> memref<10000x128xf32, #tpu.memory_space<hbm>>
        tpu.enqueue_indirect_dma source(%dma_start3A_195 : memref<10000x128xf32, #tpu.memory_space<hbm>>) target(%arg10 : memref<128x128xf32, #tpu.memory_space<vmem>>) offsets(%dma_start3A_192 : memref<128xi32, #tpu.memory_space<vmem>>) semaphore(%arg13 : memref<!tpu.dma_semaphore, #tpu.memory_space<semaphore_mem>>)
        %add3A_196 = arith.constant 1 : i32
        %add3A_197 = arith.addi %add3A_167, %add3A_196 : i32
        %dma_wait3A_198 = arith.constant 0 : i32
        %dma_wait3A_199 = tpu.memref_slice %arg8[%add3A_197, %dma_wait3A_198] : memref<40x128xi32, #tpu.memory_space<vmem>> -> memref<1x128xi32, #tpu.memory_space<vmem>>
        %dma_wait3A_200 = tpu.memref_squeeze %dma_wait3A_199 : memref<1x128xi32, #tpu.memory_space<vmem>> -> memref<128xi32, #tpu.memory_space<vmem>>
        %dma_wait3A_201 = arith.constant 0 : i32
        %dma_wait3A_202 = arith.constant 0 : i32
        %dma_wait3A_203 = tpu.memref_slice %arg4[%dma_wait3A_201, %dma_wait3A_202] : memref<10000x128xf32, #tpu.memory_space<hbm>> -> memref<10000x128xf32, #tpu.memory_space<hbm>>
        tpu.wait_indirect_dma semaphore(%arg14 : memref<!tpu.dma_semaphore, #tpu.memory_space<semaphore_mem>>) src(%dma_wait3A_203 : memref<10000x128xf32, #tpu.memory_space<hbm>>) dst(%arg11 : memref<128x128xf32, #tpu.memory_space<vmem>>)
        %dma_start3A_204 = arith.constant 0 : i32
        %dma_start3A_205 = tpu.memref_slice %arg9[%add3A_197, %dma_start3A_204] : memref<40x128xi32, #tpu.memory_space<vmem>> -> memref<1x128xi32, #tpu.memory_space<vmem>>
        %dma_start3A_206 = tpu.memref_squeeze %dma_start3A_205 : memref<1x128xi32, #tpu.memory_space<vmem>> -> memref<128xi32, #tpu.memory_space<vmem>>
        %dma_start3A_207 = arith.constant 0 : i32
        %dma_start3A_208 = arith.constant 0 : i32
        %dma_start3A_209 = tpu.memref_slice %arg12[%dma_start3A_207, %dma_start3A_208] : memref<10240x128xf32, #tpu.memory_space<vmem_shared>> -> memref<10240x128xf32, #tpu.memory_space<vmem_shared>>
        tpu.enqueue_indirect_dma source(%arg11 : memref<128x128xf32, #tpu.memory_space<vmem>>) target(%dma_start3A_209 : memref<10240x128xf32, #tpu.memory_space<vmem_shared>>) offsets(%dma_start3A_206 : memref<128xi32, #tpu.memory_space<vmem>>) semaphore(%arg16 : memref<!tpu.dma_semaphore, #tpu.memory_space<semaphore_mem>>) {add = true}
        %dma_wait3A_210 = arith.constant 0 : i32
        %dma_wait3A_211 = tpu.memref_slice %arg9[%add3A_197, %dma_wait3A_210] : memref<40x128xi32, #tpu.memory_space<vmem>> -> memref<1x128xi32, #tpu.memory_space<vmem>>
        %dma_wait3A_212 = tpu.memref_squeeze %dma_wait3A_211 : memref<1x128xi32, #tpu.memory_space<vmem>> -> memref<128xi32, #tpu.memory_space<vmem>>
        %dma_wait3A_213 = arith.constant 0 : i32
        %dma_wait3A_214 = arith.constant 0 : i32
        %dma_wait3A_215 = tpu.memref_slice %arg12[%dma_wait3A_213, %dma_wait3A_214] : memref<10240x128xf32, #tpu.memory_space<vmem_shared>> -> memref<10240x128xf32, #tpu.memory_space<vmem_shared>>
        tpu.wait_indirect_dma semaphore(%arg16 : memref<!tpu.dma_semaphore, #tpu.memory_space<semaphore_mem>>) src(%arg11 : memref<128x128xf32, #tpu.memory_space<vmem>>) dst(%dma_wait3A_215 : memref<10240x128xf32, #tpu.memory_space<vmem_shared>>)
        %add3A_216 = arith.constant 2 : i32
        %add3A_217 = arith.addi %add3A_197, %add3A_216 : i32
        %dma_start3A_218 = arith.constant 0 : i32
        %dma_start3A_219 = tpu.memref_slice %arg8[%add3A_217, %dma_start3A_218] : memref<40x128xi32, #tpu.memory_space<vmem>> -> memref<1x128xi32, #tpu.memory_space<vmem>>
        %dma_start3A_220 = tpu.memref_squeeze %dma_start3A_219 : memref<1x128xi32, #tpu.memory_space<vmem>> -> memref<128xi32, #tpu.memory_space<vmem>>
        %dma_start3A_221 = arith.constant 0 : i32
        %dma_start3A_222 = arith.constant 0 : i32
        %dma_start3A_223 = tpu.memref_slice %arg4[%dma_start3A_221, %dma_start3A_222] : memref<10000x128xf32, #tpu.memory_space<hbm>> -> memref<10000x128xf32, #tpu.memory_space<hbm>>
        tpu.enqueue_indirect_dma source(%dma_start3A_223 : memref<10000x128xf32, #tpu.memory_space<hbm>>) target(%arg11 : memref<128x128xf32, #tpu.memory_space<vmem>>) offsets(%dma_start3A_220 : memref<128xi32, #tpu.memory_space<vmem>>) semaphore(%arg14 : memref<!tpu.dma_semaphore, #tpu.memory_space<semaphore_mem>>)
      }
      %scan3A_60 = arith.constant 19 : i32
      %dma_wait3A = arith.constant 38 : i32
      %dma_wait3A_61 = arith.constant 0 : i32
      %dma_wait3A_62 = tpu.memref_slice %arg8[%dma_wait3A, %dma_wait3A_61] : memref<40x128xi32, #tpu.memory_space<vmem>> -> memref<1x128xi32, #tpu.memory_space<vmem>>
      %dma_wait3A_63 = tpu.memref_squeeze %dma_wait3A_62 : memref<1x128xi32, #tpu.memory_space<vmem>> -> memref<128xi32, #tpu.memory_space<vmem>>
      %dma_wait3A_64 = arith.constant 0 : i32
      %dma_wait3A_65 = arith.constant 0 : i32
      %dma_wait3A_66 = tpu.memref_slice %arg4[%dma_wait3A_64, %dma_wait3A_65] : memref<10000x128xf32, #tpu.memory_space<hbm>> -> memref<10000x128xf32, #tpu.memory_space<hbm>>
      tpu.wait_indirect_dma semaphore(%arg13 : memref<!tpu.dma_semaphore, #tpu.memory_space<semaphore_mem>>) src(%dma_wait3A_66 : memref<10000x128xf32, #tpu.memory_space<hbm>>) dst(%arg10 : memref<128x128xf32, #tpu.memory_space<vmem>>)
      %dma_start3A_67 = arith.constant 38 : i32
      %dma_start3A_68 = arith.constant 0 : i32
      %dma_start3A_69 = tpu.memref_slice %arg9[%dma_start3A_67, %dma_start3A_68] : memref<40x128xi32, #tpu.memory_space<vmem>> -> memref<1x128xi32, #tpu.memory_space<vmem>>
      %dma_start3A_70 = tpu.memref_squeeze %dma_start3A_69 : memref<1x128xi32, #tpu.memory_space<vmem>> -> memref<128xi32, #tpu.memory_space<vmem>>
      %dma_start3A_71 = arith.constant 0 : i32
      %dma_start3A_72 = arith.constant 0 : i32
      %dma_start3A_73 = tpu.memref_slice %arg12[%dma_start3A_71, %dma_start3A_72] : memref<10240x128xf32, #tpu.memory_space<vmem_shared>> -> memref<10240x128xf32, #tpu.memory_space<vmem_shared>>
      tpu.enqueue_indirect_dma source(%arg10 : memref<128x128xf32, #tpu.memory_space<vmem>>) target(%dma_start3A_73 : memref<10240x128xf32, #tpu.memory_space<vmem_shared>>) offsets(%dma_start3A_70 : memref<128xi32, #tpu.memory_space<vmem>>) semaphore(%arg15 : memref<!tpu.dma_semaphore, #tpu.memory_space<semaphore_mem>>) {add = true}
      %dma_wait3A_74 = arith.constant 39 : i32
      %dma_wait3A_75 = arith.constant 0 : i32
      %dma_wait3A_76 = tpu.memref_slice %arg8[%dma_wait3A_74, %dma_wait3A_75] : memref<40x128xi32, #tpu.memory_space<vmem>> -> memref<1x128xi32, #tpu.memory_space<vmem>>
      %dma_wait3A_77 = tpu.memref_squeeze %dma_wait3A_76 : memref<1x128xi32, #tpu.memory_space<vmem>> -> memref<128xi32, #tpu.memory_space<vmem>>
      %dma_wait3A_78 = arith.constant 0 : i32
      %dma_wait3A_79 = arith.constant 0 : i32
      %dma_wait3A_80 = tpu.memref_slice %arg4[%dma_wait3A_78, %dma_wait3A_79] : memref<10000x128xf32, #tpu.memory_space<hbm>> -> memref<10000x128xf32, #tpu.memory_space<hbm>>
      tpu.wait_indirect_dma semaphore(%arg14 : memref<!tpu.dma_semaphore, #tpu.memory_space<semaphore_mem>>) src(%dma_wait3A_80 : memref<10000x128xf32, #tpu.memory_space<hbm>>) dst(%arg11 : memref<128x128xf32, #tpu.memory_space<vmem>>)
      %dma_start3A_81 = arith.constant 39 : i32
      %dma_start3A_82 = arith.constant 0 : i32
      %dma_start3A_83 = tpu.memref_slice %arg9[%dma_start3A_81, %dma_start3A_82] : memref<40x128xi32, #tpu.memory_space<vmem>> -> memref<1x128xi32, #tpu.memory_space<vmem>>
      %dma_start3A_84 = tpu.memref_squeeze %dma_start3A_83 : memref<1x128xi32, #tpu.memory_space<vmem>> -> memref<128xi32, #tpu.memory_space<vmem>>
      %dma_start3A_85 = arith.constant 0 : i32
      %dma_start3A_86 = arith.constant 0 : i32
      %dma_start3A_87 = tpu.memref_slice %arg12[%dma_start3A_85, %dma_start3A_86] : memref<10240x128xf32, #tpu.memory_space<vmem_shared>> -> memref<10240x128xf32, #tpu.memory_space<vmem_shared>>
      tpu.enqueue_indirect_dma source(%arg11 : memref<128x128xf32, #tpu.memory_space<vmem>>) target(%dma_start3A_87 : memref<10240x128xf32, #tpu.memory_space<vmem_shared>>) offsets(%dma_start3A_84 : memref<128xi32, #tpu.memory_space<vmem>>) semaphore(%arg16 : memref<!tpu.dma_semaphore, #tpu.memory_space<semaphore_mem>>) {add = true}
      %dma_wait3A_88 = arith.constant 38 : i32
      %dma_wait3A_89 = arith.constant 0 : i32
      %dma_wait3A_90 = tpu.memref_slice %arg9[%dma_wait3A_88, %dma_wait3A_89] : memref<40x128xi32, #tpu.memory_space<vmem>> -> memref<1x128xi32, #tpu.memory_space<vmem>>
      %dma_wait3A_91 = tpu.memref_squeeze %dma_wait3A_90 : memref<1x128xi32, #tpu.memory_space<vmem>> -> memref<128xi32, #tpu.memory_space<vmem>>
      %dma_wait3A_92 = arith.constant 0 : i32
      %dma_wait3A_93 = arith.constant 0 : i32
      %dma_wait3A_94 = tpu.memref_slice %arg12[%dma_wait3A_92, %dma_wait3A_93] : memref<10240x128xf32, #tpu.memory_space<vmem_shared>> -> memref<10240x128xf32, #tpu.memory_space<vmem_shared>>
      tpu.wait_indirect_dma semaphore(%arg15 : memref<!tpu.dma_semaphore, #tpu.memory_space<semaphore_mem>>) src(%arg10 : memref<128x128xf32, #tpu.memory_space<vmem>>) dst(%dma_wait3A_94 : memref<10240x128xf32, #tpu.memory_space<vmem_shared>>)
      %dma_wait3A_95 = arith.constant 39 : i32
      %dma_wait3A_96 = arith.constant 0 : i32
      %dma_wait3A_97 = tpu.memref_slice %arg9[%dma_wait3A_95, %dma_wait3A_96] : memref<40x128xi32, #tpu.memory_space<vmem>> -> memref<1x128xi32, #tpu.memory_space<vmem>>
      %dma_wait3A_98 = tpu.memref_squeeze %dma_wait3A_97 : memref<1x128xi32, #tpu.memory_space<vmem>> -> memref<128xi32, #tpu.memory_space<vmem>>
      %dma_wait3A_99 = arith.constant 0 : i32
      %dma_wait3A_100 = arith.constant 0 : i32
      %dma_wait3A_101 = tpu.memref_slice %arg12[%dma_wait3A_99, %dma_wait3A_100] : memref<10240x128xf32, #tpu.memory_space<vmem_shared>> -> memref<10240x128xf32, #tpu.memory_space<vmem_shared>>
      tpu.wait_indirect_dma semaphore(%arg16 : memref<!tpu.dma_semaphore, #tpu.memory_space<semaphore_mem>>) src(%arg11 : memref<128x128xf32, #tpu.memory_space<vmem>>) dst(%dma_wait3A_101 : memref<10240x128xf32, #tpu.memory_space<vmem_shared>>)
      "tpu.region"() ({
        %run_scoped3A = tpu.sem_alloc : memref<!tpu.dma_semaphore, #tpu.memory_space<semaphore_mem>>
        %dma_start3A_163 = arith.constant 40 : i32
        %dma_start3A_164 = arith.constant 0 : i32
        %dma_start3A_165 = tpu.memref_slice %arg2[%arg1, %dma_start3A_163, %dma_start3A_164] : memref<16x80x128xi32, #tpu.memory_space<hbm>> -> memref<1x40x128xi32, #tpu.memory_space<hbm>>
        %dma_start3A_166 = tpu.memref_squeeze %dma_start3A_165 : memref<1x40x128xi32, #tpu.memory_space<hbm>> -> memref<40x128xi32, #tpu.memory_space<hbm>>
        %dma_start3A_167 = arith.constant 40 : i32
        %dma_start3A_168 = arith.constant 0 : i32
        %dma_start3A_169 = tpu.memref_slice %arg2[%arg1, %dma_start3A_167, %dma_start3A_168] : memref<16x80x128xi32, #tpu.memory_space<hbm>> -> memref<1x40x128xi32, #tpu.memory_space<hbm>>
        %dma_start3A_170 = tpu.memref_squeeze %dma_start3A_169 : memref<1x40x128xi32, #tpu.memory_space<hbm>> -> memref<40x128xi32, #tpu.memory_space<hbm>>
        tpu.enqueue_dma source(%dma_start3A_170 : memref<40x128xi32, #tpu.memory_space<hbm>>) target(%arg8 : memref<40x128xi32, #tpu.memory_space<vmem>>) target_semaphore(%run_scoped3A : memref<!tpu.dma_semaphore, #tpu.memory_space<semaphore_mem>>)
        %dma_wait3A_171 = arith.constant 40 : i32
        %dma_wait3A_172 = arith.constant 0 : i32
        %dma_wait3A_173 = tpu.memref_slice %arg2[%arg1, %dma_wait3A_171, %dma_wait3A_172] : memref<16x80x128xi32, #tpu.memory_space<hbm>> -> memref<1x40x128xi32, #tpu.memory_space<hbm>>
        %dma_wait3A_174 = tpu.memref_squeeze %dma_wait3A_173 : memref<1x40x128xi32, #tpu.memory_space<hbm>> -> memref<40x128xi32, #tpu.memory_space<hbm>>
        %dma_wait3A_175 = arith.constant 40 : i32
        %dma_wait3A_176 = arith.constant 0 : i32
        %dma_wait3A_177 = tpu.memref_slice %arg2[%arg1, %dma_wait3A_175, %dma_wait3A_176] : memref<16x80x128xi32, #tpu.memory_space<hbm>> -> memref<1x40x128xi32, #tpu.memory_space<hbm>>
        %dma_wait3A_178 = tpu.memref_squeeze %dma_wait3A_177 : memref<1x40x128xi32, #tpu.memory_space<hbm>> -> memref<40x128xi32, #tpu.memory_space<hbm>>
        tpu.wait_dma2 semaphore(%run_scoped3A : memref<!tpu.dma_semaphore, #tpu.memory_space<semaphore_mem>>) src(%dma_wait3A_178 : memref<40x128xi32, #tpu.memory_space<hbm>>) dst(%arg8 : memref<40x128xi32, #tpu.memory_space<vmem>>)
        tpu.yield
      }) : () -> ()
      "tpu.region"() ({
        %run_scoped3A = tpu.sem_alloc : memref<!tpu.dma_semaphore, #tpu.memory_space<semaphore_mem>>
        %dma_start3A_163 = arith.constant 40 : i32
        %dma_start3A_164 = arith.constant 0 : i32
        %dma_start3A_165 = tpu.memref_slice %arg3[%arg1, %dma_start3A_163, %dma_start3A_164] : memref<16x80x128xi32, #tpu.memory_space<hbm>> -> memref<1x40x128xi32, #tpu.memory_space<hbm>>
        %dma_start3A_166 = tpu.memref_squeeze %dma_start3A_165 : memref<1x40x128xi32, #tpu.memory_space<hbm>> -> memref<40x128xi32, #tpu.memory_space<hbm>>
        %dma_start3A_167 = arith.constant 40 : i32
        %dma_start3A_168 = arith.constant 0 : i32
        %dma_start3A_169 = tpu.memref_slice %arg3[%arg1, %dma_start3A_167, %dma_start3A_168] : memref<16x80x128xi32, #tpu.memory_space<hbm>> -> memref<1x40x128xi32, #tpu.memory_space<hbm>>
        %dma_start3A_170 = tpu.memref_squeeze %dma_start3A_169 : memref<1x40x128xi32, #tpu.memory_space<hbm>> -> memref<40x128xi32, #tpu.memory_space<hbm>>
        tpu.enqueue_dma source(%dma_start3A_170 : memref<40x128xi32, #tpu.memory_space<hbm>>) target(%arg9 : memref<40x128xi32, #tpu.memory_space<vmem>>) target_semaphore(%run_scoped3A : memref<!tpu.dma_semaphore, #tpu.memory_space<semaphore_mem>>)
        %dma_wait3A_171 = arith.constant 40 : i32
        %dma_wait3A_172 = arith.constant 0 : i32
        %dma_wait3A_173 = tpu.memref_slice %arg3[%arg1, %dma_wait3A_171, %dma_wait3A_172] : memref<16x80x128xi32, #tpu.memory_space<hbm>> -> memref<1x40x128xi32, #tpu.memory_space<hbm>>
        %dma_wait3A_174 = tpu.memref_squeeze %dma_wait3A_173 : memref<1x40x128xi32, #tpu.memory_space<hbm>> -> memref<40x128xi32, #tpu.memory_space<hbm>>
        %dma_wait3A_175 = arith.constant 40 : i32
        %dma_wait3A_176 = arith.constant 0 : i32
        %dma_wait3A_177 = tpu.memref_slice %arg3[%arg1, %dma_wait3A_175, %dma_wait3A_176] : memref<16x80x128xi32, #tpu.memory_space<hbm>> -> memref<1x40x128xi32, #tpu.memory_space<hbm>>
        %dma_wait3A_178 = tpu.memref_squeeze %dma_wait3A_177 : memref<1x40x128xi32, #tpu.memory_space<hbm>> -> memref<40x128xi32, #tpu.memory_space<hbm>>
        tpu.wait_dma2 semaphore(%run_scoped3A : memref<!tpu.dma_semaphore, #tpu.memory_space<semaphore_mem>>) src(%dma_wait3A_178 : memref<40x128xi32, #tpu.memory_space<hbm>>) dst(%arg9 : memref<40x128xi32, #tpu.memory_space<vmem>>)
        tpu.yield
      }) : () -> ()
      %dma_start3A_102 = arith.constant 0 : i32
      %dma_start3A_103 = arith.constant 0 : i32
      %dma_start3A_104 = tpu.memref_slice %arg8[%dma_start3A_102, %dma_start3A_103] : memref<40x128xi32, #tpu.memory_space<vmem>> -> memref<1x128xi32, #tpu.memory_space<vmem>>
      %dma_start3A_105 = tpu.memref_squeeze %dma_start3A_104 : memref<1x128xi32, #tpu.memory_space<vmem>> -> memref<128xi32, #tpu.memory_space<vmem>>
      %dma_start3A_106 = arith.constant 0 : i32
      %dma_start3A_107 = arith.constant 0 : i32
      %dma_start3A_108 = tpu.memref_slice %arg4[%dma_start3A_106, %dma_start3A_107] : memref<10000x128xf32, #tpu.memory_space<hbm>> -> memref<10000x128xf32, #tpu.memory_space<hbm>>
      tpu.enqueue_indirect_dma source(%dma_start3A_108 : memref<10000x128xf32, #tpu.memory_space<hbm>>) target(%arg10 : memref<128x128xf32, #tpu.memory_space<vmem>>) offsets(%dma_start3A_105 : memref<128xi32, #tpu.memory_space<vmem>>) semaphore(%arg13 : memref<!tpu.dma_semaphore, #tpu.memory_space<semaphore_mem>>)
      %dma_start3A_109 = arith.constant 1 : i32
      %dma_start3A_110 = arith.constant 0 : i32
      %dma_start3A_111 = tpu.memref_slice %arg8[%dma_start3A_109, %dma_start3A_110] : memref<40x128xi32, #tpu.memory_space<vmem>> -> memref<1x128xi32, #tpu.memory_space<vmem>>
      %dma_start3A_112 = tpu.memref_squeeze %dma_start3A_111 : memref<1x128xi32, #tpu.memory_space<vmem>> -> memref<128xi32, #tpu.memory_space<vmem>>
      %dma_start3A_113 = arith.constant 0 : i32
      %dma_start3A_114 = arith.constant 0 : i32
      %dma_start3A_115 = tpu.memref_slice %arg4[%dma_start3A_113, %dma_start3A_114] : memref<10000x128xf32, #tpu.memory_space<hbm>> -> memref<10000x128xf32, #tpu.memory_space<hbm>>
      tpu.enqueue_indirect_dma source(%dma_start3A_115 : memref<10000x128xf32, #tpu.memory_space<hbm>>) target(%arg11 : memref<128x128xf32, #tpu.memory_space<vmem>>) offsets(%dma_start3A_112 : memref<128xi32, #tpu.memory_space<vmem>>) semaphore(%arg14 : memref<!tpu.dma_semaphore, #tpu.memory_space<semaphore_mem>>)
      %scan3A_116 = arith.constant 0 : i32
      %scan3A_117 = arith.constant 19 : i32
      %scan3A_118 = arith.addi %scan3A_116, %scan3A_117 : i32
      %scan3A_119 = arith.constant 1 : i32
      scf.for %scan3A_163 = %scan3A_116 to %scan3A_118 step %scan3A_119  : i32 {
        %mul3A_164 = arith.constant 2 : i32
        %mul3A_165 = arith.muli %scan3A_163, %mul3A_164 : i32
        %add3A_166 = arith.constant 0 : i32
        %add3A_167 = arith.addi %add3A_166, %mul3A_165 : i32
        %add3A_168 = arith.constant 0 : i32
        %add3A_169 = arith.addi %add3A_167, %add3A_168 : i32
        %dma_wait3A_170 = arith.constant 0 : i32
        %dma_wait3A_171 = tpu.memref_slice %arg8[%add3A_169, %dma_wait3A_170] : memref<40x128xi32, #tpu.memory_space<vmem>> -> memref<1x128xi32, #tpu.memory_space<vmem>>
        %dma_wait3A_172 = tpu.memref_squeeze %dma_wait3A_171 : memref<1x128xi32, #tpu.memory_space<vmem>> -> memref<128xi32, #tpu.memory_space<vmem>>
        %dma_wait3A_173 = arith.constant 0 : i32
        %dma_wait3A_174 = arith.constant 0 : i32
        %dma_wait3A_175 = tpu.memref_slice %arg4[%dma_wait3A_173, %dma_wait3A_174] : memref<10000x128xf32, #tpu.memory_space<hbm>> -> memref<10000x128xf32, #tpu.memory_space<hbm>>
        tpu.wait_indirect_dma semaphore(%arg13 : memref<!tpu.dma_semaphore, #tpu.memory_space<semaphore_mem>>) src(%dma_wait3A_175 : memref<10000x128xf32, #tpu.memory_space<hbm>>) dst(%arg10 : memref<128x128xf32, #tpu.memory_space<vmem>>)
        %dma_start3A_176 = arith.constant 0 : i32
        %dma_start3A_177 = tpu.memref_slice %arg9[%add3A_169, %dma_start3A_176] : memref<40x128xi32, #tpu.memory_space<vmem>> -> memref<1x128xi32, #tpu.memory_space<vmem>>
        %dma_start3A_178 = tpu.memref_squeeze %dma_start3A_177 : memref<1x128xi32, #tpu.memory_space<vmem>> -> memref<128xi32, #tpu.memory_space<vmem>>
        %dma_start3A_179 = arith.constant 0 : i32
        %dma_start3A_180 = arith.constant 0 : i32
        %dma_start3A_181 = tpu.memref_slice %arg12[%dma_start3A_179, %dma_start3A_180] : memref<10240x128xf32, #tpu.memory_space<vmem_shared>> -> memref<10240x128xf32, #tpu.memory_space<vmem_shared>>
        tpu.enqueue_indirect_dma source(%arg10 : memref<128x128xf32, #tpu.memory_space<vmem>>) target(%dma_start3A_181 : memref<10240x128xf32, #tpu.memory_space<vmem_shared>>) offsets(%dma_start3A_178 : memref<128xi32, #tpu.memory_space<vmem>>) semaphore(%arg15 : memref<!tpu.dma_semaphore, #tpu.memory_space<semaphore_mem>>) {add = true}
        %dma_wait3A_182 = arith.constant 0 : i32
        %dma_wait3A_183 = tpu.memref_slice %arg9[%add3A_169, %dma_wait3A_182] : memref<40x128xi32, #tpu.memory_space<vmem>> -> memref<1x128xi32, #tpu.memory_space<vmem>>
        %dma_wait3A_184 = tpu.memref_squeeze %dma_wait3A_183 : memref<1x128xi32, #tpu.memory_space<vmem>> -> memref<128xi32, #tpu.memory_space<vmem>>
        %dma_wait3A_185 = arith.constant 0 : i32
        %dma_wait3A_186 = arith.constant 0 : i32
        %dma_wait3A_187 = tpu.memref_slice %arg12[%dma_wait3A_185, %dma_wait3A_186] : memref<10240x128xf32, #tpu.memory_space<vmem_shared>> -> memref<10240x128xf32, #tpu.memory_space<vmem_shared>>
        tpu.wait_indirect_dma semaphore(%arg15 : memref<!tpu.dma_semaphore, #tpu.memory_space<semaphore_mem>>) src(%arg10 : memref<128x128xf32, #tpu.memory_space<vmem>>) dst(%dma_wait3A_187 : memref<10240x128xf32, #tpu.memory_space<vmem_shared>>)
        %add3A_188 = arith.constant 2 : i32
        %add3A_189 = arith.addi %add3A_169, %add3A_188 : i32
        %dma_start3A_190 = arith.constant 0 : i32
        %dma_start3A_191 = tpu.memref_slice %arg8[%add3A_189, %dma_start3A_190] : memref<40x128xi32, #tpu.memory_space<vmem>> -> memref<1x128xi32, #tpu.memory_space<vmem>>
        %dma_start3A_192 = tpu.memref_squeeze %dma_start3A_191 : memref<1x128xi32, #tpu.memory_space<vmem>> -> memref<128xi32, #tpu.memory_space<vmem>>
        %dma_start3A_193 = arith.constant 0 : i32
        %dma_start3A_194 = arith.constant 0 : i32
        %dma_start3A_195 = tpu.memref_slice %arg4[%dma_start3A_193, %dma_start3A_194] : memref<10000x128xf32, #tpu.memory_space<hbm>> -> memref<10000x128xf32, #tpu.memory_space<hbm>>
        tpu.enqueue_indirect_dma source(%dma_start3A_195 : memref<10000x128xf32, #tpu.memory_space<hbm>>) target(%arg10 : memref<128x128xf32, #tpu.memory_space<vmem>>) offsets(%dma_start3A_192 : memref<128xi32, #tpu.memory_space<vmem>>) semaphore(%arg13 : memref<!tpu.dma_semaphore, #tpu.memory_space<semaphore_mem>>)
        %add3A_196 = arith.constant 1 : i32
        %add3A_197 = arith.addi %add3A_167, %add3A_196 : i32
        %dma_wait3A_198 = arith.constant 0 : i32
        %dma_wait3A_199 = tpu.memref_slice %arg8[%add3A_197, %dma_wait3A_198] : memref<40x128xi32, #tpu.memory_space<vmem>> -> memref<1x128xi32, #tpu.memory_space<vmem>>
        %dma_wait3A_200 = tpu.memref_squeeze %dma_wait3A_199 : memref<1x128xi32, #tpu.memory_space<vmem>> -> memref<128xi32, #tpu.memory_space<vmem>>
        %dma_wait3A_201 = arith.constant 0 : i32
        %dma_wait3A_202 = arith.constant 0 : i32
        %dma_wait3A_203 = tpu.memref_slice %arg4[%dma_wait3A_201, %dma_wait3A_202] : memref<10000x128xf32, #tpu.memory_space<hbm>> -> memref<10000x128xf32, #tpu.memory_space<hbm>>
        tpu.wait_indirect_dma semaphore(%arg14 : memref<!tpu.dma_semaphore, #tpu.memory_space<semaphore_mem>>) src(%dma_wait3A_203 : memref<10000x128xf32, #tpu.memory_space<hbm>>) dst(%arg11 : memref<128x128xf32, #tpu.memory_space<vmem>>)
        %dma_start3A_204 = arith.constant 0 : i32
        %dma_start3A_205 = tpu.memref_slice %arg9[%add3A_197, %dma_start3A_204] : memref<40x128xi32, #tpu.memory_space<vmem>> -> memref<1x128xi32, #tpu.memory_space<vmem>>
        %dma_start3A_206 = tpu.memref_squeeze %dma_start3A_205 : memref<1x128xi32, #tpu.memory_space<vmem>> -> memref<128xi32, #tpu.memory_space<vmem>>
        %dma_start3A_207 = arith.constant 0 : i32
        %dma_start3A_208 = arith.constant 0 : i32
        %dma_start3A_209 = tpu.memref_slice %arg12[%dma_start3A_207, %dma_start3A_208] : memref<10240x128xf32, #tpu.memory_space<vmem_shared>> -> memref<10240x128xf32, #tpu.memory_space<vmem_shared>>
        tpu.enqueue_indirect_dma source(%arg11 : memref<128x128xf32, #tpu.memory_space<vmem>>) target(%dma_start3A_209 : memref<10240x128xf32, #tpu.memory_space<vmem_shared>>) offsets(%dma_start3A_206 : memref<128xi32, #tpu.memory_space<vmem>>) semaphore(%arg16 : memref<!tpu.dma_semaphore, #tpu.memory_space<semaphore_mem>>) {add = true}
        %dma_wait3A_210 = arith.constant 0 : i32
        %dma_wait3A_211 = tpu.memref_slice %arg9[%add3A_197, %dma_wait3A_210] : memref<40x128xi32, #tpu.memory_space<vmem>> -> memref<1x128xi32, #tpu.memory_space<vmem>>
        %dma_wait3A_212 = tpu.memref_squeeze %dma_wait3A_211 : memref<1x128xi32, #tpu.memory_space<vmem>> -> memref<128xi32, #tpu.memory_space<vmem>>
        %dma_wait3A_213 = arith.constant 0 : i32
        %dma_wait3A_214 = arith.constant 0 : i32
        %dma_wait3A_215 = tpu.memref_slice %arg12[%dma_wait3A_213, %dma_wait3A_214] : memref<10240x128xf32, #tpu.memory_space<vmem_shared>> -> memref<10240x128xf32, #tpu.memory_space<vmem_shared>>
        tpu.wait_indirect_dma semaphore(%arg16 : memref<!tpu.dma_semaphore, #tpu.memory_space<semaphore_mem>>) src(%arg11 : memref<128x128xf32, #tpu.memory_space<vmem>>) dst(%dma_wait3A_215 : memref<10240x128xf32, #tpu.memory_space<vmem_shared>>)
        %add3A_216 = arith.constant 2 : i32
        %add3A_217 = arith.addi %add3A_197, %add3A_216 : i32
        %dma_start3A_218 = arith.constant 0 : i32
        %dma_start3A_219 = tpu.memref_slice %arg8[%add3A_217, %dma_start3A_218] : memref<40x128xi32, #tpu.memory_space<vmem>> -> memref<1x128xi32, #tpu.memory_space<vmem>>
        %dma_start3A_220 = tpu.memref_squeeze %dma_start3A_219 : memref<1x128xi32, #tpu.memory_space<vmem>> -> memref<128xi32, #tpu.memory_space<vmem>>
        %dma_start3A_221 = arith.constant 0 : i32
        %dma_start3A_222 = arith.constant 0 : i32
        %dma_start3A_223 = tpu.memref_slice %arg4[%dma_start3A_221, %dma_start3A_222] : memref<10000x128xf32, #tpu.memory_space<hbm>> -> memref<10000x128xf32, #tpu.memory_space<hbm>>
        tpu.enqueue_indirect_dma source(%dma_start3A_223 : memref<10000x128xf32, #tpu.memory_space<hbm>>) target(%arg11 : memref<128x128xf32, #tpu.memory_space<vmem>>) offsets(%dma_start3A_220 : memref<128xi32, #tpu.memory_space<vmem>>) semaphore(%arg14 : memref<!tpu.dma_semaphore, #tpu.memory_space<semaphore_mem>>)
      }
      %scan3A_120 = arith.constant 19 : i32
      %dma_wait3A_121 = arith.constant 38 : i32
      %dma_wait3A_122 = arith.constant 0 : i32
      %dma_wait3A_123 = tpu.memref_slice %arg8[%dma_wait3A_121, %dma_wait3A_122] : memref<40x128xi32, #tpu.memory_space<vmem>> -> memref<1x128xi32, #tpu.memory_space<vmem>>
      %dma_wait3A_124 = tpu.memref_squeeze %dma_wait3A_123 : memref<1x128xi32, #tpu.memory_space<vmem>> -> memref<128xi32, #tpu.memory_space<vmem>>
      %dma_wait3A_125 = arith.constant 0 : i32
      %dma_wait3A_126 = arith.constant 0 : i32
      %dma_wait3A_127 = tpu.memref_slice %arg4[%dma_wait3A_125, %dma_wait3A_126] : memref<10000x128xf32, #tpu.memory_space<hbm>> -> memref<10000x128xf32, #tpu.memory_space<hbm>>
      tpu.wait_indirect_dma semaphore(%arg13 : memref<!tpu.dma_semaphore, #tpu.memory_space<semaphore_mem>>) src(%dma_wait3A_127 : memref<10000x128xf32, #tpu.memory_space<hbm>>) dst(%arg10 : memref<128x128xf32, #tpu.memory_space<vmem>>)
      %dma_start3A_128 = arith.constant 38 : i32
      %dma_start3A_129 = arith.constant 0 : i32
      %dma_start3A_130 = tpu.memref_slice %arg9[%dma_start3A_128, %dma_start3A_129] : memref<40x128xi32, #tpu.memory_space<vmem>> -> memref<1x128xi32, #tpu.memory_space<vmem>>
      %dma_start3A_131 = tpu.memref_squeeze %dma_start3A_130 : memref<1x128xi32, #tpu.memory_space<vmem>> -> memref<128xi32, #tpu.memory_space<vmem>>
      %dma_start3A_132 = arith.constant 0 : i32
      %dma_start3A_133 = arith.constant 0 : i32
      %dma_start3A_134 = tpu.memref_slice %arg12[%dma_start3A_132, %dma_start3A_133] : memref<10240x128xf32, #tpu.memory_space<vmem_shared>> -> memref<10240x128xf32, #tpu.memory_space<vmem_shared>>
      tpu.enqueue_indirect_dma source(%arg10 : memref<128x128xf32, #tpu.memory_space<vmem>>) target(%dma_start3A_134 : memref<10240x128xf32, #tpu.memory_space<vmem_shared>>) offsets(%dma_start3A_131 : memref<128xi32, #tpu.memory_space<vmem>>) semaphore(%arg15 : memref<!tpu.dma_semaphore, #tpu.memory_space<semaphore_mem>>) {add = true}
      %dma_wait3A_135 = arith.constant 39 : i32
      %dma_wait3A_136 = arith.constant 0 : i32
      %dma_wait3A_137 = tpu.memref_slice %arg8[%dma_wait3A_135, %dma_wait3A_136] : memref<40x128xi32, #tpu.memory_space<vmem>> -> memref<1x128xi32, #tpu.memory_space<vmem>>
      %dma_wait3A_138 = tpu.memref_squeeze %dma_wait3A_137 : memref<1x128xi32, #tpu.memory_space<vmem>> -> memref<128xi32, #tpu.memory_space<vmem>>
      %dma_wait3A_139 = arith.constant 0 : i32
      %dma_wait3A_140 = arith.constant 0 : i32
      %dma_wait3A_141 = tpu.memref_slice %arg4[%dma_wait3A_139, %dma_wait3A_140] : memref<10000x128xf32, #tpu.memory_space<hbm>> -> memref<10000x128xf32, #tpu.memory_space<hbm>>
      tpu.wait_indirect_dma semaphore(%arg14 : memref<!tpu.dma_semaphore, #tpu.memory_space<semaphore_mem>>) src(%dma_wait3A_141 : memref<10000x128xf32, #tpu.memory_space<hbm>>) dst(%arg11 : memref<128x128xf32, #tpu.memory_space<vmem>>)
      %dma_start3A_142 = arith.constant 39 : i32
      %dma_start3A_143 = arith.constant 0 : i32
      %dma_start3A_144 = tpu.memref_slice %arg9[%dma_start3A_142, %dma_start3A_143] : memref<40x128xi32, #tpu.memory_space<vmem>> -> memref<1x128xi32, #tpu.memory_space<vmem>>
      %dma_start3A_145 = tpu.memref_squeeze %dma_start3A_144 : memref<1x128xi32, #tpu.memory_space<vmem>> -> memref<128xi32, #tpu.memory_space<vmem>>
      %dma_start3A_146 = arith.constant 0 : i32
      %dma_start3A_147 = arith.constant 0 : i32
      %dma_start3A_148 = tpu.memref_slice %arg12[%dma_start3A_146, %dma_start3A_147] : memref<10240x128xf32, #tpu.memory_space<vmem_shared>> -> memref<10240x128xf32, #tpu.memory_space<vmem_shared>>
      tpu.enqueue_indirect_dma source(%arg11 : memref<128x128xf32, #tpu.memory_space<vmem>>) target(%dma_start3A_148 : memref<10240x128xf32, #tpu.memory_space<vmem_shared>>) offsets(%dma_start3A_145 : memref<128xi32, #tpu.memory_space<vmem>>) semaphore(%arg16 : memref<!tpu.dma_semaphore, #tpu.memory_space<semaphore_mem>>) {add = true}
      %dma_wait3A_149 = arith.constant 38 : i32
      %dma_wait3A_150 = arith.constant 0 : i32
      %dma_wait3A_151 = tpu.memref_slice %arg9[%dma_wait3A_149, %dma_wait3A_150] : memref<40x128xi32, #tpu.memory_space<vmem>> -> memref<1x128xi32, #tpu.memory_space<vmem>>
      %dma_wait3A_152 = tpu.memref_squeeze %dma_wait3A_151 : memref<1x128xi32, #tpu.memory_space<vmem>> -> memref<128xi32, #tpu.memory_space<vmem>>
      %dma_wait3A_153 = arith.constant 0 : i32
      %dma_wait3A_154 = arith.constant 0 : i32
      %dma_wait3A_155 = tpu.memref_slice %arg12[%dma_wait3A_153, %dma_wait3A_154] : memref<10240x128xf32, #tpu.memory_space<vmem_shared>> -> memref<10240x128xf32, #tpu.memory_space<vmem_shared>>
      tpu.wait_indirect_dma semaphore(%arg15 : memref<!tpu.dma_semaphore, #tpu.memory_space<semaphore_mem>>) src(%arg10 : memref<128x128xf32, #tpu.memory_space<vmem>>) dst(%dma_wait3A_155 : memref<10240x128xf32, #tpu.memory_space<vmem_shared>>)
      %dma_wait3A_156 = arith.constant 39 : i32
      %dma_wait3A_157 = arith.constant 0 : i32
      %dma_wait3A_158 = tpu.memref_slice %arg9[%dma_wait3A_156, %dma_wait3A_157] : memref<40x128xi32, #tpu.memory_space<vmem>> -> memref<1x128xi32, #tpu.memory_space<vmem>>
      %dma_wait3A_159 = tpu.memref_squeeze %dma_wait3A_158 : memref<1x128xi32, #tpu.memory_space<vmem>> -> memref<128xi32, #tpu.memory_space<vmem>>
      %dma_wait3A_160 = arith.constant 0 : i32
      %dma_wait3A_161 = arith.constant 0 : i32
      %dma_wait3A_162 = tpu.memref_slice %arg12[%dma_wait3A_160, %dma_wait3A_161] : memref<10240x128xf32, #tpu.memory_space<vmem_shared>> -> memref<10240x128xf32, #tpu.memory_space<vmem_shared>>
      tpu.wait_indirect_dma semaphore(%arg16 : memref<!tpu.dma_semaphore, #tpu.memory_space<semaphore_mem>>) src(%arg11 : memref<128x128xf32, #tpu.memory_space<vmem>>) dst(%dma_wait3A_162 : memref<10240x128xf32, #tpu.memory_space<vmem_shared>>)
    } else {
    }
    %eq3A_25 = arith.constant 1 : i32
    %eq3A_26 = arith.cmpi eq, %arg0, %eq3A_25 : i32
    %convert_element_type3A_27 = arith.extui %eq3A_26 : i1 to i32
    %cond3A_28 = arith.constant 0 : i32
    %cond3A_29 = arith.cmpi ne, %convert_element_type3A_27, %cond3A_28 : i32
    scf.if %cond3A_29 {
      "tpu.region"() ({
        %run_scoped3A = tpu.sem_alloc : memref<!tpu.dma_semaphore, #tpu.memory_space<semaphore_mem>>
        %dma_start3A_163 = arith.constant 0 : i32
        %dma_start3A_164 = arith.constant 0 : i32
        %dma_start3A_165 = tpu.memref_slice %arg2[%arg1, %dma_start3A_163, %dma_start3A_164] : memref<16x80x128xi32, #tpu.memory_space<hbm>> -> memref<1x40x128xi32, #tpu.memory_space<hbm>>
        %dma_start3A_166 = tpu.memref_squeeze %dma_start3A_165 : memref<1x40x128xi32, #tpu.memory_space<hbm>> -> memref<40x128xi32, #tpu.memory_space<hbm>>
        %dma_start3A_167 = arith.constant 0 : i32
        %dma_start3A_168 = arith.constant 0 : i32
        %dma_start3A_169 = tpu.memref_slice %arg2[%arg1, %dma_start3A_167, %dma_start3A_168] : memref<16x80x128xi32, #tpu.memory_space<hbm>> -> memref<1x40x128xi32, #tpu.memory_space<hbm>>
        %dma_start3A_170 = tpu.memref_squeeze %dma_start3A_169 : memref<1x40x128xi32, #tpu.memory_space<hbm>> -> memref<40x128xi32, #tpu.memory_space<hbm>>
        tpu.enqueue_dma source(%dma_start3A_170 : memref<40x128xi32, #tpu.memory_space<hbm>>) target(%arg8 : memref<40x128xi32, #tpu.memory_space<vmem>>) target_semaphore(%run_scoped3A : memref<!tpu.dma_semaphore, #tpu.memory_space<semaphore_mem>>)
        %dma_wait3A_171 = arith.constant 0 : i32
        %dma_wait3A_172 = arith.constant 0 : i32
        %dma_wait3A_173 = tpu.memref_slice %arg2[%arg1, %dma_wait3A_171, %dma_wait3A_172] : memref<16x80x128xi32, #tpu.memory_space<hbm>> -> memref<1x40x128xi32, #tpu.memory_space<hbm>>
        %dma_wait3A_174 = tpu.memref_squeeze %dma_wait3A_173 : memref<1x40x128xi32, #tpu.memory_space<hbm>> -> memref<40x128xi32, #tpu.memory_space<hbm>>
        %dma_wait3A_175 = arith.constant 0 : i32
        %dma_wait3A_176 = arith.constant 0 : i32
        %dma_wait3A_177 = tpu.memref_slice %arg2[%arg1, %dma_wait3A_175, %dma_wait3A_176] : memref<16x80x128xi32, #tpu.memory_space<hbm>> -> memref<1x40x128xi32, #tpu.memory_space<hbm>>
        %dma_wait3A_178 = tpu.memref_squeeze %dma_wait3A_177 : memref<1x40x128xi32, #tpu.memory_space<hbm>> -> memref<40x128xi32, #tpu.memory_space<hbm>>
        tpu.wait_dma2 semaphore(%run_scoped3A : memref<!tpu.dma_semaphore, #tpu.memory_space<semaphore_mem>>) src(%dma_wait3A_178 : memref<40x128xi32, #tpu.memory_space<hbm>>) dst(%arg8 : memref<40x128xi32, #tpu.memory_space<vmem>>)
        tpu.yield
      }) : () -> ()
      "tpu.region"() ({
        %run_scoped3A = tpu.sem_alloc : memref<!tpu.dma_semaphore, #tpu.memory_space<semaphore_mem>>
        %dma_start3A_163 = arith.constant 0 : i32
        %dma_start3A_164 = arith.constant 0 : i32
        %dma_start3A_165 = tpu.memref_slice %arg3[%arg1, %dma_start3A_163, %dma_start3A_164] : memref<16x80x128xi32, #tpu.memory_space<hbm>> -> memref<1x40x128xi32, #tpu.memory_space<hbm>>
        %dma_start3A_166 = tpu.memref_squeeze %dma_start3A_165 : memref<1x40x128xi32, #tpu.memory_space<hbm>> -> memref<40x128xi32, #tpu.memory_space<hbm>>
        %dma_start3A_167 = arith.constant 0 : i32
        %dma_start3A_168 = arith.constant 0 : i32
        %dma_start3A_169 = tpu.memref_slice %arg3[%arg1, %dma_start3A_167, %dma_start3A_168] : memref<16x80x128xi32, #tpu.memory_space<hbm>> -> memref<1x40x128xi32, #tpu.memory_space<hbm>>
        %dma_start3A_170 = tpu.memref_squeeze %dma_start3A_169 : memref<1x40x128xi32, #tpu.memory_space<hbm>> -> memref<40x128xi32, #tpu.memory_space<hbm>>
        tpu.enqueue_dma source(%dma_start3A_170 : memref<40x128xi32, #tpu.memory_space<hbm>>) target(%arg9 : memref<40x128xi32, #tpu.memory_space<vmem>>) target_semaphore(%run_scoped3A : memref<!tpu.dma_semaphore, #tpu.memory_space<semaphore_mem>>)
        %dma_wait3A_171 = arith.constant 0 : i32
        %dma_wait3A_172 = arith.constant 0 : i32
        %dma_wait3A_173 = tpu.memref_slice %arg3[%arg1, %dma_wait3A_171, %dma_wait3A_172] : memref<16x80x128xi32, #tpu.memory_space<hbm>> -> memref<1x40x128xi32, #tpu.memory_space<hbm>>
        %dma_wait3A_174 = tpu.memref_squeeze %dma_wait3A_173 : memref<1x40x128xi32, #tpu.memory_space<hbm>> -> memref<40x128xi32, #tpu.memory_space<hbm>>
        %dma_wait3A_175 = arith.constant 0 : i32
        %dma_wait3A_176 = arith.constant 0 : i32
        %dma_wait3A_177 = tpu.memref_slice %arg3[%arg1, %dma_wait3A_175, %dma_wait3A_176] : memref<16x80x128xi32, #tpu.memory_space<hbm>> -> memref<1x40x128xi32, #tpu.memory_space<hbm>>
        %dma_wait3A_178 = tpu.memref_squeeze %dma_wait3A_177 : memref<1x40x128xi32, #tpu.memory_space<hbm>> -> memref<40x128xi32, #tpu.memory_space<hbm>>
        tpu.wait_dma2 semaphore(%run_scoped3A : memref<!tpu.dma_semaphore, #tpu.memory_space<semaphore_mem>>) src(%dma_wait3A_178 : memref<40x128xi32, #tpu.memory_space<hbm>>) dst(%arg9 : memref<40x128xi32, #tpu.memory_space<vmem>>)
        tpu.yield
      }) : () -> ()
      %dma_start3A = arith.constant 0 : i32
      %dma_start3A_42 = arith.constant 0 : i32
      %dma_start3A_43 = tpu.memref_slice %arg8[%dma_start3A, %dma_start3A_42] : memref<40x128xi32, #tpu.memory_space<vmem>> -> memref<1x128xi32, #tpu.memory_space<vmem>>
      %dma_start3A_44 = tpu.memref_squeeze %dma_start3A_43 : memref<1x128xi32, #tpu.memory_space<vmem>> -> memref<128xi32, #tpu.memory_space<vmem>>
      %dma_start3A_45 = arith.constant 0 : i32
      %dma_start3A_46 = arith.constant 0 : i32
      %dma_start3A_47 = tpu.memref_slice %arg5[%dma_start3A_45, %dma_start3A_46] : memref<10000x128xf32, #tpu.memory_space<hbm>> -> memref<10000x128xf32, #tpu.memory_space<hbm>>
      tpu.enqueue_indirect_dma source(%dma_start3A_47 : memref<10000x128xf32, #tpu.memory_space<hbm>>) target(%arg10 : memref<128x128xf32, #tpu.memory_space<vmem>>) offsets(%dma_start3A_44 : memref<128xi32, #tpu.memory_space<vmem>>) semaphore(%arg13 : memref<!tpu.dma_semaphore, #tpu.memory_space<semaphore_mem>>)
      %dma_start3A_48 = arith.constant 1 : i32
      %dma_start3A_49 = arith.constant 0 : i32
      %dma_start3A_50 = tpu.memref_slice %arg8[%dma_start3A_48, %dma_start3A_49] : memref<40x128xi32, #tpu.memory_space<vmem>> -> memref<1x128xi32, #tpu.memory_space<vmem>>
      %dma_start3A_51 = tpu.memref_squeeze %dma_start3A_50 : memref<1x128xi32, #tpu.memory_space<vmem>> -> memref<128xi32, #tpu.memory_space<vmem>>
      %dma_start3A_52 = arith.constant 0 : i32
      %dma_start3A_53 = arith.constant 0 : i32
      %dma_start3A_54 = tpu.memref_slice %arg5[%dma_start3A_52, %dma_start3A_53] : memref<10000x128xf32, #tpu.memory_space<hbm>> -> memref<10000x128xf32, #tpu.memory_space<hbm>>
      tpu.enqueue_indirect_dma source(%dma_start3A_54 : memref<10000x128xf32, #tpu.memory_space<hbm>>) target(%arg11 : memref<128x128xf32, #tpu.memory_space<vmem>>) offsets(%dma_start3A_51 : memref<128xi32, #tpu.memory_space<vmem>>) semaphore(%arg14 : memref<!tpu.dma_semaphore, #tpu.memory_space<semaphore_mem>>)
      %barrier3A_55 = arith.constant 0 : index
      tpu.barrier barrier_id(%barrier3A_55)
      %scan3A_56 = arith.constant 0 : i32
      %scan3A_57 = arith.constant 19 : i32
      %scan3A_58 = arith.addi %scan3A_56, %scan3A_57 : i32
      %scan3A_59 = arith.constant 1 : i32
      scf.for %scan3A_163 = %scan3A_56 to %scan3A_58 step %scan3A_59  : i32 {
        %mul3A_164 = arith.constant 2 : i32
        %mul3A_165 = arith.muli %scan3A_163, %mul3A_164 : i32
        %add3A_166 = arith.constant 0 : i32
        %add3A_167 = arith.addi %add3A_166, %mul3A_165 : i32
        %add3A_168 = arith.constant 0 : i32
        %add3A_169 = arith.addi %add3A_167, %add3A_168 : i32
        %dma_wait3A_170 = arith.constant 0 : i32
        %dma_wait3A_171 = tpu.memref_slice %arg8[%add3A_169, %dma_wait3A_170] : memref<40x128xi32, #tpu.memory_space<vmem>> -> memref<1x128xi32, #tpu.memory_space<vmem>>
        %dma_wait3A_172 = tpu.memref_squeeze %dma_wait3A_171 : memref<1x128xi32, #tpu.memory_space<vmem>> -> memref<128xi32, #tpu.memory_space<vmem>>
        %dma_wait3A_173 = arith.constant 0 : i32
        %dma_wait3A_174 = arith.constant 0 : i32
        %dma_wait3A_175 = tpu.memref_slice %arg5[%dma_wait3A_173, %dma_wait3A_174] : memref<10000x128xf32, #tpu.memory_space<hbm>> -> memref<10000x128xf32, #tpu.memory_space<hbm>>
        tpu.wait_indirect_dma semaphore(%arg13 : memref<!tpu.dma_semaphore, #tpu.memory_space<semaphore_mem>>) src(%dma_wait3A_175 : memref<10000x128xf32, #tpu.memory_space<hbm>>) dst(%arg10 : memref<128x128xf32, #tpu.memory_space<vmem>>)
        %dma_start3A_176 = arith.constant 0 : i32
        %dma_start3A_177 = tpu.memref_slice %arg9[%add3A_169, %dma_start3A_176] : memref<40x128xi32, #tpu.memory_space<vmem>> -> memref<1x128xi32, #tpu.memory_space<vmem>>
        %dma_start3A_178 = tpu.memref_squeeze %dma_start3A_177 : memref<1x128xi32, #tpu.memory_space<vmem>> -> memref<128xi32, #tpu.memory_space<vmem>>
        %dma_start3A_179 = arith.constant 0 : i32
        %dma_start3A_180 = arith.constant 0 : i32
        %dma_start3A_181 = tpu.memref_slice %arg12[%dma_start3A_179, %dma_start3A_180] : memref<10240x128xf32, #tpu.memory_space<vmem_shared>> -> memref<10240x128xf32, #tpu.memory_space<vmem_shared>>
        tpu.enqueue_indirect_dma source(%arg10 : memref<128x128xf32, #tpu.memory_space<vmem>>) target(%dma_start3A_181 : memref<10240x128xf32, #tpu.memory_space<vmem_shared>>) offsets(%dma_start3A_178 : memref<128xi32, #tpu.memory_space<vmem>>) semaphore(%arg15 : memref<!tpu.dma_semaphore, #tpu.memory_space<semaphore_mem>>) {add = true}
        %dma_wait3A_182 = arith.constant 0 : i32
        %dma_wait3A_183 = tpu.memref_slice %arg9[%add3A_169, %dma_wait3A_182] : memref<40x128xi32, #tpu.memory_space<vmem>> -> memref<1x128xi32, #tpu.memory_space<vmem>>
        %dma_wait3A_184 = tpu.memref_squeeze %dma_wait3A_183 : memref<1x128xi32, #tpu.memory_space<vmem>> -> memref<128xi32, #tpu.memory_space<vmem>>
        %dma_wait3A_185 = arith.constant 0 : i32
        %dma_wait3A_186 = arith.constant 0 : i32
        %dma_wait3A_187 = tpu.memref_slice %arg12[%dma_wait3A_185, %dma_wait3A_186] : memref<10240x128xf32, #tpu.memory_space<vmem_shared>> -> memref<10240x128xf32, #tpu.memory_space<vmem_shared>>
        tpu.wait_indirect_dma semaphore(%arg15 : memref<!tpu.dma_semaphore, #tpu.memory_space<semaphore_mem>>) src(%arg10 : memref<128x128xf32, #tpu.memory_space<vmem>>) dst(%dma_wait3A_187 : memref<10240x128xf32, #tpu.memory_space<vmem_shared>>)
        %add3A_188 = arith.constant 2 : i32
        %add3A_189 = arith.addi %add3A_169, %add3A_188 : i32
        %dma_start3A_190 = arith.constant 0 : i32
        %dma_start3A_191 = tpu.memref_slice %arg8[%add3A_189, %dma_start3A_190] : memref<40x128xi32, #tpu.memory_space<vmem>> -> memref<1x128xi32, #tpu.memory_space<vmem>>
        %dma_start3A_192 = tpu.memref_squeeze %dma_start3A_191 : memref<1x128xi32, #tpu.memory_space<vmem>> -> memref<128xi32, #tpu.memory_space<vmem>>
        %dma_start3A_193 = arith.constant 0 : i32
        %dma_start3A_194 = arith.constant 0 : i32
        %dma_start3A_195 = tpu.memref_slice %arg5[%dma_start3A_193, %dma_start3A_194] : memref<10000x128xf32, #tpu.memory_space<hbm>> -> memref<10000x128xf32, #tpu.memory_space<hbm>>
        tpu.enqueue_indirect_dma source(%dma_start3A_195 : memref<10000x128xf32, #tpu.memory_space<hbm>>) target(%arg10 : memref<128x128xf32, #tpu.memory_space<vmem>>) offsets(%dma_start3A_192 : memref<128xi32, #tpu.memory_space<vmem>>) semaphore(%arg13 : memref<!tpu.dma_semaphore, #tpu.memory_space<semaphore_mem>>)
        %add3A_196 = arith.constant 1 : i32
        %add3A_197 = arith.addi %add3A_167, %add3A_196 : i32
        %dma_wait3A_198 = arith.constant 0 : i32
        %dma_wait3A_199 = tpu.memref_slice %arg8[%add3A_197, %dma_wait3A_198] : memref<40x128xi32, #tpu.memory_space<vmem>> -> memref<1x128xi32, #tpu.memory_space<vmem>>
        %dma_wait3A_200 = tpu.memref_squeeze %dma_wait3A_199 : memref<1x128xi32, #tpu.memory_space<vmem>> -> memref<128xi32, #tpu.memory_space<vmem>>
        %dma_wait3A_201 = arith.constant 0 : i32
        %dma_wait3A_202 = arith.constant 0 : i32
        %dma_wait3A_203 = tpu.memref_slice %arg5[%dma_wait3A_201, %dma_wait3A_202] : memref<10000x128xf32, #tpu.memory_space<hbm>> -> memref<10000x128xf32, #tpu.memory_space<hbm>>
        tpu.wait_indirect_dma semaphore(%arg14 : memref<!tpu.dma_semaphore, #tpu.memory_space<semaphore_mem>>) src(%dma_wait3A_203 : memref<10000x128xf32, #tpu.memory_space<hbm>>) dst(%arg11 : memref<128x128xf32, #tpu.memory_space<vmem>>)
        %dma_start3A_204 = arith.constant 0 : i32
        %dma_start3A_205 = tpu.memref_slice %arg9[%add3A_197, %dma_start3A_204] : memref<40x128xi32, #tpu.memory_space<vmem>> -> memref<1x128xi32, #tpu.memory_space<vmem>>
        %dma_start3A_206 = tpu.memref_squeeze %dma_start3A_205 : memref<1x128xi32, #tpu.memory_space<vmem>> -> memref<128xi32, #tpu.memory_space<vmem>>
        %dma_start3A_207 = arith.constant 0 : i32
        %dma_start3A_208 = arith.constant 0 : i32
        %dma_start3A_209 = tpu.memref_slice %arg12[%dma_start3A_207, %dma_start3A_208] : memref<10240x128xf32, #tpu.memory_space<vmem_shared>> -> memref<10240x128xf32, #tpu.memory_space<vmem_shared>>
        tpu.enqueue_indirect_dma source(%arg11 : memref<128x128xf32, #tpu.memory_space<vmem>>) target(%dma_start3A_209 : memref<10240x128xf32, #tpu.memory_space<vmem_shared>>) offsets(%dma_start3A_206 : memref<128xi32, #tpu.memory_space<vmem>>) semaphore(%arg16 : memref<!tpu.dma_semaphore, #tpu.memory_space<semaphore_mem>>) {add = true}
        %dma_wait3A_210 = arith.constant 0 : i32
        %dma_wait3A_211 = tpu.memref_slice %arg9[%add3A_197, %dma_wait3A_210] : memref<40x128xi32, #tpu.memory_space<vmem>> -> memref<1x128xi32, #tpu.memory_space<vmem>>
        %dma_wait3A_212 = tpu.memref_squeeze %dma_wait3A_211 : memref<1x128xi32, #tpu.memory_space<vmem>> -> memref<128xi32, #tpu.memory_space<vmem>>
        %dma_wait3A_213 = arith.constant 0 : i32
        %dma_wait3A_214 = arith.constant 0 : i32
        %dma_wait3A_215 = tpu.memref_slice %arg12[%dma_wait3A_213, %dma_wait3A_214] : memref<10240x128xf32, #tpu.memory_space<vmem_shared>> -> memref<10240x128xf32, #tpu.memory_space<vmem_shared>>
        tpu.wait_indirect_dma semaphore(%arg16 : memref<!tpu.dma_semaphore, #tpu.memory_space<semaphore_mem>>) src(%arg11 : memref<128x128xf32, #tpu.memory_space<vmem>>) dst(%dma_wait3A_215 : memref<10240x128xf32, #tpu.memory_space<vmem_shared>>)
        %add3A_216 = arith.constant 2 : i32
        %add3A_217 = arith.addi %add3A_197, %add3A_216 : i32
        %dma_start3A_218 = arith.constant 0 : i32
        %dma_start3A_219 = tpu.memref_slice %arg8[%add3A_217, %dma_start3A_218] : memref<40x128xi32, #tpu.memory_space<vmem>> -> memref<1x128xi32, #tpu.memory_space<vmem>>
        %dma_start3A_220 = tpu.memref_squeeze %dma_start3A_219 : memref<1x128xi32, #tpu.memory_space<vmem>> -> memref<128xi32, #tpu.memory_space<vmem>>
        %dma_start3A_221 = arith.constant 0 : i32
        %dma_start3A_222 = arith.constant 0 : i32
        %dma_start3A_223 = tpu.memref_slice %arg5[%dma_start3A_221, %dma_start3A_222] : memref<10000x128xf32, #tpu.memory_space<hbm>> -> memref<10000x128xf32, #tpu.memory_space<hbm>>
        tpu.enqueue_indirect_dma source(%dma_start3A_223 : memref<10000x128xf32, #tpu.memory_space<hbm>>) target(%arg11 : memref<128x128xf32, #tpu.memory_space<vmem>>) offsets(%dma_start3A_220 : memref<128xi32, #tpu.memory_space<vmem>>) semaphore(%arg14 : memref<!tpu.dma_semaphore, #tpu.memory_space<semaphore_mem>>)
      }
      %scan3A_60 = arith.constant 19 : i32
      %dma_wait3A = arith.constant 38 : i32
      %dma_wait3A_61 = arith.constant 0 : i32
      %dma_wait3A_62 = tpu.memref_slice %arg8[%dma_wait3A, %dma_wait3A_61] : memref<40x128xi32, #tpu.memory_space<vmem>> -> memref<1x128xi32, #tpu.memory_space<vmem>>
      %dma_wait3A_63 = tpu.memref_squeeze %dma_wait3A_62 : memref<1x128xi32, #tpu.memory_space<vmem>> -> memref<128xi32, #tpu.memory_space<vmem>>
      %dma_wait3A_64 = arith.constant 0 : i32
      %dma_wait3A_65 = arith.constant 0 : i32
      %dma_wait3A_66 = tpu.memref_slice %arg5[%dma_wait3A_64, %dma_wait3A_65] : memref<10000x128xf32, #tpu.memory_space<hbm>> -> memref<10000x128xf32, #tpu.memory_space<hbm>>
      tpu.wait_indirect_dma semaphore(%arg13 : memref<!tpu.dma_semaphore, #tpu.memory_space<semaphore_mem>>) src(%dma_wait3A_66 : memref<10000x128xf32, #tpu.memory_space<hbm>>) dst(%arg10 : memref<128x128xf32, #tpu.memory_space<vmem>>)
      %dma_start3A_67 = arith.constant 38 : i32
      %dma_start3A_68 = arith.constant 0 : i32
      %dma_start3A_69 = tpu.memref_slice %arg9[%dma_start3A_67, %dma_start3A_68] : memref<40x128xi32, #tpu.memory_space<vmem>> -> memref<1x128xi32, #tpu.memory_space<vmem>>
      %dma_start3A_70 = tpu.memref_squeeze %dma_start3A_69 : memref<1x128xi32, #tpu.memory_space<vmem>> -> memref<128xi32, #tpu.memory_space<vmem>>
      %dma_start3A_71 = arith.constant 0 : i32
      %dma_start3A_72 = arith.constant 0 : i32
      %dma_start3A_73 = tpu.memref_slice %arg12[%dma_start3A_71, %dma_start3A_72] : memref<10240x128xf32, #tpu.memory_space<vmem_shared>> -> memref<10240x128xf32, #tpu.memory_space<vmem_shared>>
      tpu.enqueue_indirect_dma source(%arg10 : memref<128x128xf32, #tpu.memory_space<vmem>>) target(%dma_start3A_73 : memref<10240x128xf32, #tpu.memory_space<vmem_shared>>) offsets(%dma_start3A_70 : memref<128xi32, #tpu.memory_space<vmem>>) semaphore(%arg15 : memref<!tpu.dma_semaphore, #tpu.memory_space<semaphore_mem>>) {add = true}
      %dma_wait3A_74 = arith.constant 39 : i32
      %dma_wait3A_75 = arith.constant 0 : i32
      %dma_wait3A_76 = tpu.memref_slice %arg8[%dma_wait3A_74, %dma_wait3A_75] : memref<40x128xi32, #tpu.memory_space<vmem>> -> memref<1x128xi32, #tpu.memory_space<vmem>>
      %dma_wait3A_77 = tpu.memref_squeeze %dma_wait3A_76 : memref<1x128xi32, #tpu.memory_space<vmem>> -> memref<128xi32, #tpu.memory_space<vmem>>
      %dma_wait3A_78 = arith.constant 0 : i32
      %dma_wait3A_79 = arith.constant 0 : i32
      %dma_wait3A_80 = tpu.memref_slice %arg5[%dma_wait3A_78, %dma_wait3A_79] : memref<10000x128xf32, #tpu.memory_space<hbm>> -> memref<10000x128xf32, #tpu.memory_space<hbm>>
      tpu.wait_indirect_dma semaphore(%arg14 : memref<!tpu.dma_semaphore, #tpu.memory_space<semaphore_mem>>) src(%dma_wait3A_80 : memref<10000x128xf32, #tpu.memory_space<hbm>>) dst(%arg11 : memref<128x128xf32, #tpu.memory_space<vmem>>)
      %dma_start3A_81 = arith.constant 39 : i32
      %dma_start3A_82 = arith.constant 0 : i32
      %dma_start3A_83 = tpu.memref_slice %arg9[%dma_start3A_81, %dma_start3A_82] : memref<40x128xi32, #tpu.memory_space<vmem>> -> memref<1x128xi32, #tpu.memory_space<vmem>>
      %dma_start3A_84 = tpu.memref_squeeze %dma_start3A_83 : memref<1x128xi32, #tpu.memory_space<vmem>> -> memref<128xi32, #tpu.memory_space<vmem>>
      %dma_start3A_85 = arith.constant 0 : i32
      %dma_start3A_86 = arith.constant 0 : i32
      %dma_start3A_87 = tpu.memref_slice %arg12[%dma_start3A_85, %dma_start3A_86] : memref<10240x128xf32, #tpu.memory_space<vmem_shared>> -> memref<10240x128xf32, #tpu.memory_space<vmem_shared>>
      tpu.enqueue_indirect_dma source(%arg11 : memref<128x128xf32, #tpu.memory_space<vmem>>) target(%dma_start3A_87 : memref<10240x128xf32, #tpu.memory_space<vmem_shared>>) offsets(%dma_start3A_84 : memref<128xi32, #tpu.memory_space<vmem>>) semaphore(%arg16 : memref<!tpu.dma_semaphore, #tpu.memory_space<semaphore_mem>>) {add = true}
      %dma_wait3A_88 = arith.constant 38 : i32
      %dma_wait3A_89 = arith.constant 0 : i32
      %dma_wait3A_90 = tpu.memref_slice %arg9[%dma_wait3A_88, %dma_wait3A_89] : memref<40x128xi32, #tpu.memory_space<vmem>> -> memref<1x128xi32, #tpu.memory_space<vmem>>
      %dma_wait3A_91 = tpu.memref_squeeze %dma_wait3A_90 : memref<1x128xi32, #tpu.memory_space<vmem>> -> memref<128xi32, #tpu.memory_space<vmem>>
      %dma_wait3A_92 = arith.constant 0 : i32
      %dma_wait3A_93 = arith.constant 0 : i32
      %dma_wait3A_94 = tpu.memref_slice %arg12[%dma_wait3A_92, %dma_wait3A_93] : memref<10240x128xf32, #tpu.memory_space<vmem_shared>> -> memref<10240x128xf32, #tpu.memory_space<vmem_shared>>
      tpu.wait_indirect_dma semaphore(%arg15 : memref<!tpu.dma_semaphore, #tpu.memory_space<semaphore_mem>>) src(%arg10 : memref<128x128xf32, #tpu.memory_space<vmem>>) dst(%dma_wait3A_94 : memref<10240x128xf32, #tpu.memory_space<vmem_shared>>)
      %dma_wait3A_95 = arith.constant 39 : i32
      %dma_wait3A_96 = arith.constant 0 : i32
      %dma_wait3A_97 = tpu.memref_slice %arg9[%dma_wait3A_95, %dma_wait3A_96] : memref<40x128xi32, #tpu.memory_space<vmem>> -> memref<1x128xi32, #tpu.memory_space<vmem>>
      %dma_wait3A_98 = tpu.memref_squeeze %dma_wait3A_97 : memref<1x128xi32, #tpu.memory_space<vmem>> -> memref<128xi32, #tpu.memory_space<vmem>>
      %dma_wait3A_99 = arith.constant 0 : i32
      %dma_wait3A_100 = arith.constant 0 : i32
      %dma_wait3A_101 = tpu.memref_slice %arg12[%dma_wait3A_99, %dma_wait3A_100] : memref<10240x128xf32, #tpu.memory_space<vmem_shared>> -> memref<10240x128xf32, #tpu.memory_space<vmem_shared>>
      tpu.wait_indirect_dma semaphore(%arg16 : memref<!tpu.dma_semaphore, #tpu.memory_space<semaphore_mem>>) src(%arg11 : memref<128x128xf32, #tpu.memory_space<vmem>>) dst(%dma_wait3A_101 : memref<10240x128xf32, #tpu.memory_space<vmem_shared>>)
      "tpu.region"() ({
        %run_scoped3A = tpu.sem_alloc : memref<!tpu.dma_semaphore, #tpu.memory_space<semaphore_mem>>
        %dma_start3A_163 = arith.constant 40 : i32
        %dma_start3A_164 = arith.constant 0 : i32
        %dma_start3A_165 = tpu.memref_slice %arg2[%arg1, %dma_start3A_163, %dma_start3A_164] : memref<16x80x128xi32, #tpu.memory_space<hbm>> -> memref<1x40x128xi32, #tpu.memory_space<hbm>>
        %dma_start3A_166 = tpu.memref_squeeze %dma_start3A_165 : memref<1x40x128xi32, #tpu.memory_space<hbm>> -> memref<40x128xi32, #tpu.memory_space<hbm>>
        %dma_start3A_167 = arith.constant 40 : i32
        %dma_start3A_168 = arith.constant 0 : i32
        %dma_start3A_169 = tpu.memref_slice %arg2[%arg1, %dma_start3A_167, %dma_start3A_168] : memref<16x80x128xi32, #tpu.memory_space<hbm>> -> memref<1x40x128xi32, #tpu.memory_space<hbm>>
        %dma_start3A_170 = tpu.memref_squeeze %dma_start3A_169 : memref<1x40x128xi32, #tpu.memory_space<hbm>> -> memref<40x128xi32, #tpu.memory_space<hbm>>
        tpu.enqueue_dma source(%dma_start3A_170 : memref<40x128xi32, #tpu.memory_space<hbm>>) target(%arg8 : memref<40x128xi32, #tpu.memory_space<vmem>>) target_semaphore(%run_scoped3A : memref<!tpu.dma_semaphore, #tpu.memory_space<semaphore_mem>>)
        %dma_wait3A_171 = arith.constant 40 : i32
        %dma_wait3A_172 = arith.constant 0 : i32
        %dma_wait3A_173 = tpu.memref_slice %arg2[%arg1, %dma_wait3A_171, %dma_wait3A_172] : memref<16x80x128xi32, #tpu.memory_space<hbm>> -> memref<1x40x128xi32, #tpu.memory_space<hbm>>
        %dma_wait3A_174 = tpu.memref_squeeze %dma_wait3A_173 : memref<1x40x128xi32, #tpu.memory_space<hbm>> -> memref<40x128xi32, #tpu.memory_space<hbm>>
        %dma_wait3A_175 = arith.constant 40 : i32
        %dma_wait3A_176 = arith.constant 0 : i32
        %dma_wait3A_177 = tpu.memref_slice %arg2[%arg1, %dma_wait3A_175, %dma_wait3A_176] : memref<16x80x128xi32, #tpu.memory_space<hbm>> -> memref<1x40x128xi32, #tpu.memory_space<hbm>>
        %dma_wait3A_178 = tpu.memref_squeeze %dma_wait3A_177 : memref<1x40x128xi32, #tpu.memory_space<hbm>> -> memref<40x128xi32, #tpu.memory_space<hbm>>
        tpu.wait_dma2 semaphore(%run_scoped3A : memref<!tpu.dma_semaphore, #tpu.memory_space<semaphore_mem>>) src(%dma_wait3A_178 : memref<40x128xi32, #tpu.memory_space<hbm>>) dst(%arg8 : memref<40x128xi32, #tpu.memory_space<vmem>>)
        tpu.yield
      }) : () -> ()
      "tpu.region"() ({
        %run_scoped3A = tpu.sem_alloc : memref<!tpu.dma_semaphore, #tpu.memory_space<semaphore_mem>>
        %dma_start3A_163 = arith.constant 40 : i32
        %dma_start3A_164 = arith.constant 0 : i32
        %dma_start3A_165 = tpu.memref_slice %arg3[%arg1, %dma_start3A_163, %dma_start3A_164] : memref<16x80x128xi32, #tpu.memory_space<hbm>> -> memref<1x40x128xi32, #tpu.memory_space<hbm>>
        %dma_start3A_166 = tpu.memref_squeeze %dma_start3A_165 : memref<1x40x128xi32, #tpu.memory_space<hbm>> -> memref<40x128xi32, #tpu.memory_space<hbm>>
        %dma_start3A_167 = arith.constant 40 : i32
        %dma_start3A_168 = arith.constant 0 : i32
        %dma_start3A_169 = tpu.memref_slice %arg3[%arg1, %dma_start3A_167, %dma_start3A_168] : memref<16x80x128xi32, #tpu.memory_space<hbm>> -> memref<1x40x128xi32, #tpu.memory_space<hbm>>
        %dma_start3A_170 = tpu.memref_squeeze %dma_start3A_169 : memref<1x40x128xi32, #tpu.memory_space<hbm>> -> memref<40x128xi32, #tpu.memory_space<hbm>>
        tpu.enqueue_dma source(%dma_start3A_170 : memref<40x128xi32, #tpu.memory_space<hbm>>) target(%arg9 : memref<40x128xi32, #tpu.memory_space<vmem>>) target_semaphore(%run_scoped3A : memref<!tpu.dma_semaphore, #tpu.memory_space<semaphore_mem>>)
        %dma_wait3A_171 = arith.constant 40 : i32
        %dma_wait3A_172 = arith.constant 0 : i32
        %dma_wait3A_173 = tpu.memref_slice %arg3[%arg1, %dma_wait3A_171, %dma_wait3A_172] : memref<16x80x128xi32, #tpu.memory_space<hbm>> -> memref<1x40x128xi32, #tpu.memory_space<hbm>>
        %dma_wait3A_174 = tpu.memref_squeeze %dma_wait3A_173 : memref<1x40x128xi32, #tpu.memory_space<hbm>> -> memref<40x128xi32, #tpu.memory_space<hbm>>
        %dma_wait3A_175 = arith.constant 40 : i32
        %dma_wait3A_176 = arith.constant 0 : i32
        %dma_wait3A_177 = tpu.memref_slice %arg3[%arg1, %dma_wait3A_175, %dma_wait3A_176] : memref<16x80x128xi32, #tpu.memory_space<hbm>> -> memref<1x40x128xi32, #tpu.memory_space<hbm>>
        %dma_wait3A_178 = tpu.memref_squeeze %dma_wait3A_177 : memref<1x40x128xi32, #tpu.memory_space<hbm>> -> memref<40x128xi32, #tpu.memory_space<hbm>>
        tpu.wait_dma2 semaphore(%run_scoped3A : memref<!tpu.dma_semaphore, #tpu.memory_space<semaphore_mem>>) src(%dma_wait3A_178 : memref<40x128xi32, #tpu.memory_space<hbm>>) dst(%arg9 : memref<40x128xi32, #tpu.memory_space<vmem>>)
        tpu.yield
      }) : () -> ()
      %dma_start3A_102 = arith.constant 0 : i32
      %dma_start3A_103 = arith.constant 0 : i32
      %dma_start3A_104 = tpu.memref_slice %arg8[%dma_start3A_102, %dma_start3A_103] : memref<40x128xi32, #tpu.memory_space<vmem>> -> memref<1x128xi32, #tpu.memory_space<vmem>>
      %dma_start3A_105 = tpu.memref_squeeze %dma_start3A_104 : memref<1x128xi32, #tpu.memory_space<vmem>> -> memref<128xi32, #tpu.memory_space<vmem>>
      %dma_start3A_106 = arith.constant 0 : i32
      %dma_start3A_107 = arith.constant 0 : i32
      %dma_start3A_108 = tpu.memref_slice %arg5[%dma_start3A_106, %dma_start3A_107] : memref<10000x128xf32, #tpu.memory_space<hbm>> -> memref<10000x128xf32, #tpu.memory_space<hbm>>
      tpu.enqueue_indirect_dma source(%dma_start3A_108 : memref<10000x128xf32, #tpu.memory_space<hbm>>) target(%arg10 : memref<128x128xf32, #tpu.memory_space<vmem>>) offsets(%dma_start3A_105 : memref<128xi32, #tpu.memory_space<vmem>>) semaphore(%arg13 : memref<!tpu.dma_semaphore, #tpu.memory_space<semaphore_mem>>)
      %dma_start3A_109 = arith.constant 1 : i32
      %dma_start3A_110 = arith.constant 0 : i32
      %dma_start3A_111 = tpu.memref_slice %arg8[%dma_start3A_109, %dma_start3A_110] : memref<40x128xi32, #tpu.memory_space<vmem>> -> memref<1x128xi32, #tpu.memory_space<vmem>>
      %dma_start3A_112 = tpu.memref_squeeze %dma_start3A_111 : memref<1x128xi32, #tpu.memory_space<vmem>> -> memref<128xi32, #tpu.memory_space<vmem>>
      %dma_start3A_113 = arith.constant 0 : i32
      %dma_start3A_114 = arith.constant 0 : i32
      %dma_start3A_115 = tpu.memref_slice %arg5[%dma_start3A_113, %dma_start3A_114] : memref<10000x128xf32, #tpu.memory_space<hbm>> -> memref<10000x128xf32, #tpu.memory_space<hbm>>
      tpu.enqueue_indirect_dma source(%dma_start3A_115 : memref<10000x128xf32, #tpu.memory_space<hbm>>) target(%arg11 : memref<128x128xf32, #tpu.memory_space<vmem>>) offsets(%dma_start3A_112 : memref<128xi32, #tpu.memory_space<vmem>>) semaphore(%arg14 : memref<!tpu.dma_semaphore, #tpu.memory_space<semaphore_mem>>)
      %scan3A_116 = arith.constant 0 : i32
      %scan3A_117 = arith.constant 19 : i32
      %scan3A_118 = arith.addi %scan3A_116, %scan3A_117 : i32
      %scan3A_119 = arith.constant 1 : i32
      scf.for %scan3A_163 = %scan3A_116 to %scan3A_118 step %scan3A_119  : i32 {
        %mul3A_164 = arith.constant 2 : i32
        %mul3A_165 = arith.muli %scan3A_163, %mul3A_164 : i32
        %add3A_166 = arith.constant 0 : i32
        %add3A_167 = arith.addi %add3A_166, %mul3A_165 : i32
        %add3A_168 = arith.constant 0 : i32
        %add3A_169 = arith.addi %add3A_167, %add3A_168 : i32
        %dma_wait3A_170 = arith.constant 0 : i32
        %dma_wait3A_171 = tpu.memref_slice %arg8[%add3A_169, %dma_wait3A_170] : memref<40x128xi32, #tpu.memory_space<vmem>> -> memref<1x128xi32, #tpu.memory_space<vmem>>
        %dma_wait3A_172 = tpu.memref_squeeze %dma_wait3A_171 : memref<1x128xi32, #tpu.memory_space<vmem>> -> memref<128xi32, #tpu.memory_space<vmem>>
        %dma_wait3A_173 = arith.constant 0 : i32
        %dma_wait3A_174 = arith.constant 0 : i32
        %dma_wait3A_175 = tpu.memref_slice %arg5[%dma_wait3A_173, %dma_wait3A_174] : memref<10000x128xf32, #tpu.memory_space<hbm>> -> memref<10000x128xf32, #tpu.memory_space<hbm>>
        tpu.wait_indirect_dma semaphore(%arg13 : memref<!tpu.dma_semaphore, #tpu.memory_space<semaphore_mem>>) src(%dma_wait3A_175 : memref<10000x128xf32, #tpu.memory_space<hbm>>) dst(%arg10 : memref<128x128xf32, #tpu.memory_space<vmem>>)
        %dma_start3A_176 = arith.constant 0 : i32
        %dma_start3A_177 = tpu.memref_slice %arg9[%add3A_169, %dma_start3A_176] : memref<40x128xi32, #tpu.memory_space<vmem>> -> memref<1x128xi32, #tpu.memory_space<vmem>>
        %dma_start3A_178 = tpu.memref_squeeze %dma_start3A_177 : memref<1x128xi32, #tpu.memory_space<vmem>> -> memref<128xi32, #tpu.memory_space<vmem>>
        %dma_start3A_179 = arith.constant 0 : i32
        %dma_start3A_180 = arith.constant 0 : i32
        %dma_start3A_181 = tpu.memref_slice %arg12[%dma_start3A_179, %dma_start3A_180] : memref<10240x128xf32, #tpu.memory_space<vmem_shared>> -> memref<10240x128xf32, #tpu.memory_space<vmem_shared>>
        tpu.enqueue_indirect_dma source(%arg10 : memref<128x128xf32, #tpu.memory_space<vmem>>) target(%dma_start3A_181 : memref<10240x128xf32, #tpu.memory_space<vmem_shared>>) offsets(%dma_start3A_178 : memref<128xi32, #tpu.memory_space<vmem>>) semaphore(%arg15 : memref<!tpu.dma_semaphore, #tpu.memory_space<semaphore_mem>>) {add = true}
        %dma_wait3A_182 = arith.constant 0 : i32
        %dma_wait3A_183 = tpu.memref_slice %arg9[%add3A_169, %dma_wait3A_182] : memref<40x128xi32, #tpu.memory_space<vmem>> -> memref<1x128xi32, #tpu.memory_space<vmem>>
        %dma_wait3A_184 = tpu.memref_squeeze %dma_wait3A_183 : memref<1x128xi32, #tpu.memory_space<vmem>> -> memref<128xi32, #tpu.memory_space<vmem>>
        %dma_wait3A_185 = arith.constant 0 : i32
        %dma_wait3A_186 = arith.constant 0 : i32
        %dma_wait3A_187 = tpu.memref_slice %arg12[%dma_wait3A_185, %dma_wait3A_186] : memref<10240x128xf32, #tpu.memory_space<vmem_shared>> -> memref<10240x128xf32, #tpu.memory_space<vmem_shared>>
        tpu.wait_indirect_dma semaphore(%arg15 : memref<!tpu.dma_semaphore, #tpu.memory_space<semaphore_mem>>) src(%arg10 : memref<128x128xf32, #tpu.memory_space<vmem>>) dst(%dma_wait3A_187 : memref<10240x128xf32, #tpu.memory_space<vmem_shared>>)
        %add3A_188 = arith.constant 2 : i32
        %add3A_189 = arith.addi %add3A_169, %add3A_188 : i32
        %dma_start3A_190 = arith.constant 0 : i32
        %dma_start3A_191 = tpu.memref_slice %arg8[%add3A_189, %dma_start3A_190] : memref<40x128xi32, #tpu.memory_space<vmem>> -> memref<1x128xi32, #tpu.memory_space<vmem>>
        %dma_start3A_192 = tpu.memref_squeeze %dma_start3A_191 : memref<1x128xi32, #tpu.memory_space<vmem>> -> memref<128xi32, #tpu.memory_space<vmem>>
        %dma_start3A_193 = arith.constant 0 : i32
        %dma_start3A_194 = arith.constant 0 : i32
        %dma_start3A_195 = tpu.memref_slice %arg5[%dma_start3A_193, %dma_start3A_194] : memref<10000x128xf32, #tpu.memory_space<hbm>> -> memref<10000x128xf32, #tpu.memory_space<hbm>>
        tpu.enqueue_indirect_dma source(%dma_start3A_195 : memref<10000x128xf32, #tpu.memory_space<hbm>>) target(%arg10 : memref<128x128xf32, #tpu.memory_space<vmem>>) offsets(%dma_start3A_192 : memref<128xi32, #tpu.memory_space<vmem>>) semaphore(%arg13 : memref<!tpu.dma_semaphore, #tpu.memory_space<semaphore_mem>>)
        %add3A_196 = arith.constant 1 : i32
        %add3A_197 = arith.addi %add3A_167, %add3A_196 : i32
        %dma_wait3A_198 = arith.constant 0 : i32
        %dma_wait3A_199 = tpu.memref_slice %arg8[%add3A_197, %dma_wait3A_198] : memref<40x128xi32, #tpu.memory_space<vmem>> -> memref<1x128xi32, #tpu.memory_space<vmem>>
        %dma_wait3A_200 = tpu.memref_squeeze %dma_wait3A_199 : memref<1x128xi32, #tpu.memory_space<vmem>> -> memref<128xi32, #tpu.memory_space<vmem>>
        %dma_wait3A_201 = arith.constant 0 : i32
        %dma_wait3A_202 = arith.constant 0 : i32
        %dma_wait3A_203 = tpu.memref_slice %arg5[%dma_wait3A_201, %dma_wait3A_202] : memref<10000x128xf32, #tpu.memory_space<hbm>> -> memref<10000x128xf32, #tpu.memory_space<hbm>>
        tpu.wait_indirect_dma semaphore(%arg14 : memref<!tpu.dma_semaphore, #tpu.memory_space<semaphore_mem>>) src(%dma_wait3A_203 : memref<10000x128xf32, #tpu.memory_space<hbm>>) dst(%arg11 : memref<128x128xf32, #tpu.memory_space<vmem>>)
        %dma_start3A_204 = arith.constant 0 : i32
        %dma_start3A_205 = tpu.memref_slice %arg9[%add3A_197, %dma_start3A_204] : memref<40x128xi32, #tpu.memory_space<vmem>> -> memref<1x128xi32, #tpu.memory_space<vmem>>
        %dma_start3A_206 = tpu.memref_squeeze %dma_start3A_205 : memref<1x128xi32, #tpu.memory_space<vmem>> -> memref<128xi32, #tpu.memory_space<vmem>>
        %dma_start3A_207 = arith.constant 0 : i32
        %dma_start3A_208 = arith.constant 0 : i32
        %dma_start3A_209 = tpu.memref_slice %arg12[%dma_start3A_207, %dma_start3A_208] : memref<10240x128xf32, #tpu.memory_space<vmem_shared>> -> memref<10240x128xf32, #tpu.memory_space<vmem_shared>>
        tpu.enqueue_indirect_dma source(%arg11 : memref<128x128xf32, #tpu.memory_space<vmem>>) target(%dma_start3A_209 : memref<10240x128xf32, #tpu.memory_space<vmem_shared>>) offsets(%dma_start3A_206 : memref<128xi32, #tpu.memory_space<vmem>>) semaphore(%arg16 : memref<!tpu.dma_semaphore, #tpu.memory_space<semaphore_mem>>) {add = true}
        %dma_wait3A_210 = arith.constant 0 : i32
        %dma_wait3A_211 = tpu.memref_slice %arg9[%add3A_197, %dma_wait3A_210] : memref<40x128xi32, #tpu.memory_space<vmem>> -> memref<1x128xi32, #tpu.memory_space<vmem>>
        %dma_wait3A_212 = tpu.memref_squeeze %dma_wait3A_211 : memref<1x128xi32, #tpu.memory_space<vmem>> -> memref<128xi32, #tpu.memory_space<vmem>>
        %dma_wait3A_213 = arith.constant 0 : i32
        %dma_wait3A_214 = arith.constant 0 : i32
        %dma_wait3A_215 = tpu.memref_slice %arg12[%dma_wait3A_213, %dma_wait3A_214] : memref<10240x128xf32, #tpu.memory_space<vmem_shared>> -> memref<10240x128xf32, #tpu.memory_space<vmem_shared>>
        tpu.wait_indirect_dma semaphore(%arg16 : memref<!tpu.dma_semaphore, #tpu.memory_space<semaphore_mem>>) src(%arg11 : memref<128x128xf32, #tpu.memory_space<vmem>>) dst(%dma_wait3A_215 : memref<10240x128xf32, #tpu.memory_space<vmem_shared>>)
        %add3A_216 = arith.constant 2 : i32
        %add3A_217 = arith.addi %add3A_197, %add3A_216 : i32
        %dma_start3A_218 = arith.constant 0 : i32
        %dma_start3A_219 = tpu.memref_slice %arg8[%add3A_217, %dma_start3A_218] : memref<40x128xi32, #tpu.memory_space<vmem>> -> memref<1x128xi32, #tpu.memory_space<vmem>>
        %dma_start3A_220 = tpu.memref_squeeze %dma_start3A_219 : memref<1x128xi32, #tpu.memory_space<vmem>> -> memref<128xi32, #tpu.memory_space<vmem>>
        %dma_start3A_221 = arith.constant 0 : i32
        %dma_start3A_222 = arith.constant 0 : i32
        %dma_start3A_223 = tpu.memref_slice %arg5[%dma_start3A_221, %dma_start3A_222] : memref<10000x128xf32, #tpu.memory_space<hbm>> -> memref<10000x128xf32, #tpu.memory_space<hbm>>
        tpu.enqueue_indirect_dma source(%dma_start3A_223 : memref<10000x128xf32, #tpu.memory_space<hbm>>) target(%arg11 : memref<128x128xf32, #tpu.memory_space<vmem>>) offsets(%dma_start3A_220 : memref<128xi32, #tpu.memory_space<vmem>>) semaphore(%arg14 : memref<!tpu.dma_semaphore, #tpu.memory_space<semaphore_mem>>)
      }
      %scan3A_120 = arith.constant 19 : i32
      %dma_wait3A_121 = arith.constant 38 : i32
      %dma_wait3A_122 = arith.constant 0 : i32
      %dma_wait3A_123 = tpu.memref_slice %arg8[%dma_wait3A_121, %dma_wait3A_122] : memref<40x128xi32, #tpu.memory_space<vmem>> -> memref<1x128xi32, #tpu.memory_space<vmem>>
      %dma_wait3A_124 = tpu.memref_squeeze %dma_wait3A_123 : memref<1x128xi32, #tpu.memory_space<vmem>> -> memref<128xi32, #tpu.memory_space<vmem>>
      %dma_wait3A_125 = arith.constant 0 : i32
      %dma_wait3A_126 = arith.constant 0 : i32
      %dma_wait3A_127 = tpu.memref_slice %arg5[%dma_wait3A_125, %dma_wait3A_126] : memref<10000x128xf32, #tpu.memory_space<hbm>> -> memref<10000x128xf32, #tpu.memory_space<hbm>>
      tpu.wait_indirect_dma semaphore(%arg13 : memref<!tpu.dma_semaphore, #tpu.memory_space<semaphore_mem>>) src(%dma_wait3A_127 : memref<10000x128xf32, #tpu.memory_space<hbm>>) dst(%arg10 : memref<128x128xf32, #tpu.memory_space<vmem>>)
      %dma_start3A_128 = arith.constant 38 : i32
      %dma_start3A_129 = arith.constant 0 : i32
      %dma_start3A_130 = tpu.memref_slice %arg9[%dma_start3A_128, %dma_start3A_129] : memref<40x128xi32, #tpu.memory_space<vmem>> -> memref<1x128xi32, #tpu.memory_space<vmem>>
      %dma_start3A_131 = tpu.memref_squeeze %dma_start3A_130 : memref<1x128xi32, #tpu.memory_space<vmem>> -> memref<128xi32, #tpu.memory_space<vmem>>
      %dma_start3A_132 = arith.constant 0 : i32
      %dma_start3A_133 = arith.constant 0 : i32
      %dma_start3A_134 = tpu.memref_slice %arg12[%dma_start3A_132, %dma_start3A_133] : memref<10240x128xf32, #tpu.memory_space<vmem_shared>> -> memref<10240x128xf32, #tpu.memory_space<vmem_shared>>
      tpu.enqueue_indirect_dma source(%arg10 : memref<128x128xf32, #tpu.memory_space<vmem>>) target(%dma_start3A_134 : memref<10240x128xf32, #tpu.memory_space<vmem_shared>>) offsets(%dma_start3A_131 : memref<128xi32, #tpu.memory_space<vmem>>) semaphore(%arg15 : memref<!tpu.dma_semaphore, #tpu.memory_space<semaphore_mem>>) {add = true}
      %dma_wait3A_135 = arith.constant 39 : i32
      %dma_wait3A_136 = arith.constant 0 : i32
      %dma_wait3A_137 = tpu.memref_slice %arg8[%dma_wait3A_135, %dma_wait3A_136] : memref<40x128xi32, #tpu.memory_space<vmem>> -> memref<1x128xi32, #tpu.memory_space<vmem>>
      %dma_wait3A_138 = tpu.memref_squeeze %dma_wait3A_137 : memref<1x128xi32, #tpu.memory_space<vmem>> -> memref<128xi32, #tpu.memory_space<vmem>>
      %dma_wait3A_139 = arith.constant 0 : i32
      %dma_wait3A_140 = arith.constant 0 : i32
      %dma_wait3A_141 = tpu.memref_slice %arg5[%dma_wait3A_139, %dma_wait3A_140] : memref<10000x128xf32, #tpu.memory_space<hbm>> -> memref<10000x128xf32, #tpu.memory_space<hbm>>
      tpu.wait_indirect_dma semaphore(%arg14 : memref<!tpu.dma_semaphore, #tpu.memory_space<semaphore_mem>>) src(%dma_wait3A_141 : memref<10000x128xf32, #tpu.memory_space<hbm>>) dst(%arg11 : memref<128x128xf32, #tpu.memory_space<vmem>>)
      %dma_start3A_142 = arith.constant 39 : i32
      %dma_start3A_143 = arith.constant 0 : i32
      %dma_start3A_144 = tpu.memref_slice %arg9[%dma_start3A_142, %dma_start3A_143] : memref<40x128xi32, #tpu.memory_space<vmem>> -> memref<1x128xi32, #tpu.memory_space<vmem>>
      %dma_start3A_145 = tpu.memref_squeeze %dma_start3A_144 : memref<1x128xi32, #tpu.memory_space<vmem>> -> memref<128xi32, #tpu.memory_space<vmem>>
      %dma_start3A_146 = arith.constant 0 : i32
      %dma_start3A_147 = arith.constant 0 : i32
      %dma_start3A_148 = tpu.memref_slice %arg12[%dma_start3A_146, %dma_start3A_147] : memref<10240x128xf32, #tpu.memory_space<vmem_shared>> -> memref<10240x128xf32, #tpu.memory_space<vmem_shared>>
      tpu.enqueue_indirect_dma source(%arg11 : memref<128x128xf32, #tpu.memory_space<vmem>>) target(%dma_start3A_148 : memref<10240x128xf32, #tpu.memory_space<vmem_shared>>) offsets(%dma_start3A_145 : memref<128xi32, #tpu.memory_space<vmem>>) semaphore(%arg16 : memref<!tpu.dma_semaphore, #tpu.memory_space<semaphore_mem>>) {add = true}
      %dma_wait3A_149 = arith.constant 38 : i32
      %dma_wait3A_150 = arith.constant 0 : i32
      %dma_wait3A_151 = tpu.memref_slice %arg9[%dma_wait3A_149, %dma_wait3A_150] : memref<40x128xi32, #tpu.memory_space<vmem>> -> memref<1x128xi32, #tpu.memory_space<vmem>>
      %dma_wait3A_152 = tpu.memref_squeeze %dma_wait3A_151 : memref<1x128xi32, #tpu.memory_space<vmem>> -> memref<128xi32, #tpu.memory_space<vmem>>
      %dma_wait3A_153 = arith.constant 0 : i32
      %dma_wait3A_154 = arith.constant 0 : i32
      %dma_wait3A_155 = tpu.memref_slice %arg12[%dma_wait3A_153, %dma_wait3A_154] : memref<10240x128xf32, #tpu.memory_space<vmem_shared>> -> memref<10240x128xf32, #tpu.memory_space<vmem_shared>>
      tpu.wait_indirect_dma semaphore(%arg15 : memref<!tpu.dma_semaphore, #tpu.memory_space<semaphore_mem>>) src(%arg10 : memref<128x128xf32, #tpu.memory_space<vmem>>) dst(%dma_wait3A_155 : memref<10240x128xf32, #tpu.memory_space<vmem_shared>>)
      %dma_wait3A_156 = arith.constant 39 : i32
      %dma_wait3A_157 = arith.constant 0 : i32
      %dma_wait3A_158 = tpu.memref_slice %arg9[%dma_wait3A_156, %dma_wait3A_157] : memref<40x128xi32, #tpu.memory_space<vmem>> -> memref<1x128xi32, #tpu.memory_space<vmem>>
      %dma_wait3A_159 = tpu.memref_squeeze %dma_wait3A_158 : memref<1x128xi32, #tpu.memory_space<vmem>> -> memref<128xi32, #tpu.memory_space<vmem>>
      %dma_wait3A_160 = arith.constant 0 : i32
      %dma_wait3A_161 = arith.constant 0 : i32
      %dma_wait3A_162 = tpu.memref_slice %arg12[%dma_wait3A_160, %dma_wait3A_161] : memref<10240x128xf32, #tpu.memory_space<vmem_shared>> -> memref<10240x128xf32, #tpu.memory_space<vmem_shared>>
      tpu.wait_indirect_dma semaphore(%arg16 : memref<!tpu.dma_semaphore, #tpu.memory_space<semaphore_mem>>) src(%arg11 : memref<128x128xf32, #tpu.memory_space<vmem>>) dst(%dma_wait3A_162 : memref<10240x128xf32, #tpu.memory_space<vmem_shared>>)
    } else {
    }
    %barrier3A = arith.constant 0 : index
    tpu.barrier barrier_id(%barrier3A)
    %mul3A_30 = arith.constant 640 : i32
    %mul3A_31 = arith.muli %arg1, %mul3A_30 : i32
    %eq3A_32 = arith.constant 0 : i32
    %eq3A_33 = arith.cmpi eq, %arg0, %eq3A_32 : i32
    %convert_element_type3A_34 = arith.extui %eq3A_33 : i1 to i32
    %cond3A_35 = arith.constant 0 : i32
    %cond3A_36 = arith.cmpi ne, %convert_element_type3A_34, %cond3A_35 : i32
    scf.if %cond3A_36 {
      "tpu.region"() ({
        %run_scoped3A = tpu.sem_alloc : memref<!tpu.dma_semaphore, #tpu.memory_space<semaphore_mem>>
        %dma_start3A = arith.constant 0 : i32
        %dma_start3A_42 = tpu.memref_slice %arg6[%mul3A_31, %dma_start3A] : memref<10240x128xf32, #tpu.memory_space<hbm>> -> memref<640x128xf32, #tpu.memory_space<hbm>>
        %dma_start3A_43 = arith.constant 0 : i32
        %dma_start3A_44 = tpu.memref_slice %arg12[%mul3A_31, %dma_start3A_43] : memref<10240x128xf32, #tpu.memory_space<vmem_shared>> -> memref<640x128xf32, #tpu.memory_space<vmem_shared>>
        tpu.enqueue_dma source(%dma_start3A_44 : memref<640x128xf32, #tpu.memory_space<vmem_shared>>) target(%dma_start3A_42 : memref<640x128xf32, #tpu.memory_space<hbm>>) target_semaphore(%run_scoped3A : memref<!tpu.dma_semaphore, #tpu.memory_space<semaphore_mem>>)
        %dma_wait3A = arith.constant 0 : i32
        %dma_wait3A_45 = tpu.memref_slice %arg6[%mul3A_31, %dma_wait3A] : memref<10240x128xf32, #tpu.memory_space<hbm>> -> memref<640x128xf32, #tpu.memory_space<hbm>>
        %dma_wait3A_46 = arith.constant 0 : i32
        %dma_wait3A_47 = tpu.memref_slice %arg12[%mul3A_31, %dma_wait3A_46] : memref<10240x128xf32, #tpu.memory_space<vmem_shared>> -> memref<640x128xf32, #tpu.memory_space<vmem_shared>>
        tpu.wait_dma2 semaphore(%run_scoped3A : memref<!tpu.dma_semaphore, #tpu.memory_space<semaphore_mem>>) src(%dma_wait3A_47 : memref<640x128xf32, #tpu.memory_space<vmem_shared>>) dst(%dma_wait3A_45 : memref<640x128xf32, #tpu.memory_space<hbm>>)
        tpu.yield
      }) : () -> ()
    } else {
    }
    %eq3A_37 = arith.constant 1 : i32
    %eq3A_38 = arith.cmpi eq, %arg0, %eq3A_37 : i32
    %convert_element_type3A_39 = arith.extui %eq3A_38 : i1 to i32
    %cond3A_40 = arith.constant 0 : i32
    %cond3A_41 = arith.cmpi ne, %convert_element_type3A_39, %cond3A_40 : i32
    scf.if %cond3A_41 {
      "tpu.region"() ({
        %run_scoped3A = tpu.sem_alloc : memref<!tpu.dma_semaphore, #tpu.memory_space<semaphore_mem>>
        %dma_start3A = arith.constant 0 : i32
        %dma_start3A_42 = tpu.memref_slice %arg7[%mul3A_31, %dma_start3A] : memref<10240x128xf32, #tpu.memory_space<hbm>> -> memref<640x128xf32, #tpu.memory_space<hbm>>
        %dma_start3A_43 = arith.constant 0 : i32
        %dma_start3A_44 = tpu.memref_slice %arg12[%mul3A_31, %dma_start3A_43] : memref<10240x128xf32, #tpu.memory_space<vmem_shared>> -> memref<640x128xf32, #tpu.memory_space<vmem_shared>>
        tpu.enqueue_dma source(%dma_start3A_44 : memref<640x128xf32, #tpu.memory_space<vmem_shared>>) target(%dma_start3A_42 : memref<640x128xf32, #tpu.memory_space<hbm>>) target_semaphore(%run_scoped3A : memref<!tpu.dma_semaphore, #tpu.memory_space<semaphore_mem>>)
        %dma_wait3A = arith.constant 0 : i32
        %dma_wait3A_45 = tpu.memref_slice %arg7[%mul3A_31, %dma_wait3A] : memref<10240x128xf32, #tpu.memory_space<hbm>> -> memref<640x128xf32, #tpu.memory_space<hbm>>
        %dma_wait3A_46 = arith.constant 0 : i32
        %dma_wait3A_47 = tpu.memref_slice %arg12[%mul3A_31, %dma_wait3A_46] : memref<10240x128xf32, #tpu.memory_space<vmem_shared>> -> memref<640x128xf32, #tpu.memory_space<vmem_shared>>
        tpu.wait_dma2 semaphore(%run_scoped3A : memref<!tpu.dma_semaphore, #tpu.memory_space<semaphore_mem>>) src(%dma_wait3A_47 : memref<640x128xf32, #tpu.memory_space<vmem_shared>>) dst(%dma_wait3A_45 : memref<640x128xf32, #tpu.memory_space<hbm>>)
        tpu.yield
      }) : () -> ()
    } else {
    }
    return
  }
}

module attributes {stable_mosaic.version = 14 : i64} {
  func.func @body(%arg0: i32, %arg1: memref<1000x128xf32, #tpu.memory_space<vmem>>, %arg2: memref<1000x128xf32, #tpu.memory_space<vmem>>, %arg3: memref<1000x128xf32, #tpu.memory_space<vmem>>, %arg4: memref<1000x128xf32, #tpu.memory_space<vmem>>, %arg5: memref<1000x128xf32, #tpu.memory_space<vmem>>, %arg6: memref<1000x128xf32, #tpu.memory_space<vmem>>, %arg7: memref<512x256xf32, #tpu.memory_space<vmem>>, %arg8: memref<1x256xf32, #tpu.memory_space<vmem>>, %arg9: memref<1000x128xf32, #tpu.memory_space<vmem>>, %arg10: memref<1000x128xf32, #tpu.memory_space<vmem>>) attributes {dimension_semantics = [#tpu.dimension_semantics<arbitrary>], iteration_bounds = array<i64: 10>, scalar_prefetch = 0 : i64, scratch_operands = 0 : i64, tpu.core_type = #tpu.core_type<tc>, window_params = [{transform_indices = @transform_0, window_bounds = array<i64: 1000, 128>}, {transform_indices = @transform_1, window_bounds = array<i64: 1000, 128>}, {transform_indices = @transform_2, window_bounds = array<i64: 1000, 128>}, {transform_indices = @transform_3, window_bounds = array<i64: 1000, 128>}, {transform_indices = @transform_4, window_bounds = array<i64: 1000, 128>}, {transform_indices = @transform_5, window_bounds = array<i64: 1000, 128>}, {pipeline_mode = #tpu.pipeline_mode<synchronous>, transform_indices = @transform_6, window_bounds = array<i64: 512, 256>}, {pipeline_mode = #tpu.pipeline_mode<synchronous>, transform_indices = @transform_7, window_bounds = array<i64: 1, 256>}, {transform_indices = @transform_8, window_bounds = array<i64: 1000, 128>}, {transform_indices = @transform_9, window_bounds = array<i64: 1000, 128>}]} {
    %get3A = arith.constant 0 : index
    %get3A_0 = arith.constant 0 : index
    %get3A_1 = vector.load %arg5[%get3A, %get3A_0] : memref<1000x128xf32, #tpu.memory_space<vmem>>, vector<1000x128xf32>
    %slice3A = vector.extract_strided_slice %get3A_1 {offsets = [0, 0], sizes = [1000, 1], strides = [1, 1]} : vector<1000x128xf32> to vector<1000x1xf32>
    %get3A_2 = arith.constant 0 : index
    %get3A_3 = arith.constant 0 : index
    %get3A_4 = vector.load %arg6[%get3A_2, %get3A_3] : memref<1000x128xf32, #tpu.memory_space<vmem>>, vector<1000x128xf32>
    %slice3A_5 = vector.extract_strided_slice %get3A_4 {offsets = [0, 0], sizes = [1000, 1], strides = [1, 1]} : vector<1000x128xf32> to vector<1000x1xf32>
    %add3A = arith.addf %slice3A, %slice3A_5 : vector<1000x1xf32>
    %max3A = arith.constant 1.000000e+00 : f32
    %max3A_6 = vector.broadcast %max3A : f32 to vector<1000x1xf32>
    %max3A_7 = arith.maximumf %add3A, %max3A_6 : vector<1000x1xf32>
    %div3A = arith.constant 1.000000e+00 : f32
    %div3A_8 = vector.broadcast %div3A : f32 to vector<1000x1xf32>
    %div3A_9 = arith.divf %div3A_8, %max3A_7 : vector<1000x1xf32>
    %get3A_10 = arith.constant 0 : index
    %get3A_11 = arith.constant 0 : index
    %get3A_12 = vector.load %arg1[%get3A_10, %get3A_11] : memref<1000x128xf32, #tpu.memory_space<vmem>>, vector<1000x128xf32>
    %get3A_13 = arith.constant 0 : index
    %get3A_14 = arith.constant 0 : index
    %get3A_15 = vector.load %arg2[%get3A_13, %get3A_14] : memref<1000x128xf32, #tpu.memory_space<vmem>>, vector<1000x128xf32>
    %get3A_16 = arith.constant 0 : index
    %get3A_17 = arith.constant 0 : index
    %get3A_18 = vector.load %arg3[%get3A_16, %get3A_17] : memref<1000x128xf32, #tpu.memory_space<vmem>>, vector<1000x128xf32>
    %mul3A = vector.broadcast %div3A_9 : vector<1000x1xf32> to vector<1000x128xf32>
    %mul3A_19 = arith.mulf %get3A_18, %mul3A : vector<1000x128xf32>
    %get3A_20 = arith.constant 0 : index
    %get3A_21 = arith.constant 0 : index
    %get3A_22 = vector.load %arg4[%get3A_20, %get3A_21] : memref<1000x128xf32, #tpu.memory_space<vmem>>, vector<1000x128xf32>
    %mul3A_23 = vector.broadcast %div3A_9 : vector<1000x1xf32> to vector<1000x128xf32>
    %mul3A_24 = arith.mulf %get3A_22, %mul3A_23 : vector<1000x128xf32>
    %concatenate3A = tpu.concatenate %get3A_12, %get3A_15, %mul3A_19, %mul3A_24 in 1 : vector<1000x128xf32>, vector<1000x128xf32>, vector<1000x128xf32>, vector<1000x128xf32> -> vector<1000x512xf32>
    %get3A_25 = arith.constant 0 : index
    %get3A_26 = arith.constant 0 : index
    %get3A_27 = vector.load %arg7[%get3A_25, %get3A_26] : memref<512x256xf32, #tpu.memory_space<vmem>>, vector<512x256xf32>
    %dot_general3A = arith.constant dense<0.000000e+00> : vector<1000x256xf32>
    %dot_general3A_28 = tpu.matmul %concatenate3A, %get3A_27, %dot_general3A {dimension_numbers = #tpu.dot_dimension_numbers<[1], [0], [0], [1], [0, 0, 1, 1], [], []>, transpose_lhs_hint = false} : vector<1000x512xf32>, vector<512x256xf32>, vector<1000x256xf32> -> vector<1000x256xf32>
    %get3A_29 = arith.constant 0 : index
    %get3A_30 = arith.constant 0 : index
    %get3A_31 = vector.load %arg8[%get3A_29, %get3A_30] : memref<1x256xf32, #tpu.memory_space<vmem>>, vector<1x256xf32>
    %add3A_32 = vector.broadcast %get3A_31 : vector<1x256xf32> to vector<1000x256xf32>
    %add3A_33 = arith.addf %dot_general3A_28, %add3A_32 : vector<1000x256xf32>
    %max3A_34 = arith.constant 0.000000e+00 : f32
    %max3A_35 = vector.broadcast %max3A_34 : f32 to vector<1000x256xf32>
    %max3A_36 = arith.maximumf %add3A_33, %max3A_35 : vector<1000x256xf32>
    %slice3A_37 = vector.extract_strided_slice %max3A_36 {offsets = [0, 0], sizes = [1000, 128], strides = [1, 1]} : vector<1000x256xf32> to vector<1000x128xf32>
    %swap3A = arith.constant 0 : index
    %swap3A_38 = arith.constant 0 : index
    %swap3A_39 = vector.load %arg9[%swap3A, %swap3A_38] : memref<1000x128xf32, #tpu.memory_space<vmem>>, vector<1000x128xf32>
    tpu.vector_store %arg9[%swap3A, %swap3A_38], %slice3A_37 {strides = array<i32>} : memref<1000x128xf32, #tpu.memory_space<vmem>>, vector<1000x128xf32>,
    %slice3A_40 = vector.extract_strided_slice %max3A_36 {offsets = [0, 128], sizes = [1000, 128], strides = [1, 1]} : vector<1000x256xf32> to vector<1000x128xf32>
    %swap3A_41 = arith.constant 0 : index
    %swap3A_42 = arith.constant 0 : index
    %swap3A_43 = vector.load %arg10[%swap3A_41, %swap3A_42] : memref<1000x128xf32, #tpu.memory_space<vmem>>, vector<1000x128xf32>
    tpu.vector_store %arg10[%swap3A_41, %swap3A_42], %slice3A_40 {strides = array<i32>} : memref<1000x128xf32, #tpu.memory_space<vmem>>, vector<1000x128xf32>,
    return
  }
  func.func @transform_0(%arg0: i32) -> (i32, i32) {
    %c0_i32 = arith.constant 0 : i32
    %c0_i32_0 = arith.constant 0 : i32
    return %arg0, %c0_i32 : i32, i32
  }
  func.func @transform_1(%arg0: i32) -> (i32, i32) {
    %c0_i32 = arith.constant 0 : i32
    %c0_i32_0 = arith.constant 0 : i32
    return %arg0, %c0_i32 : i32, i32
  }
  func.func @transform_2(%arg0: i32) -> (i32, i32) {
    %c0_i32 = arith.constant 0 : i32
    %c0_i32_0 = arith.constant 0 : i32
    return %arg0, %c0_i32 : i32, i32
  }
  func.func @transform_3(%arg0: i32) -> (i32, i32) {
    %c0_i32 = arith.constant 0 : i32
    %c0_i32_0 = arith.constant 0 : i32
    return %arg0, %c0_i32 : i32, i32
  }
  func.func @transform_4(%arg0: i32) -> (i32, i32) {
    %c0_i32 = arith.constant 0 : i32
    %c0_i32_0 = arith.constant 0 : i32
    return %arg0, %c0_i32 : i32, i32
  }
  func.func @transform_5(%arg0: i32) -> (i32, i32) {
    %c0_i32 = arith.constant 0 : i32
    %c0_i32_0 = arith.constant 0 : i32
    return %arg0, %c0_i32 : i32, i32
  }
  func.func @transform_6(%arg0: i32) -> (i32, i32) {
    %c0_i32 = arith.constant 0 : i32
    %c0_i32_0 = arith.constant 0 : i32
    %c0_i32_1 = arith.constant 0 : i32
    return %c0_i32, %c0_i32_0 : i32, i32
  }
  func.func @transform_7(%arg0: i32) -> (i32, i32) {
    %c0_i32 = arith.constant 0 : i32
    %c0_i32_0 = arith.constant 0 : i32
    %c0_i32_1 = arith.constant 0 : i32
    return %c0_i32, %c0_i32_0 : i32, i32
  }
  func.func @transform_8(%arg0: i32) -> (i32, i32) {
    %c0_i32 = arith.constant 0 : i32
    %c0_i32_0 = arith.constant 0 : i32
    return %arg0, %c0_i32 : i32, i32
  }
  func.func @transform_9(%arg0: i32) -> (i32, i32) {
    %c0_i32 = arith.constant 0 : i32
    %c0_i32_0 = arith.constant 0 : i32
    return %arg0, %c0_i32 : i32, i32
  }
}

module attributes {stable_mosaic.version = 14 : i64} {
  func.func @body(%arg0: i32, %arg1: memref<1000x128xf32, #tpu.memory_space<vmem>>, %arg2: memref<1000x128xf32, #tpu.memory_space<vmem>>, %arg3: memref<1000x128xf32, #tpu.memory_space<vmem>>, %arg4: memref<1000x128xf32, #tpu.memory_space<vmem>>, %arg5: memref<1000x128xf32, #tpu.memory_space<vmem>>, %arg6: memref<1000x128xf32, #tpu.memory_space<vmem>>, %arg7: memref<512x256xf32, #tpu.memory_space<vmem>>, %arg8: memref<1x256xf32, #tpu.memory_space<vmem>>, %arg9: memref<1000x256xf32, #tpu.memory_space<vmem>>) attributes {dimension_semantics = [#tpu.dimension_semantics<arbitrary>], iteration_bounds = array<i64: 10>, scalar_prefetch = 0 : i64, scratch_operands = 0 : i64, tpu.core_type = #tpu.core_type<tc>, window_params = [{transform_indices = @transform_0, window_bounds = array<i64: 1000, 128>}, {transform_indices = @transform_1, window_bounds = array<i64: 1000, 128>}, {transform_indices = @transform_2, window_bounds = array<i64: 1000, 128>}, {transform_indices = @transform_3, window_bounds = array<i64: 1000, 128>}, {transform_indices = @transform_4, window_bounds = array<i64: 1000, 128>}, {transform_indices = @transform_5, window_bounds = array<i64: 1000, 128>}, {pipeline_mode = #tpu.pipeline_mode<synchronous>, transform_indices = @transform_6, window_bounds = array<i64: 512, 256>}, {pipeline_mode = #tpu.pipeline_mode<synchronous>, transform_indices = @transform_7, window_bounds = array<i64: 1, 256>}, {transform_indices = @transform_8, window_bounds = array<i64: 1000, 256>}]} {
    %get3A = arith.constant 0 : index
    %get3A_0 = arith.constant 0 : index
    %get3A_1 = vector.load %arg5[%get3A, %get3A_0] : memref<1000x128xf32, #tpu.memory_space<vmem>>, vector<1000x128xf32>
    %slice3A = vector.extract_strided_slice %get3A_1 {offsets = [0, 0], sizes = [1000, 1], strides = [1, 1]} : vector<1000x128xf32> to vector<1000x1xf32>
    %get3A_2 = arith.constant 0 : index
    %get3A_3 = arith.constant 0 : index
    %get3A_4 = vector.load %arg6[%get3A_2, %get3A_3] : memref<1000x128xf32, #tpu.memory_space<vmem>>, vector<1000x128xf32>
    %slice3A_5 = vector.extract_strided_slice %get3A_4 {offsets = [0, 0], sizes = [1000, 1], strides = [1, 1]} : vector<1000x128xf32> to vector<1000x1xf32>
    %add3A = arith.addf %slice3A, %slice3A_5 : vector<1000x1xf32>
    %max3A = arith.constant 1.000000e+00 : f32
    %max3A_6 = vector.broadcast %max3A : f32 to vector<1000x1xf32>
    %max3A_7 = arith.maximumf %add3A, %max3A_6 : vector<1000x1xf32>
    %div3A = arith.constant 1.000000e+00 : f32
    %div3A_8 = vector.broadcast %div3A : f32 to vector<1000x1xf32>
    %div3A_9 = arith.divf %div3A_8, %max3A_7 : vector<1000x1xf32>
    %get3A_10 = arith.constant 0 : index
    %get3A_11 = arith.constant 0 : index
    %get3A_12 = vector.load %arg1[%get3A_10, %get3A_11] : memref<1000x128xf32, #tpu.memory_space<vmem>>, vector<1000x128xf32>
    %get3A_13 = arith.constant 0 : index
    %get3A_14 = arith.constant 0 : index
    %get3A_15 = vector.load %arg2[%get3A_13, %get3A_14] : memref<1000x128xf32, #tpu.memory_space<vmem>>, vector<1000x128xf32>
    %get3A_16 = arith.constant 0 : index
    %get3A_17 = arith.constant 0 : index
    %get3A_18 = vector.load %arg3[%get3A_16, %get3A_17] : memref<1000x128xf32, #tpu.memory_space<vmem>>, vector<1000x128xf32>
    %mul3A = vector.broadcast %div3A_9 : vector<1000x1xf32> to vector<1000x128xf32>
    %mul3A_19 = arith.mulf %get3A_18, %mul3A : vector<1000x128xf32>
    %get3A_20 = arith.constant 0 : index
    %get3A_21 = arith.constant 0 : index
    %get3A_22 = vector.load %arg4[%get3A_20, %get3A_21] : memref<1000x128xf32, #tpu.memory_space<vmem>>, vector<1000x128xf32>
    %mul3A_23 = vector.broadcast %div3A_9 : vector<1000x1xf32> to vector<1000x128xf32>
    %mul3A_24 = arith.mulf %get3A_22, %mul3A_23 : vector<1000x128xf32>
    %concatenate3A = tpu.concatenate %get3A_12, %get3A_15, %mul3A_19, %mul3A_24 in 1 : vector<1000x128xf32>, vector<1000x128xf32>, vector<1000x128xf32>, vector<1000x128xf32> -> vector<1000x512xf32>
    %get3A_25 = arith.constant 0 : index
    %get3A_26 = arith.constant 0 : index
    %get3A_27 = vector.load %arg7[%get3A_25, %get3A_26] : memref<512x256xf32, #tpu.memory_space<vmem>>, vector<512x256xf32>
    %dot_general3A = arith.constant dense<0.000000e+00> : vector<1000x256xf32>
    %dot_general3A_28 = tpu.matmul %concatenate3A, %get3A_27, %dot_general3A {dimension_numbers = #tpu.dot_dimension_numbers<[1], [0], [0], [1], [0, 0, 1, 1], [], []>, transpose_lhs_hint = false} : vector<1000x512xf32>, vector<512x256xf32>, vector<1000x256xf32> -> vector<1000x256xf32>
    %get3A_29 = arith.constant 0 : index
    %get3A_30 = arith.constant 0 : index
    %get3A_31 = vector.load %arg8[%get3A_29, %get3A_30] : memref<1x256xf32, #tpu.memory_space<vmem>>, vector<1x256xf32>
    %add3A_32 = vector.broadcast %get3A_31 : vector<1x256xf32> to vector<1000x256xf32>
    %add3A_33 = arith.addf %dot_general3A_28, %add3A_32 : vector<1000x256xf32>
    %swap3A = arith.constant 0 : index
    %swap3A_34 = arith.constant 0 : index
    %swap3A_35 = vector.load %arg9[%swap3A, %swap3A_34] : memref<1000x256xf32, #tpu.memory_space<vmem>>, vector<1000x256xf32>
    tpu.vector_store %arg9[%swap3A, %swap3A_34], %add3A_33 {strides = array<i32>} : memref<1000x256xf32, #tpu.memory_space<vmem>>, vector<1000x256xf32>,
    return
  }
  func.func @transform_0(%arg0: i32) -> (i32, i32) {
    %c0_i32 = arith.constant 0 : i32
    %c0_i32_0 = arith.constant 0 : i32
    return %arg0, %c0_i32 : i32, i32
  }
  func.func @transform_1(%arg0: i32) -> (i32, i32) {
    %c0_i32 = arith.constant 0 : i32
    %c0_i32_0 = arith.constant 0 : i32
    return %arg0, %c0_i32 : i32, i32
  }
  func.func @transform_2(%arg0: i32) -> (i32, i32) {
    %c0_i32 = arith.constant 0 : i32
    %c0_i32_0 = arith.constant 0 : i32
    return %arg0, %c0_i32 : i32, i32
  }
  func.func @transform_3(%arg0: i32) -> (i32, i32) {
    %c0_i32 = arith.constant 0 : i32
    %c0_i32_0 = arith.constant 0 : i32
    return %arg0, %c0_i32 : i32, i32
  }
  func.func @transform_4(%arg0: i32) -> (i32, i32) {
    %c0_i32 = arith.constant 0 : i32
    %c0_i32_0 = arith.constant 0 : i32
    return %arg0, %c0_i32 : i32, i32
  }
  func.func @transform_5(%arg0: i32) -> (i32, i32) {
    %c0_i32 = arith.constant 0 : i32
    %c0_i32_0 = arith.constant 0 : i32
    return %arg0, %c0_i32 : i32, i32
  }
  func.func @transform_6(%arg0: i32) -> (i32, i32) {
    %c0_i32 = arith.constant 0 : i32
    %c0_i32_0 = arith.constant 0 : i32
    %c0_i32_1 = arith.constant 0 : i32
    return %c0_i32, %c0_i32_0 : i32, i32
  }
  func.func @transform_7(%arg0: i32) -> (i32, i32) {
    %c0_i32 = arith.constant 0 : i32
    %c0_i32_0 = arith.constant 0 : i32
    %c0_i32_1 = arith.constant 0 : i32
    return %c0_i32, %c0_i32_0 : i32, i32
  }
  func.func @transform_8(%arg0: i32) -> (i32, i32) {
    %c0_i32 = arith.constant 0 : i32
    %c0_i32_0 = arith.constant 0 : i32
    return %arg0, %c0_i32 : i32, i32
  }
}

</mosaic_0001>

<sc_bundles>
// kernel: kernel.10.cloned.1.call-start
scs
__scs_entry_jumppad:
0x0: {  	(pc) =	sbr.rel $0x88, $3  }
0x1: {  	(tag) =	ssettag $0x0;
	lr =	simm.s32 $0x1  }
0x2: {  	[smem:$0x3F99] =	sst lr;
	_ =	strace $0xD0000000  }
0x3: {  	_ = 	snop  }
0x4: {  	_ = 	snop  }
0x5: {  	_ = 	snop  }
0x6: {  	_ = 	snop  }
0x7: {  	_ = 	snop  }
__scs_overlays_trampoline_lowered:
0x8: {  	[smem:$0x3FA8] =	sst s0  }
0x9: {  	[smem:$0x3FA9] =	sst s1  }
0xa: {  	[smem:$0x3FAA] =	sst s2  }
0xb: {  	[smem:$0x3FAB] =	sst s3  }
0xc: {  	[smem:$0x3FAC] =	sst s4  }
0xd: {  	[smem:$0x3FAD] =	sst s5  }
0xe: {  	[smem:$0x3FAE] =	sst s6  }
0xf: {  	[smem:$0x3FAF] =	sst s7  }
0x10: {  	[smem:$0x3FB0] =	sst s8  }
0x11: {  	[smem:$0x3FB1] =	sst s9;
	s0 =	simm.s32 @!p0 $0x0  }
0x12: {  	s1 =	sld [smem:$0x3F97];
	s0 =	simm.s32 @p0 $0x1  }
0x13: {  	[smem:$0x3FB2] =	sst s0;
	s0 =	simm.s32 @!p1 $0x0  }
0x14: {  	s2 =	sld [smem:$0x3F96];
	s0 =	simm.s32 @p1 $0x1  }
0x15: {  	[smem:$0x3FB3] =	sst s0;
	s0 =	simm.s32 @!p2 $0x0  }
0x16: {  	s3 =	sld [smem:$0x3FDB];
	s0 =	simm.s32 @p2 $0x1  }
0x17: {  	s4 =	simm.s32 $0x1BF5;
	[smem:$0x3FB5] =	sst s0  }
0x18: {  	s0 =	sld [smem:$0x3F98];
	_ =	swait.ge [sflag:s4], $0x0  }
0x19: {  	s7 =	sld [smem:$0x3F99]  }
0x1a: {  	s8 =	sadd.s32 $0xFFFFE003, lr  }
0x1b: {  	s9 =	sadd.s32 $0xFFFFFEF7, lr;
	s5 =	simm.s32 $0xFFFFFFFF;
	p2 =	slt.u32 s8, $0xFFFFF086  }
0x1c: {  	p1 =	slt.u32 s9, $0xF7A;
	s5 =	simm.s32 @!p2 $0x0  }
0x1d: {  	s5 =	simm.s32 @p1 $0x1;
	p0 =	seq.s32 s7, s2  }
0x1e: {  	s7 =	smul.u32 @!p0 $0xF7A, s2;
	p2 =	seq.s32 @!p0 s5, $0x0  }
0x1f: {  	s9 =	smul.u32 $0xF7A, s1;
	s8 =	simm.s32 @!p0 $0x1BF5;
	p2 =	por !p2, p0  }
0x20: {  	[sflag:s8] =	ssyncset.s32 @!p0 $0xFFFFF086;
	s6 =	sadd.s32 @!p0 s3, s7;
	s7 =	simm.s32 @!p0 $0x108  }
0x21: {  	s3 =	sadd.s32 s3, s9;
	s6 =	sadd.s32 @!p0 $0x88, s6;
	s7 =	simm.s32 @p2 $0x1082  }
0x22: {  	[simem:s7], [sflag:s8] =	dma.local @!p0 [hbm:s6], $0xF7A  }
0x23: {  	s9 =	sor.u32 $0xD0000000, s2;
	s6 =	simm.s32 $0x108;
	_ =	swait.ge @!p0 [sflag:s8], $0x0  }
0x24: {  	s3 =	sadd.s32 $0x88, s3;
	s6 =	simm.s32 @!p1 $0x1082;
	[sflag:s4] =	ssyncset.s32 $0xFFFFF086  }
0x25: {  	[simem:s6], [sflag:s4] =	dma.local [hbm:s3], $0xF7A  }
0x26: {  	[smem:$0x3F99] =	sst s1;
	(tag) =	ssettag s2;
	_ =	strace s9  }
0x27: {  	s1 =	sld [smem:$0x3FA9]  }
0x28: {  	s2 =	sld [smem:$0x3FAA]  }
0x29: {  	s4 =	sld [smem:$0x3FAC]  }
0x2a: {  	p0 =	seq.s32 s5, $0x0;
	s5 =	sld [smem:$0x3FAD]  }
0x2b: {  	s6 =	sld [smem:$0x3FAE]  }
0x2c: {  	s7 =	sld [smem:$0x3FAF]  }
0x2d: {  	s3 =	simm.s32 $0x108;
	s8 =	sld [smem:$0x3FB0]  }
0x2e: {  	s3 =	simm.s32 @!p0 $0x1082;
	s9 =	sld [smem:$0x3FB1]  }
0x2f: {  	lr =	sadd.s32 s0, s3;
	s0 =	sld [smem:$0x3FA8]  }
0x30: {  	s3 =	sld [smem:$0x3FAB]  }
0x31: {  	[smem:$0x3FB4] =	sst s10  }
0x32: {  	s10 =	sld [smem:$0x3FB2];
	_ =	sdelay $0x3  }
0x33: {  	p0 =	seq.s32 s10, $0x1;
	s10 =	sld [smem:$0x3FB4];
	_ =	sdelay $0x3  }
0x34: {  	[smem:$0x3FB4] =	sst s10  }
0x35: {  	s10 =	sld [smem:$0x3FB3];
	_ =	sdelay $0x3  }
0x36: {  	p1 =	seq.s32 s10, $0x1;
	s10 =	sld [smem:$0x3FB4];
	_ =	sdelay $0x3  }
0x37: {  	[smem:$0x3FB4] =	sst s10  }
0x38: {  	s10 =	sld [smem:$0x3FB5]  }
0x39: {  	_ = 	snop;
	(pc) =	sbr.ind lr, $3  }
0x3a: {  	_ = 	snop  }
0x3b: {  	_ = 	snop  }
0x3c: {  	p2 =	seq.s32 s10, $0x1;
	s10 =	sld [smem:$0x3FB4]  }
0x3d: {  	_ =	shalt  }
0x3e: {  	_ =	shalt  }
0x3f: {  	_ =	shalt  }
0x40: {  	_ =	shalt  }
0x41: {  	_ =	shalt  }
0x42: {  	_ =	shalt  }
0x43: {  	_ =	shalt  }
0x44: {  	_ =	shalt  }
0x45: {  	_ =	shalt  }
0x46: {  	_ =	shalt  }
0x47: {  	_ =	shalt  }
0x48: {  	_ =	shalt  }
0x49: {  	_ =	shalt  }
0x4a: {  	_ =	shalt  }
0x4b: {  	_ =	shalt  }
0x4c: {  	_ =	shalt  }
0x4d: {  	_ =	shalt  }
0x4e: {  	_ =	shalt  }
0x4f: {  	_ =	shalt  }
0x50: {  	_ =	shalt  }
0x51: {  	_ =	shalt  }
0x52: {  	_ =	shalt  }
0x53: {  	_ =	shalt  }
0x54: {  	_ =	shalt  }
0x55: {  	_ =	shalt  }
0x56: {  	_ =	shalt  }
0x57: {  	_ =	shalt  }
0x58: {  	_ =	shalt  }
0x59: {  	_ =	shalt  }
0x5a: {  	_ =	shalt  }
0x5b: {  	_ =	shalt  }
0x5c: {  	_ =	shalt  }
0x5d: {  	_ =	shalt  }
0x5e: {  	_ =	shalt  }
0x5f: {  	_ =	shalt  }
0x60: {  	_ =	shalt  }
0x61: {  	_ =	shalt  }
0x62: {  	_ =	shalt  }
0x63: {  	_ =	shalt  }
0x64: {  	_ =	shalt  }
0x65: {  	_ =	shalt  }
0x66: {  	_ =	shalt  }
0x67: {  	_ =	shalt  }
0x68: {  	_ =	shalt  }
0x69: {  	_ =	shalt  }
0x6a: {  	_ =	shalt  }
0x6b: {  	_ =	shalt  }
0x6c: {  	_ =	shalt  }
0x6d: {  	_ =	shalt  }
0x6e: {  	_ =	shalt  }
0x6f: {  	_ =	shalt  }
0x70: {  	_ =	shalt  }
0x71: {  	_ =	shalt  }
0x72: {  	_ =	shalt  }
0x73: {  	_ =	shalt  }
0x74: {  	_ =	shalt  }
0x75: {  	_ =	shalt  }
0x76: {  	_ =	shalt  }
0x77: {  	_ =	shalt  }
0x78: {  	_ =	shalt  }
0x79: {  	_ =	shalt  }
0x7a: {  	_ =	shalt  }
0x7b: {  	_ =	shalt  }
0x7c: {  	_ =	shalt  }
0x7d: {  	_ =	shalt  }
0x7e: {  	_ =	shalt  }
0x7f: {  	_ =	shalt  }
0x80: {  	_ =	shalt  }
0x81: {  	_ =	shalt  }
0x82: {  	_ =	shalt  }
0x83: {  	_ =	shalt  }
0x84: {  	_ =	shalt  }
0x85: {  	_ =	shalt  }
0x86: {  	_ =	shalt  }
0x87: {  	_ =	shalt  }
.Lfunc_end0:
.L_simem_size_0:
called_computation.1_lowered:
.L_overlay_start_0:
0x88: {  	s2 =	sld [smem:$0x3FD9]  }
0x89: {  	s3 =	sld [smem:$0x3FFE];
	_ =	sdelay $0x1  }
0x8a: {  	s1 =	srdreg.scid  }
0x8b: {  	s0 =	sand.u32 $0x1, s1  }
0x8c: {  	s17 =	sshll.u32 s0, $0xA;
	s2 =	sadd.s32 s3, s2  }
0x8d: {  	s2 =	sadd.s32 s2, s17  }
0x8e: {  	[smem:$0x3FC0] =	sst s2  }
0x8f: {  	_ = 	snop  }
0x90: {  	s2 =	sld [smem:$0x3FD0];
	(tm) =	ssettm $0x1  }
0x91: {  	s18 =	sld [smem:$0x3FFB];
	_ =	sdelay $0x3  }
0x92: {  	_ =	strace s18  }
0x93: {  	s3 =	sld [smem:$0x3FFC];
	_ =	sdelay $0x3  }
0x94: {  	_ =	strace s3  }
0x95: {  	s3 =	sld [smem:$0x3FFD];
	_ =	sdelay $0x3  }
0x96: {  	_ =	strace s3  }
0x97: {  	_ =	strace $0x8FFFFFFF  }
0x98: {  	s19 =	sld [smem:$0x3FDB];
	_ =	sdelay $0x1  }
0x99: {  	s4 =	simm.s32 $_scs_section_size  }
0x9a: {  	s5 =	simm.s32 $_size__tile_overlayer_lowered;
	s6 =	simm.s32 $_tile_overlayer_lowered  }
0x9b: {  	s22 =	simm.s32 $0x1BFF;
	s21 =	sshll.u32 s6, $0x1;
	s3 =	sadd.s32 s4, s19  }
0x9c: {  	s7 =	simm.s32 $0x0;
	s20 =	sshll.u32 s5, $0x1;
	s5 =	sadd.s32 s21, s3  }
0x9d: {  	[timem:s7], [sflag:s22] =	dma.local [hbm:s5], s20  }
0x9e: {  	_ =	swait.ge [sflag:s22], s20  }
0x9f: {  	s4 =	ssub.s32 $0x0, s20;
	[sflag:s22] =	ssyncset.done $0x0  }
0xa0: {  	[sflag:s22] =	ssyncadd.s32 s4;
	_ =	sdelay $0x1  }
0xa1: {  	s23 =	simm.s32 $0x1B8B  }
0xa2: {  	_ =	swait.ge [sflag:s23], $0x1  }
0xa3: {  	[sflag:s23] =	ssyncset.done $0x0  }
0xa4: {  	s25 =	simm.s32 $0x1B8E;
	s24 =	sld [smem:$0x3FFE];
	[sflag:s23] =	ssyncadd.s32 $0xFFFFFFFF  }
0xa5: {  	s26 =	simm.s32 $execute0_lowered;
	[smem:$0x3FD2] =	sst s25  }
0xa6: {  	s5 =	sshll.u32 s26, $0x1;
	_ =	strace $0x80000046;
	[dreg:$0x1] =	wrdreg $0xFFFFFFFF  }
0xa7: {  	s28 =	simm.s32 $_size_execute0_lowered;
	s3 =	sadd.s32 s3, s5;
	[dreg:$0x0] =	wrdreg $0x0  }
0xa8: {  	s5 =	sshll.u32 s28, $0x1;
	[dreg:$0x2] =	wrdreg s3  }
0xa9: {  	[dreg:$0x3] =	wrdreg s5  }
0xaa: {  	[dreg:$0x4] =	wrdreg $0xC0  }
0xab: {  	_ =	task [dreg:s7], $0x5FFFF  }
0xac: {  	[dreg:$0x1] =	wrdreg $0xFFFFFFFF  }
0xad: {  	[dreg:$0x0] =	wrdreg $0x60  }
0xae: {  	[dreg:$0x2] =	wrdreg s24  }
0xaf: {  	[dreg:$0x3] =	wrdreg s2  }
0xb0: {  	[dreg:$0x4] =	wrdreg $0xA8000  }
0xb1: {  	[dreg:$0x5] =	wrdreg $0xA  }
0xb2: {  	_ =	task.clear_ibuf [dreg:s7], $0x6FFFF;
	_ =	strace $0x90000046  }
0xb3: {  	s29 =	simm.s32 $0xA;
	_ =	strace $0x80000048  }
0xb4: {  	_ =	swait.ge [sflag:s29], $0x1  }
0xb5: {  	[sflag:s29] =	ssyncadd.s32 $0xFFFFFFFF  }
0xb6: {  	_ =	strace $0x90000048  }
0xb7: {  	_ =	sfence  }
0xb8: {  	s30 =	sld [smem:$0x0];
	_ =	sdelay $0x2  }
0xb9: {  	s31 =	sshll.u32 s1, $0xD;
	s1 =	sshrl.u32 s1, $0x2  }
0xba: {  	s3 =	sand.u32 $0x4000, s31;
	s1 =	sadd.s32 s1, s30  }
0xbb: {  	s0 =	sor.u32 s3, s0;
	s1 =	sshll.u32 s1, $0x11  }
0xbc: {  	s0 =	sor.u32 s1, s0  }
0xbd: {  	s0 =	sadd.s32 $0x8F2B, s0  }
0xbe: {  	[sflag:s0] =	ssyncadd.remote.s32 $0x1  }
0xbf: {  	_ =	sfence.sel $0xFFFF  }
0xc0: {  	[dreg:$0x0] =	wrdreg $0xFFFFFFFF;
	(pc) =	sbr.abs _section_cstart, $3  }
0xc1: {  	[dreg:$0x1] =	wrdreg $0xFFFFFFFF  }
0xc2: {  	_ =	task.clear_ibuf [dreg:s7], $0x2FFFF;
	_ =	strace $0x9FFFFFFF  }
0xc3: {  	(tm) =	ssettm $0x7FFFFFFF  }
tec
execute0_lowered:
.L_overlay_start_1:
0x0: {  	(tag) =	ssettag $0x1  }
0x1: {  	s0 =	rddreg [dreg:$0x0]  }
0x2: {  	s2 =	rddreg [dreg:$0x2];
	s3 =	simm.s32 $0x0;
	s5 =	srdreg.scid  }
0x3: {  	s4 =	stileid.u32;
	s20 =	simm.s32 $0x5;
	s21 =	simm.s32 $0x1400  }
0x4: {  	s22 =	simm.s32 $0x80;
	s23 =	simm.s32 $0x6800;
	s24 =	simm.s32 $0x1  }
0x5: {  	s25 =	simm.s32 $0x3;
	s28 =	simm.s32 $0x4;
	s29 =	simm.s32 $0x2700  }
0x6: {  	s30 =	simm.s32 $0x2780;
	s31 =	simm.s32 $0x0;
	[smem:$0x7FF] =	sst s3  }
0x7: {  	s1 =	sadd.s32 $0x57000, s0;
	s17 =	sadd.s32 $0x52000, s0;
	s19 =	sand.u32 $0x1, s5  }
0x8: {  	s7 =	smul.u32 $0x50000, s4;
	s5 =	sadd.s32 $0x2AE00, s0;
	s6 =	sadd.s32 $0x3C00, s0  }
0x9: {  	s0 =	sadd.s32 $0x5C000, s0;
	_ =	strace $0x80000047;
	s9 =	ssub.s32 $0x2, s19  }
0xa: {  	[dreg:$0x4] =	wrdreg s0;
	p0 =	sne.s32 s19, $0x0;
	s19 =	simm.s32 $0x2800  }
0xb: {  	s10 =	sshrl.u32 s9, $0x1;
	s11 =	sshrl.u32 s7, $0x2;
	s7 =	smul.u32 $0x2800, s4  }
.Ltmp0:
0xc: {  	s26 =	ssub.s32 s9, s10;
	s9 =	sadd.s32 s11, s2;
	(pc) =	sbr.rel .LBB2_1-.Ltmp0, $4  }
0xd: {  	s10 =	sadd.s32 $0x4000, s9;
	s11 =	sadd.s32 $0x8000, s9;
	s15 =	sshrl.u32 s7, $0x3  }
0xe: {  	s12 =	sadd.s32 $0xC000, s9;
	s13 =	sadd.s32 $0x10000, s9;
	s18 =	sadd.s32 $0x280, s15  }
0xf: {  	s14 =	sadd.s32 s1, s15;
	s15 =	sadd.s32 s17, s15;
	s16 =	sadd.s32 s1, s18  }
0x10: {  	v0 =	vimm.f32 $0.0e+00;
	s17 =	sadd.s32 s17, s18;
	s18 =	smax.u32 s26, $0x1;
	s26 =	simm.s32 $0x2  }
.LBB2_13:
0x11: {  	[tilespmem:s23], [sflag:$0x2] =	stream.indirect.gather [hbm4b:s6+s22], $0x80, s1, s22, $0xb8;
	[tilespmem:$0x1E800] =	vst v63  }
0x12: {  	s0 =	rddreg [dreg:$0x4]  }
.LBB2_14:
0x13: {  	_ =	swait.ge [sflag:s24], $0x4000  }
0x14: {  	[sflag:s24] =	ssyncset.done $0x0  }
0x15: {  	[sflag:s24] =	ssyncadd.s32 $0xFFFFC000  }
0x16: {  	[spmem:s2] =	stream.indirect.scatter.add.f32 [tilespmem:s19], [sflag:$0x3], $0x80, s29, s22, $0xb8;
	[tilespmem:$0x1E800] =	vst v63  }
0x17: {  	_ =	swait.ge [sflag:s26], $0x4000  }
0x18: {  	[sflag:s26] =	ssyncset.done $0x0  }
0x19: {  	[sflag:s26] =	ssyncadd.s32 $0xFFFFC000  }
0x1a: {  	[spmem:s2] =	stream.indirect.scatter.add.f32 [tilespmem:s23], [sflag:$0x4], $0x80, s30, s22, $0xb8;
	[tilespmem:$0x1E800] =	vst v63  }
0x1b: {  	_ =	swait.ge [sflag:s25], $0x4000  }
0x1c: {  	[sflag:s25] =	ssyncset.done $0x0  }
0x1d: {  	[sflag:s25] =	ssyncadd.s32 $0xFFFFC000  }
0x1e: {  	s0 =	sadd.s32 s0, s7;
	_ =	swait.ge [sflag:s28], $0x4000  }
0x1f: {  	s1 =	sshll.u32 s4, $0x6;
	s31 =	sadd.s32 $0x1, s31;
	[sflag:s28] =	ssyncset.done $0x0  }
0x20: {  	s8 =	sshrl.u32 s9, $0x3;
	p1 =	sne.s32 s31, s18;
	[sflag:s28] =	ssyncadd.s32 $0xFFFFC000  }
.Ltmp1:
0x21: {  	s1 =	sor.u32 $0x1C05, s1;
	[bflag:$0x0] =	sbarrier.arrive $0xFFFF;
	(pc) =	sbr.rel @!p1 .LBB2_15-.Ltmp1, $4  }
0x22: {  	[hbm:s0], [sflag:s1] =	dma.local [spmem:s8], $0x2800  }
0x23: {  	_ =	swait.ge [sflag:s20], $0x2800  }
0x24: {  	[sflag:s20] =	ssyncset.done $0x0  }
0x25: {  	[sflag:s20] =	ssyncadd.s32 $0xFFFFD800  }
.LBB2_1:
0x26: {  	s0 =	simm.s32 $0x0;
	s1 =	simm.s32 $0x200  }
.LBB2_2:
0x27: {  	p1 =	sne.s32 s1, $0xFE00;
	[tilespmem:s0+$0x2870] =	vst v0  }
0x28: {  	[tilespmem:s0+$0x2800] =	vst v0  }
0x29: {  	[tilespmem:s0+$0x2810] =	vst v0  }
.Ltmp2:
0x2a: {  	[tilespmem:s0+$0x2820] =	vst v0;
	(pc) =	sbr.rel @p1 .LBB2_2-.Ltmp2, $4  }
0x2b: {  	[tilespmem:s0+$0x2830] =	vst v0  }
0x2c: {  	[tilespmem:s0+$0x2840] =	vst v0  }
0x2d: {  	[tilespmem:s0+$0x2850] =	vst v0  }
0x2e: {  	[tilespmem:s0+$0x2860] =	vst v0;
	s0 =	sshra.s32 s1, $0x2;
	s1 =	sadd.s32 $0x200, s1  }
0x2f: {  	[tilespmem:s0+$0x2870] =	vst v0  }
0x30: {  	[tilespmem:s0+$0x2800] =	vst v0  }
0x31: {  	[tilespmem:s0+$0x2810] =	vst v0  }
0x32: {  	[tilespmem:s0+$0x2820] =	vst v0  }
0x33: {  	[tilespmem:s0+$0x2830] =	vst v0  }
0x34: {  	[tilespmem:s0+$0x2840] =	vst v0  }
0x35: {  	[tilespmem:s0+$0x2850] =	vst v0  }
0x36: {  	[tilespmem:s0+$0x2860] =	vst v0  }
0x37: {  	[spmem:s9] =	stream.linear.scatter [tilespmem:s19], [sflag:$0x5], $0x4000, $0x38;
	[tilespmem:$0x1E800] =	vst v63  }
0x38: {  	_ =	swait.ge [sflag:s20], $0x4000  }
0x39: {  	[sflag:s20] =	ssyncset.done $0x0  }
0x3a: {  	[sflag:s20] =	ssyncadd.s32 $0xFFFFC000  }
0x3b: {  	[spmem:s10] =	stream.linear.scatter [tilespmem:s19], [sflag:$0x5], $0x4000, $0x38;
	[tilespmem:$0x1E800] =	vst v63  }
0x3c: {  	_ =	swait.ge [sflag:s20], $0x4000  }
0x3d: {  	[sflag:s20] =	ssyncset.done $0x0  }
0x3e: {  	[sflag:s20] =	ssyncadd.s32 $0xFFFFC000  }
0x3f: {  	[spmem:s11] =	stream.linear.scatter [tilespmem:s19], [sflag:$0x5], $0x4000, $0x38;
	[tilespmem:$0x1E800] =	vst v63  }
0x40: {  	_ =	swait.ge [sflag:s20], $0x4000  }
0x41: {  	[sflag:s20] =	ssyncset.done $0x0  }
0x42: {  	[sflag:s20] =	ssyncadd.s32 $0xFFFFC000  }
0x43: {  	[spmem:s12] =	stream.linear.scatter [tilespmem:s19], [sflag:$0x5], $0x4000, $0x38;
	[tilespmem:$0x1E800] =	vst v63  }
0x44: {  	_ =	swait.ge [sflag:s20], $0x4000  }
0x45: {  	[sflag:s20] =	ssyncset.done $0x0  }
0x46: {  	[sflag:s20] =	ssyncadd.s32 $0xFFFFC000  }
0x47: {  	[spmem:s13] =	stream.linear.scatter [tilespmem:s19], [sflag:$0x5], $0x4000, $0x38;
	[tilespmem:$0x1E800] =	vst v63  }
0x48: {  	_ =	swait.ge [sflag:s20], $0x4000  }
0x49: {  	[sflag:s20] =	ssyncset.done $0x0  }
0x4a: {  	[sflag:s20] =	ssyncadd.s32 $0xFFFFC000  }
0x4b: {  	[tilespmem:s3], [sflag:$0x5] =	stream.linear.gather [hbm4b:s14+s3], $0x1400, $0x38;
	[tilespmem:$0x1E800] =	vst v63  }
0x4c: {  	_ =	swait.ge [sflag:s20], $0x1400  }
0x4d: {  	[sflag:s20] =	ssyncset.done $0x0  }
.Ltmp3:
0x4e: {  	[sflag:s20] =	ssyncadd.s32 $0xFFFFEC00;
	(pc) =	sbr.rel @p0 .LBB2_9-.Ltmp3, $4  }
0x4f: {  	[tilespmem:s21], [sflag:$0x5] =	stream.linear.gather [hbm4b:s15+s3], $0x1400, $0x38;
	[tilespmem:$0x1E800] =	vst v63  }
0x50: {  	_ =	swait.ge [sflag:s20], $0x1400  }
0x51: {  	[sflag:s20] =	ssyncset.done $0x0  }
0x52: {  	s0 =	simm.s32 $0x0;
	[sflag:s20] =	ssyncadd.s32 $0xFFFFEC00  }
0x53: {  	[tilespmem:s19], [sflag:$0x1] =	stream.indirect.gather [hbm4b:s5+s22], $0x80, s0, s22, $0xb8;
	[tilespmem:$0x1E800] =	vst v63  }
0x54: {  	_ = 	snop  }
0x55: {  	[tilespmem:s23], [sflag:$0x2] =	stream.indirect.gather [hbm4b:s5+s22], $0x80, s22, s22, $0xb8;
	[tilespmem:$0x1E800] =	vst v63  }
0x56: {  	[bflag:$0x0] =	sbarrier.arrive $0xFFFF  }
0x57: {  	_ =	swait.ge [sflag:s24], $0x4000  }
0x58: {  	[sflag:s24] =	ssyncset.done $0x0  }
0x59: {  	s8 =	simm.s32 $0x1400;
	[sflag:s24] =	ssyncadd.s32 $0xFFFFC000  }
0x5a: {  	[spmem:s2] =	stream.indirect.scatter.add.f32 [tilespmem:s19], [sflag:$0x3], $0x80, s8, s22, $0xb8;
	[tilespmem:$0x1E800] =	vst v63  }
0x5b: {  	_ =	swait.ge [sflag:s25], $0x4000  }
0x5c: {  	[sflag:s25] =	ssyncset.done $0x0  }
0x5d: {  	s1 =	simm.s32 $0x100;
	[sflag:s25] =	ssyncadd.s32 $0xFFFFC000  }
0x5e: {  	[tilespmem:s19], [sflag:$0x1] =	stream.indirect.gather [hbm4b:s5+s22], $0x80, s1, s22, $0xb8;
	[tilespmem:$0x1E800] =	vst v63  }
0x5f: {  	_ =	swait.ge [sflag:s26], $0x4000  }
0x60: {  	[sflag:s26] =	ssyncset.done $0x0  }
0x61: {  	s8 =	simm.s32 $0x1480;
	[sflag:s26] =	ssyncadd.s32 $0xFFFFC000  }
0x62: {  	[spmem:s2] =	stream.indirect.scatter.add.f32 [tilespmem:s23], [sflag:$0x4], $0x80, s8, s22, $0xb8;
	[tilespmem:$0x1E800] =	vst v63  }
0x63: {  	_ =	swait.ge [sflag:s28], $0x4000  }
0x64: {  	[sflag:s28] =	ssyncset.done $0x0  }
0x65: {  	s0 =	simm.s32 $0x400;
	s1 =	simm.s32 $0x180;
	[sflag:s28] =	ssyncadd.s32 $0xFFFFC000  }
.LBB2_5:
0x66: {  	[tilespmem:s23], [sflag:$0x2] =	stream.indirect.gather [hbm4b:s5+s22], $0x80, s1, s22, $0xb8;
	[tilespmem:$0x1E800] =	vst v63  }
0x67: {  	s1 =	smov.u32 s0  }
0x68: {  	p1 =	sne.s32 s0, $0x4800;
	s0 =	sadd.s32 $0x400, s0;
	_ =	swait.ge [sflag:s24], $0x4000  }
0x69: {  	s1 =	sshra.s32 s1, $0x2;
	[sflag:s24] =	ssyncset.done $0x0  }
0x6a: {  	s8 =	sadd.s32 $0x1400, s1;
	[sflag:s24] =	ssyncadd.s32 $0xFFFFC000  }
0x6b: {  	[spmem:s2] =	stream.indirect.scatter.add.f32 [tilespmem:s19], [sflag:$0x3], $0x80, s8, s22, $0xb8;
	[tilespmem:$0x1E800] =	vst v63  }
0x6c: {  	_ =	swait.ge [sflag:s25], $0x4000  }
0x6d: {  	[sflag:s25] =	ssyncset.done $0x0  }
0x6e: {  	s8 =	sadd.s32 $0x100, s1;
	[sflag:s25] =	ssyncadd.s32 $0xFFFFC000  }
0x6f: {  	[tilespmem:s19], [sflag:$0x1] =	stream.indirect.gather [hbm4b:s5+s22], $0x80, s8, s22, $0xb8;
	[tilespmem:$0x1E800] =	vst v63  }
0x70: {  	_ =	swait.ge [sflag:s26], $0x4000  }
0x71: {  	[sflag:s26] =	ssyncset.done $0x0  }
.Ltmp4:
0x72: {  	s8 =	sadd.s32 $0x1480, s1;
	[sflag:s26] =	ssyncadd.s32 $0xFFFFC000;
	(pc) =	sbr.rel @p1 .LBB2_5-.Ltmp4, $4  }
0x73: {  	[spmem:s2] =	stream.indirect.scatter.add.f32 [tilespmem:s23], [sflag:$0x4], $0x80, s8, s22, $0xb8;
	[tilespmem:$0x1E800] =	vst v63  }
0x74: {  	_ =	swait.ge [sflag:s28], $0x4000  }
0x75: {  	[sflag:s28] =	ssyncset.done $0x0  }
0x76: {  	s1 =	sadd.s32 $0x180, s1;
	[sflag:s28] =	ssyncadd.s32 $0xFFFFC000  }
0x77: {  	[tilespmem:s23], [sflag:$0x2] =	stream.indirect.gather [hbm4b:s5+s22], $0x80, s1, s22, $0xb8;
	[tilespmem:$0x1E800] =	vst v63  }
0x78: {  	_ =	swait.ge [sflag:s24], $0x4000  }
0x79: {  	[sflag:s24] =	ssyncset.done $0x0  }
0x7a: {  	[sflag:s24] =	ssyncadd.s32 $0xFFFFC000  }
0x7b: {  	[spmem:s2] =	stream.indirect.scatter.add.f32 [tilespmem:s19], [sflag:$0x3], $0x80, s29, s22, $0xb8;
	[tilespmem:$0x1E800] =	vst v63  }
0x7c: {  	_ =	swait.ge [sflag:s26], $0x4000  }
0x7d: {  	[sflag:s26] =	ssyncset.done $0x0  }
0x7e: {  	[sflag:s26] =	ssyncadd.s32 $0xFFFFC000  }
0x7f: {  	[spmem:s2] =	stream.indirect.scatter.add.f32 [tilespmem:s23], [sflag:$0x4], $0x80, s30, s22, $0xb8;
	[tilespmem:$0x1E800] =	vst v63  }
0x80: {  	_ =	swait.ge [sflag:s25], $0x4000  }
0x81: {  	[sflag:s25] =	ssyncset.done $0x0  }
0x82: {  	[sflag:s25] =	ssyncadd.s32 $0xFFFFC000  }
0x83: {  	_ =	swait.ge [sflag:s28], $0x4000  }
0x84: {  	[sflag:s28] =	ssyncset.done $0x0  }
0x85: {  	s0 =	simm.s32 $0x0;
	[sflag:s28] =	ssyncadd.s32 $0xFFFFC000  }
0x86: {  	[tilespmem:s0], [sflag:$0x5] =	stream.linear.gather [hbm4b:s16+s0], $0x1400, $0x38;
	[tilespmem:$0x1E800] =	vst v63  }
0x87: {  	_ =	swait.ge [sflag:s20], $0x1400  }
0x88: {  	[sflag:s20] =	ssyncset.done $0x0  }
0x89: {  	[sflag:s20] =	ssyncadd.s32 $0xFFFFEC00  }
0x8a: {  	[tilespmem:s21], [sflag:$0x5] =	stream.linear.gather [hbm4b:s17+s0], $0x1400, $0x38;
	[tilespmem:$0x1E800] =	vst v63  }
0x8b: {  	_ =	swait.ge [sflag:s20], $0x1400  }
0x8c: {  	[sflag:s20] =	ssyncset.done $0x0  }
0x8d: {  	[sflag:s20] =	ssyncadd.s32 $0xFFFFEC00  }
0x8e: {  	[tilespmem:s19], [sflag:$0x1] =	stream.indirect.gather [hbm4b:s5+s22], $0x80, s0, s22, $0xb8;
	[tilespmem:$0x1E800] =	vst v63  }
0x8f: {  	_ = 	snop  }
0x90: {  	[tilespmem:s23], [sflag:$0x2] =	stream.indirect.gather [hbm4b:s5+s22], $0x80, s22, s22, $0xb8;
	[tilespmem:$0x1E800] =	vst v63  }
0x91: {  	_ =	swait.ge [sflag:s24], $0x4000  }
0x92: {  	[sflag:s24] =	ssyncset.done $0x0  }
0x93: {  	s8 =	simm.s32 $0x1400;
	[sflag:s24] =	ssyncadd.s32 $0xFFFFC000  }
0x94: {  	[spmem:s2] =	stream.indirect.scatter.add.f32 [tilespmem:s19], [sflag:$0x3], $0x80, s8, s22, $0xb8;
	[tilespmem:$0x1E800] =	vst v63  }
0x95: {  	_ =	swait.ge [sflag:s25], $0x4000  }
0x96: {  	[sflag:s25] =	ssyncset.done $0x0  }
0x97: {  	s1 =	simm.s32 $0x100;
	[sflag:s25] =	ssyncadd.s32 $0xFFFFC000  }
0x98: {  	[tilespmem:s19], [sflag:$0x1] =	stream.indirect.gather [hbm4b:s5+s22], $0x80, s1, s22, $0xb8;
	[tilespmem:$0x1E800] =	vst v63  }
0x99: {  	_ =	swait.ge [sflag:s26], $0x4000  }
0x9a: {  	[sflag:s26] =	ssyncset.done $0x0  }
0x9b: {  	s8 =	simm.s32 $0x1480;
	[sflag:s26] =	ssyncadd.s32 $0xFFFFC000  }
0x9c: {  	[spmem:s2] =	stream.indirect.scatter.add.f32 [tilespmem:s23], [sflag:$0x4], $0x80, s8, s22, $0xb8;
	[tilespmem:$0x1E800] =	vst v63  }
0x9d: {  	_ =	swait.ge [sflag:s28], $0x4000  }
0x9e: {  	[sflag:s28] =	ssyncset.done $0x0  }
0x9f: {  	s0 =	simm.s32 $0x400;
	s1 =	simm.s32 $0x180;
	[sflag:s28] =	ssyncadd.s32 $0xFFFFC000  }
.LBB2_7:
0xa0: {  	[tilespmem:s23], [sflag:$0x2] =	stream.indirect.gather [hbm4b:s5+s22], $0x80, s1, s22, $0xb8;
	[tilespmem:$0x1E800] =	vst v63  }
0xa1: {  	s1 =	smov.u32 s0  }
0xa2: {  	p1 =	seq.s32 s0, $0x4800;
	s0 =	sadd.s32 $0x400, s0;
	_ =	swait.ge [sflag:s24], $0x4000  }
0xa3: {  	s1 =	sshra.s32 s1, $0x2;
	[sflag:s24] =	ssyncset.done $0x0  }
0xa4: {  	s8 =	sadd.s32 $0x1400, s1;
	[sflag:s24] =	ssyncadd.s32 $0xFFFFC000  }
0xa5: {  	[spmem:s2] =	stream.indirect.scatter.add.f32 [tilespmem:s19], [sflag:$0x3], $0x80, s8, s22, $0xb8;
	[tilespmem:$0x1E800] =	vst v63  }
0xa6: {  	_ =	swait.ge [sflag:s25], $0x4000  }
0xa7: {  	[sflag:s25] =	ssyncset.done $0x0  }
0xa8: {  	s8 =	sadd.s32 $0x100, s1;
	[sflag:s25] =	ssyncadd.s32 $0xFFFFC000  }
0xa9: {  	[tilespmem:s19], [sflag:$0x1] =	stream.indirect.gather [hbm4b:s5+s22], $0x80, s8, s22, $0xb8;
	[tilespmem:$0x1E800] =	vst v63  }
0xaa: {  	_ =	swait.ge [sflag:s26], $0x4000  }
0xab: {  	[sflag:s26] =	ssyncset.done $0x0  }
.Ltmp5:
0xac: {  	s8 =	sadd.s32 $0x1480, s1;
	[sflag:s26] =	ssyncadd.s32 $0xFFFFC000;
	(pc) =	sbr.rel @!p1 .LBB2_7-.Ltmp5, $4  }
0xad: {  	[spmem:s2] =	stream.indirect.scatter.add.f32 [tilespmem:s23], [sflag:$0x4], $0x80, s8, s22, $0xb8;
	[tilespmem:$0x1E800] =	vst v63  }
0xae: {  	_ =	swait.ge [sflag:s28], $0x4000  }
0xaf: {  	[sflag:s28] =	ssyncset.done $0x0  }
0xb0: {  	s1 =	sadd.s32 $0x180, s1;
	[sflag:s28] =	ssyncadd.s32 $0xFFFFC000  }
.Ltmp6:
0xb1: {  	(pc) =	sbr.rel .LBB2_14-.Ltmp6, $3  }
0xb2: {  	_ =	sdelay $0x1  }
0xb3: {  	[tilespmem:s23], [sflag:$0x2] =	stream.indirect.gather [hbm4b:s5+s22], $0x80, s1, s22, $0xb8;
	[tilespmem:$0x1E800] =	vst v63  }
0xb4: {  	s0 =	rddreg [dreg:$0x1]  }
.LBB2_9:
0xb5: {  	[tilespmem:s19], [sflag:$0x1] =	stream.indirect.gather [hbm4b:s6+s22], $0x80, s0, s22, $0xb8;
	[tilespmem:$0x1E800] =	vst v63  }
0xb6: {  	_ = 	snop  }
0xb7: {  	[tilespmem:s23], [sflag:$0x2] =	stream.indirect.gather [hbm4b:s6+s22], $0x80, s22, s22, $0xb8;
	[tilespmem:$0x1E800] =	vst v63  }
0xb8: {  	[bflag:$0x0] =	sbarrier.arrive $0xFFFF  }
0xb9: {  	_ =	swait.ge [sflag:s24], $0x4000  }
0xba: {  	[sflag:s24] =	ssyncset.done $0x0  }
0xbb: {  	s8 =	simm.s32 $0x1400;
	[sflag:s24] =	ssyncadd.s32 $0xFFFFC000  }
0xbc: {  	[spmem:s2] =	stream.indirect.scatter.add.f32 [tilespmem:s19], [sflag:$0x3], $0x80, s8, s22, $0xb8;
	[tilespmem:$0x1E800] =	vst v63  }
0xbd: {  	_ =	swait.ge [sflag:s25], $0x4000  }
0xbe: {  	[sflag:s25] =	ssyncset.done $0x0  }
0xbf: {  	s1 =	simm.s32 $0x100;
	[sflag:s25] =	ssyncadd.s32 $0xFFFFC000  }
0xc0: {  	[tilespmem:s19], [sflag:$0x1] =	stream.indirect.gather [hbm4b:s6+s22], $0x80, s1, s22, $0xb8;
	[tilespmem:$0x1E800] =	vst v63  }
0xc1: {  	_ =	swait.ge [sflag:s26], $0x4000  }
0xc2: {  	[sflag:s26] =	ssyncset.done $0x0  }
0xc3: {  	s8 =	simm.s32 $0x1480;
	[sflag:s26] =	ssyncadd.s32 $0xFFFFC000  }
0xc4: {  	[spmem:s2] =	stream.indirect.scatter.add.f32 [tilespmem:s23], [sflag:$0x4], $0x80, s8, s22, $0xb8;
	[tilespmem:$0x1E800] =	vst v63  }
0xc5: {  	_ =	swait.ge [sflag:s28], $0x4000  }
0xc6: {  	[sflag:s28] =	ssyncset.done $0x0  }
0xc7: {  	s0 =	simm.s32 $0x400;
	s1 =	simm.s32 $0x180;
	[sflag:s28] =	ssyncadd.s32 $0xFFFFC000  }
.LBB2_10:
0xc8: {  	[tilespmem:s23], [sflag:$0x2] =	stream.indirect.gather [hbm4b:s6+s22], $0x80, s1, s22, $0xb8;
	[tilespmem:$0x1E800] =	vst v63  }
0xc9: {  	s1 =	smov.u32 s0  }
0xca: {  	p1 =	sne.s32 s0, $0x4800;
	s0 =	sadd.s32 $0x400, s0;
	_ =	swait.ge [sflag:s24], $0x4000  }
0xcb: {  	s1 =	sshra.s32 s1, $0x2;
	[sflag:s24] =	ssyncset.done $0x0  }
0xcc: {  	s8 =	sadd.s32 $0x1400, s1;
	[sflag:s24] =	ssyncadd.s32 $0xFFFFC000  }
0xcd: {  	[spmem:s2] =	stream.indirect.scatter.add.f32 [tilespmem:s19], [sflag:$0x3], $0x80, s8, s22, $0xb8;
	[tilespmem:$0x1E800] =	vst v63  }
0xce: {  	_ =	swait.ge [sflag:s25], $0x4000  }
0xcf: {  	[sflag:s25] =	ssyncset.done $0x0  }
0xd0: {  	s8 =	sadd.s32 $0x100, s1;
	[sflag:s25] =	ssyncadd.s32 $0xFFFFC000  }
0xd1: {  	[tilespmem:s19], [sflag:$0x1] =	stream.indirect.gather [hbm4b:s6+s22], $0x80, s8, s22, $0xb8;
	[tilespmem:$0x1E800] =	vst v63  }
0xd2: {  	_ =	swait.ge [sflag:s26], $0x4000  }
0xd3: {  	[sflag:s26] =	ssyncset.done $0x0  }
.Ltmp7:
0xd4: {  	s8 =	sadd.s32 $0x1480, s1;
	[sflag:s26] =	ssyncadd.s32 $0xFFFFC000;
	(pc) =	sbr.rel @p1 .LBB2_10-.Ltmp7, $4  }
0xd5: {  	[spmem:s2] =	stream.indirect.scatter.add.f32 [tilespmem:s23], [sflag:$0x4], $0x80, s8, s22, $0xb8;
	[tilespmem:$0x1E800] =	vst v63  }
0xd6: {  	_ =	swait.ge [sflag:s28], $0x4000  }
0xd7: {  	[sflag:s28] =	ssyncset.done $0x0  }
0xd8: {  	s1 =	sadd.s32 $0x180, s1;
	[sflag:s28] =	ssyncadd.s32 $0xFFFFC000  }
0xd9: {  	[tilespmem:s23], [sflag:$0x2] =	stream.indirect.gather [hbm4b:s6+s22], $0x80, s1, s22, $0xb8;
	[tilespmem:$0x1E800] =	vst v63  }
0xda: {  	_ =	swait.ge [sflag:s24], $0x4000  }
0xdb: {  	[sflag:s24] =	ssyncset.done $0x0  }
0xdc: {  	[sflag:s24] =	ssyncadd.s32 $0xFFFFC000  }
0xdd: {  	[spmem:s2] =	stream.indirect.scatter.add.f32 [tilespmem:s19], [sflag:$0x3], $0x80, s29, s22, $0xb8;
	[tilespmem:$0x1E800] =	vst v63  }
0xde: {  	_ =	swait.ge [sflag:s26], $0x4000  }
0xdf: {  	[sflag:s26] =	ssyncset.done $0x0  }
0xe0: {  	[sflag:s26] =	ssyncadd.s32 $0xFFFFC000  }
0xe1: {  	[spmem:s2] =	stream.indirect.scatter.add.f32 [tilespmem:s23], [sflag:$0x4], $0x80, s30, s22, $0xb8;
	[tilespmem:$0x1E800] =	vst v63  }
0xe2: {  	_ =	swait.ge [sflag:s25], $0x4000  }
0xe3: {  	[sflag:s25] =	ssyncset.done $0x0  }
0xe4: {  	[sflag:s25] =	ssyncadd.s32 $0xFFFFC000  }
0xe5: {  	_ =	swait.ge [sflag:s28], $0x4000  }
0xe6: {  	[sflag:s28] =	ssyncset.done $0x0  }
0xe7: {  	s0 =	simm.s32 $0x0;
	[sflag:s28] =	ssyncadd.s32 $0xFFFFC000  }
0xe8: {  	[tilespmem:s0], [sflag:$0x5] =	stream.linear.gather [hbm4b:s16+s0], $0x1400, $0x38;
	[tilespmem:$0x1E800] =	vst v63  }
0xe9: {  	_ =	swait.ge [sflag:s20], $0x1400  }
0xea: {  	[sflag:s20] =	ssyncset.done $0x0  }
0xeb: {  	[sflag:s20] =	ssyncadd.s32 $0xFFFFEC00  }
0xec: {  	[tilespmem:s21], [sflag:$0x5] =	stream.linear.gather [hbm4b:s17+s0], $0x1400, $0x38;
	[tilespmem:$0x1E800] =	vst v63  }
0xed: {  	_ =	swait.ge [sflag:s20], $0x1400  }
0xee: {  	[sflag:s20] =	ssyncset.done $0x0  }
0xef: {  	[sflag:s20] =	ssyncadd.s32 $0xFFFFEC00  }
0xf0: {  	[tilespmem:s19], [sflag:$0x1] =	stream.indirect.gather [hbm4b:s6+s22], $0x80, s0, s22, $0xb8;
	[tilespmem:$0x1E800] =	vst v63  }
0xf1: {  	_ = 	snop  }
0xf2: {  	[tilespmem:s23], [sflag:$0x2] =	stream.indirect.gather [hbm4b:s6+s22], $0x80, s22, s22, $0xb8;
	[tilespmem:$0x1E800] =	vst v63  }
0xf3: {  	_ =	swait.ge [sflag:s24], $0x4000  }
0xf4: {  	[sflag:s24] =	ssyncset.done $0x0  }
0xf5: {  	s8 =	simm.s32 $0x1400;
	[sflag:s24] =	ssyncadd.s32 $0xFFFFC000  }
0xf6: {  	[spmem:s2] =	stream.indirect.scatter.add.f32 [tilespmem:s19], [sflag:$0x3], $0x80, s8, s22, $0xb8;
	[tilespmem:$0x1E800] =	vst v63  }
0xf7: {  	_ =	swait.ge [sflag:s25], $0x4000  }
0xf8: {  	[sflag:s25] =	ssyncset.done $0x0  }
0xf9: {  	s1 =	simm.s32 $0x100;
	[sflag:s25] =	ssyncadd.s32 $0xFFFFC000  }
0xfa: {  	[tilespmem:s19], [sflag:$0x1] =	stream.indirect.gather [hbm4b:s6+s22], $0x80, s1, s22, $0xb8;
	[tilespmem:$0x1E800] =	vst v63  }
0xfb: {  	_ =	swait.ge [sflag:s26], $0x4000  }
0xfc: {  	[sflag:s26] =	ssyncset.done $0x0  }
0xfd: {  	s8 =	simm.s32 $0x1480;
	[sflag:s26] =	ssyncadd.s32 $0xFFFFC000  }
0xfe: {  	[spmem:s2] =	stream.indirect.scatter.add.f32 [tilespmem:s23], [sflag:$0x4], $0x80, s8, s22, $0xb8;
	[tilespmem:$0x1E800] =	vst v63  }
0xff: {  	_ =	swait.ge [sflag:s28], $0x4000  }
0x100: {  	[sflag:s28] =	ssyncset.done $0x0  }
0x101: {  	s0 =	simm.s32 $0x400;
	s1 =	simm.s32 $0x180;
	[sflag:s28] =	ssyncadd.s32 $0xFFFFC000  }
.LBB2_12:
0x102: {  	[tilespmem:s23], [sflag:$0x2] =	stream.indirect.gather [hbm4b:s6+s22], $0x80, s1, s22, $0xb8;
	[tilespmem:$0x1E800] =	vst v63  }
0x103: {  	s1 =	smov.u32 s0  }
0x104: {  	p1 =	sne.s32 s0, $0x4800;
	s0 =	sadd.s32 $0x400, s0;
	_ =	swait.ge [sflag:s24], $0x4000  }
0x105: {  	s1 =	sshra.s32 s1, $0x2;
	[sflag:s24] =	ssyncset.done $0x0  }
0x106: {  	s8 =	sadd.s32 $0x1400, s1;
	[sflag:s24] =	ssyncadd.s32 $0xFFFFC000  }
0x107: {  	[spmem:s2] =	stream.indirect.scatter.add.f32 [tilespmem:s19], [sflag:$0x3], $0x80, s8, s22, $0xb8;
	[tilespmem:$0x1E800] =	vst v63  }
0x108: {  	_ =	swait.ge [sflag:s25], $0x4000  }
0x109: {  	[sflag:s25] =	ssyncset.done $0x0  }
0x10a: {  	s8 =	sadd.s32 $0x100, s1;
	[sflag:s25] =	ssyncadd.s32 $0xFFFFC000  }
0x10b: {  	[tilespmem:s19], [sflag:$0x1] =	stream.indirect.gather [hbm4b:s6+s22], $0x80, s8, s22, $0xb8;
	[tilespmem:$0x1E800] =	vst v63  }
0x10c: {  	_ =	swait.ge [sflag:s26], $0x4000  }
0x10d: {  	[sflag:s26] =	ssyncset.done $0x0  }
.Ltmp8:
0x10e: {  	s8 =	sadd.s32 $0x1480, s1;
	[sflag:s26] =	ssyncadd.s32 $0xFFFFC000;
	(pc) =	sbr.rel @p1 .LBB2_12-.Ltmp8, $4  }
0x10f: {  	[spmem:s2] =	stream.indirect.scatter.add.f32 [tilespmem:s23], [sflag:$0x4], $0x80, s8, s22, $0xb8;
	[tilespmem:$0x1E800] =	vst v63  }
0x110: {  	_ =	swait.ge [sflag:s28], $0x4000  }
0x111: {  	[sflag:s28] =	ssyncset.done $0x0  }
0x112: {  	s1 =	sadd.s32 $0x180, s1;
	[sflag:s28] =	ssyncadd.s32 $0xFFFFC000  }
.Ltmp9:
0x113: {  	_ = 	snop;
	(pc) =	sbr.rel .LBB2_13-.Ltmp9, $1  }
0x114: {  	_ =	sdelay $0x3  }
.LBB2_15:
0x115: {  	_ =	sfence.sel $0x180000  }
0x116: {  	[bflag:$0x0] =	sbarrier.arrive $0xFFFF  }
0x117: {  	_ =	strace $0x90000047  }
0x118: {  	[bflag:$0x2] =	sbarrier.arrive $0xFFFF  }
0x119: {  	p0 =	sne.s32 s4, $0x0;
	s0 =	rddreg [dreg:$0x3]  }
0x11a: {  	s0 =	sadd.s32 @!p0 $0x100000, s0  }
0x11b: {  	[sflag:s0] =	ssyncadd.tile.s32 @!p0 $0x1;
	_ =	shalt  }
.Lfunc_end2:
_tile_overlayer_lowered:
.L_overlay_start_2:
0x11c: {  	(tag) =	ssettag $0x2  }
0x11d: {  	s0 =	rddreg [dreg:$0x0];
	s2 =	stileid.u32  }
0x11e: {  	s1 =	rddreg [dreg:$0x1];
	p0 =	sne.s32 s2, $0x0  }
0x11f: {  	s3 =	rddreg [dreg:$0x2];
	[bflag:$0x3] =	sbarrier.arrive $0xFFFF;
	s2 =	simm.s32 @!p0 $0x1C05  }
0x120: {  	[timem:s3], [sflag:s2] =	dma.local @!p0 [hbm:s0], s1  }
0x121: {  	s0 =	simm.s32 @!p0 $0x5  }
0x122: {  	_ =	swait.ge @!p0 [sflag:s0], s1  }
0x123: {  	s1 =	ssub.s32 @!p0 $0x0, s1;
	[sflag:s0] =	ssyncset.done @!p0 $0x0  }
0x124: {  	[sflag:s0] =	ssyncadd.s32 @!p0 s1  }
0x125: {  	[bflag:$0x3] =	sbarrier.arrive $0xFFFF  }
0x126: {  	_ =	shalt  }

// kernel: kernel.13.cloned.1.call-start
scs
__scs_entry_jumppad:
0x0: {  	(pc) =	sbr.rel $0x88, $3  }
0x1: {  	(tag) =	ssettag $0x0;
	lr =	simm.s32 $0x1  }
0x2: {  	[smem:$0x3F99] =	sst lr;
	_ =	strace $0xD0000000  }
0x3: {  	_ = 	snop  }
0x4: {  	_ = 	snop  }
0x5: {  	_ = 	snop  }
0x6: {  	_ = 	snop  }
0x7: {  	_ = 	snop  }
__scs_overlays_trampoline_lowered:
0x8: {  	[smem:$0x3FA8] =	sst s0  }
0x9: {  	[smem:$0x3FA9] =	sst s1  }
0xa: {  	[smem:$0x3FAA] =	sst s2  }
0xb: {  	[smem:$0x3FAB] =	sst s3  }
0xc: {  	[smem:$0x3FAC] =	sst s4  }
0xd: {  	[smem:$0x3FAD] =	sst s5  }
0xe: {  	[smem:$0x3FAE] =	sst s6  }
0xf: {  	[smem:$0x3FAF] =	sst s7  }
0x10: {  	[smem:$0x3FB0] =	sst s8  }
0x11: {  	[smem:$0x3FB1] =	sst s9;
	s0 =	simm.s32 @!p0 $0x0  }
0x12: {  	s1 =	sld [smem:$0x3F97];
	s0 =	simm.s32 @p0 $0x1  }
0x13: {  	[smem:$0x3FB2] =	sst s0;
	s0 =	simm.s32 @!p1 $0x0  }
0x14: {  	s2 =	sld [smem:$0x3F96];
	s0 =	simm.s32 @p1 $0x1  }
0x15: {  	[smem:$0x3FB3] =	sst s0;
	s0 =	simm.s32 @!p2 $0x0  }
0x16: {  	s3 =	sld [smem:$0x3FDB];
	s0 =	simm.s32 @p2 $0x1  }
0x17: {  	s4 =	simm.s32 $0x1BF5;
	[smem:$0x3FB5] =	sst s0  }
0x18: {  	s0 =	sld [smem:$0x3F98];
	_ =	swait.ge [sflag:s4], $0x0  }
0x19: {  	s7 =	sld [smem:$0x3F99]  }
0x1a: {  	s8 =	sadd.s32 $0xFFFFE003, lr  }
0x1b: {  	s9 =	sadd.s32 $0xFFFFFEF7, lr;
	s5 =	simm.s32 $0xFFFFFFFF;
	p2 =	slt.u32 s8, $0xFFFFF086  }
0x1c: {  	p1 =	slt.u32 s9, $0xF7A;
	s5 =	simm.s32 @!p2 $0x0  }
0x1d: {  	s5 =	simm.s32 @p1 $0x1;
	p0 =	seq.s32 s7, s2  }
0x1e: {  	s7 =	smul.u32 @!p0 $0xF7A, s2;
	p2 =	seq.s32 @!p0 s5, $0x0  }
0x1f: {  	s9 =	smul.u32 $0xF7A, s1;
	s8 =	simm.s32 @!p0 $0x1BF5;
	p2 =	por !p2, p0  }
0x20: {  	[sflag:s8] =	ssyncset.s32 @!p0 $0xFFFFF086;
	s6 =	sadd.s32 @!p0 s3, s7;
	s7 =	simm.s32 @!p0 $0x108  }
0x21: {  	s3 =	sadd.s32 s3, s9;
	s6 =	sadd.s32 @!p0 $0x88, s6;
	s7 =	simm.s32 @p2 $0x1082  }
0x22: {  	[simem:s7], [sflag:s8] =	dma.local @!p0 [hbm:s6], $0xF7A  }
0x23: {  	s9 =	sor.u32 $0xD0000000, s2;
	s6 =	simm.s32 $0x108;
	_ =	swait.ge @!p0 [sflag:s8], $0x0  }
0x24: {  	s3 =	sadd.s32 $0x88, s3;
	s6 =	simm.s32 @!p1 $0x1082;
	[sflag:s4] =	ssyncset.s32 $0xFFFFF086  }
0x25: {  	[simem:s6], [sflag:s4] =	dma.local [hbm:s3], $0xF7A  }
0x26: {  	[smem:$0x3F99] =	sst s1;
	(tag) =	ssettag s2;
	_ =	strace s9  }
0x27: {  	s1 =	sld [smem:$0x3FA9]  }
0x28: {  	s2 =	sld [smem:$0x3FAA]  }
0x29: {  	s4 =	sld [smem:$0x3FAC]  }
0x2a: {  	p0 =	seq.s32 s5, $0x0;
	s5 =	sld [smem:$0x3FAD]  }
0x2b: {  	s6 =	sld [smem:$0x3FAE]  }
0x2c: {  	s7 =	sld [smem:$0x3FAF]  }
0x2d: {  	s3 =	simm.s32 $0x108;
	s8 =	sld [smem:$0x3FB0]  }
0x2e: {  	s3 =	simm.s32 @!p0 $0x1082;
	s9 =	sld [smem:$0x3FB1]  }
0x2f: {  	lr =	sadd.s32 s0, s3;
	s0 =	sld [smem:$0x3FA8]  }
0x30: {  	s3 =	sld [smem:$0x3FAB]  }
0x31: {  	[smem:$0x3FB4] =	sst s10  }
0x32: {  	s10 =	sld [smem:$0x3FB2];
	_ =	sdelay $0x3  }
0x33: {  	p0 =	seq.s32 s10, $0x1;
	s10 =	sld [smem:$0x3FB4];
	_ =	sdelay $0x3  }
0x34: {  	[smem:$0x3FB4] =	sst s10  }
0x35: {  	s10 =	sld [smem:$0x3FB3];
	_ =	sdelay $0x3  }
0x36: {  	p1 =	seq.s32 s10, $0x1;
	s10 =	sld [smem:$0x3FB4];
	_ =	sdelay $0x3  }
0x37: {  	[smem:$0x3FB4] =	sst s10  }
0x38: {  	s10 =	sld [smem:$0x3FB5]  }
0x39: {  	_ = 	snop;
	(pc) =	sbr.ind lr, $3  }
0x3a: {  	_ = 	snop  }
0x3b: {  	_ = 	snop  }
0x3c: {  	p2 =	seq.s32 s10, $0x1;
	s10 =	sld [smem:$0x3FB4]  }
0x3d: {  	_ =	shalt  }
0x3e: {  	_ =	shalt  }
0x3f: {  	_ =	shalt  }
0x40: {  	_ =	shalt  }
0x41: {  	_ =	shalt  }
0x42: {  	_ =	shalt  }
0x43: {  	_ =	shalt  }
0x44: {  	_ =	shalt  }
0x45: {  	_ =	shalt  }
0x46: {  	_ =	shalt  }
0x47: {  	_ =	shalt  }
0x48: {  	_ =	shalt  }
0x49: {  	_ =	shalt  }
0x4a: {  	_ =	shalt  }
0x4b: {  	_ =	shalt  }
0x4c: {  	_ =	shalt  }
0x4d: {  	_ =	shalt  }
0x4e: {  	_ =	shalt  }
0x4f: {  	_ =	shalt  }
0x50: {  	_ =	shalt  }
0x51: {  	_ =	shalt  }
0x52: {  	_ =	shalt  }
0x53: {  	_ =	shalt  }
0x54: {  	_ =	shalt  }
0x55: {  	_ =	shalt  }
0x56: {  	_ =	shalt  }
0x57: {  	_ =	shalt  }
0x58: {  	_ =	shalt  }
0x59: {  	_ =	shalt  }
0x5a: {  	_ =	shalt  }
0x5b: {  	_ =	shalt  }
0x5c: {  	_ =	shalt  }
0x5d: {  	_ =	shalt  }
0x5e: {  	_ =	shalt  }
0x5f: {  	_ =	shalt  }
0x60: {  	_ =	shalt  }
0x61: {  	_ =	shalt  }
0x62: {  	_ =	shalt  }
0x63: {  	_ =	shalt  }
0x64: {  	_ =	shalt  }
0x65: {  	_ =	shalt  }
0x66: {  	_ =	shalt  }
0x67: {  	_ =	shalt  }
0x68: {  	_ =	shalt  }
0x69: {  	_ =	shalt  }
0x6a: {  	_ =	shalt  }
0x6b: {  	_ =	shalt  }
0x6c: {  	_ =	shalt  }
0x6d: {  	_ =	shalt  }
0x6e: {  	_ =	shalt  }
0x6f: {  	_ =	shalt  }
0x70: {  	_ =	shalt  }
0x71: {  	_ =	shalt  }
0x72: {  	_ =	shalt  }
0x73: {  	_ =	shalt  }
0x74: {  	_ =	shalt  }
0x75: {  	_ =	shalt  }
0x76: {  	_ =	shalt  }
0x77: {  	_ =	shalt  }
0x78: {  	_ =	shalt  }
0x79: {  	_ =	shalt  }
0x7a: {  	_ =	shalt  }
0x7b: {  	_ =	shalt  }
0x7c: {  	_ =	shalt  }
0x7d: {  	_ =	shalt  }
0x7e: {  	_ =	shalt  }
0x7f: {  	_ =	shalt  }
0x80: {  	_ =	shalt  }
0x81: {  	_ =	shalt  }
0x82: {  	_ =	shalt  }
0x83: {  	_ =	shalt  }
0x84: {  	_ =	shalt  }
0x85: {  	_ =	shalt  }
0x86: {  	_ =	shalt  }
0x87: {  	_ =	shalt  }
.Lfunc_end0:
.L_simem_size_0:
called_computation.2_lowered:
.L_overlay_start_0:
0x88: {  	s2 =	sld [smem:$0x3FD9]  }
0x89: {  	s3 =	sld [smem:$0x3FFE];
	_ =	sdelay $0x1  }
0x8a: {  	s1 =	srdreg.scid  }
0x8b: {  	s0 =	sand.u32 $0x1, s1  }
0x8c: {  	s17 =	sshll.u32 s0, $0xA;
	s2 =	sadd.s32 s3, s2  }
0x8d: {  	s2 =	sadd.s32 s2, s17  }
0x8e: {  	[smem:$0x3FC0] =	sst s2  }
0x8f: {  	_ = 	snop  }
0x90: {  	s2 =	sld [smem:$0x3FD0];
	(tm) =	ssettm $0x1  }
0x91: {  	s18 =	sld [smem:$0x3FFB];
	_ =	sdelay $0x3  }
0x92: {  	_ =	strace s18  }
0x93: {  	s3 =	sld [smem:$0x3FFC];
	_ =	sdelay $0x3  }
0x94: {  	_ =	strace s3  }
0x95: {  	s3 =	sld [smem:$0x3FFD];
	_ =	sdelay $0x3  }
0x96: {  	_ =	strace s3  }
0x97: {  	_ =	strace $0x8FFFFFFF  }
0x98: {  	s19 =	sld [smem:$0x3FDB];
	_ =	sdelay $0x1  }
0x99: {  	s4 =	simm.s32 $_scs_section_size  }
0x9a: {  	s5 =	simm.s32 $_size__tile_overlayer_lowered;
	s6 =	simm.s32 $_tile_overlayer_lowered  }
0x9b: {  	s22 =	simm.s32 $0x1BFF;
	s21 =	sshll.u32 s6, $0x1;
	s3 =	sadd.s32 s4, s19  }
0x9c: {  	s7 =	simm.s32 $0x0;
	s20 =	sshll.u32 s5, $0x1;
	s5 =	sadd.s32 s21, s3  }
0x9d: {  	[timem:s7], [sflag:s22] =	dma.local [hbm:s5], s20  }
0x9e: {  	_ =	swait.ge [sflag:s22], s20  }
0x9f: {  	s4 =	ssub.s32 $0x0, s20;
	[sflag:s22] =	ssyncset.done $0x0  }
0xa0: {  	[sflag:s22] =	ssyncadd.s32 s4;
	_ =	sdelay $0x1  }
0xa1: {  	s23 =	simm.s32 $0x1B8B  }
0xa2: {  	_ =	swait.ge [sflag:s23], $0x1  }
0xa3: {  	[sflag:s23] =	ssyncset.done $0x0  }
0xa4: {  	s25 =	simm.s32 $0x1B8E;
	s24 =	sld [smem:$0x3FFE];
	[sflag:s23] =	ssyncadd.s32 $0xFFFFFFFF  }
0xa5: {  	s26 =	simm.s32 $execute0_lowered;
	[smem:$0x3FD2] =	sst s25  }
0xa6: {  	s5 =	sshll.u32 s26, $0x1;
	_ =	strace $0x8000004C;
	[dreg:$0x1] =	wrdreg $0xFFFFFFFF  }
0xa7: {  	s28 =	simm.s32 $_size_execute0_lowered;
	s3 =	sadd.s32 s3, s5;
	[dreg:$0x0] =	wrdreg $0x0  }
0xa8: {  	s5 =	sshll.u32 s28, $0x1;
	[dreg:$0x2] =	wrdreg s3  }
0xa9: {  	[dreg:$0x3] =	wrdreg s5  }
0xaa: {  	[dreg:$0x4] =	wrdreg $0xC0  }
0xab: {  	_ =	task [dreg:s7], $0x5FFFF  }
0xac: {  	[dreg:$0x1] =	wrdreg $0xFFFFFFFF  }
0xad: {  	[dreg:$0x0] =	wrdreg $0x60  }
0xae: {  	[dreg:$0x2] =	wrdreg s24  }
0xaf: {  	[dreg:$0x3] =	wrdreg s2  }
0xb0: {  	[dreg:$0x4] =	wrdreg $0xA8000  }
0xb1: {  	[dreg:$0x5] =	wrdreg $0x9  }
0xb2: {  	_ =	task.clear_ibuf [dreg:s7], $0x6FFFF;
	_ =	strace $0x9000004C  }
0xb3: {  	s29 =	simm.s32 $0x9;
	_ =	strace $0x8000004E  }
0xb4: {  	_ =	swait.ge [sflag:s29], $0x1  }
0xb5: {  	[sflag:s29] =	ssyncadd.s32 $0xFFFFFFFF  }
0xb6: {  	_ =	strace $0x9000004E  }
0xb7: {  	_ =	sfence  }
0xb8: {  	s30 =	sld [smem:$0x0];
	_ =	sdelay $0x2  }
0xb9: {  	s31 =	sshll.u32 s1, $0xD;
	s1 =	sshrl.u32 s1, $0x2  }
0xba: {  	s3 =	sand.u32 $0x4000, s31;
	s1 =	sadd.s32 s1, s30  }
0xbb: {  	s0 =	sor.u32 s3, s0;
	s1 =	sshll.u32 s1, $0x11  }
0xbc: {  	s0 =	sor.u32 s1, s0  }
0xbd: {  	s0 =	sadd.s32 $0x8F2B, s0  }
0xbe: {  	[sflag:s0] =	ssyncadd.remote.s32 $0x1  }
0xbf: {  	_ =	sfence.sel $0xFFFF  }
0xc0: {  	[dreg:$0x0] =	wrdreg $0xFFFFFFFF;
	(pc) =	sbr.abs _section_cstart, $3  }
0xc1: {  	[dreg:$0x1] =	wrdreg $0xFFFFFFFF  }
0xc2: {  	_ =	task.clear_ibuf [dreg:s7], $0x2FFFF;
	_ =	strace $0x9FFFFFFF  }
0xc3: {  	(tm) =	ssettm $0x7FFFFFFF  }
tec
execute0_lowered:
.L_overlay_start_1:
0x0: {  	(tag) =	ssettag $0x1  }
0x1: {  	s0 =	rddreg [dreg:$0x0]  }
0x2: {  	s2 =	rddreg [dreg:$0x2];
	s3 =	simm.s32 $0x0;
	s5 =	srdreg.scid  }
0x3: {  	s4 =	stileid.u32;
	s20 =	simm.s32 $0x5;
	s21 =	simm.s32 $0x1400  }
0x4: {  	s22 =	simm.s32 $0x80;
	s23 =	simm.s32 $0x6800;
	s24 =	simm.s32 $0x1  }
0x5: {  	s25 =	simm.s32 $0x3;
	s28 =	simm.s32 $0x4;
	s29 =	simm.s32 $0x2700  }
0x6: {  	s30 =	simm.s32 $0x2780;
	s31 =	simm.s32 $0x0;
	[smem:$0x7FF] =	sst s3  }
0x7: {  	s1 =	sadd.s32 $0x57000, s0;
	s17 =	sadd.s32 $0x52000, s0;
	s19 =	sand.u32 $0x1, s5  }
0x8: {  	s7 =	smul.u32 $0x50000, s4;
	s5 =	sadd.s32 $0x5C000, s0;
	s6 =	sadd.s32 $0x3C00, s0  }
0x9: {  	s0 =	sadd.s32 $0xD4000, s0;
	_ =	strace $0x8000004D;
	s9 =	ssub.s32 $0x2, s19  }
0xa: {  	[dreg:$0x4] =	wrdreg s0;
	p0 =	sne.s32 s19, $0x0;
	s19 =	simm.s32 $0x2800  }
0xb: {  	s10 =	sshrl.u32 s9, $0x1;
	s11 =	sshrl.u32 s7, $0x2;
	s7 =	smul.u32 $0x2800, s4  }
.Ltmp0:
0xc: {  	s26 =	ssub.s32 s9, s10;
	s9 =	sadd.s32 s11, s2;
	(pc) =	sbr.rel .LBB2_1-.Ltmp0, $4  }
0xd: {  	s10 =	sadd.s32 $0x4000, s9;
	s11 =	sadd.s32 $0x8000, s9;
	s15 =	sshrl.u32 s7, $0x3  }
0xe: {  	s12 =	sadd.s32 $0xC000, s9;
	s13 =	sadd.s32 $0x10000, s9;
	s18 =	sadd.s32 $0x280, s15  }
0xf: {  	s14 =	sadd.s32 s1, s15;
	s15 =	sadd.s32 s17, s15;
	s16 =	sadd.s32 s1, s18  }
0x10: {  	v0 =	vimm.f32 $0.0e+00;
	s17 =	sadd.s32 s17, s18;
	s18 =	smax.u32 s26, $0x1;
	s26 =	simm.s32 $0x2  }
.LBB2_13:
0x11: {  	[tilespmem:s23], [sflag:$0x2] =	stream.indirect.gather [hbm4b:s6+s22], $0x80, s1, s22, $0xb8;
	[tilespmem:$0x1E800] =	vst v63  }
0x12: {  	s0 =	rddreg [dreg:$0x4]  }
.LBB2_14:
0x13: {  	_ =	swait.ge [sflag:s24], $0x4000  }
0x14: {  	[sflag:s24] =	ssyncset.done $0x0  }
0x15: {  	[sflag:s24] =	ssyncadd.s32 $0xFFFFC000  }
0x16: {  	[spmem:s2] =	stream.indirect.scatter.add.f32 [tilespmem:s19], [sflag:$0x3], $0x80, s29, s22, $0xb8;
	[tilespmem:$0x1E800] =	vst v63  }
0x17: {  	_ =	swait.ge [sflag:s26], $0x4000  }
0x18: {  	[sflag:s26] =	ssyncset.done $0x0  }
0x19: {  	[sflag:s26] =	ssyncadd.s32 $0xFFFFC000  }
0x1a: {  	[spmem:s2] =	stream.indirect.scatter.add.f32 [tilespmem:s23], [sflag:$0x4], $0x80, s30, s22, $0xb8;
	[tilespmem:$0x1E800] =	vst v63  }
0x1b: {  	_ =	swait.ge [sflag:s25], $0x4000  }
0x1c: {  	[sflag:s25] =	ssyncset.done $0x0  }
0x1d: {  	[sflag:s25] =	ssyncadd.s32 $0xFFFFC000  }
0x1e: {  	s0 =	sadd.s32 s0, s7;
	_ =	swait.ge [sflag:s28], $0x4000  }
0x1f: {  	s1 =	sshll.u32 s4, $0x6;
	s31 =	sadd.s32 $0x1, s31;
	[sflag:s28] =	ssyncset.done $0x0  }
0x20: {  	s8 =	sshrl.u32 s9, $0x3;
	p1 =	sne.s32 s31, s18;
	[sflag:s28] =	ssyncadd.s32 $0xFFFFC000  }
.Ltmp1:
0x21: {  	s1 =	sor.u32 $0x1C05, s1;
	[bflag:$0x0] =	sbarrier.arrive $0xFFFF;
	(pc) =	sbr.rel @!p1 .LBB2_15-.Ltmp1, $4  }
0x22: {  	[hbm:s0], [sflag:s1] =	dma.local [spmem:s8], $0x2800  }
0x23: {  	_ =	swait.ge [sflag:s20], $0x2800  }
0x24: {  	[sflag:s20] =	ssyncset.done $0x0  }
0x25: {  	[sflag:s20] =	ssyncadd.s32 $0xFFFFD800  }
.LBB2_1:
0x26: {  	s0 =	simm.s32 $0x0;
	s1 =	simm.s32 $0x200  }
.LBB2_2:
0x27: {  	p1 =	sne.s32 s1, $0xFE00;
	[tilespmem:s0+$0x2870] =	vst v0  }
0x28: {  	[tilespmem:s0+$0x2800] =	vst v0  }
0x29: {  	[tilespmem:s0+$0x2810] =	vst v0  }
.Ltmp2:
0x2a: {  	[tilespmem:s0+$0x2820] =	vst v0;
	(pc) =	sbr.rel @p1 .LBB2_2-.Ltmp2, $4  }
0x2b: {  	[tilespmem:s0+$0x2830] =	vst v0  }
0x2c: {  	[tilespmem:s0+$0x2840] =	vst v0  }
0x2d: {  	[tilespmem:s0+$0x2850] =	vst v0  }
0x2e: {  	[tilespmem:s0+$0x2860] =	vst v0;
	s0 =	sshra.s32 s1, $0x2;
	s1 =	sadd.s32 $0x200, s1  }
0x2f: {  	[tilespmem:s0+$0x2870] =	vst v0  }
0x30: {  	[tilespmem:s0+$0x2800] =	vst v0  }
0x31: {  	[tilespmem:s0+$0x2810] =	vst v0  }
0x32: {  	[tilespmem:s0+$0x2820] =	vst v0  }
0x33: {  	[tilespmem:s0+$0x2830] =	vst v0  }
0x34: {  	[tilespmem:s0+$0x2840] =	vst v0  }
0x35: {  	[tilespmem:s0+$0x2850] =	vst v0  }
0x36: {  	[tilespmem:s0+$0x2860] =	vst v0  }
0x37: {  	[spmem:s9] =	stream.linear.scatter [tilespmem:s19], [sflag:$0x5], $0x4000, $0x38;
	[tilespmem:$0x1E800] =	vst v63  }
0x38: {  	_ =	swait.ge [sflag:s20], $0x4000  }
0x39: {  	[sflag:s20] =	ssyncset.done $0x0  }
0x3a: {  	[sflag:s20] =	ssyncadd.s32 $0xFFFFC000  }
0x3b: {  	[spmem:s10] =	stream.linear.scatter [tilespmem:s19], [sflag:$0x5], $0x4000, $0x38;
	[tilespmem:$0x1E800] =	vst v63  }
0x3c: {  	_ =	swait.ge [sflag:s20], $0x4000  }
0x3d: {  	[sflag:s20] =	ssyncset.done $0x0  }
0x3e: {  	[sflag:s20] =	ssyncadd.s32 $0xFFFFC000  }
0x3f: {  	[spmem:s11] =	stream.linear.scatter [tilespmem:s19], [sflag:$0x5], $0x4000, $0x38;
	[tilespmem:$0x1E800] =	vst v63  }
0x40: {  	_ =	swait.ge [sflag:s20], $0x4000  }
0x41: {  	[sflag:s20] =	ssyncset.done $0x0  }
0x42: {  	[sflag:s20] =	ssyncadd.s32 $0xFFFFC000  }
0x43: {  	[spmem:s12] =	stream.linear.scatter [tilespmem:s19], [sflag:$0x5], $0x4000, $0x38;
	[tilespmem:$0x1E800] =	vst v63  }
0x44: {  	_ =	swait.ge [sflag:s20], $0x4000  }
0x45: {  	[sflag:s20] =	ssyncset.done $0x0  }
0x46: {  	[sflag:s20] =	ssyncadd.s32 $0xFFFFC000  }
0x47: {  	[spmem:s13] =	stream.linear.scatter [tilespmem:s19], [sflag:$0x5], $0x4000, $0x38;
	[tilespmem:$0x1E800] =	vst v63  }
0x48: {  	_ =	swait.ge [sflag:s20], $0x4000  }
0x49: {  	[sflag:s20] =	ssyncset.done $0x0  }
0x4a: {  	[sflag:s20] =	ssyncadd.s32 $0xFFFFC000  }
0x4b: {  	[tilespmem:s3], [sflag:$0x5] =	stream.linear.gather [hbm4b:s14+s3], $0x1400, $0x38;
	[tilespmem:$0x1E800] =	vst v63  }
0x4c: {  	_ =	swait.ge [sflag:s20], $0x1400  }
0x4d: {  	[sflag:s20] =	ssyncset.done $0x0  }
.Ltmp3:
0x4e: {  	[sflag:s20] =	ssyncadd.s32 $0xFFFFEC00;
	(pc) =	sbr.rel @p0 .LBB2_9-.Ltmp3, $4  }
0x4f: {  	[tilespmem:s21], [sflag:$0x5] =	stream.linear.gather [hbm4b:s15+s3], $0x1400, $0x38;
	[tilespmem:$0x1E800] =	vst v63  }
0x50: {  	_ =	swait.ge [sflag:s20], $0x1400  }
0x51: {  	[sflag:s20] =	ssyncset.done $0x0  }
0x52: {  	s0 =	simm.s32 $0x0;
	[sflag:s20] =	ssyncadd.s32 $0xFFFFEC00  }
0x53: {  	[tilespmem:s19], [sflag:$0x1] =	stream.indirect.gather [hbm4b:s5+s22], $0x80, s0, s22, $0xb8;
	[tilespmem:$0x1E800] =	vst v63  }
0x54: {  	_ = 	snop  }
0x55: {  	[tilespmem:s23], [sflag:$0x2] =	stream.indirect.gather [hbm4b:s5+s22], $0x80, s22, s22, $0xb8;
	[tilespmem:$0x1E800] =	vst v63  }
0x56: {  	[bflag:$0x0] =	sbarrier.arrive $0xFFFF  }
0x57: {  	_ =	swait.ge [sflag:s24], $0x4000  }
0x58: {  	[sflag:s24] =	ssyncset.done $0x0  }
0x59: {  	s8 =	simm.s32 $0x1400;
	[sflag:s24] =	ssyncadd.s32 $0xFFFFC000  }
0x5a: {  	[spmem:s2] =	stream.indirect.scatter.add.f32 [tilespmem:s19], [sflag:$0x3], $0x80, s8, s22, $0xb8;
	[tilespmem:$0x1E800] =	vst v63  }
0x5b: {  	_ =	swait.ge [sflag:s25], $0x4000  }
0x5c: {  	[sflag:s25] =	ssyncset.done $0x0  }
0x5d: {  	s1 =	simm.s32 $0x100;
	[sflag:s25] =	ssyncadd.s32 $0xFFFFC000  }
0x5e: {  	[tilespmem:s19], [sflag:$0x1] =	stream.indirect.gather [hbm4b:s5+s22], $0x80, s1, s22, $0xb8;
	[tilespmem:$0x1E800] =	vst v63  }
0x5f: {  	_ =	swait.ge [sflag:s26], $0x4000  }
0x60: {  	[sflag:s26] =	ssyncset.done $0x0  }
0x61: {  	s8 =	simm.s32 $0x1480;
	[sflag:s26] =	ssyncadd.s32 $0xFFFFC000  }
0x62: {  	[spmem:s2] =	stream.indirect.scatter.add.f32 [tilespmem:s23], [sflag:$0x4], $0x80, s8, s22, $0xb8;
	[tilespmem:$0x1E800] =	vst v63  }
0x63: {  	_ =	swait.ge [sflag:s28], $0x4000  }
0x64: {  	[sflag:s28] =	ssyncset.done $0x0  }
0x65: {  	s0 =	simm.s32 $0x400;
	s1 =	simm.s32 $0x180;
	[sflag:s28] =	ssyncadd.s32 $0xFFFFC000  }
.LBB2_5:
0x66: {  	[tilespmem:s23], [sflag:$0x2] =	stream.indirect.gather [hbm4b:s5+s22], $0x80, s1, s22, $0xb8;
	[tilespmem:$0x1E800] =	vst v63  }
0x67: {  	s1 =	smov.u32 s0  }
0x68: {  	p1 =	sne.s32 s0, $0x4800;
	s0 =	sadd.s32 $0x400, s0;
	_ =	swait.ge [sflag:s24], $0x4000  }
0x69: {  	s1 =	sshra.s32 s1, $0x2;
	[sflag:s24] =	ssyncset.done $0x0  }
0x6a: {  	s8 =	sadd.s32 $0x1400, s1;
	[sflag:s24] =	ssyncadd.s32 $0xFFFFC000  }
0x6b: {  	[spmem:s2] =	stream.indirect.scatter.add.f32 [tilespmem:s19], [sflag:$0x3], $0x80, s8, s22, $0xb8;
	[tilespmem:$0x1E800] =	vst v63  }
0x6c: {  	_ =	swait.ge [sflag:s25], $0x4000  }
0x6d: {  	[sflag:s25] =	ssyncset.done $0x0  }
0x6e: {  	s8 =	sadd.s32 $0x100, s1;
	[sflag:s25] =	ssyncadd.s32 $0xFFFFC000  }
0x6f: {  	[tilespmem:s19], [sflag:$0x1] =	stream.indirect.gather [hbm4b:s5+s22], $0x80, s8, s22, $0xb8;
	[tilespmem:$0x1E800] =	vst v63  }
0x70: {  	_ =	swait.ge [sflag:s26], $0x4000  }
0x71: {  	[sflag:s26] =	ssyncset.done $0x0  }
.Ltmp4:
0x72: {  	s8 =	sadd.s32 $0x1480, s1;
	[sflag:s26] =	ssyncadd.s32 $0xFFFFC000;
	(pc) =	sbr.rel @p1 .LBB2_5-.Ltmp4, $4  }
0x73: {  	[spmem:s2] =	stream.indirect.scatter.add.f32 [tilespmem:s23], [sflag:$0x4], $0x80, s8, s22, $0xb8;
	[tilespmem:$0x1E800] =	vst v63  }
0x74: {  	_ =	swait.ge [sflag:s28], $0x4000  }
0x75: {  	[sflag:s28] =	ssyncset.done $0x0  }
0x76: {  	s1 =	sadd.s32 $0x180, s1;
	[sflag:s28] =	ssyncadd.s32 $0xFFFFC000  }
0x77: {  	[tilespmem:s23], [sflag:$0x2] =	stream.indirect.gather [hbm4b:s5+s22], $0x80, s1, s22, $0xb8;
	[tilespmem:$0x1E800] =	vst v63  }
0x78: {  	_ =	swait.ge [sflag:s24], $0x4000  }
0x79: {  	[sflag:s24] =	ssyncset.done $0x0  }
0x7a: {  	[sflag:s24] =	ssyncadd.s32 $0xFFFFC000  }
0x7b: {  	[spmem:s2] =	stream.indirect.scatter.add.f32 [tilespmem:s19], [sflag:$0x3], $0x80, s29, s22, $0xb8;
	[tilespmem:$0x1E800] =	vst v63  }
0x7c: {  	_ =	swait.ge [sflag:s26], $0x4000  }
0x7d: {  	[sflag:s26] =	ssyncset.done $0x0  }
0x7e: {  	[sflag:s26] =	ssyncadd.s32 $0xFFFFC000  }
0x7f: {  	[spmem:s2] =	stream.indirect.scatter.add.f32 [tilespmem:s23], [sflag:$0x4], $0x80, s30, s22, $0xb8;
	[tilespmem:$0x1E800] =	vst v63  }
0x80: {  	_ =	swait.ge [sflag:s25], $0x4000  }
0x81: {  	[sflag:s25] =	ssyncset.done $0x0  }
0x82: {  	[sflag:s25] =	ssyncadd.s32 $0xFFFFC000  }
0x83: {  	_ =	swait.ge [sflag:s28], $0x4000  }
0x84: {  	[sflag:s28] =	ssyncset.done $0x0  }
0x85: {  	s0 =	simm.s32 $0x0;
	[sflag:s28] =	ssyncadd.s32 $0xFFFFC000  }
0x86: {  	[tilespmem:s0], [sflag:$0x5] =	stream.linear.gather [hbm4b:s16+s0], $0x1400, $0x38;
	[tilespmem:$0x1E800] =	vst v63  }
0x87: {  	_ =	swait.ge [sflag:s20], $0x1400  }
0x88: {  	[sflag:s20] =	ssyncset.done $0x0  }
0x89: {  	[sflag:s20] =	ssyncadd.s32 $0xFFFFEC00  }
0x8a: {  	[tilespmem:s21], [sflag:$0x5] =	stream.linear.gather [hbm4b:s17+s0], $0x1400, $0x38;
	[tilespmem:$0x1E800] =	vst v63  }
0x8b: {  	_ =	swait.ge [sflag:s20], $0x1400  }
0x8c: {  	[sflag:s20] =	ssyncset.done $0x0  }
0x8d: {  	[sflag:s20] =	ssyncadd.s32 $0xFFFFEC00  }
0x8e: {  	[tilespmem:s19], [sflag:$0x1] =	stream.indirect.gather [hbm4b:s5+s22], $0x80, s0, s22, $0xb8;
	[tilespmem:$0x1E800] =	vst v63  }
0x8f: {  	_ = 	snop  }
0x90: {  	[tilespmem:s23], [sflag:$0x2] =	stream.indirect.gather [hbm4b:s5+s22], $0x80, s22, s22, $0xb8;
	[tilespmem:$0x1E800] =	vst v63  }
0x91: {  	_ =	swait.ge [sflag:s24], $0x4000  }
0x92: {  	[sflag:s24] =	ssyncset.done $0x0  }
0x93: {  	s8 =	simm.s32 $0x1400;
	[sflag:s24] =	ssyncadd.s32 $0xFFFFC000  }
0x94: {  	[spmem:s2] =	stream.indirect.scatter.add.f32 [tilespmem:s19], [sflag:$0x3], $0x80, s8, s22, $0xb8;
	[tilespmem:$0x1E800] =	vst v63  }
0x95: {  	_ =	swait.ge [sflag:s25], $0x4000  }
0x96: {  	[sflag:s25] =	ssyncset.done $0x0  }
0x97: {  	s1 =	simm.s32 $0x100;
	[sflag:s25] =	ssyncadd.s32 $0xFFFFC000  }
0x98: {  	[tilespmem:s19], [sflag:$0x1] =	stream.indirect.gather [hbm4b:s5+s22], $0x80, s1, s22, $0xb8;
	[tilespmem:$0x1E800] =	vst v63  }
0x99: {  	_ =	swait.ge [sflag:s26], $0x4000  }
0x9a: {  	[sflag:s26] =	ssyncset.done $0x0  }
0x9b: {  	s8 =	simm.s32 $0x1480;
	[sflag:s26] =	ssyncadd.s32 $0xFFFFC000  }
0x9c: {  	[spmem:s2] =	stream.indirect.scatter.add.f32 [tilespmem:s23], [sflag:$0x4], $0x80, s8, s22, $0xb8;
	[tilespmem:$0x1E800] =	vst v63  }
0x9d: {  	_ =	swait.ge [sflag:s28], $0x4000  }
0x9e: {  	[sflag:s28] =	ssyncset.done $0x0  }
0x9f: {  	s0 =	simm.s32 $0x400;
	s1 =	simm.s32 $0x180;
	[sflag:s28] =	ssyncadd.s32 $0xFFFFC000  }
.LBB2_7:
0xa0: {  	[tilespmem:s23], [sflag:$0x2] =	stream.indirect.gather [hbm4b:s5+s22], $0x80, s1, s22, $0xb8;
	[tilespmem:$0x1E800] =	vst v63  }
0xa1: {  	s1 =	smov.u32 s0  }
0xa2: {  	p1 =	seq.s32 s0, $0x4800;
	s0 =	sadd.s32 $0x400, s0;
	_ =	swait.ge [sflag:s24], $0x4000  }
0xa3: {  	s1 =	sshra.s32 s1, $0x2;
	[sflag:s24] =	ssyncset.done $0x0  }
0xa4: {  	s8 =	sadd.s32 $0x1400, s1;
	[sflag:s24] =	ssyncadd.s32 $0xFFFFC000  }
0xa5: {  	[spmem:s2] =	stream.indirect.scatter.add.f32 [tilespmem:s19], [sflag:$0x3], $0x80, s8, s22, $0xb8;
	[tilespmem:$0x1E800] =	vst v63  }
0xa6: {  	_ =	swait.ge [sflag:s25], $0x4000  }
0xa7: {  	[sflag:s25] =	ssyncset.done $0x0  }
0xa8: {  	s8 =	sadd.s32 $0x100, s1;
	[sflag:s25] =	ssyncadd.s32 $0xFFFFC000  }
0xa9: {  	[tilespmem:s19], [sflag:$0x1] =	stream.indirect.gather [hbm4b:s5+s22], $0x80, s8, s22, $0xb8;
	[tilespmem:$0x1E800] =	vst v63  }
0xaa: {  	_ =	swait.ge [sflag:s26], $0x4000  }
0xab: {  	[sflag:s26] =	ssyncset.done $0x0  }
.Ltmp5:
0xac: {  	s8 =	sadd.s32 $0x1480, s1;
	[sflag:s26] =	ssyncadd.s32 $0xFFFFC000;
	(pc) =	sbr.rel @!p1 .LBB2_7-.Ltmp5, $4  }
0xad: {  	[spmem:s2] =	stream.indirect.scatter.add.f32 [tilespmem:s23], [sflag:$0x4], $0x80, s8, s22, $0xb8;
	[tilespmem:$0x1E800] =	vst v63  }
0xae: {  	_ =	swait.ge [sflag:s28], $0x4000  }
0xaf: {  	[sflag:s28] =	ssyncset.done $0x0  }
0xb0: {  	s1 =	sadd.s32 $0x180, s1;
	[sflag:s28] =	ssyncadd.s32 $0xFFFFC000  }
.Ltmp6:
0xb1: {  	(pc) =	sbr.rel .LBB2_14-.Ltmp6, $3  }
0xb2: {  	_ =	sdelay $0x1  }
0xb3: {  	[tilespmem:s23], [sflag:$0x2] =	stream.indirect.gather [hbm4b:s5+s22], $0x80, s1, s22, $0xb8;
	[tilespmem:$0x1E800] =	vst v63  }
0xb4: {  	s0 =	rddreg [dreg:$0x1]  }
.LBB2_9:
0xb5: {  	[tilespmem:s19], [sflag:$0x1] =	stream.indirect.gather [hbm4b:s6+s22], $0x80, s0, s22, $0xb8;
	[tilespmem:$0x1E800] =	vst v63  }
0xb6: {  	_ = 	snop  }
0xb7: {  	[tilespmem:s23], [sflag:$0x2] =	stream.indirect.gather [hbm4b:s6+s22], $0x80, s22, s22, $0xb8;
	[tilespmem:$0x1E800] =	vst v63  }
0xb8: {  	[bflag:$0x0] =	sbarrier.arrive $0xFFFF  }
0xb9: {  	_ =	swait.ge [sflag:s24], $0x4000  }
0xba: {  	[sflag:s24] =	ssyncset.done $0x0  }
0xbb: {  	s8 =	simm.s32 $0x1400;
	[sflag:s24] =	ssyncadd.s32 $0xFFFFC000  }
0xbc: {  	[spmem:s2] =	stream.indirect.scatter.add.f32 [tilespmem:s19], [sflag:$0x3], $0x80, s8, s22, $0xb8;
	[tilespmem:$0x1E800] =	vst v63  }
0xbd: {  	_ =	swait.ge [sflag:s25], $0x4000  }
0xbe: {  	[sflag:s25] =	ssyncset.done $0x0  }
0xbf: {  	s1 =	simm.s32 $0x100;
	[sflag:s25] =	ssyncadd.s32 $0xFFFFC000  }
0xc0: {  	[tilespmem:s19], [sflag:$0x1] =	stream.indirect.gather [hbm4b:s6+s22], $0x80, s1, s22, $0xb8;
	[tilespmem:$0x1E800] =	vst v63  }
0xc1: {  	_ =	swait.ge [sflag:s26], $0x4000  }
0xc2: {  	[sflag:s26] =	ssyncset.done $0x0  }
0xc3: {  	s8 =	simm.s32 $0x1480;
	[sflag:s26] =	ssyncadd.s32 $0xFFFFC000  }
0xc4: {  	[spmem:s2] =	stream.indirect.scatter.add.f32 [tilespmem:s23], [sflag:$0x4], $0x80, s8, s22, $0xb8;
	[tilespmem:$0x1E800] =	vst v63  }
0xc5: {  	_ =	swait.ge [sflag:s28], $0x4000  }
0xc6: {  	[sflag:s28] =	ssyncset.done $0x0  }
0xc7: {  	s0 =	simm.s32 $0x400;
	s1 =	simm.s32 $0x180;
	[sflag:s28] =	ssyncadd.s32 $0xFFFFC000  }
.LBB2_10:
0xc8: {  	[tilespmem:s23], [sflag:$0x2] =	stream.indirect.gather [hbm4b:s6+s22], $0x80, s1, s22, $0xb8;
	[tilespmem:$0x1E800] =	vst v63  }
0xc9: {  	s1 =	smov.u32 s0  }
0xca: {  	p1 =	sne.s32 s0, $0x4800;
	s0 =	sadd.s32 $0x400, s0;
	_ =	swait.ge [sflag:s24], $0x4000  }
0xcb: {  	s1 =	sshra.s32 s1, $0x2;
	[sflag:s24] =	ssyncset.done $0x0  }
0xcc: {  	s8 =	sadd.s32 $0x1400, s1;
	[sflag:s24] =	ssyncadd.s32 $0xFFFFC000  }
0xcd: {  	[spmem:s2] =	stream.indirect.scatter.add.f32 [tilespmem:s19], [sflag:$0x3], $0x80, s8, s22, $0xb8;
	[tilespmem:$0x1E800] =	vst v63  }
0xce: {  	_ =	swait.ge [sflag:s25], $0x4000  }
0xcf: {  	[sflag:s25] =	ssyncset.done $0x0  }
0xd0: {  	s8 =	sadd.s32 $0x100, s1;
	[sflag:s25] =	ssyncadd.s32 $0xFFFFC000  }
0xd1: {  	[tilespmem:s19], [sflag:$0x1] =	stream.indirect.gather [hbm4b:s6+s22], $0x80, s8, s22, $0xb8;
	[tilespmem:$0x1E800] =	vst v63  }
0xd2: {  	_ =	swait.ge [sflag:s26], $0x4000  }
0xd3: {  	[sflag:s26] =	ssyncset.done $0x0  }
.Ltmp7:
0xd4: {  	s8 =	sadd.s32 $0x1480, s1;
	[sflag:s26] =	ssyncadd.s32 $0xFFFFC000;
	(pc) =	sbr.rel @p1 .LBB2_10-.Ltmp7, $4  }
0xd5: {  	[spmem:s2] =	stream.indirect.scatter.add.f32 [tilespmem:s23], [sflag:$0x4], $0x80, s8, s22, $0xb8;
	[tilespmem:$0x1E800] =	vst v63  }
0xd6: {  	_ =	swait.ge [sflag:s28], $0x4000  }
0xd7: {  	[sflag:s28] =	ssyncset.done $0x0  }
0xd8: {  	s1 =	sadd.s32 $0x180, s1;
	[sflag:s28] =	ssyncadd.s32 $0xFFFFC000  }
0xd9: {  	[tilespmem:s23], [sflag:$0x2] =	stream.indirect.gather [hbm4b:s6+s22], $0x80, s1, s22, $0xb8;
	[tilespmem:$0x1E800] =	vst v63  }
0xda: {  	_ =	swait.ge [sflag:s24], $0x4000  }
0xdb: {  	[sflag:s24] =	ssyncset.done $0x0  }
0xdc: {  	[sflag:s24] =	ssyncadd.s32 $0xFFFFC000  }
0xdd: {  	[spmem:s2] =	stream.indirect.scatter.add.f32 [tilespmem:s19], [sflag:$0x3], $0x80, s29, s22, $0xb8;
	[tilespmem:$0x1E800] =	vst v63  }
0xde: {  	_ =	swait.ge [sflag:s26], $0x4000  }
0xdf: {  	[sflag:s26] =	ssyncset.done $0x0  }
0xe0: {  	[sflag:s26] =	ssyncadd.s32 $0xFFFFC000  }
0xe1: {  	[spmem:s2] =	stream.indirect.scatter.add.f32 [tilespmem:s23], [sflag:$0x4], $0x80, s30, s22, $0xb8;
	[tilespmem:$0x1E800] =	vst v63  }
0xe2: {  	_ =	swait.ge [sflag:s25], $0x4000  }
0xe3: {  	[sflag:s25] =	ssyncset.done $0x0  }
0xe4: {  	[sflag:s25] =	ssyncadd.s32 $0xFFFFC000  }
0xe5: {  	_ =	swait.ge [sflag:s28], $0x4000  }
0xe6: {  	[sflag:s28] =	ssyncset.done $0x0  }
0xe7: {  	s0 =	simm.s32 $0x0;
	[sflag:s28] =	ssyncadd.s32 $0xFFFFC000  }
0xe8: {  	[tilespmem:s0], [sflag:$0x5] =	stream.linear.gather [hbm4b:s16+s0], $0x1400, $0x38;
	[tilespmem:$0x1E800] =	vst v63  }
0xe9: {  	_ =	swait.ge [sflag:s20], $0x1400  }
0xea: {  	[sflag:s20] =	ssyncset.done $0x0  }
0xeb: {  	[sflag:s20] =	ssyncadd.s32 $0xFFFFEC00  }
0xec: {  	[tilespmem:s21], [sflag:$0x5] =	stream.linear.gather [hbm4b:s17+s0], $0x1400, $0x38;
	[tilespmem:$0x1E800] =	vst v63  }
0xed: {  	_ =	swait.ge [sflag:s20], $0x1400  }
0xee: {  	[sflag:s20] =	ssyncset.done $0x0  }
0xef: {  	[sflag:s20] =	ssyncadd.s32 $0xFFFFEC00  }
0xf0: {  	[tilespmem:s19], [sflag:$0x1] =	stream.indirect.gather [hbm4b:s6+s22], $0x80, s0, s22, $0xb8;
	[tilespmem:$0x1E800] =	vst v63  }
0xf1: {  	_ = 	snop  }
0xf2: {  	[tilespmem:s23], [sflag:$0x2] =	stream.indirect.gather [hbm4b:s6+s22], $0x80, s22, s22, $0xb8;
	[tilespmem:$0x1E800] =	vst v63  }
0xf3: {  	_ =	swait.ge [sflag:s24], $0x4000  }
0xf4: {  	[sflag:s24] =	ssyncset.done $0x0  }
0xf5: {  	s8 =	simm.s32 $0x1400;
	[sflag:s24] =	ssyncadd.s32 $0xFFFFC000  }
0xf6: {  	[spmem:s2] =	stream.indirect.scatter.add.f32 [tilespmem:s19], [sflag:$0x3], $0x80, s8, s22, $0xb8;
	[tilespmem:$0x1E800] =	vst v63  }
0xf7: {  	_ =	swait.ge [sflag:s25], $0x4000  }
0xf8: {  	[sflag:s25] =	ssyncset.done $0x0  }
0xf9: {  	s1 =	simm.s32 $0x100;
	[sflag:s25] =	ssyncadd.s32 $0xFFFFC000  }
0xfa: {  	[tilespmem:s19], [sflag:$0x1] =	stream.indirect.gather [hbm4b:s6+s22], $0x80, s1, s22, $0xb8;
	[tilespmem:$0x1E800] =	vst v63  }
0xfb: {  	_ =	swait.ge [sflag:s26], $0x4000  }
0xfc: {  	[sflag:s26] =	ssyncset.done $0x0  }
0xfd: {  	s8 =	simm.s32 $0x1480;
	[sflag:s26] =	ssyncadd.s32 $0xFFFFC000  }
0xfe: {  	[spmem:s2] =	stream.indirect.scatter.add.f32 [tilespmem:s23], [sflag:$0x4], $0x80, s8, s22, $0xb8;
	[tilespmem:$0x1E800] =	vst v63  }
0xff: {  	_ =	swait.ge [sflag:s28], $0x4000  }
0x100: {  	[sflag:s28] =	ssyncset.done $0x0  }
0x101: {  	s0 =	simm.s32 $0x400;
	s1 =	simm.s32 $0x180;
	[sflag:s28] =	ssyncadd.s32 $0xFFFFC000  }
.LBB2_12:
0x102: {  	[tilespmem:s23], [sflag:$0x2] =	stream.indirect.gather [hbm4b:s6+s22], $0x80, s1, s22, $0xb8;
	[tilespmem:$0x1E800] =	vst v63  }
0x103: {  	s1 =	smov.u32 s0  }
0x104: {  	p1 =	sne.s32 s0, $0x4800;
	s0 =	sadd.s32 $0x400, s0;
	_ =	swait.ge [sflag:s24], $0x4000  }
0x105: {  	s1 =	sshra.s32 s1, $0x2;
	[sflag:s24] =	ssyncset.done $0x0  }
0x106: {  	s8 =	sadd.s32 $0x1400, s1;
	[sflag:s24] =	ssyncadd.s32 $0xFFFFC000  }
0x107: {  	[spmem:s2] =	stream.indirect.scatter.add.f32 [tilespmem:s19], [sflag:$0x3], $0x80, s8, s22, $0xb8;
	[tilespmem:$0x1E800] =	vst v63  }
0x108: {  	_ =	swait.ge [sflag:s25], $0x4000  }
0x109: {  	[sflag:s25] =	ssyncset.done $0x0  }
0x10a: {  	s8 =	sadd.s32 $0x100, s1;
	[sflag:s25] =	ssyncadd.s32 $0xFFFFC000  }
0x10b: {  	[tilespmem:s19], [sflag:$0x1] =	stream.indirect.gather [hbm4b:s6+s22], $0x80, s8, s22, $0xb8;
	[tilespmem:$0x1E800] =	vst v63  }
0x10c: {  	_ =	swait.ge [sflag:s26], $0x4000  }
0x10d: {  	[sflag:s26] =	ssyncset.done $0x0  }
.Ltmp8:
0x10e: {  	s8 =	sadd.s32 $0x1480, s1;
	[sflag:s26] =	ssyncadd.s32 $0xFFFFC000;
	(pc) =	sbr.rel @p1 .LBB2_12-.Ltmp8, $4  }
0x10f: {  	[spmem:s2] =	stream.indirect.scatter.add.f32 [tilespmem:s23], [sflag:$0x4], $0x80, s8, s22, $0xb8;
	[tilespmem:$0x1E800] =	vst v63  }
0x110: {  	_ =	swait.ge [sflag:s28], $0x4000  }
0x111: {  	[sflag:s28] =	ssyncset.done $0x0  }
0x112: {  	s1 =	sadd.s32 $0x180, s1;
	[sflag:s28] =	ssyncadd.s32 $0xFFFFC000  }
.Ltmp9:
0x113: {  	_ = 	snop;
	(pc) =	sbr.rel .LBB2_13-.Ltmp9, $1  }
0x114: {  	_ =	sdelay $0x3  }
.LBB2_15:
0x115: {  	_ =	sfence.sel $0x180000  }
0x116: {  	[bflag:$0x0] =	sbarrier.arrive $0xFFFF  }
0x117: {  	_ =	strace $0x9000004D  }
0x118: {  	[bflag:$0x2] =	sbarrier.arrive $0xFFFF  }
0x119: {  	p0 =	sne.s32 s4, $0x0;
	s0 =	rddreg [dreg:$0x3]  }
0x11a: {  	s0 =	sadd.s32 @!p0 $0x100000, s0  }
0x11b: {  	[sflag:s0] =	ssyncadd.tile.s32 @!p0 $0x1;
	_ =	shalt  }
.Lfunc_end2:
_tile_overlayer_lowered:
.L_overlay_start_2:
0x11c: {  	(tag) =	ssettag $0x2  }
0x11d: {  	s0 =	rddreg [dreg:$0x0];
	s2 =	stileid.u32  }
0x11e: {  	s1 =	rddreg [dreg:$0x1];
	p0 =	sne.s32 s2, $0x0  }
0x11f: {  	s3 =	rddreg [dreg:$0x2];
	[bflag:$0x3] =	sbarrier.arrive $0xFFFF;
	s2 =	simm.s32 @!p0 $0x1C05  }
0x120: {  	[timem:s3], [sflag:s2] =	dma.local @!p0 [hbm:s0], s1  }
0x121: {  	s0 =	simm.s32 @!p0 $0x5  }
0x122: {  	_ =	swait.ge @!p0 [sflag:s0], s1  }
0x123: {  	s1 =	ssub.s32 @!p0 $0x0, s1;
	[sflag:s0] =	ssyncset.done @!p0 $0x0  }
0x124: {  	[sflag:s0] =	ssyncadd.s32 @!p0 s1  }
0x125: {  	[bflag:$0x3] =	sbarrier.arrive $0xFFFF  }
0x126: {  	_ =	shalt  }

// kernel: kernel.7.cloned.1.call-start
scs
__scs_entry_jumppad:
0x0: {  	(pc) =	sbr.rel $0x88, $3  }
0x1: {  	(tag) =	ssettag $0x0;
	lr =	simm.s32 $0x1  }
0x2: {  	[smem:$0x3F99] =	sst lr;
	_ =	strace $0xD0000000  }
0x3: {  	_ = 	snop  }
0x4: {  	_ = 	snop  }
0x5: {  	_ = 	snop  }
0x6: {  	_ = 	snop  }
0x7: {  	_ = 	snop  }
__scs_overlays_trampoline_lowered:
0x8: {  	[smem:$0x3FA8] =	sst s0  }
0x9: {  	[smem:$0x3FA9] =	sst s1  }
0xa: {  	[smem:$0x3FAA] =	sst s2  }
0xb: {  	[smem:$0x3FAB] =	sst s3  }
0xc: {  	[smem:$0x3FAC] =	sst s4  }
0xd: {  	[smem:$0x3FAD] =	sst s5  }
0xe: {  	[smem:$0x3FAE] =	sst s6  }
0xf: {  	[smem:$0x3FAF] =	sst s7  }
0x10: {  	[smem:$0x3FB0] =	sst s8  }
0x11: {  	[smem:$0x3FB1] =	sst s9;
	s0 =	simm.s32 @!p0 $0x0  }
0x12: {  	s1 =	sld [smem:$0x3F97];
	s0 =	simm.s32 @p0 $0x1  }
0x13: {  	[smem:$0x3FB2] =	sst s0;
	s0 =	simm.s32 @!p1 $0x0  }
0x14: {  	s2 =	sld [smem:$0x3F96];
	s0 =	simm.s32 @p1 $0x1  }
0x15: {  	[smem:$0x3FB3] =	sst s0;
	s0 =	simm.s32 @!p2 $0x0  }
0x16: {  	s3 =	sld [smem:$0x3FDB];
	s0 =	simm.s32 @p2 $0x1  }
0x17: {  	s4 =	simm.s32 $0x1BF5;
	[smem:$0x3FB5] =	sst s0  }
0x18: {  	s0 =	sld [smem:$0x3F98];
	_ =	swait.ge [sflag:s4], $0x0  }
0x19: {  	s7 =	sld [smem:$0x3F99]  }
0x1a: {  	s8 =	sadd.s32 $0xFFFFE003, lr  }
0x1b: {  	s9 =	sadd.s32 $0xFFFFFEF7, lr;
	s5 =	simm.s32 $0xFFFFFFFF;
	p2 =	slt.u32 s8, $0xFFFFF086  }
0x1c: {  	p1 =	slt.u32 s9, $0xF7A;
	s5 =	simm.s32 @!p2 $0x0  }
0x1d: {  	s5 =	simm.s32 @p1 $0x1;
	p0 =	seq.s32 s7, s2  }
0x1e: {  	s7 =	smul.u32 @!p0 $0xF7A, s2;
	p2 =	seq.s32 @!p0 s5, $0x0  }
0x1f: {  	s9 =	smul.u32 $0xF7A, s1;
	s8 =	simm.s32 @!p0 $0x1BF5;
	p2 =	por !p2, p0  }
0x20: {  	[sflag:s8] =	ssyncset.s32 @!p0 $0xFFFFF086;
	s6 =	sadd.s32 @!p0 s3, s7;
	s7 =	simm.s32 @!p0 $0x108  }
0x21: {  	s3 =	sadd.s32 s3, s9;
	s6 =	sadd.s32 @!p0 $0x88, s6;
	s7 =	simm.s32 @p2 $0x1082  }
0x22: {  	[simem:s7], [sflag:s8] =	dma.local @!p0 [hbm:s6], $0xF7A  }
0x23: {  	s9 =	sor.u32 $0xD0000000, s2;
	s6 =	simm.s32 $0x108;
	_ =	swait.ge @!p0 [sflag:s8], $0x0  }
0x24: {  	s3 =	sadd.s32 $0x88, s3;
	s6 =	simm.s32 @!p1 $0x1082;
	[sflag:s4] =	ssyncset.s32 $0xFFFFF086  }
0x25: {  	[simem:s6], [sflag:s4] =	dma.local [hbm:s3], $0xF7A  }
0x26: {  	[smem:$0x3F99] =	sst s1;
	(tag) =	ssettag s2;
	_ =	strace s9  }
0x27: {  	s1 =	sld [smem:$0x3FA9]  }
0x28: {  	s2 =	sld [smem:$0x3FAA]  }
0x29: {  	s4 =	sld [smem:$0x3FAC]  }
0x2a: {  	p0 =	seq.s32 s5, $0x0;
	s5 =	sld [smem:$0x3FAD]  }
0x2b: {  	s6 =	sld [smem:$0x3FAE]  }
0x2c: {  	s7 =	sld [smem:$0x3FAF]  }
0x2d: {  	s3 =	simm.s32 $0x108;
	s8 =	sld [smem:$0x3FB0]  }
0x2e: {  	s3 =	simm.s32 @!p0 $0x1082;
	s9 =	sld [smem:$0x3FB1]  }
0x2f: {  	lr =	sadd.s32 s0, s3;
	s0 =	sld [smem:$0x3FA8]  }
0x30: {  	s3 =	sld [smem:$0x3FAB]  }
0x31: {  	[smem:$0x3FB4] =	sst s10  }
0x32: {  	s10 =	sld [smem:$0x3FB2];
	_ =	sdelay $0x3  }
0x33: {  	p0 =	seq.s32 s10, $0x1;
	s10 =	sld [smem:$0x3FB4];
	_ =	sdelay $0x3  }
0x34: {  	[smem:$0x3FB4] =	sst s10  }
0x35: {  	s10 =	sld [smem:$0x3FB3];
	_ =	sdelay $0x3  }
0x36: {  	p1 =	seq.s32 s10, $0x1;
	s10 =	sld [smem:$0x3FB4];
	_ =	sdelay $0x3  }
0x37: {  	[smem:$0x3FB4] =	sst s10  }
0x38: {  	s10 =	sld [smem:$0x3FB5]  }
0x39: {  	_ = 	snop;
	(pc) =	sbr.ind lr, $3  }
0x3a: {  	_ = 	snop  }
0x3b: {  	_ = 	snop  }
0x3c: {  	p2 =	seq.s32 s10, $0x1;
	s10 =	sld [smem:$0x3FB4]  }
0x3d: {  	_ =	shalt  }
0x3e: {  	_ =	shalt  }
0x3f: {  	_ =	shalt  }
0x40: {  	_ =	shalt  }
0x41: {  	_ =	shalt  }
0x42: {  	_ =	shalt  }
0x43: {  	_ =	shalt  }
0x44: {  	_ =	shalt  }
0x45: {  	_ =	shalt  }
0x46: {  	_ =	shalt  }
0x47: {  	_ =	shalt  }
0x48: {  	_ =	shalt  }
0x49: {  	_ =	shalt  }
0x4a: {  	_ =	shalt  }
0x4b: {  	_ =	shalt  }
0x4c: {  	_ =	shalt  }
0x4d: {  	_ =	shalt  }
0x4e: {  	_ =	shalt  }
0x4f: {  	_ =	shalt  }
0x50: {  	_ =	shalt  }
0x51: {  	_ =	shalt  }
0x52: {  	_ =	shalt  }
0x53: {  	_ =	shalt  }
0x54: {  	_ =	shalt  }
0x55: {  	_ =	shalt  }
0x56: {  	_ =	shalt  }
0x57: {  	_ =	shalt  }
0x58: {  	_ =	shalt  }
0x59: {  	_ =	shalt  }
0x5a: {  	_ =	shalt  }
0x5b: {  	_ =	shalt  }
0x5c: {  	_ =	shalt  }
0x5d: {  	_ =	shalt  }
0x5e: {  	_ =	shalt  }
0x5f: {  	_ =	shalt  }
0x60: {  	_ =	shalt  }
0x61: {  	_ =	shalt  }
0x62: {  	_ =	shalt  }
0x63: {  	_ =	shalt  }
0x64: {  	_ =	shalt  }
0x65: {  	_ =	shalt  }
0x66: {  	_ =	shalt  }
0x67: {  	_ =	shalt  }
0x68: {  	_ =	shalt  }
0x69: {  	_ =	shalt  }
0x6a: {  	_ =	shalt  }
0x6b: {  	_ =	shalt  }
0x6c: {  	_ =	shalt  }
0x6d: {  	_ =	shalt  }
0x6e: {  	_ =	shalt  }
0x6f: {  	_ =	shalt  }
0x70: {  	_ =	shalt  }
0x71: {  	_ =	shalt  }
0x72: {  	_ =	shalt  }
0x73: {  	_ =	shalt  }
0x74: {  	_ =	shalt  }
0x75: {  	_ =	shalt  }
0x76: {  	_ =	shalt  }
0x77: {  	_ =	shalt  }
0x78: {  	_ =	shalt  }
0x79: {  	_ =	shalt  }
0x7a: {  	_ =	shalt  }
0x7b: {  	_ =	shalt  }
0x7c: {  	_ =	shalt  }
0x7d: {  	_ =	shalt  }
0x7e: {  	_ =	shalt  }
0x7f: {  	_ =	shalt  }
0x80: {  	_ =	shalt  }
0x81: {  	_ =	shalt  }
0x82: {  	_ =	shalt  }
0x83: {  	_ =	shalt  }
0x84: {  	_ =	shalt  }
0x85: {  	_ =	shalt  }
0x86: {  	_ =	shalt  }
0x87: {  	_ =	shalt  }
.Lfunc_end0:
.L_simem_size_0:
called_computation_lowered:
.L_overlay_start_0:
0x88: {  	s2 =	sld [smem:$0x3FD9]  }
0x89: {  	s3 =	sld [smem:$0x3FFE];
	_ =	sdelay $0x1  }
0x8a: {  	s1 =	srdreg.scid  }
0x8b: {  	s0 =	sand.u32 $0x1, s1  }
0x8c: {  	s17 =	sshll.u32 s0, $0xA;
	s2 =	sadd.s32 s3, s2  }
0x8d: {  	s2 =	sadd.s32 s2, s17  }
0x8e: {  	[smem:$0x3FC0] =	sst s2  }
0x8f: {  	_ = 	snop  }
0x90: {  	(tm) =	ssettm $0x1  }
0x91: {  	s18 =	sld [smem:$0x3FFB];
	_ =	sdelay $0x3  }
0x92: {  	_ =	strace s18  }
0x93: {  	s2 =	sld [smem:$0x3FFC];
	_ =	sdelay $0x3  }
0x94: {  	_ =	strace s2  }
0x95: {  	s2 =	sld [smem:$0x3FFD];
	_ =	sdelay $0x3  }
0x96: {  	_ =	strace s2  }
0x97: {  	_ =	strace $0x8FFFFFFF  }
0x98: {  	s19 =	sld [smem:$0x3FDB];
	_ =	sdelay $0x1  }
0x99: {  	s20 =	simm.s32 $_scs_section_size  }
0x9a: {  	s4 =	simm.s32 $_size__tile_overlayer_lowered;
	s5 =	simm.s32 $_tile_overlayer_lowered  }
0x9b: {  	s6 =	simm.s32 $0x1BFF;
	s21 =	sshll.u32 s5, $0x1;
	s3 =	sadd.s32 s20, s19  }
0x9c: {  	s22 =	simm.s32 $0x0;
	s4 =	sshll.u32 s4, $0x1;
	s5 =	sadd.s32 s21, s3  }
0x9d: {  	[timem:s22], [sflag:s6] =	dma.local [hbm:s5], s4  }
0x9e: {  	_ =	swait.ge [sflag:s6], s4  }
0x9f: {  	s4 =	ssub.s32 $0x0, s4;
	[sflag:s6] =	ssyncset.done $0x0  }
0xa0: {  	[sflag:s6] =	ssyncadd.s32 s4;
	_ =	sdelay $0x1  }
0xa1: {  	s23 =	simm.s32 $0x1B8B  }
0xa2: {  	_ =	swait.ge [sflag:s23], $0x1  }
0xa3: {  	[sflag:s23] =	ssyncset.done $0x0  }
0xa4: {  	[sflag:s23] =	ssyncadd.s32 $0xFFFFFFFF  }
0xa5: {  	s4 =	sld [smem:$0x0]  }
0xa6: {  	s5 =	sand.u32 $0xFFFFFFFE, s1  }
0xa7: {  	p0 =	sne.s32 s1, s5  }
0xa8: {  	s5 =	sshll.u32 @p0 s5, $0xE  }
0xa9: {  	s5 =	sadd.s32 @p0 $0x11B8D, s5;
	s6 =	sshll.u32 @p0 s4, $0x11  }
0xaa: {  	s5 =	sor.u32 @p0 s6, s5  }
0xab: {  	[sflag:s5] =	ssyncadd.remote.s32 @p0 $0x1;
	_ =	sdelay $0x1  }
0xac: {  	s5 =	simm.s32 @p0 $0x1B8D  }
0xad: {  	_ =	swait.eq @p0 [sflag:s5], $0x1  }
0xae: {  	[sflag:s5] =	ssyncadd.s32 @p0 $0xFFFFFFFF  }
0xaf: {  	s6 =	sshll.u32 @!p0 s1, $0xE  }
0xb0: {  	s6 =	sor.u32 @!p0 $0x4000, s6;
	s5 =	simm.s32 @!p0 $0x1B8D  }
0xb1: {  	s4 =	sshll.u32 @!p0 s4, $0x11;
	s6 =	sadd.s32 @!p0 $0x11B8D, s6;
	_ =	swait.eq @!p0 [sflag:s5], $0x1  }
0xb2: {  	s4 =	sor.u32 @!p0 s4, s6;
	[sflag:s5] =	ssyncadd.s32 @!p0 $0xFFFFFFFF  }
0xb3: {  	s25 =	simm.s32 $0x1B8E;
	s24 =	sld [smem:$0x3FFE];
	[sflag:s4] =	ssyncadd.remote.s32 @!p0 $0x1  }
0xb4: {  	s26 =	simm.s32 $execute0_lowered;
	[smem:$0x3FD2] =	sst s25  }
0xb5: {  	s5 =	sshll.u32 s26, $0x1;
	_ =	strace $0x80000049;
	[dreg:$0x1] =	wrdreg $0xFFFFFFFF  }
0xb6: {  	s28 =	simm.s32 $_size_execute0_lowered;
	s3 =	sadd.s32 s3, s5;
	[dreg:$0x0] =	wrdreg $0x0  }
0xb7: {  	s5 =	sshll.u32 s28, $0x1;
	[dreg:$0x2] =	wrdreg s3  }
0xb8: {  	[dreg:$0x3] =	wrdreg s5  }
0xb9: {  	[dreg:$0x4] =	wrdreg $0xC0  }
0xba: {  	_ =	task [dreg:s22], $0x5FFFF  }
0xbb: {  	[dreg:$0x1] =	wrdreg $0xFFFFFFFF  }
0xbc: {  	[dreg:$0x0] =	wrdreg $0x60  }
0xbd: {  	[dreg:$0x2] =	wrdreg s24  }
0xbe: {  	[dreg:$0x3] =	wrdreg $0x54000  }
0xbf: {  	[dreg:$0x4] =	wrdreg $0x9  }
0xc0: {  	_ =	task.clear_ibuf [dreg:s22], $0x5FFFF;
	_ =	strace $0x90000049  }
0xc1: {  	s29 =	simm.s32 $0x9;
	_ =	strace $0x8000004B  }
0xc2: {  	_ =	swait.ge [sflag:s29], $0x1  }
0xc3: {  	[sflag:s29] =	ssyncadd.s32 $0xFFFFFFFF  }
0xc4: {  	_ =	strace $0x9000004B  }
0xc5: {  	_ =	sfence  }
0xc6: {  	s30 =	sld [smem:$0x0];
	_ =	sdelay $0x2  }
0xc7: {  	s31 =	sshll.u32 s1, $0xD;
	s1 =	sshrl.u32 s1, $0x2  }
0xc8: {  	s4 =	sand.u32 $0x4000, s31;
	s1 =	sadd.s32 s1, s30  }
0xc9: {  	s0 =	sor.u32 s4, s0;
	s1 =	sshll.u32 s1, $0x11  }
0xca: {  	s0 =	sor.u32 s1, s0  }
0xcb: {  	s0 =	sadd.s32 $0x8F2B, s0  }
0xcc: {  	[sflag:s0] =	ssyncadd.remote.s32 $0x1  }
0xcd: {  	_ =	sfence.sel $0xFFFF  }
0xce: {  	[dreg:$0x0] =	wrdreg $0xFFFFFFFF;
	(pc) =	sbr.abs _section_cstart, $3  }
0xcf: {  	[dreg:$0x1] =	wrdreg $0xFFFFFFFF  }
0xd0: {  	_ =	task.clear_ibuf [dreg:s22], $0x2FFFF;
	_ =	strace $0x9FFFFFFF  }
0xd1: {  	(tm) =	ssettm $0x7FFFFFFF  }
tec
execute0_lowered:
.L_overlay_start_1:
0x0: {  	(tag) =	ssettag $0x1  }
0x1: {  	s0 =	srdreg.scid;
	s10 =	rddreg [dreg:$0x0]  }
0x2: {  	s2 =	rddreg [dreg:$0x1];
	s3 =	simm.s32 $0x0;
	s12 =	simm.s32 $0xAC000  }
0x3: {  	s14 =	simm.s32 $0x80;
	s17 =	simm.s32 $0x0;
	s7 =	sand.u32 $0x1, s0  }
0x4: {  	s0 =	stileid.u32;
	[smem:$0x7FF] =	sst s3;
	s1 =	sshll.u32 s7, $0x4  }
0x5: {  	s5 =	smul.u32 $0x50000, s0;
	s6 =	ssub.s32 $0x2, s7;
	p0 =	seq.s32 s7, $0x1  }
0x6: {  	s13 =	smul.u32 $0x2800, s0;
	s15 =	sshll.u32 s0, $0x6;
	s4 =	sor.u32 s0, s1  }
0x7: {  	s1 =	rddreg [dreg:$0x2];
	_ =	strace $0x8000004A;
	s8 =	sshrl.u32 s6, $0x1  }
0x8: {  	s12 =	simm.s32 @!p0 $0x84000;
	s4 =	smul.u32 $0x280, s4;
	s5 =	sshrl.u32 s5, $0x2  }
0x9: {  	s15 =	sor.u32 $0x1C01, s15;
	s11 =	ssub.s32 s6, s8;
	s5 =	sadd.s32 s5, s2  }
0xa: {  	s12 =	sadd.s32 s12, s10;
	s4 =	sadd.s32 s4, s10;
	s6 =	sadd.s32 $0x4000, s5  }
0xb: {  	s7 =	sadd.s32 $0x8000, s5;
	s8 =	sadd.s32 $0xC000, s5;
	s9 =	sadd.s32 $0x10000, s5  }
0xc: {  	s10 =	smax.u32 s11, $0x1;
	s11 =	sadd.s32 s12, s13;
	s12 =	simm.s32 $0x1  }
0xd: {  	v0 =	vimm.f32 $0.0e+00;
	v1 =	vimm.f32 $1.000000000e+00;
	s13 =	simm.s32 $0x1400;
	s16 =	sshrl.u32 s5, $0x3;
	s4 =	sadd.s32 $0x52000, s4  }
.LBB2_1:
0xe: {  	[tilespmem:s3], [sflag:$0x1] =	stream.linear.gather [hbm4b:s4+s3], $0x1400, $0x38;
	[tilespmem:$0x19400] =	vst v63  }
0xf: {  	_ =	swait.ge [sflag:s12], $0x1400  }
0x10: {  	[sflag:s12] =	ssyncset.done $0x0  }
0x11: {  	s18 =	simm.s32 $0x0;
	s19 =	simm.s32 $0x200;
	[sflag:s12] =	ssyncadd.s32 $0xFFFFEC00  }
.LBB2_2:
0x12: {  	p0 =	sne.s32 s19, $0xFE00;
	[tilespmem:s18+$0x1470] =	vst v0  }
0x13: {  	[tilespmem:s18+$0x1400] =	vst v0  }
0x14: {  	[tilespmem:s18+$0x1410] =	vst v0  }
.Ltmp0:
0x15: {  	[tilespmem:s18+$0x1420] =	vst v0;
	(pc) =	sbr.rel @p0 .LBB2_2-.Ltmp0, $4  }
0x16: {  	[tilespmem:s18+$0x1430] =	vst v0  }
0x17: {  	[tilespmem:s18+$0x1440] =	vst v0  }
0x18: {  	[tilespmem:s18+$0x1450] =	vst v0  }
0x19: {  	[tilespmem:s18+$0x1460] =	vst v0;
	s18 =	sshra.s32 s19, $0x2;
	s19 =	sadd.s32 $0x200, s19  }
0x1a: {  	[tilespmem:s18+$0x1470] =	vst v0  }
0x1b: {  	[tilespmem:s18+$0x1400] =	vst v0  }
0x1c: {  	[tilespmem:s18+$0x1410] =	vst v0  }
0x1d: {  	[tilespmem:s18+$0x1420] =	vst v0  }
0x1e: {  	[tilespmem:s18+$0x1430] =	vst v0  }
0x1f: {  	[tilespmem:s18+$0x1440] =	vst v0  }
0x20: {  	[tilespmem:s18+$0x1450] =	vst v0  }
0x21: {  	[tilespmem:s18+$0x1460] =	vst v0  }
0x22: {  	[spmem:s5] =	stream.linear.scatter [tilespmem:s13], [sflag:$0x1], $0x4000, $0x38;
	[tilespmem:$0x19400] =	vst v63  }
0x23: {  	_ =	swait.ge [sflag:s12], $0x4000  }
0x24: {  	[sflag:s12] =	ssyncset.done $0x0  }
0x25: {  	[sflag:s12] =	ssyncadd.s32 $0xFFFFC000  }
0x26: {  	[spmem:s6] =	stream.linear.scatter [tilespmem:s13], [sflag:$0x1], $0x4000, $0x38;
	[tilespmem:$0x19400] =	vst v63  }
0x27: {  	_ =	swait.ge [sflag:s12], $0x4000  }
0x28: {  	[sflag:s12] =	ssyncset.done $0x0  }
0x29: {  	[sflag:s12] =	ssyncadd.s32 $0xFFFFC000  }
0x2a: {  	[spmem:s7] =	stream.linear.scatter [tilespmem:s13], [sflag:$0x1], $0x4000, $0x38;
	[tilespmem:$0x19400] =	vst v63  }
0x2b: {  	_ =	swait.ge [sflag:s12], $0x4000  }
0x2c: {  	[sflag:s12] =	ssyncset.done $0x0  }
0x2d: {  	[sflag:s12] =	ssyncadd.s32 $0xFFFFC000  }
0x2e: {  	[spmem:s8] =	stream.linear.scatter [tilespmem:s13], [sflag:$0x1], $0x4000, $0x38;
	[tilespmem:$0x19400] =	vst v63  }
0x2f: {  	_ =	swait.ge [sflag:s12], $0x4000  }
0x30: {  	[sflag:s12] =	ssyncset.done $0x0  }
0x31: {  	[sflag:s12] =	ssyncadd.s32 $0xFFFFC000  }
0x32: {  	[spmem:s9] =	stream.linear.scatter [tilespmem:s13], [sflag:$0x1], $0x4000, $0x38;
	[tilespmem:$0x19400] =	vst v63  }
0x33: {  	_ =	swait.ge [sflag:s12], $0x4000  }
0x34: {  	[sflag:s12] =	ssyncset.done $0x0  }
0x35: {  	s18 =	simm.s32 $0x0;
	s19 =	simm.s32 $0x200;
	[sflag:s12] =	ssyncadd.s32 $0xFFFFC000  }
.LBB2_4:
0x36: {  	p0 =	sne.s32 s19, $0xFE00;
	[tilespmem:s18+$0x1470] =	vst v1  }
0x37: {  	[tilespmem:s18+$0x1400] =	vst v1  }
0x38: {  	[tilespmem:s18+$0x1410] =	vst v1  }
.Ltmp1:
0x39: {  	[tilespmem:s18+$0x1420] =	vst v1;
	(pc) =	sbr.rel @p0 .LBB2_4-.Ltmp1, $4  }
0x3a: {  	[tilespmem:s18+$0x1430] =	vst v1  }
0x3b: {  	[tilespmem:s18+$0x1440] =	vst v1  }
0x3c: {  	[tilespmem:s18+$0x1450] =	vst v1  }
0x3d: {  	[tilespmem:s18+$0x1460] =	vst v1;
	s18 =	sshra.s32 s19, $0x2;
	s19 =	sadd.s32 $0x200, s19  }
0x3e: {  	[tilespmem:s18+$0x1470] =	vst v1  }
0x3f: {  	[tilespmem:s18+$0x1400] =	vst v1  }
0x40: {  	[tilespmem:s18+$0x1410] =	vst v1  }
0x41: {  	[tilespmem:s18+$0x1420] =	vst v1  }
0x42: {  	[tilespmem:s18+$0x1430] =	vst v1  }
0x43: {  	[tilespmem:s18+$0x1440] =	vst v1  }
0x44: {  	[tilespmem:s18+$0x1450] =	vst v1  }
0x45: {  	[tilespmem:s18+$0x1460] =	vst v1  }
0x46: {  	s31 =	simm.s32 $0x0;
	[bflag:$0x0] =	sbarrier.arrive $0xFFFF  }
0x47: {  	[spmem:s2] =	stream.indirect.scatter.add.f32 [tilespmem:s13], [sflag:$0x1], $0x80, s31, s14, $0xb8;
	[tilespmem:$0x19400] =	vst v63  }
0x48: {  	_ =	swait.ge [sflag:s12], $0x4000  }
0x49: {  	s18 =	simm.s32 $0x200;
	[sflag:s12] =	ssyncset.done $0x0  }
.LBB2_6:
0x4a: {  	s19 =	sshra.s32 s18, $0x2;
	[sflag:s12] =	ssyncadd.s32 $0xFFFFC000;
	p0 =	sne.s32 s18, $0x4E00  }
0x4b: {  	[spmem:s2] =	stream.indirect.scatter.add.f32 [tilespmem:s13], [sflag:$0x1], $0x80, s19, s14, $0xb8;
	[tilespmem:$0x19400] =	vst v63  }
.Ltmp2:
0x4c: {  	_ = 	snop;
	(pc) =	sbr.rel @p0 .LBB2_6-.Ltmp2, $4  }
0x4d: {  	_ = 	snop  }
0x4e: {  	s18 =	sadd.s32 $0x200, s18  }
0x4f: {  	_ =	swait.ge [sflag:s12], $0x4000  }
0x50: {  	[sflag:s12] =	ssyncset.done $0x0  }
0x51: {  	s17 =	sadd.s32 $0x1, s17  }
0x52: {  	[sflag:s12] =	ssyncadd.s32 $0xFFFFC000;
	p0 =	sne.s32 s17, s10  }
.Ltmp3:
0x53: {  	[bflag:$0x0] =	sbarrier.arrive $0xFFFF;
	(pc) =	sbr.rel @p0 .LBB2_1-.Ltmp3, $4  }
0x54: {  	[hbm:s11], [sflag:s15] =	dma.local [spmem:s16], $0x2800  }
0x55: {  	_ =	swait.ge [sflag:s12], $0x2800  }
0x56: {  	[sflag:s12] =	ssyncset.done $0x0  }
0x57: {  	[sflag:s12] =	ssyncadd.s32 $0xFFFFD800  }
0x58: {  	_ =	sfence.sel $0x180000  }
0x59: {  	[bflag:$0x0] =	sbarrier.arrive $0xFFFF  }
0x5a: {  	p0 =	sne.s32 s0, $0x0;
	_ =	strace $0x9000004A  }
0x5b: {  	s0 =	sadd.s32 @!p0 $0x100000, s1;
	[bflag:$0x2] =	sbarrier.arrive $0xFFFF  }
0x5c: {  	[sflag:s0] =	ssyncadd.tile.s32 @!p0 $0x1;
	_ =	shalt  }
.Lfunc_end2:
_tile_overlayer_lowered:
.L_overlay_start_2:
0x5d: {  	(tag) =	ssettag $0x2  }
0x5e: {  	s0 =	rddreg [dreg:$0x0];
	s2 =	stileid.u32  }
0x5f: {  	s1 =	rddreg [dreg:$0x1];
	p0 =	sne.s32 s2, $0x0  }
0x60: {  	s3 =	rddreg [dreg:$0x2];
	[bflag:$0x3] =	sbarrier.arrive $0xFFFF;
	s2 =	simm.s32 @!p0 $0x1C01  }
0x61: {  	[timem:s3], [sflag:s2] =	dma.local @!p0 [hbm:s0], s1  }
0x62: {  	s0 =	simm.s32 @!p0 $0x1  }
0x63: {  	_ =	swait.ge @!p0 [sflag:s0], s1  }
0x64: {  	s1 =	ssub.s32 @!p0 $0x0, s1;
	[sflag:s0] =	ssyncset.done @!p0 $0x0  }
0x65: {  	[sflag:s0] =	ssyncadd.s32 @!p0 s1  }
0x66: {  	[bflag:$0x3] =	sbarrier.arrive $0xFFFF  }
0x67: {  	_ =	shalt  }

</sc_bundles>
